<compile_context>
chip_gen: v7x
topology: tpu7x:2x2x1
jax: 0.10.2.dev20260603
libtpu: 0.0.44.dev20260713+nightly
codegen_flags: <defaults>
</compile_context>

<pallas_src>
import functools

import jax
import jax.numpy as jnp
from jax import lax
from jax.experimental import pallas as pl
from jax.experimental.pallas import tpu as pltpu
from jax.experimental.pallas import tpu_sc as plsc

NC = 2
NS = 16
NW = NC * NS
D = 32
BT = 128
HC = 4
RC = HC * BT
VC = 8192


@functools.lru_cache(maxsize=None)
def _retile_call(vocab: int):
    grid = (vocab + VC - 1) // VC

    def body(t_ref, o_ref):
        x = t_ref[...]
        xt = x.T.reshape(VC // 4, 4, D)
        for q in range(4):
            o_ref[:, q * D:(q + 1) * D] = xt[:, q, :]

    return pl.pallas_call(
        body,
        grid=(grid,),
        in_specs=[pl.BlockSpec((D, VC), lambda i: (0, i))],
        out_specs=pl.BlockSpec((VC // 4, 4 * D), lambda i: (i, 0)),
        out_shape=jax.ShapeDtypeStruct((vocab // 4, 4 * D), jnp.float32),
    )


@functools.lru_cache(maxsize=None)
def _gather_call(H: int, B: int):
    assert B == NW * BT and H % (2 * HC) == 0
    nchunk = H // HC
    mesh = plsc.VectorSubcoreMesh(core_axis_name="c", subcore_axis_name="s")

    @functools.partial(
        pl.kernel,
        mesh=mesh,
        out_type=jax.ShapeDtypeStruct((H, D // 8, NW, 8, BT), jnp.float32),
        scratch_types=[
            pltpu.VMEM((nchunk, RC), jnp.int32),
            pltpu.VMEM((RC, D), jnp.float32),
            pltpu.VMEM((RC, D), jnp.float32),
            pltpu.VMEM((HC, D // 8, 8, BT + 1), jnp.float32),
            pltpu.VMEM((HC, D // 8, 8, BT + 1), jnp.float32),
            pltpu.SemaphoreType.DMA,
            pltpu.SemaphoreType.DMA,
        ],
        compiler_params=pltpu.CompilerParams(
            use_tc_tiling_on_sc=False, needs_layout_passes=False
        ),
    )
    def k(idx_hbm, table_hbm, out_hbm, idx_v, rows0, rows1, tr0, tr1, gsem, ssem):
        wid = lax.axis_index("s") * NC + lax.axis_index("c")
        pltpu.sync_copy(idx_hbm.at[wid], idx_v)
        rows = (rows0, rows1)
        trs = (tr0, tr1)

        lane = lax.iota(jnp.int32, 16)

        def gather(j, p):
            return pltpu.make_async_copy(
                table_hbm.at[idx_v.at[j]], rows[p], gsem
            )

        def store(j, p):
            return pltpu.make_async_copy(
                trs[p].at[:, :, :, pl.ds(0, BT)],
                out_hbm.at[pl.ds(j * HC, HC), :, wid],
                ssem,
            )

        vch = (lane // 8, lane // 8 + 2)
        vcl = lane % 8

        def transpose(p):
            def body(i0, carry):
                for u in range(8):
                    b = i0 * 8 + u
                    hq = b // BT
                    vhq = jnp.full((16,), hq, jnp.int32)
                    vb = jnp.full((16,), b % BT, jnp.int32)
                    for half in range(2):
                        x = rows[p][b, pl.ds(half * 16, 16)]
                        plsc.store_scatter(
                            trs[p], [vhq, vch[half], vcl, vb], x
                        )
                return carry

            lax.fori_loop(0, RC // 8, body, 0)

        gather(0, 0).start()
        gather(1, 1).start()
        for p in (0, 1):
            gather(p, p).wait()
            transpose(p)
            store(p, p).start()
            gather(p + 2, p).start()

        def body(i, carry):
            for p in (0, 1):
                j = i * 2 + p
                gather(j, p).wait()
                store(j - 2, p).wait()
                transpose(p)
                store(j, p).start()
                gather(j + 2, p).start()
            return carry

        lax.fori_loop(1, nchunk // 2 - 1, body, 0)

        for p in (0, 1):
            j = nchunk - 2 + p
            gather(j, p).wait()
            store(j - 2, p).wait()
            transpose(p)
            store(j, p).start()
        store(nchunk - 2, 0).wait()
        store(nchunk - 1, 1).wait()

    return k


def kernel(words_pretrained, table):
    b0, hist = words_pretrained.shape
    nchunk = hist // HC
    idx_arr = (
        words_pretrained.T.astype(jnp.int32)
        .reshape(hist, NW, BT)
        .transpose(1, 0, 2)
        .reshape(NW, nchunk, RC)
    )
    vocab = table.shape[0]
    tlin = _retile_call(vocab)(table.T).reshape(vocab, D)
    out5 = _gather_call(hist, b0)(idx_arr, tlin)
    return out5.transpose(2, 4, 0, 1, 3).reshape(b0, hist, D)

# --- scband reference (transcript-rebuilt; emitter-appended) ---
"""Pipeline reference for scband-external-embedding-plugin-57861799411754 (READ-ONLY COPY).

The authoritative reference and input builder live on the scoring server;
editing this copy changes nothing except your own understanding.
"""

import jax, jax.numpy as jnp
import numpy as np

VOCAB = 1000000
EMBED_DIM = 32
BATCH = 4096
HIST_LEN = 200


def setup_inputs(seed: int = 0) -> dict:
    key = jax.random.key(seed)
    k_idx, k_tab = jax.random.split(key)
    words_pretrained = jax.random.randint(k_idx, (BATCH, HIST_LEN), 0, VOCAB, dtype=jnp.int64 if jax.config.jax_enable_x64 else jnp.int32)
    # Pretrained embedding table (row 0 is the *UNK* all-zeros vector, as in the torch module)
    table = jax.random.normal(k_tab, (VOCAB, EMBED_DIM), dtype=jnp.float32) * 0.02
    table = table.at[0].set(0.0)
    return {"words_pretrained": words_pretrained, "table": table}


def reference(words_pretrained, table):
    # Embedding lookup: ret = self.embedding(feed_dict.words_pretrained)
    # project_to is None, so no projection layer is applied.
    ret = jnp.take(table, words_pretrained, axis=0)
    return ret

if __name__ == "__main__":
    import jax
    _d = setup_inputs()
    print(jax.jit(kernel)(*tuple(_d.values())))

</pallas_src>

<mosaic_0001>
#map = affine_map<(d0, d1) -> (0, 0, 0)>
#map1 = affine_map<(d0, d1) -> (0, 0)>
#map2 = affine_map<(d0, d1) -> (0, 0, 0, 0, 0)>
module attributes {stable_mosaic.version = 14 : i64} {
  func.func @k(%arg0: i32, %arg1: i32, %arg2: memref<32x50x512xi32, #tpu.memory_space<hbm>>, %arg3: memref<1000000x32xf32, #tpu.memory_space<hbm>>, %arg4: memref<200x4x32x8x128xf32, #tpu.memory_space<hbm>>, %arg5: memref<50x512xi32, #tpu.memory_space<vmem>>, %arg6: memref<512x32xf32, #tpu.memory_space<vmem>>, %arg7: memref<512x32xf32, #tpu.memory_space<vmem>>, %arg8: memref<4x4x8x129xf32, #tpu.memory_space<vmem>>, %arg9: memref<4x4x8x129xf32, #tpu.memory_space<vmem>>, %arg10: memref<!tpu.dma_semaphore, #tpu.memory_space<semaphore_mem>>, %arg11: memref<!tpu.dma_semaphore, #tpu.memory_space<semaphore_mem>>) attributes {dimension_semantics = [#tpu.dimension_semantics<core_parallel>, #tpu.dimension_semantics<subcore_parallel>], iteration_bounds = array<i64: 2, 16>, scalar_prefetch = 0 : i64, scratch_operands = 7 : i64, tpu.core_type = #tpu.core_type<sc_vector_subcore>, window_params = [{transform_indices = #map}, {transform_indices = #map1}, {transform_indices = #map2}]} {
    %mul3A = arith.constant 2 : i32
    %mul3A_0 = arith.muli %arg1, %mul3A : i32
    %add3A = arith.addi %mul3A_0, %arg0 : i32
    "tpu.region"() ({
      %run_scoped3A = tpu.sem_alloc : memref<!tpu.dma_semaphore, #tpu.memory_space<semaphore_mem>>
      %dma_start3A_337 = arith.constant 0 : i32
      %dma_start3A_338 = arith.constant 0 : i32
      %dma_start3A_339 = tpu.memref_slice %arg2[%add3A, %dma_start3A_337, %dma_start3A_338] : memref<32x50x512xi32, #tpu.memory_space<hbm>> -> memref<1x50x512xi32, #tpu.memory_space<hbm>>
      %dma_start3A_340 = tpu.memref_squeeze %dma_start3A_339 : memref<1x50x512xi32, #tpu.memory_space<hbm>> -> memref<50x512xi32, #tpu.memory_space<hbm>>
      %dma_start3A_341 = arith.constant 0 : i32
      %dma_start3A_342 = arith.constant 0 : i32
      %dma_start3A_343 = tpu.memref_slice %arg2[%add3A, %dma_start3A_341, %dma_start3A_342] : memref<32x50x512xi32, #tpu.memory_space<hbm>> -> memref<1x50x512xi32, #tpu.memory_space<hbm>>
      %dma_start3A_344 = tpu.memref_squeeze %dma_start3A_343 : memref<1x50x512xi32, #tpu.memory_space<hbm>> -> memref<50x512xi32, #tpu.memory_space<hbm>>
      tpu.enqueue_dma source(%dma_start3A_344 : memref<50x512xi32, #tpu.memory_space<hbm>>) target(%arg5 : memref<50x512xi32, #tpu.memory_space<vmem>>) target_semaphore(%run_scoped3A : memref<!tpu.dma_semaphore, #tpu.memory_space<semaphore_mem>>)
      %dma_wait3A_345 = arith.constant 0 : i32
      %dma_wait3A_346 = arith.constant 0 : i32
      %dma_wait3A_347 = tpu.memref_slice %arg2[%add3A, %dma_wait3A_345, %dma_wait3A_346] : memref<32x50x512xi32, #tpu.memory_space<hbm>> -> memref<1x50x512xi32, #tpu.memory_space<hbm>>
      %dma_wait3A_348 = tpu.memref_squeeze %dma_wait3A_347 : memref<1x50x512xi32, #tpu.memory_space<hbm>> -> memref<50x512xi32, #tpu.memory_space<hbm>>
      %dma_wait3A_349 = arith.constant 0 : i32
      %dma_wait3A_350 = arith.constant 0 : i32
      %dma_wait3A_351 = tpu.memref_slice %arg2[%add3A, %dma_wait3A_349, %dma_wait3A_350] : memref<32x50x512xi32, #tpu.memory_space<hbm>> -> memref<1x50x512xi32, #tpu.memory_space<hbm>>
      %dma_wait3A_352 = tpu.memref_squeeze %dma_wait3A_351 : memref<1x50x512xi32, #tpu.memory_space<hbm>> -> memref<50x512xi32, #tpu.memory_space<hbm>>
      tpu.wait_dma2 semaphore(%run_scoped3A : memref<!tpu.dma_semaphore, #tpu.memory_space<semaphore_mem>>) src(%dma_wait3A_352 : memref<50x512xi32, #tpu.memory_space<hbm>>) dst(%arg5 : memref<50x512xi32, #tpu.memory_space<vmem>>)
      tpu.yield
    }) : () -> ()
    %iota3A = tpu.iota {dimensions = array<i32: 0>} : vector<16xi32>
    %jit3A = arith.constant 8 : i32
    %div3A = vector.broadcast %jit3A : i32 to vector<16xi32>
    %div3A_1 = arith.divsi %iota3A, %div3A : vector<16xi32>
    %sign3A = arith.constant 0 : i32
    %sign3A_2 = vector.broadcast %sign3A : i32 to vector<16xi32>
    %sign3A_3 = arith.cmpi sgt, %iota3A, %sign3A_2 : vector<16xi32>
    %sign3A_4 = arith.extui %sign3A_3 : vector<16xi1> to vector<16xi32>
    %sign3A_5 = arith.constant 0 : i32
    %sign3A_6 = vector.broadcast %sign3A_5 : i32 to vector<16xi32>
    %sign3A_7 = arith.cmpi slt, %iota3A, %sign3A_6 : vector<16xi32>
    %sign3A_8 = arith.extui %sign3A_7 : vector<16xi1> to vector<16xi32>
    %sign3A_9 = arith.subi %sign3A_4, %sign3A_8 : vector<16xi32>
    %sign3A_10 = arith.constant 0 : i32
    %sign3A_11 = arith.cmpi sgt, %jit3A, %sign3A_10 : i32
    %sign3A_12 = arith.extui %sign3A_11 : i1 to i32
    %sign3A_13 = arith.constant 0 : i32
    %sign3A_14 = arith.cmpi slt, %jit3A, %sign3A_13 : i32
    %sign3A_15 = arith.extui %sign3A_14 : i1 to i32
    %sign3A_16 = arith.subi %sign3A_12, %sign3A_15 : i32
    %ne3A = vector.broadcast %sign3A_16 : i32 to vector<16xi32>
    %ne3A_17 = arith.cmpi ne, %sign3A_9, %ne3A : vector<16xi32>
    %rem3A = vector.broadcast %jit3A : i32 to vector<16xi32>
    %rem3A_18 = arith.remsi %iota3A, %rem3A : vector<16xi32>
    %ne3A_19 = arith.constant 0 : i32
    %ne3A_20 = vector.broadcast %ne3A_19 : i32 to vector<16xi32>
    %ne3A_21 = arith.cmpi ne, %rem3A_18, %ne3A_20 : vector<16xi32>
    %and3A = arith.andi %ne3A_17, %ne3A_21 : vector<16xi1>
    %sub3A = arith.constant 1 : i32
    %sub3A_22 = vector.broadcast %sub3A : i32 to vector<16xi32>
    %sub3A_23 = arith.subi %div3A_1, %sub3A_22 : vector<16xi32>
    %select_n3A = arith.select %and3A, %sub3A_23, %div3A_1 : vector<16xi1>, vector<16xi32>
    %jit3A_24 = arith.constant 8 : i32
    %div3A_25 = vector.broadcast %jit3A_24 : i32 to vector<16xi32>
    %div3A_26 = arith.divsi %iota3A, %div3A_25 : vector<16xi32>
    %sign3A_27 = arith.constant 0 : i32
    %sign3A_28 = vector.broadcast %sign3A_27 : i32 to vector<16xi32>
    %sign3A_29 = arith.cmpi sgt, %iota3A, %sign3A_28 : vector<16xi32>
    %sign3A_30 = arith.extui %sign3A_29 : vector<16xi1> to vector<16xi32>
    %sign3A_31 = arith.constant 0 : i32
    %sign3A_32 = vector.broadcast %sign3A_31 : i32 to vector<16xi32>
    %sign3A_33 = arith.cmpi slt, %iota3A, %sign3A_32 : vector<16xi32>
    %sign3A_34 = arith.extui %sign3A_33 : vector<16xi1> to vector<16xi32>
    %sign3A_35 = arith.subi %sign3A_30, %sign3A_34 : vector<16xi32>
    %sign3A_36 = arith.constant 0 : i32
    %sign3A_37 = arith.cmpi sgt, %jit3A_24, %sign3A_36 : i32
    %sign3A_38 = arith.extui %sign3A_37 : i1 to i32
    %sign3A_39 = arith.constant 0 : i32
    %sign3A_40 = arith.cmpi slt, %jit3A_24, %sign3A_39 : i32
    %sign3A_41 = arith.extui %sign3A_40 : i1 to i32
    %sign3A_42 = arith.subi %sign3A_38, %sign3A_41 : i32
    %ne3A_43 = vector.broadcast %sign3A_42 : i32 to vector<16xi32>
    %ne3A_44 = arith.cmpi ne, %sign3A_35, %ne3A_43 : vector<16xi32>
    %rem3A_45 = vector.broadcast %jit3A_24 : i32 to vector<16xi32>
    %rem3A_46 = arith.remsi %iota3A, %rem3A_45 : vector<16xi32>
    %ne3A_47 = arith.constant 0 : i32
    %ne3A_48 = vector.broadcast %ne3A_47 : i32 to vector<16xi32>
    %ne3A_49 = arith.cmpi ne, %rem3A_46, %ne3A_48 : vector<16xi32>
    %and3A_50 = arith.andi %ne3A_44, %ne3A_49 : vector<16xi1>
    %sub3A_51 = arith.constant 1 : i32
    %sub3A_52 = vector.broadcast %sub3A_51 : i32 to vector<16xi32>
    %sub3A_53 = arith.subi %div3A_26, %sub3A_52 : vector<16xi32>
    %select_n3A_54 = arith.select %and3A_50, %sub3A_53, %div3A_26 : vector<16xi1>, vector<16xi32>
    %add3A_55 = arith.constant 2 : i32
    %add3A_56 = vector.broadcast %add3A_55 : i32 to vector<16xi32>
    %add3A_57 = arith.addi %select_n3A_54, %add3A_56 : vector<16xi32>
    %jit3A_58 = arith.constant 8 : i32
    %eq3A = arith.constant 0 : i32
    %eq3A_59 = arith.cmpi eq, %jit3A_58, %eq3A : i32
    %jit3A_60 = arith.constant 1 : i32
    %select_n3A_61 = arith.select %eq3A_59, %jit3A_60, %jit3A_58 : i32
    %rem3A_62 = vector.broadcast %select_n3A_61 : i32 to vector<16xi32>
    %rem3A_63 = arith.remsi %iota3A, %rem3A_62 : vector<16xi32>
    %ne3A_64 = arith.constant 0 : i32
    %ne3A_65 = vector.broadcast %ne3A_64 : i32 to vector<16xi32>
    %ne3A_66 = arith.cmpi ne, %rem3A_63, %ne3A_65 : vector<16xi32>
    %lt3A = arith.constant 0 : i32
    %lt3A_67 = vector.broadcast %lt3A : i32 to vector<16xi32>
    %lt3A_68 = arith.cmpi slt, %rem3A_63, %lt3A_67 : vector<16xi32>
    %lt3A_69 = arith.constant 0 : i32
    %lt3A_70 = arith.cmpi slt, %select_n3A_61, %lt3A_69 : i32
    %ne3A_71 = vector.broadcast %lt3A_70 : i1 to vector<16xi1>
    %ne3A_72 = vector.broadcast %ne3A_71 : vector<16xi1> to vector<16xi1>
    %ne3A_73 = arith.xori %lt3A_68, %ne3A_72 : vector<16xi1>
    %and3A_74 = arith.andi %ne3A_73, %ne3A_66 : vector<16xi1>
    %add3A_75 = vector.broadcast %select_n3A_61 : i32 to vector<16xi32>
    %add3A_76 = arith.addi %rem3A_63, %add3A_75 : vector<16xi32>
    %select_n3A_77 = arith.select %and3A_74, %add3A_76, %rem3A_63 : vector<16xi1>, vector<16xi32>
    %dma_start3A = arith.constant 0 : i32
    %dma_start3A_78 = arith.constant 0 : i32
    %dma_start3A_79 = tpu.memref_slice %arg5[%dma_start3A, %dma_start3A_78] : memref<50x512xi32, #tpu.memory_space<vmem>> -> memref<1x512xi32, #tpu.memory_space<vmem>>
    %dma_start3A_80 = tpu.memref_squeeze %dma_start3A_79 : memref<1x512xi32, #tpu.memory_space<vmem>> -> memref<512xi32, #tpu.memory_space<vmem>>
    %dma_start3A_81 = arith.constant 0 : i32
    %dma_start3A_82 = arith.constant 0 : i32
    %dma_start3A_83 = tpu.memref_slice %arg3[%dma_start3A_81, %dma_start3A_82] : memref<1000000x32xf32, #tpu.memory_space<hbm>> -> memref<1000000x32xf32, #tpu.memory_space<hbm>>
    tpu.enqueue_indirect_dma source(%dma_start3A_83 : memref<1000000x32xf32, #tpu.memory_space<hbm>>) target(%arg6 : memref<512x32xf32, #tpu.memory_space<vmem>>) offsets(%dma_start3A_80 : memref<512xi32, #tpu.memory_space<vmem>>) semaphore(%arg10 : memref<!tpu.dma_semaphore, #tpu.memory_space<semaphore_mem>>)
    %dma_start3A_84 = arith.constant 1 : i32
    %dma_start3A_85 = arith.constant 0 : i32
    %dma_start3A_86 = tpu.memref_slice %arg5[%dma_start3A_84, %dma_start3A_85] : memref<50x512xi32, #tpu.memory_space<vmem>> -> memref<1x512xi32, #tpu.memory_space<vmem>>
    %dma_start3A_87 = tpu.memref_squeeze %dma_start3A_86 : memref<1x512xi32, #tpu.memory_space<vmem>> -> memref<512xi32, #tpu.memory_space<vmem>>
    %dma_start3A_88 = arith.constant 0 : i32
    %dma_start3A_89 = arith.constant 0 : i32
    %dma_start3A_90 = tpu.memref_slice %arg3[%dma_start3A_88, %dma_start3A_89] : memref<1000000x32xf32, #tpu.memory_space<hbm>> -> memref<1000000x32xf32, #tpu.memory_space<hbm>>
    tpu.enqueue_indirect_dma source(%dma_start3A_90 : memref<1000000x32xf32, #tpu.memory_space<hbm>>) target(%arg7 : memref<512x32xf32, #tpu.memory_space<vmem>>) offsets(%dma_start3A_87 : memref<512xi32, #tpu.memory_space<vmem>>) semaphore(%arg10 : memref<!tpu.dma_semaphore, #tpu.memory_space<semaphore_mem>>)
    %dma_wait3A = arith.constant 0 : i32
    %dma_wait3A_91 = arith.constant 0 : i32
    %dma_wait3A_92 = tpu.memref_slice %arg5[%dma_wait3A, %dma_wait3A_91] : memref<50x512xi32, #tpu.memory_space<vmem>> -> memref<1x512xi32, #tpu.memory_space<vmem>>
    %dma_wait3A_93 = tpu.memref_squeeze %dma_wait3A_92 : memref<1x512xi32, #tpu.memory_space<vmem>> -> memref<512xi32, #tpu.memory_space<vmem>>
    %dma_wait3A_94 = arith.constant 0 : i32
    %dma_wait3A_95 = arith.constant 0 : i32
    %dma_wait3A_96 = tpu.memref_slice %arg3[%dma_wait3A_94, %dma_wait3A_95] : memref<1000000x32xf32, #tpu.memory_space<hbm>> -> memref<1000000x32xf32, #tpu.memory_space<hbm>>
    tpu.wait_indirect_dma semaphore(%arg10 : memref<!tpu.dma_semaphore, #tpu.memory_space<semaphore_mem>>) src(%dma_wait3A_96 : memref<1000000x32xf32, #tpu.memory_space<hbm>>) dst(%arg6 : memref<512x32xf32, #tpu.memory_space<vmem>>)
    %scan3A = arith.constant 0 : i32
    %scan3A_97 = arith.constant 0 : i32
    %scan3A_98 = arith.constant 64 : i32
    %scan3A_99 = arith.addi %scan3A_97, %scan3A_98 : i32
    %scan3A_100 = arith.constant 1 : i32
    scf.for %scan3A_337 = %scan3A_97 to %scan3A_99 step %scan3A_100  : i32 {
      %mul3A_338 = arith.constant 8 : i32
      %mul3A_339 = arith.muli %scan3A_337, %mul3A_338 : i32
      %add3A_340 = arith.constant 0 : i32
      %add3A_341 = arith.addi %mul3A_339, %add3A_340 : i32
      %jit3A_342 = arith.constant 128 : i32
      %div3A_343 = arith.divsi %add3A_341, %jit3A_342 : i32
      %sign3A_344 = arith.constant 0 : i32
      %sign3A_345 = arith.cmpi sgt, %add3A_341, %sign3A_344 : i32
      %sign3A_346 = arith.extui %sign3A_345 : i1 to i32
      %sign3A_347 = arith.constant 0 : i32
      %sign3A_348 = arith.cmpi slt, %add3A_341, %sign3A_347 : i32
      %sign3A_349 = arith.extui %sign3A_348 : i1 to i32
      %sign3A_350 = arith.subi %sign3A_346, %sign3A_349 : i32
      %sign3A_351 = arith.constant 0 : i32
      %sign3A_352 = arith.cmpi sgt, %jit3A_342, %sign3A_351 : i32
      %sign3A_353 = arith.extui %sign3A_352 : i1 to i32
      %sign3A_354 = arith.constant 0 : i32
      %sign3A_355 = arith.cmpi slt, %jit3A_342, %sign3A_354 : i32
      %sign3A_356 = arith.extui %sign3A_355 : i1 to i32
      %sign3A_357 = arith.subi %sign3A_353, %sign3A_356 : i32
      %ne3A_358 = arith.cmpi ne, %sign3A_350, %sign3A_357 : i32
      %rem3A_359 = arith.remsi %add3A_341, %jit3A_342 : i32
      %ne3A_360 = arith.constant 0 : i32
      %ne3A_361 = arith.cmpi ne, %rem3A_359, %ne3A_360 : i32
      %and3A_362 = arith.andi %ne3A_358, %ne3A_361 : i1
      %sub3A_363 = arith.constant 1 : i32
      %sub3A_364 = arith.subi %div3A_343, %sub3A_363 : i32
      %select_n3A_365 = arith.select %and3A_362, %sub3A_364, %div3A_343 : i32
      %broadcast_in_dim3A = vector.broadcast %select_n3A_365 : i32 to vector<16xi32>
      %jit3A_366 = arith.constant 128 : i32
      %eq3A_367 = arith.constant 0 : i32
      %eq3A_368 = arith.cmpi eq, %jit3A_366, %eq3A_367 : i32
      %jit3A_369 = arith.constant 1 : i32
      %select_n3A_370 = arith.select %eq3A_368, %jit3A_369, %jit3A_366 : i32
      %rem3A_371 = arith.remsi %add3A_341, %select_n3A_370 : i32
      %ne3A_372 = arith.constant 0 : i32
      %ne3A_373 = arith.cmpi ne, %rem3A_371, %ne3A_372 : i32
      %lt3A_374 = arith.constant 0 : i32
      %lt3A_375 = arith.cmpi slt, %rem3A_371, %lt3A_374 : i32
      %lt3A_376 = arith.constant 0 : i32
      %lt3A_377 = arith.cmpi slt, %select_n3A_370, %lt3A_376 : i32
      %ne3A_378 = arith.xori %lt3A_375, %lt3A_377 : i1
      %and3A_379 = arith.andi %ne3A_378, %ne3A_373 : i1
      %add3A_380 = arith.addi %rem3A_371, %select_n3A_370 : i32
      %select_n3A_381 = arith.select %and3A_379, %add3A_380, %rem3A_371 : i32
      %broadcast_in_dim3A_382 = vector.broadcast %select_n3A_381 : i32 to vector<16xi32>
      %get3A = arith.index_cast %add3A_341 : i32 to index
      %get3A_383 = arith.constant 0 : index
      %get3A_384 = tpu.vector_load %arg6[%get3A, %get3A_383] {strides = array<i32>} : memref<512x32xf32, #tpu.memory_space<vmem>>, vector<16xf32>,
      tpu.vector_store_idx %arg8[%broadcast_in_dim3A, %select_n3A, %select_n3A_77, %broadcast_in_dim3A_382], %get3A_384 : memref<4x4x8x129xf32, #tpu.memory_space<vmem>>[vector<16xi32>, vector<16xi32>, vector<16xi32>, vector<16xi32>], vector<16xf32>,
      %get3A_385 = arith.index_cast %add3A_341 : i32 to index
      %get3A_386 = arith.constant 16 : index
      %get3A_387 = tpu.vector_load %arg6[%get3A_385, %get3A_386] {strides = array<i32>} : memref<512x32xf32, #tpu.memory_space<vmem>>, vector<16xf32>,
      tpu.vector_store_idx %arg8[%broadcast_in_dim3A, %add3A_57, %select_n3A_77, %broadcast_in_dim3A_382], %get3A_387 : memref<4x4x8x129xf32, #tpu.memory_space<vmem>>[vector<16xi32>, vector<16xi32>, vector<16xi32>, vector<16xi32>], vector<16xf32>,
      %mul3A_388 = arith.constant 8 : i32
      %mul3A_389 = arith.muli %scan3A_337, %mul3A_388 : i32
      %add3A_390 = arith.constant 1 : i32
      %add3A_391 = arith.addi %mul3A_389, %add3A_390 : i32
      %jit3A_392 = arith.constant 128 : i32
      %div3A_393 = arith.divsi %add3A_391, %jit3A_392 : i32
      %sign3A_394 = arith.constant 0 : i32
      %sign3A_395 = arith.cmpi sgt, %add3A_391, %sign3A_394 : i32
      %sign3A_396 = arith.extui %sign3A_395 : i1 to i32
      %sign3A_397 = arith.constant 0 : i32
      %sign3A_398 = arith.cmpi slt, %add3A_391, %sign3A_397 : i32
      %sign3A_399 = arith.extui %sign3A_398 : i1 to i32
      %sign3A_400 = arith.subi %sign3A_396, %sign3A_399 : i32
      %sign3A_401 = arith.constant 0 : i32
      %sign3A_402 = arith.cmpi sgt, %jit3A_392, %sign3A_401 : i32
      %sign3A_403 = arith.extui %sign3A_402 : i1 to i32
      %sign3A_404 = arith.constant 0 : i32
      %sign3A_405 = arith.cmpi slt, %jit3A_392, %sign3A_404 : i32
      %sign3A_406 = arith.extui %sign3A_405 : i1 to i32
      %sign3A_407 = arith.subi %sign3A_403, %sign3A_406 : i32
      %ne3A_408 = arith.cmpi ne, %sign3A_400, %sign3A_407 : i32
      %rem3A_409 = arith.remsi %add3A_391, %jit3A_392 : i32
      %ne3A_410 = arith.constant 0 : i32
      %ne3A_411 = arith.cmpi ne, %rem3A_409, %ne3A_410 : i32
      %and3A_412 = arith.andi %ne3A_408, %ne3A_411 : i1
      %sub3A_413 = arith.constant 1 : i32
      %sub3A_414 = arith.subi %div3A_393, %sub3A_413 : i32
      %select_n3A_415 = arith.select %and3A_412, %sub3A_414, %div3A_393 : i32
      %broadcast_in_dim3A_416 = vector.broadcast %select_n3A_415 : i32 to vector<16xi32>
      %jit3A_417 = arith.constant 128 : i32
      %eq3A_418 = arith.constant 0 : i32
      %eq3A_419 = arith.cmpi eq, %jit3A_417, %eq3A_418 : i32
      %jit3A_420 = arith.constant 1 : i32
      %select_n3A_421 = arith.select %eq3A_419, %jit3A_420, %jit3A_417 : i32
      %rem3A_422 = arith.remsi %add3A_391, %select_n3A_421 : i32
      %ne3A_423 = arith.constant 0 : i32
      %ne3A_424 = arith.cmpi ne, %rem3A_422, %ne3A_423 : i32
      %lt3A_425 = arith.constant 0 : i32
      %lt3A_426 = arith.cmpi slt, %rem3A_422, %lt3A_425 : i32
      %lt3A_427 = arith.constant 0 : i32
      %lt3A_428 = arith.cmpi slt, %select_n3A_421, %lt3A_427 : i32
      %ne3A_429 = arith.xori %lt3A_426, %lt3A_428 : i1
      %and3A_430 = arith.andi %ne3A_429, %ne3A_424 : i1
      %add3A_431 = arith.addi %rem3A_422, %select_n3A_421 : i32
      %select_n3A_432 = arith.select %and3A_430, %add3A_431, %rem3A_422 : i32
      %broadcast_in_dim3A_433 = vector.broadcast %select_n3A_432 : i32 to vector<16xi32>
      %get3A_434 = arith.index_cast %add3A_391 : i32 to index
      %get3A_435 = arith.constant 0 : index
      %get3A_436 = tpu.vector_load %arg6[%get3A_434, %get3A_435] {strides = array<i32>} : memref<512x32xf32, #tpu.memory_space<vmem>>, vector<16xf32>,
      tpu.vector_store_idx %arg8[%broadcast_in_dim3A_416, %select_n3A, %select_n3A_77, %broadcast_in_dim3A_433], %get3A_436 : memref<4x4x8x129xf32, #tpu.memory_space<vmem>>[vector<16xi32>, vector<16xi32>, vector<16xi32>, vector<16xi32>], vector<16xf32>,
      %get3A_437 = arith.index_cast %add3A_391 : i32 to index
      %get3A_438 = arith.constant 16 : index
      %get3A_439 = tpu.vector_load %arg6[%get3A_437, %get3A_438] {strides = array<i32>} : memref<512x32xf32, #tpu.memory_space<vmem>>, vector<16xf32>,
      tpu.vector_store_idx %arg8[%broadcast_in_dim3A_416, %add3A_57, %select_n3A_77, %broadcast_in_dim3A_433], %get3A_439 : memref<4x4x8x129xf32, #tpu.memory_space<vmem>>[vector<16xi32>, vector<16xi32>, vector<16xi32>, vector<16xi32>], vector<16xf32>,
      %mul3A_440 = arith.constant 8 : i32
      %mul3A_441 = arith.muli %scan3A_337, %mul3A_440 : i32
      %add3A_442 = arith.constant 2 : i32
      %add3A_443 = arith.addi %mul3A_441, %add3A_442 : i32
      %jit3A_444 = arith.constant 128 : i32
      %div3A_445 = arith.divsi %add3A_443, %jit3A_444 : i32
      %sign3A_446 = arith.constant 0 : i32
      %sign3A_447 = arith.cmpi sgt, %add3A_443, %sign3A_446 : i32
      %sign3A_448 = arith.extui %sign3A_447 : i1 to i32
      %sign3A_449 = arith.constant 0 : i32
      %sign3A_450 = arith.cmpi slt, %add3A_443, %sign3A_449 : i32
      %sign3A_451 = arith.extui %sign3A_450 : i1 to i32
      %sign3A_452 = arith.subi %sign3A_448, %sign3A_451 : i32
      %sign3A_453 = arith.constant 0 : i32
      %sign3A_454 = arith.cmpi sgt, %jit3A_444, %sign3A_453 : i32
      %sign3A_455 = arith.extui %sign3A_454 : i1 to i32
      %sign3A_456 = arith.constant 0 : i32
      %sign3A_457 = arith.cmpi slt, %jit3A_444, %sign3A_456 : i32
      %sign3A_458 = arith.extui %sign3A_457 : i1 to i32
      %sign3A_459 = arith.subi %sign3A_455, %sign3A_458 : i32
      %ne3A_460 = arith.cmpi ne, %sign3A_452, %sign3A_459 : i32
      %rem3A_461 = arith.remsi %add3A_443, %jit3A_444 : i32
      %ne3A_462 = arith.constant 0 : i32
      %ne3A_463 = arith.cmpi ne, %rem3A_461, %ne3A_462 : i32
      %and3A_464 = arith.andi %ne3A_460, %ne3A_463 : i1
      %sub3A_465 = arith.constant 1 : i32
      %sub3A_466 = arith.subi %div3A_445, %sub3A_465 : i32
      %select_n3A_467 = arith.select %and3A_464, %sub3A_466, %div3A_445 : i32
      %broadcast_in_dim3A_468 = vector.broadcast %select_n3A_467 : i32 to vector<16xi32>
      %jit3A_469 = arith.constant 128 : i32
      %eq3A_470 = arith.constant 0 : i32
      %eq3A_471 = arith.cmpi eq, %jit3A_469, %eq3A_470 : i32
      %jit3A_472 = arith.constant 1 : i32
      %select_n3A_473 = arith.select %eq3A_471, %jit3A_472, %jit3A_469 : i32
      %rem3A_474 = arith.remsi %add3A_443, %select_n3A_473 : i32
      %ne3A_475 = arith.constant 0 : i32
      %ne3A_476 = arith.cmpi ne, %rem3A_474, %ne3A_475 : i32
      %lt3A_477 = arith.constant 0 : i32
      %lt3A_478 = arith.cmpi slt, %rem3A_474, %lt3A_477 : i32
      %lt3A_479 = arith.constant 0 : i32
      %lt3A_480 = arith.cmpi slt, %select_n3A_473, %lt3A_479 : i32
      %ne3A_481 = arith.xori %lt3A_478, %lt3A_480 : i1
      %and3A_482 = arith.andi %ne3A_481, %ne3A_476 : i1
      %add3A_483 = arith.addi %rem3A_474, %select_n3A_473 : i32
      %select_n3A_484 = arith.select %and3A_482, %add3A_483, %rem3A_474 : i32
      %broadcast_in_dim3A_485 = vector.broadcast %select_n3A_484 : i32 to vector<16xi32>
      %get3A_486 = arith.index_cast %add3A_443 : i32 to index
      %get3A_487 = arith.constant 0 : index
      %get3A_488 = tpu.vector_load %arg6[%get3A_486, %get3A_487] {strides = array<i32>} : memref<512x32xf32, #tpu.memory_space<vmem>>, vector<16xf32>,
      tpu.vector_store_idx %arg8[%broadcast_in_dim3A_468, %select_n3A, %select_n3A_77, %broadcast_in_dim3A_485], %get3A_488 : memref<4x4x8x129xf32, #tpu.memory_space<vmem>>[vector<16xi32>, vector<16xi32>, vector<16xi32>, vector<16xi32>], vector<16xf32>,
      %get3A_489 = arith.index_cast %add3A_443 : i32 to index
      %get3A_490 = arith.constant 16 : index
      %get3A_491 = tpu.vector_load %arg6[%get3A_489, %get3A_490] {strides = array<i32>} : memref<512x32xf32, #tpu.memory_space<vmem>>, vector<16xf32>,
      tpu.vector_store_idx %arg8[%broadcast_in_dim3A_468, %add3A_57, %select_n3A_77, %broadcast_in_dim3A_485], %get3A_491 : memref<4x4x8x129xf32, #tpu.memory_space<vmem>>[vector<16xi32>, vector<16xi32>, vector<16xi32>, vector<16xi32>], vector<16xf32>,
      %mul3A_492 = arith.constant 8 : i32
      %mul3A_493 = arith.muli %scan3A_337, %mul3A_492 : i32
      %add3A_494 = arith.constant 3 : i32
      %add3A_495 = arith.addi %mul3A_493, %add3A_494 : i32
      %jit3A_496 = arith.constant 128 : i32
      %div3A_497 = arith.divsi %add3A_495, %jit3A_496 : i32
      %sign3A_498 = arith.constant 0 : i32
      %sign3A_499 = arith.cmpi sgt, %add3A_495, %sign3A_498 : i32
      %sign3A_500 = arith.extui %sign3A_499 : i1 to i32
      %sign3A_501 = arith.constant 0 : i32
      %sign3A_502 = arith.cmpi slt, %add3A_495, %sign3A_501 : i32
      %sign3A_503 = arith.extui %sign3A_502 : i1 to i32
      %sign3A_504 = arith.subi %sign3A_500, %sign3A_503 : i32
      %sign3A_505 = arith.constant 0 : i32
      %sign3A_506 = arith.cmpi sgt, %jit3A_496, %sign3A_505 : i32
      %sign3A_507 = arith.extui %sign3A_506 : i1 to i32
      %sign3A_508 = arith.constant 0 : i32
      %sign3A_509 = arith.cmpi slt, %jit3A_496, %sign3A_508 : i32
      %sign3A_510 = arith.extui %sign3A_509 : i1 to i32
      %sign3A_511 = arith.subi %sign3A_507, %sign3A_510 : i32
      %ne3A_512 = arith.cmpi ne, %sign3A_504, %sign3A_511 : i32
      %rem3A_513 = arith.remsi %add3A_495, %jit3A_496 : i32
      %ne3A_514 = arith.constant 0 : i32
      %ne3A_515 = arith.cmpi ne, %rem3A_513, %ne3A_514 : i32
      %and3A_516 = arith.andi %ne3A_512, %ne3A_515 : i1
      %sub3A_517 = arith.constant 1 : i32
      %sub3A_518 = arith.subi %div3A_497, %sub3A_517 : i32
      %select_n3A_519 = arith.select %and3A_516, %sub3A_518, %div3A_497 : i32
      %broadcast_in_dim3A_520 = vector.broadcast %select_n3A_519 : i32 to vector<16xi32>
      %jit3A_521 = arith.constant 128 : i32
      %eq3A_522 = arith.constant 0 : i32
      %eq3A_523 = arith.cmpi eq, %jit3A_521, %eq3A_522 : i32
      %jit3A_524 = arith.constant 1 : i32
      %select_n3A_525 = arith.select %eq3A_523, %jit3A_524, %jit3A_521 : i32
      %rem3A_526 = arith.remsi %add3A_495, %select_n3A_525 : i32
      %ne3A_527 = arith.constant 0 : i32
      %ne3A_528 = arith.cmpi ne, %rem3A_526, %ne3A_527 : i32
      %lt3A_529 = arith.constant 0 : i32
      %lt3A_530 = arith.cmpi slt, %rem3A_526, %lt3A_529 : i32
      %lt3A_531 = arith.constant 0 : i32
      %lt3A_532 = arith.cmpi slt, %select_n3A_525, %lt3A_531 : i32
      %ne3A_533 = arith.xori %lt3A_530, %lt3A_532 : i1
      %and3A_534 = arith.andi %ne3A_533, %ne3A_528 : i1
      %add3A_535 = arith.addi %rem3A_526, %select_n3A_525 : i32
      %select_n3A_536 = arith.select %and3A_534, %add3A_535, %rem3A_526 : i32
      %broadcast_in_dim3A_537 = vector.broadcast %select_n3A_536 : i32 to vector<16xi32>
      %get3A_538 = arith.index_cast %add3A_495 : i32 to index
      %get3A_539 = arith.constant 0 : index
      %get3A_540 = tpu.vector_load %arg6[%get3A_538, %get3A_539] {strides = array<i32>} : memref<512x32xf32, #tpu.memory_space<vmem>>, vector<16xf32>,
      tpu.vector_store_idx %arg8[%broadcast_in_dim3A_520, %select_n3A, %select_n3A_77, %broadcast_in_dim3A_537], %get3A_540 : memref<4x4x8x129xf32, #tpu.memory_space<vmem>>[vector<16xi32>, vector<16xi32>, vector<16xi32>, vector<16xi32>], vector<16xf32>,
      %get3A_541 = arith.index_cast %add3A_495 : i32 to index
      %get3A_542 = arith.constant 16 : index
      %get3A_543 = tpu.vector_load %arg6[%get3A_541, %get3A_542] {strides = array<i32>} : memref<512x32xf32, #tpu.memory_space<vmem>>, vector<16xf32>,
      tpu.vector_store_idx %arg8[%broadcast_in_dim3A_520, %add3A_57, %select_n3A_77, %broadcast_in_dim3A_537], %get3A_543 : memref<4x4x8x129xf32, #tpu.memory_space<vmem>>[vector<16xi32>, vector<16xi32>, vector<16xi32>, vector<16xi32>], vector<16xf32>,
      %mul3A_544 = arith.constant 8 : i32
      %mul3A_545 = arith.muli %scan3A_337, %mul3A_544 : i32
      %add3A_546 = arith.constant 4 : i32
      %add3A_547 = arith.addi %mul3A_545, %add3A_546 : i32
      %jit3A_548 = arith.constant 128 : i32
      %div3A_549 = arith.divsi %add3A_547, %jit3A_548 : i32
      %sign3A_550 = arith.constant 0 : i32
      %sign3A_551 = arith.cmpi sgt, %add3A_547, %sign3A_550 : i32
      %sign3A_552 = arith.extui %sign3A_551 : i1 to i32
      %sign3A_553 = arith.constant 0 : i32
      %sign3A_554 = arith.cmpi slt, %add3A_547, %sign3A_553 : i32
      %sign3A_555 = arith.extui %sign3A_554 : i1 to i32
      %sign3A_556 = arith.subi %sign3A_552, %sign3A_555 : i32
      %sign3A_557 = arith.constant 0 : i32
      %sign3A_558 = arith.cmpi sgt, %jit3A_548, %sign3A_557 : i32
      %sign3A_559 = arith.extui %sign3A_558 : i1 to i32
      %sign3A_560 = arith.constant 0 : i32
      %sign3A_561 = arith.cmpi slt, %jit3A_548, %sign3A_560 : i32
      %sign3A_562 = arith.extui %sign3A_561 : i1 to i32
      %sign3A_563 = arith.subi %sign3A_559, %sign3A_562 : i32
      %ne3A_564 = arith.cmpi ne, %sign3A_556, %sign3A_563 : i32
      %rem3A_565 = arith.remsi %add3A_547, %jit3A_548 : i32
      %ne3A_566 = arith.constant 0 : i32
      %ne3A_567 = arith.cmpi ne, %rem3A_565, %ne3A_566 : i32
      %and3A_568 = arith.andi %ne3A_564, %ne3A_567 : i1
      %sub3A_569 = arith.constant 1 : i32
      %sub3A_570 = arith.subi %div3A_549, %sub3A_569 : i32
      %select_n3A_571 = arith.select %and3A_568, %sub3A_570, %div3A_549 : i32
      %broadcast_in_dim3A_572 = vector.broadcast %select_n3A_571 : i32 to vector<16xi32>
      %jit3A_573 = arith.constant 128 : i32
      %eq3A_574 = arith.constant 0 : i32
      %eq3A_575 = arith.cmpi eq, %jit3A_573, %eq3A_574 : i32
      %jit3A_576 = arith.constant 1 : i32
      %select_n3A_577 = arith.select %eq3A_575, %jit3A_576, %jit3A_573 : i32
      %rem3A_578 = arith.remsi %add3A_547, %select_n3A_577 : i32
      %ne3A_579 = arith.constant 0 : i32
      %ne3A_580 = arith.cmpi ne, %rem3A_578, %ne3A_579 : i32
      %lt3A_581 = arith.constant 0 : i32
      %lt3A_582 = arith.cmpi slt, %rem3A_578, %lt3A_581 : i32
      %lt3A_583 = arith.constant 0 : i32
      %lt3A_584 = arith.cmpi slt, %select_n3A_577, %lt3A_583 : i32
      %ne3A_585 = arith.xori %lt3A_582, %lt3A_584 : i1
      %and3A_586 = arith.andi %ne3A_585, %ne3A_580 : i1
      %add3A_587 = arith.addi %rem3A_578, %select_n3A_577 : i32
      %select_n3A_588 = arith.select %and3A_586, %add3A_587, %rem3A_578 : i32
      %broadcast_in_dim3A_589 = vector.broadcast %select_n3A_588 : i32 to vector<16xi32>
      %get3A_590 = arith.index_cast %add3A_547 : i32 to index
      %get3A_591 = arith.constant 0 : index
      %get3A_592 = tpu.vector_load %arg6[%get3A_590, %get3A_591] {strides = array<i32>} : memref<512x32xf32, #tpu.memory_space<vmem>>, vector<16xf32>,
      tpu.vector_store_idx %arg8[%broadcast_in_dim3A_572, %select_n3A, %select_n3A_77, %broadcast_in_dim3A_589], %get3A_592 : memref<4x4x8x129xf32, #tpu.memory_space<vmem>>[vector<16xi32>, vector<16xi32>, vector<16xi32>, vector<16xi32>], vector<16xf32>,
      %get3A_593 = arith.index_cast %add3A_547 : i32 to index
      %get3A_594 = arith.constant 16 : index
      %get3A_595 = tpu.vector_load %arg6[%get3A_593, %get3A_594] {strides = array<i32>} : memref<512x32xf32, #tpu.memory_space<vmem>>, vector<16xf32>,
      tpu.vector_store_idx %arg8[%broadcast_in_dim3A_572, %add3A_57, %select_n3A_77, %broadcast_in_dim3A_589], %get3A_595 : memref<4x4x8x129xf32, #tpu.memory_space<vmem>>[vector<16xi32>, vector<16xi32>, vector<16xi32>, vector<16xi32>], vector<16xf32>,
      %mul3A_596 = arith.constant 8 : i32
      %mul3A_597 = arith.muli %scan3A_337, %mul3A_596 : i32
      %add3A_598 = arith.constant 5 : i32
      %add3A_599 = arith.addi %mul3A_597, %add3A_598 : i32
      %jit3A_600 = arith.constant 128 : i32
      %div3A_601 = arith.divsi %add3A_599, %jit3A_600 : i32
      %sign3A_602 = arith.constant 0 : i32
      %sign3A_603 = arith.cmpi sgt, %add3A_599, %sign3A_602 : i32
      %sign3A_604 = arith.extui %sign3A_603 : i1 to i32
      %sign3A_605 = arith.constant 0 : i32
      %sign3A_606 = arith.cmpi slt, %add3A_599, %sign3A_605 : i32
      %sign3A_607 = arith.extui %sign3A_606 : i1 to i32
      %sign3A_608 = arith.subi %sign3A_604, %sign3A_607 : i32
      %sign3A_609 = arith.constant 0 : i32
      %sign3A_610 = arith.cmpi sgt, %jit3A_600, %sign3A_609 : i32
      %sign3A_611 = arith.extui %sign3A_610 : i1 to i32
      %sign3A_612 = arith.constant 0 : i32
      %sign3A_613 = arith.cmpi slt, %jit3A_600, %sign3A_612 : i32
      %sign3A_614 = arith.extui %sign3A_613 : i1 to i32
      %sign3A_615 = arith.subi %sign3A_611, %sign3A_614 : i32
      %ne3A_616 = arith.cmpi ne, %sign3A_608, %sign3A_615 : i32
      %rem3A_617 = arith.remsi %add3A_599, %jit3A_600 : i32
      %ne3A_618 = arith.constant 0 : i32
      %ne3A_619 = arith.cmpi ne, %rem3A_617, %ne3A_618 : i32
      %and3A_620 = arith.andi %ne3A_616, %ne3A_619 : i1
      %sub3A_621 = arith.constant 1 : i32
      %sub3A_622 = arith.subi %div3A_601, %sub3A_621 : i32
      %select_n3A_623 = arith.select %and3A_620, %sub3A_622, %div3A_601 : i32
      %broadcast_in_dim3A_624 = vector.broadcast %select_n3A_623 : i32 to vector<16xi32>
      %jit3A_625 = arith.constant 128 : i32
      %eq3A_626 = arith.constant 0 : i32
      %eq3A_627 = arith.cmpi eq, %jit3A_625, %eq3A_626 : i32
      %jit3A_628 = arith.constant 1 : i32
      %select_n3A_629 = arith.select %eq3A_627, %jit3A_628, %jit3A_625 : i32
      %rem3A_630 = arith.remsi %add3A_599, %select_n3A_629 : i32
      %ne3A_631 = arith.constant 0 : i32
      %ne3A_632 = arith.cmpi ne, %rem3A_630, %ne3A_631 : i32
      %lt3A_633 = arith.constant 0 : i32
      %lt3A_634 = arith.cmpi slt, %rem3A_630, %lt3A_633 : i32
      %lt3A_635 = arith.constant 0 : i32
      %lt3A_636 = arith.cmpi slt, %select_n3A_629, %lt3A_635 : i32
      %ne3A_637 = arith.xori %lt3A_634, %lt3A_636 : i1
      %and3A_638 = arith.andi %ne3A_637, %ne3A_632 : i1
      %add3A_639 = arith.addi %rem3A_630, %select_n3A_629 : i32
      %select_n3A_640 = arith.select %and3A_638, %add3A_639, %rem3A_630 : i32
      %broadcast_in_dim3A_641 = vector.broadcast %select_n3A_640 : i32 to vector<16xi32>
      %get3A_642 = arith.index_cast %add3A_599 : i32 to index
      %get3A_643 = arith.constant 0 : index
      %get3A_644 = tpu.vector_load %arg6[%get3A_642, %get3A_643] {strides = array<i32>} : memref<512x32xf32, #tpu.memory_space<vmem>>, vector<16xf32>,
      tpu.vector_store_idx %arg8[%broadcast_in_dim3A_624, %select_n3A, %select_n3A_77, %broadcast_in_dim3A_641], %get3A_644 : memref<4x4x8x129xf32, #tpu.memory_space<vmem>>[vector<16xi32>, vector<16xi32>, vector<16xi32>, vector<16xi32>], vector<16xf32>,
      %get3A_645 = arith.index_cast %add3A_599 : i32 to index
      %get3A_646 = arith.constant 16 : index
      %get3A_647 = tpu.vector_load %arg6[%get3A_645, %get3A_646] {strides = array<i32>} : memref<512x32xf32, #tpu.memory_space<vmem>>, vector<16xf32>,
      tpu.vector_store_idx %arg8[%broadcast_in_dim3A_624, %add3A_57, %select_n3A_77, %broadcast_in_dim3A_641], %get3A_647 : memref<4x4x8x129xf32, #tpu.memory_space<vmem>>[vector<16xi32>, vector<16xi32>, vector<16xi32>, vector<16xi32>], vector<16xf32>,
      %mul3A_648 = arith.constant 8 : i32
      %mul3A_649 = arith.muli %scan3A_337, %mul3A_648 : i32
      %add3A_650 = arith.constant 6 : i32
      %add3A_651 = arith.addi %mul3A_649, %add3A_650 : i32
      %jit3A_652 = arith.constant 128 : i32
      %div3A_653 = arith.divsi %add3A_651, %jit3A_652 : i32
      %sign3A_654 = arith.constant 0 : i32
      %sign3A_655 = arith.cmpi sgt, %add3A_651, %sign3A_654 : i32
      %sign3A_656 = arith.extui %sign3A_655 : i1 to i32
      %sign3A_657 = arith.constant 0 : i32
      %sign3A_658 = arith.cmpi slt, %add3A_651, %sign3A_657 : i32
      %sign3A_659 = arith.extui %sign3A_658 : i1 to i32
      %sign3A_660 = arith.subi %sign3A_656, %sign3A_659 : i32
      %sign3A_661 = arith.constant 0 : i32
      %sign3A_662 = arith.cmpi sgt, %jit3A_652, %sign3A_661 : i32
      %sign3A_663 = arith.extui %sign3A_662 : i1 to i32
      %sign3A_664 = arith.constant 0 : i32
      %sign3A_665 = arith.cmpi slt, %jit3A_652, %sign3A_664 : i32
      %sign3A_666 = arith.extui %sign3A_665 : i1 to i32
      %sign3A_667 = arith.subi %sign3A_663, %sign3A_666 : i32
      %ne3A_668 = arith.cmpi ne, %sign3A_660, %sign3A_667 : i32
      %rem3A_669 = arith.remsi %add3A_651, %jit3A_652 : i32
      %ne3A_670 = arith.constant 0 : i32
      %ne3A_671 = arith.cmpi ne, %rem3A_669, %ne3A_670 : i32
      %and3A_672 = arith.andi %ne3A_668, %ne3A_671 : i1
      %sub3A_673 = arith.constant 1 : i32
      %sub3A_674 = arith.subi %div3A_653, %sub3A_673 : i32
      %select_n3A_675 = arith.select %and3A_672, %sub3A_674, %div3A_653 : i32
      %broadcast_in_dim3A_676 = vector.broadcast %select_n3A_675 : i32 to vector<16xi32>
      %jit3A_677 = arith.constant 128 : i32
      %eq3A_678 = arith.constant 0 : i32
      %eq3A_679 = arith.cmpi eq, %jit3A_677, %eq3A_678 : i32
      %jit3A_680 = arith.constant 1 : i32
      %select_n3A_681 = arith.select %eq3A_679, %jit3A_680, %jit3A_677 : i32
      %rem3A_682 = arith.remsi %add3A_651, %select_n3A_681 : i32
      %ne3A_683 = arith.constant 0 : i32
      %ne3A_684 = arith.cmpi ne, %rem3A_682, %ne3A_683 : i32
      %lt3A_685 = arith.constant 0 : i32
      %lt3A_686 = arith.cmpi slt, %rem3A_682, %lt3A_685 : i32
      %lt3A_687 = arith.constant 0 : i32
      %lt3A_688 = arith.cmpi slt, %select_n3A_681, %lt3A_687 : i32
      %ne3A_689 = arith.xori %lt3A_686, %lt3A_688 : i1
      %and3A_690 = arith.andi %ne3A_689, %ne3A_684 : i1
      %add3A_691 = arith.addi %rem3A_682, %select_n3A_681 : i32
      %select_n3A_692 = arith.select %and3A_690, %add3A_691, %rem3A_682 : i32
      %broadcast_in_dim3A_693 = vector.broadcast %select_n3A_692 : i32 to vector<16xi32>
      %get3A_694 = arith.index_cast %add3A_651 : i32 to index
      %get3A_695 = arith.constant 0 : index
      %get3A_696 = tpu.vector_load %arg6[%get3A_694, %get3A_695] {strides = array<i32>} : memref<512x32xf32, #tpu.memory_space<vmem>>, vector<16xf32>,
      tpu.vector_store_idx %arg8[%broadcast_in_dim3A_676, %select_n3A, %select_n3A_77, %broadcast_in_dim3A_693], %get3A_696 : memref<4x4x8x129xf32, #tpu.memory_space<vmem>>[vector<16xi32>, vector<16xi32>, vector<16xi32>, vector<16xi32>], vector<16xf32>,
      %get3A_697 = arith.index_cast %add3A_651 : i32 to index
      %get3A_698 = arith.constant 16 : index
      %get3A_699 = tpu.vector_load %arg6[%get3A_697, %get3A_698] {strides = array<i32>} : memref<512x32xf32, #tpu.memory_space<vmem>>, vector<16xf32>,
      tpu.vector_store_idx %arg8[%broadcast_in_dim3A_676, %add3A_57, %select_n3A_77, %broadcast_in_dim3A_693], %get3A_699 : memref<4x4x8x129xf32, #tpu.memory_space<vmem>>[vector<16xi32>, vector<16xi32>, vector<16xi32>, vector<16xi32>], vector<16xf32>,
      %mul3A_700 = arith.constant 8 : i32
      %mul3A_701 = arith.muli %scan3A_337, %mul3A_700 : i32
      %add3A_702 = arith.constant 7 : i32
      %add3A_703 = arith.addi %mul3A_701, %add3A_702 : i32
      %jit3A_704 = arith.constant 128 : i32
      %div3A_705 = arith.divsi %add3A_703, %jit3A_704 : i32
      %sign3A_706 = arith.constant 0 : i32
      %sign3A_707 = arith.cmpi sgt, %add3A_703, %sign3A_706 : i32
      %sign3A_708 = arith.extui %sign3A_707 : i1 to i32
      %sign3A_709 = arith.constant 0 : i32
      %sign3A_710 = arith.cmpi slt, %add3A_703, %sign3A_709 : i32
      %sign3A_711 = arith.extui %sign3A_710 : i1 to i32
      %sign3A_712 = arith.subi %sign3A_708, %sign3A_711 : i32
      %sign3A_713 = arith.constant 0 : i32
      %sign3A_714 = arith.cmpi sgt, %jit3A_704, %sign3A_713 : i32
      %sign3A_715 = arith.extui %sign3A_714 : i1 to i32
      %sign3A_716 = arith.constant 0 : i32
      %sign3A_717 = arith.cmpi slt, %jit3A_704, %sign3A_716 : i32
      %sign3A_718 = arith.extui %sign3A_717 : i1 to i32
      %sign3A_719 = arith.subi %sign3A_715, %sign3A_718 : i32
      %ne3A_720 = arith.cmpi ne, %sign3A_712, %sign3A_719 : i32
      %rem3A_721 = arith.remsi %add3A_703, %jit3A_704 : i32
      %ne3A_722 = arith.constant 0 : i32
      %ne3A_723 = arith.cmpi ne, %rem3A_721, %ne3A_722 : i32
      %and3A_724 = arith.andi %ne3A_720, %ne3A_723 : i1
      %sub3A_725 = arith.constant 1 : i32
      %sub3A_726 = arith.subi %div3A_705, %sub3A_725 : i32
      %select_n3A_727 = arith.select %and3A_724, %sub3A_726, %div3A_705 : i32
      %broadcast_in_dim3A_728 = vector.broadcast %select_n3A_727 : i32 to vector<16xi32>
      %jit3A_729 = arith.constant 128 : i32
      %eq3A_730 = arith.constant 0 : i32
      %eq3A_731 = arith.cmpi eq, %jit3A_729, %eq3A_730 : i32
      %jit3A_732 = arith.constant 1 : i32
      %select_n3A_733 = arith.select %eq3A_731, %jit3A_732, %jit3A_729 : i32
      %rem3A_734 = arith.remsi %add3A_703, %select_n3A_733 : i32
      %ne3A_735 = arith.constant 0 : i32
      %ne3A_736 = arith.cmpi ne, %rem3A_734, %ne3A_735 : i32
      %lt3A_737 = arith.constant 0 : i32
      %lt3A_738 = arith.cmpi slt, %rem3A_734, %lt3A_737 : i32
      %lt3A_739 = arith.constant 0 : i32
      %lt3A_740 = arith.cmpi slt, %select_n3A_733, %lt3A_739 : i32
      %ne3A_741 = arith.xori %lt3A_738, %lt3A_740 : i1
      %and3A_742 = arith.andi %ne3A_741, %ne3A_736 : i1
      %add3A_743 = arith.addi %rem3A_734, %select_n3A_733 : i32
      %select_n3A_744 = arith.select %and3A_742, %add3A_743, %rem3A_734 : i32
      %broadcast_in_dim3A_745 = vector.broadcast %select_n3A_744 : i32 to vector<16xi32>
      %get3A_746 = arith.index_cast %add3A_703 : i32 to index
      %get3A_747 = arith.constant 0 : index
      %get3A_748 = tpu.vector_load %arg6[%get3A_746, %get3A_747] {strides = array<i32>} : memref<512x32xf32, #tpu.memory_space<vmem>>, vector<16xf32>,
      tpu.vector_store_idx %arg8[%broadcast_in_dim3A_728, %select_n3A, %select_n3A_77, %broadcast_in_dim3A_745], %get3A_748 : memref<4x4x8x129xf32, #tpu.memory_space<vmem>>[vector<16xi32>, vector<16xi32>, vector<16xi32>, vector<16xi32>], vector<16xf32>,
      %get3A_749 = arith.index_cast %add3A_703 : i32 to index
      %get3A_750 = arith.constant 16 : index
      %get3A_751 = tpu.vector_load %arg6[%get3A_749, %get3A_750] {strides = array<i32>} : memref<512x32xf32, #tpu.memory_space<vmem>>, vector<16xf32>,
      tpu.vector_store_idx %arg8[%broadcast_in_dim3A_728, %add3A_57, %select_n3A_77, %broadcast_in_dim3A_745], %get3A_751 : memref<4x4x8x129xf32, #tpu.memory_space<vmem>>[vector<16xi32>, vector<16xi32>, vector<16xi32>, vector<16xi32>], vector<16xf32>,
    }
    %scan3A_101 = arith.constant 64 : i32
    %dma_start3A_102 = arith.constant 0 : i32
    %dma_start3A_103 = arith.constant 0 : i32
    %dma_start3A_104 = arith.constant 0 : i32
    %dma_start3A_105 = arith.constant 0 : i32
    %dma_start3A_106 = tpu.memref_slice %arg8[%dma_start3A_102, %dma_start3A_103, %dma_start3A_104, %dma_start3A_105] : memref<4x4x8x129xf32, #tpu.memory_space<vmem>> -> memref<4x4x8x128xf32, #tpu.memory_space<vmem>>
    %dma_start3A_107 = arith.constant 0 : i32
    %dma_start3A_108 = arith.constant 0 : i32
    %dma_start3A_109 = arith.constant 0 : i32
    %dma_start3A_110 = arith.constant 0 : i32
    %dma_start3A_111 = tpu.memref_slice %arg4[%dma_start3A_107, %dma_start3A_108, %add3A, %dma_start3A_109, %dma_start3A_110] : memref<200x4x32x8x128xf32, #tpu.memory_space<hbm>> -> memref<4x4x1x8x128xf32, #tpu.memory_space<hbm>>
    %dma_start3A_112 = tpu.memref_squeeze %dma_start3A_111 : memref<4x4x1x8x128xf32, #tpu.memory_space<hbm>> -> memref<4x4x8x128xf32, #tpu.memory_space<hbm>>
    %dma_start3A_113 = arith.constant 0 : i32
    %dma_start3A_114 = arith.constant 0 : i32
    %dma_start3A_115 = arith.constant 0 : i32
    %dma_start3A_116 = arith.constant 0 : i32
    %dma_start3A_117 = tpu.memref_slice %arg4[%dma_start3A_113, %dma_start3A_114, %add3A, %dma_start3A_115, %dma_start3A_116] : memref<200x4x32x8x128xf32, #tpu.memory_space<hbm>> -> memref<4x4x1x8x128xf32, #tpu.memory_space<hbm>>
    %dma_start3A_118 = tpu.memref_squeeze %dma_start3A_117 : memref<4x4x1x8x128xf32, #tpu.memory_space<hbm>> -> memref<4x4x8x128xf32, #tpu.memory_space<hbm>>
    %dma_start3A_119 = arith.constant 0 : i32
    %dma_start3A_120 = arith.constant 0 : i32
    %dma_start3A_121 = arith.constant 0 : i32
    %dma_start3A_122 = arith.constant 0 : i32
    %dma_start3A_123 = tpu.memref_slice %arg8[%dma_start3A_119, %dma_start3A_120, %dma_start3A_121, %dma_start3A_122] : memref<4x4x8x129xf32, #tpu.memory_space<vmem>> -> memref<4x4x8x128xf32, #tpu.memory_space<vmem>>
    tpu.enqueue_dma source(%dma_start3A_123 : memref<4x4x8x128xf32, #tpu.memory_space<vmem>>) target(%dma_start3A_118 : memref<4x4x8x128xf32, #tpu.memory_space<hbm>>) target_semaphore(%arg11 : memref<!tpu.dma_semaphore, #tpu.memory_space<semaphore_mem>>)
    %dma_start3A_124 = arith.constant 2 : i32
    %dma_start3A_125 = arith.constant 0 : i32
    %dma_start3A_126 = tpu.memref_slice %arg5[%dma_start3A_124, %dma_start3A_125] : memref<50x512xi32, #tpu.memory_space<vmem>> -> memref<1x512xi32, #tpu.memory_space<vmem>>
    %dma_start3A_127 = tpu.memref_squeeze %dma_start3A_126 : memref<1x512xi32, #tpu.memory_space<vmem>> -> memref<512xi32, #tpu.memory_space<vmem>>
    %dma_start3A_128 = arith.constant 0 : i32
    %dma_start3A_129 = arith.constant 0 : i32
    %dma_start3A_130 = tpu.memref_slice %arg3[%dma_start3A_128, %dma_start3A_129] : memref<1000000x32xf32, #tpu.memory_space<hbm>> -> memref<1000000x32xf32, #tpu.memory_space<hbm>>
    tpu.enqueue_indirect_dma source(%dma_start3A_130 : memref<1000000x32xf32, #tpu.memory_space<hbm>>) target(%arg6 : memref<512x32xf32, #tpu.memory_space<vmem>>) offsets(%dma_start3A_127 : memref<512xi32, #tpu.memory_space<vmem>>) semaphore(%arg10 : memref<!tpu.dma_semaphore, #tpu.memory_space<semaphore_mem>>)
    %dma_wait3A_131 = arith.constant 1 : i32
    %dma_wait3A_132 = arith.constant 0 : i32
    %dma_wait3A_133 = tpu.memref_slice %arg5[%dma_wait3A_131, %dma_wait3A_132] : memref<50x512xi32, #tpu.memory_space<vmem>> -> memref<1x512xi32, #tpu.memory_space<vmem>>
    %dma_wait3A_134 = tpu.memref_squeeze %dma_wait3A_133 : memref<1x512xi32, #tpu.memory_space<vmem>> -> memref<512xi32, #tpu.memory_space<vmem>>
    %dma_wait3A_135 = arith.constant 0 : i32
    %dma_wait3A_136 = arith.constant 0 : i32
    %dma_wait3A_137 = tpu.memref_slice %arg3[%dma_wait3A_135, %dma_wait3A_136] : memref<1000000x32xf32, #tpu.memory_space<hbm>> -> memref<1000000x32xf32, #tpu.memory_space<hbm>>
    tpu.wait_indirect_dma semaphore(%arg10 : memref<!tpu.dma_semaphore, #tpu.memory_space<semaphore_mem>>) src(%dma_wait3A_137 : memref<1000000x32xf32, #tpu.memory_space<hbm>>) dst(%arg7 : memref<512x32xf32, #tpu.memory_space<vmem>>)
    %scan3A_138 = arith.constant 0 : i32
    %scan3A_139 = arith.constant 0 : i32
    %scan3A_140 = arith.constant 64 : i32
    %scan3A_141 = arith.addi %scan3A_139, %scan3A_140 : i32
    %scan3A_142 = arith.constant 1 : i32
    scf.for %scan3A_337 = %scan3A_139 to %scan3A_141 step %scan3A_142  : i32 {
      %mul3A_338 = arith.constant 8 : i32
      %mul3A_339 = arith.muli %scan3A_337, %mul3A_338 : i32
      %add3A_340 = arith.constant 0 : i32
      %add3A_341 = arith.addi %mul3A_339, %add3A_340 : i32
      %jit3A_342 = arith.constant 128 : i32
      %div3A_343 = arith.divsi %add3A_341, %jit3A_342 : i32
      %sign3A_344 = arith.constant 0 : i32
      %sign3A_345 = arith.cmpi sgt, %add3A_341, %sign3A_344 : i32
      %sign3A_346 = arith.extui %sign3A_345 : i1 to i32
      %sign3A_347 = arith.constant 0 : i32
      %sign3A_348 = arith.cmpi slt, %add3A_341, %sign3A_347 : i32
      %sign3A_349 = arith.extui %sign3A_348 : i1 to i32
      %sign3A_350 = arith.subi %sign3A_346, %sign3A_349 : i32
      %sign3A_351 = arith.constant 0 : i32
      %sign3A_352 = arith.cmpi sgt, %jit3A_342, %sign3A_351 : i32
      %sign3A_353 = arith.extui %sign3A_352 : i1 to i32
      %sign3A_354 = arith.constant 0 : i32
      %sign3A_355 = arith.cmpi slt, %jit3A_342, %sign3A_354 : i32
      %sign3A_356 = arith.extui %sign3A_355 : i1 to i32
      %sign3A_357 = arith.subi %sign3A_353, %sign3A_356 : i32
      %ne3A_358 = arith.cmpi ne, %sign3A_350, %sign3A_357 : i32
      %rem3A_359 = arith.remsi %add3A_341, %jit3A_342 : i32
      %ne3A_360 = arith.constant 0 : i32
      %ne3A_361 = arith.cmpi ne, %rem3A_359, %ne3A_360 : i32
      %and3A_362 = arith.andi %ne3A_358, %ne3A_361 : i1
      %sub3A_363 = arith.constant 1 : i32
      %sub3A_364 = arith.subi %div3A_343, %sub3A_363 : i32
      %select_n3A_365 = arith.select %and3A_362, %sub3A_364, %div3A_343 : i32
      %broadcast_in_dim3A = vector.broadcast %select_n3A_365 : i32 to vector<16xi32>
      %jit3A_366 = arith.constant 128 : i32
      %eq3A_367 = arith.constant 0 : i32
      %eq3A_368 = arith.cmpi eq, %jit3A_366, %eq3A_367 : i32
      %jit3A_369 = arith.constant 1 : i32
      %select_n3A_370 = arith.select %eq3A_368, %jit3A_369, %jit3A_366 : i32
      %rem3A_371 = arith.remsi %add3A_341, %select_n3A_370 : i32
      %ne3A_372 = arith.constant 0 : i32
      %ne3A_373 = arith.cmpi ne, %rem3A_371, %ne3A_372 : i32
      %lt3A_374 = arith.constant 0 : i32
      %lt3A_375 = arith.cmpi slt, %rem3A_371, %lt3A_374 : i32
      %lt3A_376 = arith.constant 0 : i32
      %lt3A_377 = arith.cmpi slt, %select_n3A_370, %lt3A_376 : i32
      %ne3A_378 = arith.xori %lt3A_375, %lt3A_377 : i1
      %and3A_379 = arith.andi %ne3A_378, %ne3A_373 : i1
      %add3A_380 = arith.addi %rem3A_371, %select_n3A_370 : i32
      %select_n3A_381 = arith.select %and3A_379, %add3A_380, %rem3A_371 : i32
      %broadcast_in_dim3A_382 = vector.broadcast %select_n3A_381 : i32 to vector<16xi32>
      %get3A = arith.index_cast %add3A_341 : i32 to index
      %get3A_383 = arith.constant 0 : index
      %get3A_384 = tpu.vector_load %arg7[%get3A, %get3A_383] {strides = array<i32>} : memref<512x32xf32, #tpu.memory_space<vmem>>, vector<16xf32>,
      tpu.vector_store_idx %arg9[%broadcast_in_dim3A, %select_n3A, %select_n3A_77, %broadcast_in_dim3A_382], %get3A_384 : memref<4x4x8x129xf32, #tpu.memory_space<vmem>>[vector<16xi32>, vector<16xi32>, vector<16xi32>, vector<16xi32>], vector<16xf32>,
      %get3A_385 = arith.index_cast %add3A_341 : i32 to index
      %get3A_386 = arith.constant 16 : index
      %get3A_387 = tpu.vector_load %arg7[%get3A_385, %get3A_386] {strides = array<i32>} : memref<512x32xf32, #tpu.memory_space<vmem>>, vector<16xf32>,
      tpu.vector_store_idx %arg9[%broadcast_in_dim3A, %add3A_57, %select_n3A_77, %broadcast_in_dim3A_382], %get3A_387 : memref<4x4x8x129xf32, #tpu.memory_space<vmem>>[vector<16xi32>, vector<16xi32>, vector<16xi32>, vector<16xi32>], vector<16xf32>,
      %mul3A_388 = arith.constant 8 : i32
      %mul3A_389 = arith.muli %scan3A_337, %mul3A_388 : i32
      %add3A_390 = arith.constant 1 : i32
      %add3A_391 = arith.addi %mul3A_389, %add3A_390 : i32
      %jit3A_392 = arith.constant 128 : i32
      %div3A_393 = arith.divsi %add3A_391, %jit3A_392 : i32
      %sign3A_394 = arith.constant 0 : i32
      %sign3A_395 = arith.cmpi sgt, %add3A_391, %sign3A_394 : i32
      %sign3A_396 = arith.extui %sign3A_395 : i1 to i32
      %sign3A_397 = arith.constant 0 : i32
      %sign3A_398 = arith.cmpi slt, %add3A_391, %sign3A_397 : i32
      %sign3A_399 = arith.extui %sign3A_398 : i1 to i32
      %sign3A_400 = arith.subi %sign3A_396, %sign3A_399 : i32
      %sign3A_401 = arith.constant 0 : i32
      %sign3A_402 = arith.cmpi sgt, %jit3A_392, %sign3A_401 : i32
      %sign3A_403 = arith.extui %sign3A_402 : i1 to i32
      %sign3A_404 = arith.constant 0 : i32
      %sign3A_405 = arith.cmpi slt, %jit3A_392, %sign3A_404 : i32
      %sign3A_406 = arith.extui %sign3A_405 : i1 to i32
      %sign3A_407 = arith.subi %sign3A_403, %sign3A_406 : i32
      %ne3A_408 = arith.cmpi ne, %sign3A_400, %sign3A_407 : i32
      %rem3A_409 = arith.remsi %add3A_391, %jit3A_392 : i32
      %ne3A_410 = arith.constant 0 : i32
      %ne3A_411 = arith.cmpi ne, %rem3A_409, %ne3A_410 : i32
      %and3A_412 = arith.andi %ne3A_408, %ne3A_411 : i1
      %sub3A_413 = arith.constant 1 : i32
      %sub3A_414 = arith.subi %div3A_393, %sub3A_413 : i32
      %select_n3A_415 = arith.select %and3A_412, %sub3A_414, %div3A_393 : i32
      %broadcast_in_dim3A_416 = vector.broadcast %select_n3A_415 : i32 to vector<16xi32>
      %jit3A_417 = arith.constant 128 : i32
      %eq3A_418 = arith.constant 0 : i32
      %eq3A_419 = arith.cmpi eq, %jit3A_417, %eq3A_418 : i32
      %jit3A_420 = arith.constant 1 : i32
      %select_n3A_421 = arith.select %eq3A_419, %jit3A_420, %jit3A_417 : i32
      %rem3A_422 = arith.remsi %add3A_391, %select_n3A_421 : i32
      %ne3A_423 = arith.constant 0 : i32
      %ne3A_424 = arith.cmpi ne, %rem3A_422, %ne3A_423 : i32
      %lt3A_425 = arith.constant 0 : i32
      %lt3A_426 = arith.cmpi slt, %rem3A_422, %lt3A_425 : i32
      %lt3A_427 = arith.constant 0 : i32
      %lt3A_428 = arith.cmpi slt, %select_n3A_421, %lt3A_427 : i32
      %ne3A_429 = arith.xori %lt3A_426, %lt3A_428 : i1
      %and3A_430 = arith.andi %ne3A_429, %ne3A_424 : i1
      %add3A_431 = arith.addi %rem3A_422, %select_n3A_421 : i32
      %select_n3A_432 = arith.select %and3A_430, %add3A_431, %rem3A_422 : i32
      %broadcast_in_dim3A_433 = vector.broadcast %select_n3A_432 : i32 to vector<16xi32>
      %get3A_434 = arith.index_cast %add3A_391 : i32 to index
      %get3A_435 = arith.constant 0 : index
      %get3A_436 = tpu.vector_load %arg7[%get3A_434, %get3A_435] {strides = array<i32>} : memref<512x32xf32, #tpu.memory_space<vmem>>, vector<16xf32>,
      tpu.vector_store_idx %arg9[%broadcast_in_dim3A_416, %select_n3A, %select_n3A_77, %broadcast_in_dim3A_433], %get3A_436 : memref<4x4x8x129xf32, #tpu.memory_space<vmem>>[vector<16xi32>, vector<16xi32>, vector<16xi32>, vector<16xi32>], vector<16xf32>,
      %get3A_437 = arith.index_cast %add3A_391 : i32 to index
      %get3A_438 = arith.constant 16 : index
      %get3A_439 = tpu.vector_load %arg7[%get3A_437, %get3A_438] {strides = array<i32>} : memref<512x32xf32, #tpu.memory_space<vmem>>, vector<16xf32>,
      tpu.vector_store_idx %arg9[%broadcast_in_dim3A_416, %add3A_57, %select_n3A_77, %broadcast_in_dim3A_433], %get3A_439 : memref<4x4x8x129xf32, #tpu.memory_space<vmem>>[vector<16xi32>, vector<16xi32>, vector<16xi32>, vector<16xi32>], vector<16xf32>,
      %mul3A_440 = arith.constant 8 : i32
      %mul3A_441 = arith.muli %scan3A_337, %mul3A_440 : i32
      %add3A_442 = arith.constant 2 : i32
      %add3A_443 = arith.addi %mul3A_441, %add3A_442 : i32
      %jit3A_444 = arith.constant 128 : i32
      %div3A_445 = arith.divsi %add3A_443, %jit3A_444 : i32
      %sign3A_446 = arith.constant 0 : i32
      %sign3A_447 = arith.cmpi sgt, %add3A_443, %sign3A_446 : i32
      %sign3A_448 = arith.extui %sign3A_447 : i1 to i32
      %sign3A_449 = arith.constant 0 : i32
      %sign3A_450 = arith.cmpi slt, %add3A_443, %sign3A_449 : i32
      %sign3A_451 = arith.extui %sign3A_450 : i1 to i32
      %sign3A_452 = arith.subi %sign3A_448, %sign3A_451 : i32
      %sign3A_453 = arith.constant 0 : i32
      %sign3A_454 = arith.cmpi sgt, %jit3A_444, %sign3A_453 : i32
      %sign3A_455 = arith.extui %sign3A_454 : i1 to i32
      %sign3A_456 = arith.constant 0 : i32
      %sign3A_457 = arith.cmpi slt, %jit3A_444, %sign3A_456 : i32
      %sign3A_458 = arith.extui %sign3A_457 : i1 to i32
      %sign3A_459 = arith.subi %sign3A_455, %sign3A_458 : i32
      %ne3A_460 = arith.cmpi ne, %sign3A_452, %sign3A_459 : i32
      %rem3A_461 = arith.remsi %add3A_443, %jit3A_444 : i32
      %ne3A_462 = arith.constant 0 : i32
      %ne3A_463 = arith.cmpi ne, %rem3A_461, %ne3A_462 : i32
      %and3A_464 = arith.andi %ne3A_460, %ne3A_463 : i1
      %sub3A_465 = arith.constant 1 : i32
      %sub3A_466 = arith.subi %div3A_445, %sub3A_465 : i32
      %select_n3A_467 = arith.select %and3A_464, %sub3A_466, %div3A_445 : i32
      %broadcast_in_dim3A_468 = vector.broadcast %select_n3A_467 : i32 to vector<16xi32>
      %jit3A_469 = arith.constant 128 : i32
      %eq3A_470 = arith.constant 0 : i32
      %eq3A_471 = arith.cmpi eq, %jit3A_469, %eq3A_470 : i32
      %jit3A_472 = arith.constant 1 : i32
      %select_n3A_473 = arith.select %eq3A_471, %jit3A_472, %jit3A_469 : i32
      %rem3A_474 = arith.remsi %add3A_443, %select_n3A_473 : i32
      %ne3A_475 = arith.constant 0 : i32
      %ne3A_476 = arith.cmpi ne, %rem3A_474, %ne3A_475 : i32
      %lt3A_477 = arith.constant 0 : i32
      %lt3A_478 = arith.cmpi slt, %rem3A_474, %lt3A_477 : i32
      %lt3A_479 = arith.constant 0 : i32
      %lt3A_480 = arith.cmpi slt, %select_n3A_473, %lt3A_479 : i32
      %ne3A_481 = arith.xori %lt3A_478, %lt3A_480 : i1
      %and3A_482 = arith.andi %ne3A_481, %ne3A_476 : i1
      %add3A_483 = arith.addi %rem3A_474, %select_n3A_473 : i32
      %select_n3A_484 = arith.select %and3A_482, %add3A_483, %rem3A_474 : i32
      %broadcast_in_dim3A_485 = vector.broadcast %select_n3A_484 : i32 to vector<16xi32>
      %get3A_486 = arith.index_cast %add3A_443 : i32 to index
      %get3A_487 = arith.constant 0 : index
      %get3A_488 = tpu.vector_load %arg7[%get3A_486, %get3A_487] {strides = array<i32>} : memref<512x32xf32, #tpu.memory_space<vmem>>, vector<16xf32>,
      tpu.vector_store_idx %arg9[%broadcast_in_dim3A_468, %select_n3A, %select_n3A_77, %broadcast_in_dim3A_485], %get3A_488 : memref<4x4x8x129xf32, #tpu.memory_space<vmem>>[vector<16xi32>, vector<16xi32>, vector<16xi32>, vector<16xi32>], vector<16xf32>,
      %get3A_489 = arith.index_cast %add3A_443 : i32 to index
      %get3A_490 = arith.constant 16 : index
      %get3A_491 = tpu.vector_load %arg7[%get3A_489, %get3A_490] {strides = array<i32>} : memref<512x32xf32, #tpu.memory_space<vmem>>, vector<16xf32>,
      tpu.vector_store_idx %arg9[%broadcast_in_dim3A_468, %add3A_57, %select_n3A_77, %broadcast_in_dim3A_485], %get3A_491 : memref<4x4x8x129xf32, #tpu.memory_space<vmem>>[vector<16xi32>, vector<16xi32>, vector<16xi32>, vector<16xi32>], vector<16xf32>,
      %mul3A_492 = arith.constant 8 : i32
      %mul3A_493 = arith.muli %scan3A_337, %mul3A_492 : i32
      %add3A_494 = arith.constant 3 : i32
      %add3A_495 = arith.addi %mul3A_493, %add3A_494 : i32
      %jit3A_496 = arith.constant 128 : i32
      %div3A_497 = arith.divsi %add3A_495, %jit3A_496 : i32
      %sign3A_498 = arith.constant 0 : i32
      %sign3A_499 = arith.cmpi sgt, %add3A_495, %sign3A_498 : i32
      %sign3A_500 = arith.extui %sign3A_499 : i1 to i32
      %sign3A_501 = arith.constant 0 : i32
      %sign3A_502 = arith.cmpi slt, %add3A_495, %sign3A_501 : i32
      %sign3A_503 = arith.extui %sign3A_502 : i1 to i32
      %sign3A_504 = arith.subi %sign3A_500, %sign3A_503 : i32
      %sign3A_505 = arith.constant 0 : i32
      %sign3A_506 = arith.cmpi sgt, %jit3A_496, %sign3A_505 : i32
      %sign3A_507 = arith.extui %sign3A_506 : i1 to i32
      %sign3A_508 = arith.constant 0 : i32
      %sign3A_509 = arith.cmpi slt, %jit3A_496, %sign3A_508 : i32
      %sign3A_510 = arith.extui %sign3A_509 : i1 to i32
      %sign3A_511 = arith.subi %sign3A_507, %sign3A_510 : i32
      %ne3A_512 = arith.cmpi ne, %sign3A_504, %sign3A_511 : i32
      %rem3A_513 = arith.remsi %add3A_495, %jit3A_496 : i32
      %ne3A_514 = arith.constant 0 : i32
      %ne3A_515 = arith.cmpi ne, %rem3A_513, %ne3A_514 : i32
      %and3A_516 = arith.andi %ne3A_512, %ne3A_515 : i1
      %sub3A_517 = arith.constant 1 : i32
      %sub3A_518 = arith.subi %div3A_497, %sub3A_517 : i32
      %select_n3A_519 = arith.select %and3A_516, %sub3A_518, %div3A_497 : i32
      %broadcast_in_dim3A_520 = vector.broadcast %select_n3A_519 : i32 to vector<16xi32>
      %jit3A_521 = arith.constant 128 : i32
      %eq3A_522 = arith.constant 0 : i32
      %eq3A_523 = arith.cmpi eq, %jit3A_521, %eq3A_522 : i32
      %jit3A_524 = arith.constant 1 : i32
      %select_n3A_525 = arith.select %eq3A_523, %jit3A_524, %jit3A_521 : i32
      %rem3A_526 = arith.remsi %add3A_495, %select_n3A_525 : i32
      %ne3A_527 = arith.constant 0 : i32
      %ne3A_528 = arith.cmpi ne, %rem3A_526, %ne3A_527 : i32
      %lt3A_529 = arith.constant 0 : i32
      %lt3A_530 = arith.cmpi slt, %rem3A_526, %lt3A_529 : i32
      %lt3A_531 = arith.constant 0 : i32
      %lt3A_532 = arith.cmpi slt, %select_n3A_525, %lt3A_531 : i32
      %ne3A_533 = arith.xori %lt3A_530, %lt3A_532 : i1
      %and3A_534 = arith.andi %ne3A_533, %ne3A_528 : i1
      %add3A_535 = arith.addi %rem3A_526, %select_n3A_525 : i32
      %select_n3A_536 = arith.select %and3A_534, %add3A_535, %rem3A_526 : i32
      %broadcast_in_dim3A_537 = vector.broadcast %select_n3A_536 : i32 to vector<16xi32>
      %get3A_538 = arith.index_cast %add3A_495 : i32 to index
      %get3A_539 = arith.constant 0 : index
      %get3A_540 = tpu.vector_load %arg7[%get3A_538, %get3A_539] {strides = array<i32>} : memref<512x32xf32, #tpu.memory_space<vmem>>, vector<16xf32>,
      tpu.vector_store_idx %arg9[%broadcast_in_dim3A_520, %select_n3A, %select_n3A_77, %broadcast_in_dim3A_537], %get3A_540 : memref<4x4x8x129xf32, #tpu.memory_space<vmem>>[vector<16xi32>, vector<16xi32>, vector<16xi32>, vector<16xi32>], vector<16xf32>,
      %get3A_541 = arith.index_cast %add3A_495 : i32 to index
      %get3A_542 = arith.constant 16 : index
      %get3A_543 = tpu.vector_load %arg7[%get3A_541, %get3A_542] {strides = array<i32>} : memref<512x32xf32, #tpu.memory_space<vmem>>, vector<16xf32>,
      tpu.vector_store_idx %arg9[%broadcast_in_dim3A_520, %add3A_57, %select_n3A_77, %broadcast_in_dim3A_537], %get3A_543 : memref<4x4x8x129xf32, #tpu.memory_space<vmem>>[vector<16xi32>, vector<16xi32>, vector<16xi32>, vector<16xi32>], vector<16xf32>,
      %mul3A_544 = arith.constant 8 : i32
      %mul3A_545 = arith.muli %scan3A_337, %mul3A_544 : i32
      %add3A_546 = arith.constant 4 : i32
      %add3A_547 = arith.addi %mul3A_545, %add3A_546 : i32
      %jit3A_548 = arith.constant 128 : i32
      %div3A_549 = arith.divsi %add3A_547, %jit3A_548 : i32
      %sign3A_550 = arith.constant 0 : i32
      %sign3A_551 = arith.cmpi sgt, %add3A_547, %sign3A_550 : i32
      %sign3A_552 = arith.extui %sign3A_551 : i1 to i32
      %sign3A_553 = arith.constant 0 : i32
      %sign3A_554 = arith.cmpi slt, %add3A_547, %sign3A_553 : i32
      %sign3A_555 = arith.extui %sign3A_554 : i1 to i32
      %sign3A_556 = arith.subi %sign3A_552, %sign3A_555 : i32
      %sign3A_557 = arith.constant 0 : i32
      %sign3A_558 = arith.cmpi sgt, %jit3A_548, %sign3A_557 : i32
      %sign3A_559 = arith.extui %sign3A_558 : i1 to i32
      %sign3A_560 = arith.constant 0 : i32
      %sign3A_561 = arith.cmpi slt, %jit3A_548, %sign3A_560 : i32
      %sign3A_562 = arith.extui %sign3A_561 : i1 to i32
      %sign3A_563 = arith.subi %sign3A_559, %sign3A_562 : i32
      %ne3A_564 = arith.cmpi ne, %sign3A_556, %sign3A_563 : i32
      %rem3A_565 = arith.remsi %add3A_547, %jit3A_548 : i32
      %ne3A_566 = arith.constant 0 : i32
      %ne3A_567 = arith.cmpi ne, %rem3A_565, %ne3A_566 : i32
      %and3A_568 = arith.andi %ne3A_564, %ne3A_567 : i1
      %sub3A_569 = arith.constant 1 : i32
      %sub3A_570 = arith.subi %div3A_549, %sub3A_569 : i32
      %select_n3A_571 = arith.select %and3A_568, %sub3A_570, %div3A_549 : i32
      %broadcast_in_dim3A_572 = vector.broadcast %select_n3A_571 : i32 to vector<16xi32>
      %jit3A_573 = arith.constant 128 : i32
      %eq3A_574 = arith.constant 0 : i32
      %eq3A_575 = arith.cmpi eq, %jit3A_573, %eq3A_574 : i32
      %jit3A_576 = arith.constant 1 : i32
      %select_n3A_577 = arith.select %eq3A_575, %jit3A_576, %jit3A_573 : i32
      %rem3A_578 = arith.remsi %add3A_547, %select_n3A_577 : i32
      %ne3A_579 = arith.constant 0 : i32
      %ne3A_580 = arith.cmpi ne, %rem3A_578, %ne3A_579 : i32
      %lt3A_581 = arith.constant 0 : i32
      %lt3A_582 = arith.cmpi slt, %rem3A_578, %lt3A_581 : i32
      %lt3A_583 = arith.constant 0 : i32
      %lt3A_584 = arith.cmpi slt, %select_n3A_577, %lt3A_583 : i32
      %ne3A_585 = arith.xori %lt3A_582, %lt3A_584 : i1
      %and3A_586 = arith.andi %ne3A_585, %ne3A_580 : i1
      %add3A_587 = arith.addi %rem3A_578, %select_n3A_577 : i32
      %select_n3A_588 = arith.select %and3A_586, %add3A_587, %rem3A_578 : i32
      %broadcast_in_dim3A_589 = vector.broadcast %select_n3A_588 : i32 to vector<16xi32>
      %get3A_590 = arith.index_cast %add3A_547 : i32 to index
      %get3A_591 = arith.constant 0 : index
      %get3A_592 = tpu.vector_load %arg7[%get3A_590, %get3A_591] {strides = array<i32>} : memref<512x32xf32, #tpu.memory_space<vmem>>, vector<16xf32>,
      tpu.vector_store_idx %arg9[%broadcast_in_dim3A_572, %select_n3A, %select_n3A_77, %broadcast_in_dim3A_589], %get3A_592 : memref<4x4x8x129xf32, #tpu.memory_space<vmem>>[vector<16xi32>, vector<16xi32>, vector<16xi32>, vector<16xi32>], vector<16xf32>,
      %get3A_593 = arith.index_cast %add3A_547 : i32 to index
      %get3A_594 = arith.constant 16 : index
      %get3A_595 = tpu.vector_load %arg7[%get3A_593, %get3A_594] {strides = array<i32>} : memref<512x32xf32, #tpu.memory_space<vmem>>, vector<16xf32>,
      tpu.vector_store_idx %arg9[%broadcast_in_dim3A_572, %add3A_57, %select_n3A_77, %broadcast_in_dim3A_589], %get3A_595 : memref<4x4x8x129xf32, #tpu.memory_space<vmem>>[vector<16xi32>, vector<16xi32>, vector<16xi32>, vector<16xi32>], vector<16xf32>,
      %mul3A_596 = arith.constant 8 : i32
      %mul3A_597 = arith.muli %scan3A_337, %mul3A_596 : i32
      %add3A_598 = arith.constant 5 : i32
      %add3A_599 = arith.addi %mul3A_597, %add3A_598 : i32
      %jit3A_600 = arith.constant 128 : i32
      %div3A_601 = arith.divsi %add3A_599, %jit3A_600 : i32
      %sign3A_602 = arith.constant 0 : i32
      %sign3A_603 = arith.cmpi sgt, %add3A_599, %sign3A_602 : i32
      %sign3A_604 = arith.extui %sign3A_603 : i1 to i32
      %sign3A_605 = arith.constant 0 : i32
      %sign3A_606 = arith.cmpi slt, %add3A_599, %sign3A_605 : i32
      %sign3A_607 = arith.extui %sign3A_606 : i1 to i32
      %sign3A_608 = arith.subi %sign3A_604, %sign3A_607 : i32
      %sign3A_609 = arith.constant 0 : i32
      %sign3A_610 = arith.cmpi sgt, %jit3A_600, %sign3A_609 : i32
      %sign3A_611 = arith.extui %sign3A_610 : i1 to i32
      %sign3A_612 = arith.constant 0 : i32
      %sign3A_613 = arith.cmpi slt, %jit3A_600, %sign3A_612 : i32
      %sign3A_614 = arith.extui %sign3A_613 : i1 to i32
      %sign3A_615 = arith.subi %sign3A_611, %sign3A_614 : i32
      %ne3A_616 = arith.cmpi ne, %sign3A_608, %sign3A_615 : i32
      %rem3A_617 = arith.remsi %add3A_599, %jit3A_600 : i32
      %ne3A_618 = arith.constant 0 : i32
      %ne3A_619 = arith.cmpi ne, %rem3A_617, %ne3A_618 : i32
      %and3A_620 = arith.andi %ne3A_616, %ne3A_619 : i1
      %sub3A_621 = arith.constant 1 : i32
      %sub3A_622 = arith.subi %div3A_601, %sub3A_621 : i32
      %select_n3A_623 = arith.select %and3A_620, %sub3A_622, %div3A_601 : i32
      %broadcast_in_dim3A_624 = vector.broadcast %select_n3A_623 : i32 to vector<16xi32>
      %jit3A_625 = arith.constant 128 : i32
      %eq3A_626 = arith.constant 0 : i32
      %eq3A_627 = arith.cmpi eq, %jit3A_625, %eq3A_626 : i32
      %jit3A_628 = arith.constant 1 : i32
      %select_n3A_629 = arith.select %eq3A_627, %jit3A_628, %jit3A_625 : i32
      %rem3A_630 = arith.remsi %add3A_599, %select_n3A_629 : i32
      %ne3A_631 = arith.constant 0 : i32
      %ne3A_632 = arith.cmpi ne, %rem3A_630, %ne3A_631 : i32
      %lt3A_633 = arith.constant 0 : i32
      %lt3A_634 = arith.cmpi slt, %rem3A_630, %lt3A_633 : i32
      %lt3A_635 = arith.constant 0 : i32
      %lt3A_636 = arith.cmpi slt, %select_n3A_629, %lt3A_635 : i32
      %ne3A_637 = arith.xori %lt3A_634, %lt3A_636 : i1
      %and3A_638 = arith.andi %ne3A_637, %ne3A_632 : i1
      %add3A_639 = arith.addi %rem3A_630, %select_n3A_629 : i32
      %select_n3A_640 = arith.select %and3A_638, %add3A_639, %rem3A_630 : i32
      %broadcast_in_dim3A_641 = vector.broadcast %select_n3A_640 : i32 to vector<16xi32>
      %get3A_642 = arith.index_cast %add3A_599 : i32 to index
      %get3A_643 = arith.constant 0 : index
      %get3A_644 = tpu.vector_load %arg7[%get3A_642, %get3A_643] {strides = array<i32>} : memref<512x32xf32, #tpu.memory_space<vmem>>, vector<16xf32>,
      tpu.vector_store_idx %arg9[%broadcast_in_dim3A_624, %select_n3A, %select_n3A_77, %broadcast_in_dim3A_641], %get3A_644 : memref<4x4x8x129xf32, #tpu.memory_space<vmem>>[vector<16xi32>, vector<16xi32>, vector<16xi32>, vector<16xi32>], vector<16xf32>,
      %get3A_645 = arith.index_cast %add3A_599 : i32 to index
      %get3A_646 = arith.constant 16 : index
      %get3A_647 = tpu.vector_load %arg7[%get3A_645, %get3A_646] {strides = array<i32>} : memref<512x32xf32, #tpu.memory_space<vmem>>, vector<16xf32>,
      tpu.vector_store_idx %arg9[%broadcast_in_dim3A_624, %add3A_57, %select_n3A_77, %broadcast_in_dim3A_641], %get3A_647 : memref<4x4x8x129xf32, #tpu.memory_space<vmem>>[vector<16xi32>, vector<16xi32>, vector<16xi32>, vector<16xi32>], vector<16xf32>,
      %mul3A_648 = arith.constant 8 : i32
      %mul3A_649 = arith.muli %scan3A_337, %mul3A_648 : i32
      %add3A_650 = arith.constant 6 : i32
      %add3A_651 = arith.addi %mul3A_649, %add3A_650 : i32
      %jit3A_652 = arith.constant 128 : i32
      %div3A_653 = arith.divsi %add3A_651, %jit3A_652 : i32
      %sign3A_654 = arith.constant 0 : i32
      %sign3A_655 = arith.cmpi sgt, %add3A_651, %sign3A_654 : i32
      %sign3A_656 = arith.extui %sign3A_655 : i1 to i32
      %sign3A_657 = arith.constant 0 : i32
      %sign3A_658 = arith.cmpi slt, %add3A_651, %sign3A_657 : i32
      %sign3A_659 = arith.extui %sign3A_658 : i1 to i32
      %sign3A_660 = arith.subi %sign3A_656, %sign3A_659 : i32
      %sign3A_661 = arith.constant 0 : i32
      %sign3A_662 = arith.cmpi sgt, %jit3A_652, %sign3A_661 : i32
      %sign3A_663 = arith.extui %sign3A_662 : i1 to i32
      %sign3A_664 = arith.constant 0 : i32
      %sign3A_665 = arith.cmpi slt, %jit3A_652, %sign3A_664 : i32
      %sign3A_666 = arith.extui %sign3A_665 : i1 to i32
      %sign3A_667 = arith.subi %sign3A_663, %sign3A_666 : i32
      %ne3A_668 = arith.cmpi ne, %sign3A_660, %sign3A_667 : i32
      %rem3A_669 = arith.remsi %add3A_651, %jit3A_652 : i32
      %ne3A_670 = arith.constant 0 : i32
      %ne3A_671 = arith.cmpi ne, %rem3A_669, %ne3A_670 : i32
      %and3A_672 = arith.andi %ne3A_668, %ne3A_671 : i1
      %sub3A_673 = arith.constant 1 : i32
      %sub3A_674 = arith.subi %div3A_653, %sub3A_673 : i32
      %select_n3A_675 = arith.select %and3A_672, %sub3A_674, %div3A_653 : i32
      %broadcast_in_dim3A_676 = vector.broadcast %select_n3A_675 : i32 to vector<16xi32>
      %jit3A_677 = arith.constant 128 : i32
      %eq3A_678 = arith.constant 0 : i32
      %eq3A_679 = arith.cmpi eq, %jit3A_677, %eq3A_678 : i32
      %jit3A_680 = arith.constant 1 : i32
      %select_n3A_681 = arith.select %eq3A_679, %jit3A_680, %jit3A_677 : i32
      %rem3A_682 = arith.remsi %add3A_651, %select_n3A_681 : i32
      %ne3A_683 = arith.constant 0 : i32
      %ne3A_684 = arith.cmpi ne, %rem3A_682, %ne3A_683 : i32
      %lt3A_685 = arith.constant 0 : i32
      %lt3A_686 = arith.cmpi slt, %rem3A_682, %lt3A_685 : i32
      %lt3A_687 = arith.constant 0 : i32
      %lt3A_688 = arith.cmpi slt, %select_n3A_681, %lt3A_687 : i32
      %ne3A_689 = arith.xori %lt3A_686, %lt3A_688 : i1
      %and3A_690 = arith.andi %ne3A_689, %ne3A_684 : i1
      %add3A_691 = arith.addi %rem3A_682, %select_n3A_681 : i32
      %select_n3A_692 = arith.select %and3A_690, %add3A_691, %rem3A_682 : i32
      %broadcast_in_dim3A_693 = vector.broadcast %select_n3A_692 : i32 to vector<16xi32>
      %get3A_694 = arith.index_cast %add3A_651 : i32 to index
      %get3A_695 = arith.constant 0 : index
      %get3A_696 = tpu.vector_load %arg7[%get3A_694, %get3A_695] {strides = array<i32>} : memref<512x32xf32, #tpu.memory_space<vmem>>, vector<16xf32>,
      tpu.vector_store_idx %arg9[%broadcast_in_dim3A_676, %select_n3A, %select_n3A_77, %broadcast_in_dim3A_693], %get3A_696 : memref<4x4x8x129xf32, #tpu.memory_space<vmem>>[vector<16xi32>, vector<16xi32>, vector<16xi32>, vector<16xi32>], vector<16xf32>,
      %get3A_697 = arith.index_cast %add3A_651 : i32 to index
      %get3A_698 = arith.constant 16 : index
      %get3A_699 = tpu.vector_load %arg7[%get3A_697, %get3A_698] {strides = array<i32>} : memref<512x32xf32, #tpu.memory_space<vmem>>, vector<16xf32>,
      tpu.vector_store_idx %arg9[%broadcast_in_dim3A_676, %add3A_57, %select_n3A_77, %broadcast_in_dim3A_693], %get3A_699 : memref<4x4x8x129xf32, #tpu.memory_space<vmem>>[vector<16xi32>, vector<16xi32>, vector<16xi32>, vector<16xi32>], vector<16xf32>,
      %mul3A_700 = arith.constant 8 : i32
      %mul3A_701 = arith.muli %scan3A_337, %mul3A_700 : i32
      %add3A_702 = arith.constant 7 : i32
      %add3A_703 = arith.addi %mul3A_701, %add3A_702 : i32
      %jit3A_704 = arith.constant 128 : i32
      %div3A_705 = arith.divsi %add3A_703, %jit3A_704 : i32
      %sign3A_706 = arith.constant 0 : i32
      %sign3A_707 = arith.cmpi sgt, %add3A_703, %sign3A_706 : i32
      %sign3A_708 = arith.extui %sign3A_707 : i1 to i32
      %sign3A_709 = arith.constant 0 : i32
      %sign3A_710 = arith.cmpi slt, %add3A_703, %sign3A_709 : i32
      %sign3A_711 = arith.extui %sign3A_710 : i1 to i32
      %sign3A_712 = arith.subi %sign3A_708, %sign3A_711 : i32
      %sign3A_713 = arith.constant 0 : i32
      %sign3A_714 = arith.cmpi sgt, %jit3A_704, %sign3A_713 : i32
      %sign3A_715 = arith.extui %sign3A_714 : i1 to i32
      %sign3A_716 = arith.constant 0 : i32
      %sign3A_717 = arith.cmpi slt, %jit3A_704, %sign3A_716 : i32
      %sign3A_718 = arith.extui %sign3A_717 : i1 to i32
      %sign3A_719 = arith.subi %sign3A_715, %sign3A_718 : i32
      %ne3A_720 = arith.cmpi ne, %sign3A_712, %sign3A_719 : i32
      %rem3A_721 = arith.remsi %add3A_703, %jit3A_704 : i32
      %ne3A_722 = arith.constant 0 : i32
      %ne3A_723 = arith.cmpi ne, %rem3A_721, %ne3A_722 : i32
      %and3A_724 = arith.andi %ne3A_720, %ne3A_723 : i1
      %sub3A_725 = arith.constant 1 : i32
      %sub3A_726 = arith.subi %div3A_705, %sub3A_725 : i32
      %select_n3A_727 = arith.select %and3A_724, %sub3A_726, %div3A_705 : i32
      %broadcast_in_dim3A_728 = vector.broadcast %select_n3A_727 : i32 to vector<16xi32>
      %jit3A_729 = arith.constant 128 : i32
      %eq3A_730 = arith.constant 0 : i32
      %eq3A_731 = arith.cmpi eq, %jit3A_729, %eq3A_730 : i32
      %jit3A_732 = arith.constant 1 : i32
      %select_n3A_733 = arith.select %eq3A_731, %jit3A_732, %jit3A_729 : i32
      %rem3A_734 = arith.remsi %add3A_703, %select_n3A_733 : i32
      %ne3A_735 = arith.constant 0 : i32
      %ne3A_736 = arith.cmpi ne, %rem3A_734, %ne3A_735 : i32
      %lt3A_737 = arith.constant 0 : i32
      %lt3A_738 = arith.cmpi slt, %rem3A_734, %lt3A_737 : i32
      %lt3A_739 = arith.constant 0 : i32
      %lt3A_740 = arith.cmpi slt, %select_n3A_733, %lt3A_739 : i32
      %ne3A_741 = arith.xori %lt3A_738, %lt3A_740 : i1
      %and3A_742 = arith.andi %ne3A_741, %ne3A_736 : i1
      %add3A_743 = arith.addi %rem3A_734, %select_n3A_733 : i32
      %select_n3A_744 = arith.select %and3A_742, %add3A_743, %rem3A_734 : i32
      %broadcast_in_dim3A_745 = vector.broadcast %select_n3A_744 : i32 to vector<16xi32>
      %get3A_746 = arith.index_cast %add3A_703 : i32 to index
      %get3A_747 = arith.constant 0 : index
      %get3A_748 = tpu.vector_load %arg7[%get3A_746, %get3A_747] {strides = array<i32>} : memref<512x32xf32, #tpu.memory_space<vmem>>, vector<16xf32>,
      tpu.vector_store_idx %arg9[%broadcast_in_dim3A_728, %select_n3A, %select_n3A_77, %broadcast_in_dim3A_745], %get3A_748 : memref<4x4x8x129xf32, #tpu.memory_space<vmem>>[vector<16xi32>, vector<16xi32>, vector<16xi32>, vector<16xi32>], vector<16xf32>,
      %get3A_749 = arith.index_cast %add3A_703 : i32 to index
      %get3A_750 = arith.constant 16 : index
      %get3A_751 = tpu.vector_load %arg7[%get3A_749, %get3A_750] {strides = array<i32>} : memref<512x32xf32, #tpu.memory_space<vmem>>, vector<16xf32>,
      tpu.vector_store_idx %arg9[%broadcast_in_dim3A_728, %add3A_57, %select_n3A_77, %broadcast_in_dim3A_745], %get3A_751 : memref<4x4x8x129xf32, #tpu.memory_space<vmem>>[vector<16xi32>, vector<16xi32>, vector<16xi32>, vector<16xi32>], vector<16xf32>,
    }
    %scan3A_143 = arith.constant 64 : i32
    %dma_start3A_144 = arith.constant 0 : i32
    %dma_start3A_145 = arith.constant 0 : i32
    %dma_start3A_146 = arith.constant 0 : i32
    %dma_start3A_147 = arith.constant 0 : i32
    %dma_start3A_148 = tpu.memref_slice %arg9[%dma_start3A_144, %dma_start3A_145, %dma_start3A_146, %dma_start3A_147] : memref<4x4x8x129xf32, #tpu.memory_space<vmem>> -> memref<4x4x8x128xf32, #tpu.memory_space<vmem>>
    %dma_start3A_149 = arith.constant 4 : i32
    %dma_start3A_150 = arith.constant 0 : i32
    %dma_start3A_151 = arith.constant 0 : i32
    %dma_start3A_152 = arith.constant 0 : i32
    %dma_start3A_153 = tpu.memref_slice %arg4[%dma_start3A_149, %dma_start3A_150, %add3A, %dma_start3A_151, %dma_start3A_152] : memref<200x4x32x8x128xf32, #tpu.memory_space<hbm>> -> memref<4x4x1x8x128xf32, #tpu.memory_space<hbm>>
    %dma_start3A_154 = tpu.memref_squeeze %dma_start3A_153 : memref<4x4x1x8x128xf32, #tpu.memory_space<hbm>> -> memref<4x4x8x128xf32, #tpu.memory_space<hbm>>
    %dma_start3A_155 = arith.constant 4 : i32
    %dma_start3A_156 = arith.constant 0 : i32
    %dma_start3A_157 = arith.constant 0 : i32
    %dma_start3A_158 = arith.constant 0 : i32
    %dma_start3A_159 = tpu.memref_slice %arg4[%dma_start3A_155, %dma_start3A_156, %add3A, %dma_start3A_157, %dma_start3A_158] : memref<200x4x32x8x128xf32, #tpu.memory_space<hbm>> -> memref<4x4x1x8x128xf32, #tpu.memory_space<hbm>>
    %dma_start3A_160 = tpu.memref_squeeze %dma_start3A_159 : memref<4x4x1x8x128xf32, #tpu.memory_space<hbm>> -> memref<4x4x8x128xf32, #tpu.memory_space<hbm>>
    %dma_start3A_161 = arith.constant 0 : i32
    %dma_start3A_162 = arith.constant 0 : i32
    %dma_start3A_163 = arith.constant 0 : i32
    %dma_start3A_164 = arith.constant 0 : i32
    %dma_start3A_165 = tpu.memref_slice %arg9[%dma_start3A_161, %dma_start3A_162, %dma_start3A_163, %dma_start3A_164] : memref<4x4x8x129xf32, #tpu.memory_space<vmem>> -> memref<4x4x8x128xf32, #tpu.memory_space<vmem>>
    tpu.enqueue_dma source(%dma_start3A_165 : memref<4x4x8x128xf32, #tpu.memory_space<vmem>>) target(%dma_start3A_160 : memref<4x4x8x128xf32, #tpu.memory_space<hbm>>) target_semaphore(%arg11 : memref<!tpu.dma_semaphore, #tpu.memory_space<semaphore_mem>>)
    %dma_start3A_166 = arith.constant 3 : i32
    %dma_start3A_167 = arith.constant 0 : i32
    %dma_start3A_168 = tpu.memref_slice %arg5[%dma_start3A_166, %dma_start3A_167] : memref<50x512xi32, #tpu.memory_space<vmem>> -> memref<1x512xi32, #tpu.memory_space<vmem>>
    %dma_start3A_169 = tpu.memref_squeeze %dma_start3A_168 : memref<1x512xi32, #tpu.memory_space<vmem>> -> memref<512xi32, #tpu.memory_space<vmem>>
    %dma_start3A_170 = arith.constant 0 : i32
    %dma_start3A_171 = arith.constant 0 : i32
    %dma_start3A_172 = tpu.memref_slice %arg3[%dma_start3A_170, %dma_start3A_171] : memref<1000000x32xf32, #tpu.memory_space<hbm>> -> memref<1000000x32xf32, #tpu.memory_space<hbm>>
    tpu.enqueue_indirect_dma source(%dma_start3A_172 : memref<1000000x32xf32, #tpu.memory_space<hbm>>) target(%arg7 : memref<512x32xf32, #tpu.memory_space<vmem>>) offsets(%dma_start3A_169 : memref<512xi32, #tpu.memory_space<vmem>>) semaphore(%arg10 : memref<!tpu.dma_semaphore, #tpu.memory_space<semaphore_mem>>)
    %scan3A_173 = arith.constant 0 : i32
    %scan3A_174 = arith.constant 1 : i32
    %scan3A_175 = arith.constant 23 : i32
    %scan3A_176 = arith.addi %scan3A_174, %scan3A_175 : i32
    %scan3A_177 = arith.constant 1 : i32
    scf.for %scan3A_337 = %scan3A_174 to %scan3A_176 step %scan3A_177  : i32 {
      %mul3A_338 = arith.constant 2 : i32
      %mul3A_339 = arith.muli %scan3A_337, %mul3A_338 : i32
      %add3A_340 = arith.constant 0 : i32
      %add3A_341 = arith.addi %mul3A_339, %add3A_340 : i32
      %dma_wait3A_342 = arith.constant 0 : i32
      %dma_wait3A_343 = tpu.memref_slice %arg5[%add3A_341, %dma_wait3A_342] : memref<50x512xi32, #tpu.memory_space<vmem>> -> memref<1x512xi32, #tpu.memory_space<vmem>>
      %dma_wait3A_344 = tpu.memref_squeeze %dma_wait3A_343 : memref<1x512xi32, #tpu.memory_space<vmem>> -> memref<512xi32, #tpu.memory_space<vmem>>
      %dma_wait3A_345 = arith.constant 0 : i32
      %dma_wait3A_346 = arith.constant 0 : i32
      %dma_wait3A_347 = tpu.memref_slice %arg3[%dma_wait3A_345, %dma_wait3A_346] : memref<1000000x32xf32, #tpu.memory_space<hbm>> -> memref<1000000x32xf32, #tpu.memory_space<hbm>>
      tpu.wait_indirect_dma semaphore(%arg10 : memref<!tpu.dma_semaphore, #tpu.memory_space<semaphore_mem>>) src(%dma_wait3A_347 : memref<1000000x32xf32, #tpu.memory_space<hbm>>) dst(%arg6 : memref<512x32xf32, #tpu.memory_space<vmem>>)
      %sub3A_348 = arith.constant 2 : i32
      %sub3A_349 = arith.subi %add3A_341, %sub3A_348 : i32
      %mul3A_350 = arith.constant 4 : i32
      %mul3A_351 = arith.muli %sub3A_349, %mul3A_350 : i32
      %dma_wait3A_352 = arith.constant 0 : i32
      %dma_wait3A_353 = arith.constant 0 : i32
      %dma_wait3A_354 = arith.constant 0 : i32
      %dma_wait3A_355 = arith.constant 0 : i32
      %dma_wait3A_356 = tpu.memref_slice %arg8[%dma_wait3A_352, %dma_wait3A_353, %dma_wait3A_354, %dma_wait3A_355] : memref<4x4x8x129xf32, #tpu.memory_space<vmem>> -> memref<4x4x8x128xf32, #tpu.memory_space<vmem>>
      %dma_wait3A_357 = arith.constant 0 : i32
      %dma_wait3A_358 = arith.constant 0 : i32
      %dma_wait3A_359 = arith.constant 0 : i32
      %dma_wait3A_360 = tpu.memref_slice %arg4[%mul3A_351, %dma_wait3A_357, %add3A, %dma_wait3A_358, %dma_wait3A_359] : memref<200x4x32x8x128xf32, #tpu.memory_space<hbm>> -> memref<4x4x1x8x128xf32, #tpu.memory_space<hbm>>
      %dma_wait3A_361 = tpu.memref_squeeze %dma_wait3A_360 : memref<4x4x1x8x128xf32, #tpu.memory_space<hbm>> -> memref<4x4x8x128xf32, #tpu.memory_space<hbm>>
      %dma_wait3A_362 = arith.constant 0 : i32
      %dma_wait3A_363 = arith.constant 0 : i32
      %dma_wait3A_364 = arith.constant 0 : i32
      %dma_wait3A_365 = tpu.memref_slice %arg4[%mul3A_351, %dma_wait3A_362, %add3A, %dma_wait3A_363, %dma_wait3A_364] : memref<200x4x32x8x128xf32, #tpu.memory_space<hbm>> -> memref<4x4x1x8x128xf32, #tpu.memory_space<hbm>>
      %dma_wait3A_366 = tpu.memref_squeeze %dma_wait3A_365 : memref<4x4x1x8x128xf32, #tpu.memory_space<hbm>> -> memref<4x4x8x128xf32, #tpu.memory_space<hbm>>
      %dma_wait3A_367 = arith.constant 0 : i32
      %dma_wait3A_368 = arith.constant 0 : i32
      %dma_wait3A_369 = arith.constant 0 : i32
      %dma_wait3A_370 = arith.constant 0 : i32
      %dma_wait3A_371 = tpu.memref_slice %arg8[%dma_wait3A_367, %dma_wait3A_368, %dma_wait3A_369, %dma_wait3A_370] : memref<4x4x8x129xf32, #tpu.memory_space<vmem>> -> memref<4x4x8x128xf32, #tpu.memory_space<vmem>>
      tpu.wait_dma2 semaphore(%arg11 : memref<!tpu.dma_semaphore, #tpu.memory_space<semaphore_mem>>) src(%dma_wait3A_371 : memref<4x4x8x128xf32, #tpu.memory_space<vmem>>) dst(%dma_wait3A_366 : memref<4x4x8x128xf32, #tpu.memory_space<hbm>>)
      %scan3A_372 = arith.constant 0 : i32
      %scan3A_373 = arith.constant 0 : i32
      %scan3A_374 = arith.constant 64 : i32
      %scan3A_375 = arith.addi %scan3A_373, %scan3A_374 : i32
      %scan3A_376 = arith.constant 1 : i32
      scf.for %scan3A_478 = %scan3A_373 to %scan3A_375 step %scan3A_376  : i32 {
        %mul3A_479 = arith.constant 8 : i32
        %mul3A_480 = arith.muli %scan3A_478, %mul3A_479 : i32
        %add3A_481 = arith.constant 0 : i32
        %add3A_482 = arith.addi %mul3A_480, %add3A_481 : i32
        %jit3A_483 = arith.constant 128 : i32
        %div3A_484 = arith.divsi %add3A_482, %jit3A_483 : i32
        %sign3A_485 = arith.constant 0 : i32
        %sign3A_486 = arith.cmpi sgt, %add3A_482, %sign3A_485 : i32
        %sign3A_487 = arith.extui %sign3A_486 : i1 to i32
        %sign3A_488 = arith.constant 0 : i32
        %sign3A_489 = arith.cmpi slt, %add3A_482, %sign3A_488 : i32
        %sign3A_490 = arith.extui %sign3A_489 : i1 to i32
        %sign3A_491 = arith.subi %sign3A_487, %sign3A_490 : i32
        %sign3A_492 = arith.constant 0 : i32
        %sign3A_493 = arith.cmpi sgt, %jit3A_483, %sign3A_492 : i32
        %sign3A_494 = arith.extui %sign3A_493 : i1 to i32
        %sign3A_495 = arith.constant 0 : i32
        %sign3A_496 = arith.cmpi slt, %jit3A_483, %sign3A_495 : i32
        %sign3A_497 = arith.extui %sign3A_496 : i1 to i32
        %sign3A_498 = arith.subi %sign3A_494, %sign3A_497 : i32
        %ne3A_499 = arith.cmpi ne, %sign3A_491, %sign3A_498 : i32
        %rem3A_500 = arith.remsi %add3A_482, %jit3A_483 : i32
        %ne3A_501 = arith.constant 0 : i32
        %ne3A_502 = arith.cmpi ne, %rem3A_500, %ne3A_501 : i32
        %and3A_503 = arith.andi %ne3A_499, %ne3A_502 : i1
        %sub3A_504 = arith.constant 1 : i32
        %sub3A_505 = arith.subi %div3A_484, %sub3A_504 : i32
        %select_n3A_506 = arith.select %and3A_503, %sub3A_505, %div3A_484 : i32
        %broadcast_in_dim3A = vector.broadcast %select_n3A_506 : i32 to vector<16xi32>
        %jit3A_507 = arith.constant 128 : i32
        %eq3A_508 = arith.constant 0 : i32
        %eq3A_509 = arith.cmpi eq, %jit3A_507, %eq3A_508 : i32
        %jit3A_510 = arith.constant 1 : i32
        %select_n3A_511 = arith.select %eq3A_509, %jit3A_510, %jit3A_507 : i32
        %rem3A_512 = arith.remsi %add3A_482, %select_n3A_511 : i32
        %ne3A_513 = arith.constant 0 : i32
        %ne3A_514 = arith.cmpi ne, %rem3A_512, %ne3A_513 : i32
        %lt3A_515 = arith.constant 0 : i32
        %lt3A_516 = arith.cmpi slt, %rem3A_512, %lt3A_515 : i32
        %lt3A_517 = arith.constant 0 : i32
        %lt3A_518 = arith.cmpi slt, %select_n3A_511, %lt3A_517 : i32
        %ne3A_519 = arith.xori %lt3A_516, %lt3A_518 : i1
        %and3A_520 = arith.andi %ne3A_519, %ne3A_514 : i1
        %add3A_521 = arith.addi %rem3A_512, %select_n3A_511 : i32
        %select_n3A_522 = arith.select %and3A_520, %add3A_521, %rem3A_512 : i32
        %broadcast_in_dim3A_523 = vector.broadcast %select_n3A_522 : i32 to vector<16xi32>
        %get3A = arith.index_cast %add3A_482 : i32 to index
        %get3A_524 = arith.constant 0 : index
        %get3A_525 = tpu.vector_load %arg6[%get3A, %get3A_524] {strides = array<i32>} : memref<512x32xf32, #tpu.memory_space<vmem>>, vector<16xf32>,
        tpu.vector_store_idx %arg8[%broadcast_in_dim3A, %select_n3A, %select_n3A_77, %broadcast_in_dim3A_523], %get3A_525 : memref<4x4x8x129xf32, #tpu.memory_space<vmem>>[vector<16xi32>, vector<16xi32>, vector<16xi32>, vector<16xi32>], vector<16xf32>,
        %get3A_526 = arith.index_cast %add3A_482 : i32 to index
        %get3A_527 = arith.constant 16 : index
        %get3A_528 = tpu.vector_load %arg6[%get3A_526, %get3A_527] {strides = array<i32>} : memref<512x32xf32, #tpu.memory_space<vmem>>, vector<16xf32>,
        tpu.vector_store_idx %arg8[%broadcast_in_dim3A, %add3A_57, %select_n3A_77, %broadcast_in_dim3A_523], %get3A_528 : memref<4x4x8x129xf32, #tpu.memory_space<vmem>>[vector<16xi32>, vector<16xi32>, vector<16xi32>, vector<16xi32>], vector<16xf32>,
        %mul3A_529 = arith.constant 8 : i32
        %mul3A_530 = arith.muli %scan3A_478, %mul3A_529 : i32
        %add3A_531 = arith.constant 1 : i32
        %add3A_532 = arith.addi %mul3A_530, %add3A_531 : i32
        %jit3A_533 = arith.constant 128 : i32
        %div3A_534 = arith.divsi %add3A_532, %jit3A_533 : i32
        %sign3A_535 = arith.constant 0 : i32
        %sign3A_536 = arith.cmpi sgt, %add3A_532, %sign3A_535 : i32
        %sign3A_537 = arith.extui %sign3A_536 : i1 to i32
        %sign3A_538 = arith.constant 0 : i32
        %sign3A_539 = arith.cmpi slt, %add3A_532, %sign3A_538 : i32
        %sign3A_540 = arith.extui %sign3A_539 : i1 to i32
        %sign3A_541 = arith.subi %sign3A_537, %sign3A_540 : i32
        %sign3A_542 = arith.constant 0 : i32
        %sign3A_543 = arith.cmpi sgt, %jit3A_533, %sign3A_542 : i32
        %sign3A_544 = arith.extui %sign3A_543 : i1 to i32
        %sign3A_545 = arith.constant 0 : i32
        %sign3A_546 = arith.cmpi slt, %jit3A_533, %sign3A_545 : i32
        %sign3A_547 = arith.extui %sign3A_546 : i1 to i32
        %sign3A_548 = arith.subi %sign3A_544, %sign3A_547 : i32
        %ne3A_549 = arith.cmpi ne, %sign3A_541, %sign3A_548 : i32
        %rem3A_550 = arith.remsi %add3A_532, %jit3A_533 : i32
        %ne3A_551 = arith.constant 0 : i32
        %ne3A_552 = arith.cmpi ne, %rem3A_550, %ne3A_551 : i32
        %and3A_553 = arith.andi %ne3A_549, %ne3A_552 : i1
        %sub3A_554 = arith.constant 1 : i32
        %sub3A_555 = arith.subi %div3A_534, %sub3A_554 : i32
        %select_n3A_556 = arith.select %and3A_553, %sub3A_555, %div3A_534 : i32
        %broadcast_in_dim3A_557 = vector.broadcast %select_n3A_556 : i32 to vector<16xi32>
        %jit3A_558 = arith.constant 128 : i32
        %eq3A_559 = arith.constant 0 : i32
        %eq3A_560 = arith.cmpi eq, %jit3A_558, %eq3A_559 : i32
        %jit3A_561 = arith.constant 1 : i32
        %select_n3A_562 = arith.select %eq3A_560, %jit3A_561, %jit3A_558 : i32
        %rem3A_563 = arith.remsi %add3A_532, %select_n3A_562 : i32
        %ne3A_564 = arith.constant 0 : i32
        %ne3A_565 = arith.cmpi ne, %rem3A_563, %ne3A_564 : i32
        %lt3A_566 = arith.constant 0 : i32
        %lt3A_567 = arith.cmpi slt, %rem3A_563, %lt3A_566 : i32
        %lt3A_568 = arith.constant 0 : i32
        %lt3A_569 = arith.cmpi slt, %select_n3A_562, %lt3A_568 : i32
        %ne3A_570 = arith.xori %lt3A_567, %lt3A_569 : i1
        %and3A_571 = arith.andi %ne3A_570, %ne3A_565 : i1
        %add3A_572 = arith.addi %rem3A_563, %select_n3A_562 : i32
        %select_n3A_573 = arith.select %and3A_571, %add3A_572, %rem3A_563 : i32
        %broadcast_in_dim3A_574 = vector.broadcast %select_n3A_573 : i32 to vector<16xi32>
        %get3A_575 = arith.index_cast %add3A_532 : i32 to index
        %get3A_576 = arith.constant 0 : index
        %get3A_577 = tpu.vector_load %arg6[%get3A_575, %get3A_576] {strides = array<i32>} : memref<512x32xf32, #tpu.memory_space<vmem>>, vector<16xf32>,
        tpu.vector_store_idx %arg8[%broadcast_in_dim3A_557, %select_n3A, %select_n3A_77, %broadcast_in_dim3A_574], %get3A_577 : memref<4x4x8x129xf32, #tpu.memory_space<vmem>>[vector<16xi32>, vector<16xi32>, vector<16xi32>, vector<16xi32>], vector<16xf32>,
        %get3A_578 = arith.index_cast %add3A_532 : i32 to index
        %get3A_579 = arith.constant 16 : index
        %get3A_580 = tpu.vector_load %arg6[%get3A_578, %get3A_579] {strides = array<i32>} : memref<512x32xf32, #tpu.memory_space<vmem>>, vector<16xf32>,
        tpu.vector_store_idx %arg8[%broadcast_in_dim3A_557, %add3A_57, %select_n3A_77, %broadcast_in_dim3A_574], %get3A_580 : memref<4x4x8x129xf32, #tpu.memory_space<vmem>>[vector<16xi32>, vector<16xi32>, vector<16xi32>, vector<16xi32>], vector<16xf32>,
        %mul3A_581 = arith.constant 8 : i32
        %mul3A_582 = arith.muli %scan3A_478, %mul3A_581 : i32
        %add3A_583 = arith.constant 2 : i32
        %add3A_584 = arith.addi %mul3A_582, %add3A_583 : i32
        %jit3A_585 = arith.constant 128 : i32
        %div3A_586 = arith.divsi %add3A_584, %jit3A_585 : i32
        %sign3A_587 = arith.constant 0 : i32
        %sign3A_588 = arith.cmpi sgt, %add3A_584, %sign3A_587 : i32
        %sign3A_589 = arith.extui %sign3A_588 : i1 to i32
        %sign3A_590 = arith.constant 0 : i32
        %sign3A_591 = arith.cmpi slt, %add3A_584, %sign3A_590 : i32
        %sign3A_592 = arith.extui %sign3A_591 : i1 to i32
        %sign3A_593 = arith.subi %sign3A_589, %sign3A_592 : i32
        %sign3A_594 = arith.constant 0 : i32
        %sign3A_595 = arith.cmpi sgt, %jit3A_585, %sign3A_594 : i32
        %sign3A_596 = arith.extui %sign3A_595 : i1 to i32
        %sign3A_597 = arith.constant 0 : i32
        %sign3A_598 = arith.cmpi slt, %jit3A_585, %sign3A_597 : i32
        %sign3A_599 = arith.extui %sign3A_598 : i1 to i32
        %sign3A_600 = arith.subi %sign3A_596, %sign3A_599 : i32
        %ne3A_601 = arith.cmpi ne, %sign3A_593, %sign3A_600 : i32
        %rem3A_602 = arith.remsi %add3A_584, %jit3A_585 : i32
        %ne3A_603 = arith.constant 0 : i32
        %ne3A_604 = arith.cmpi ne, %rem3A_602, %ne3A_603 : i32
        %and3A_605 = arith.andi %ne3A_601, %ne3A_604 : i1
        %sub3A_606 = arith.constant 1 : i32
        %sub3A_607 = arith.subi %div3A_586, %sub3A_606 : i32
        %select_n3A_608 = arith.select %and3A_605, %sub3A_607, %div3A_586 : i32
        %broadcast_in_dim3A_609 = vector.broadcast %select_n3A_608 : i32 to vector<16xi32>
        %jit3A_610 = arith.constant 128 : i32
        %eq3A_611 = arith.constant 0 : i32
        %eq3A_612 = arith.cmpi eq, %jit3A_610, %eq3A_611 : i32
        %jit3A_613 = arith.constant 1 : i32
        %select_n3A_614 = arith.select %eq3A_612, %jit3A_613, %jit3A_610 : i32
        %rem3A_615 = arith.remsi %add3A_584, %select_n3A_614 : i32
        %ne3A_616 = arith.constant 0 : i32
        %ne3A_617 = arith.cmpi ne, %rem3A_615, %ne3A_616 : i32
        %lt3A_618 = arith.constant 0 : i32
        %lt3A_619 = arith.cmpi slt, %rem3A_615, %lt3A_618 : i32
        %lt3A_620 = arith.constant 0 : i32
        %lt3A_621 = arith.cmpi slt, %select_n3A_614, %lt3A_620 : i32
        %ne3A_622 = arith.xori %lt3A_619, %lt3A_621 : i1
        %and3A_623 = arith.andi %ne3A_622, %ne3A_617 : i1
        %add3A_624 = arith.addi %rem3A_615, %select_n3A_614 : i32
        %select_n3A_625 = arith.select %and3A_623, %add3A_624, %rem3A_615 : i32
        %broadcast_in_dim3A_626 = vector.broadcast %select_n3A_625 : i32 to vector<16xi32>
        %get3A_627 = arith.index_cast %add3A_584 : i32 to index
        %get3A_628 = arith.constant 0 : index
        %get3A_629 = tpu.vector_load %arg6[%get3A_627, %get3A_628] {strides = array<i32>} : memref<512x32xf32, #tpu.memory_space<vmem>>, vector<16xf32>,
        tpu.vector_store_idx %arg8[%broadcast_in_dim3A_609, %select_n3A, %select_n3A_77, %broadcast_in_dim3A_626], %get3A_629 : memref<4x4x8x129xf32, #tpu.memory_space<vmem>>[vector<16xi32>, vector<16xi32>, vector<16xi32>, vector<16xi32>], vector<16xf32>,
        %get3A_630 = arith.index_cast %add3A_584 : i32 to index
        %get3A_631 = arith.constant 16 : index
        %get3A_632 = tpu.vector_load %arg6[%get3A_630, %get3A_631] {strides = array<i32>} : memref<512x32xf32, #tpu.memory_space<vmem>>, vector<16xf32>,
        tpu.vector_store_idx %arg8[%broadcast_in_dim3A_609, %add3A_57, %select_n3A_77, %broadcast_in_dim3A_626], %get3A_632 : memref<4x4x8x129xf32, #tpu.memory_space<vmem>>[vector<16xi32>, vector<16xi32>, vector<16xi32>, vector<16xi32>], vector<16xf32>,
        %mul3A_633 = arith.constant 8 : i32
        %mul3A_634 = arith.muli %scan3A_478, %mul3A_633 : i32
        %add3A_635 = arith.constant 3 : i32
        %add3A_636 = arith.addi %mul3A_634, %add3A_635 : i32
        %jit3A_637 = arith.constant 128 : i32
        %div3A_638 = arith.divsi %add3A_636, %jit3A_637 : i32
        %sign3A_639 = arith.constant 0 : i32
        %sign3A_640 = arith.cmpi sgt, %add3A_636, %sign3A_639 : i32
        %sign3A_641 = arith.extui %sign3A_640 : i1 to i32
        %sign3A_642 = arith.constant 0 : i32
        %sign3A_643 = arith.cmpi slt, %add3A_636, %sign3A_642 : i32
        %sign3A_644 = arith.extui %sign3A_643 : i1 to i32
        %sign3A_645 = arith.subi %sign3A_641, %sign3A_644 : i32
        %sign3A_646 = arith.constant 0 : i32
        %sign3A_647 = arith.cmpi sgt, %jit3A_637, %sign3A_646 : i32
        %sign3A_648 = arith.extui %sign3A_647 : i1 to i32
        %sign3A_649 = arith.constant 0 : i32
        %sign3A_650 = arith.cmpi slt, %jit3A_637, %sign3A_649 : i32
        %sign3A_651 = arith.extui %sign3A_650 : i1 to i32
        %sign3A_652 = arith.subi %sign3A_648, %sign3A_651 : i32
        %ne3A_653 = arith.cmpi ne, %sign3A_645, %sign3A_652 : i32
        %rem3A_654 = arith.remsi %add3A_636, %jit3A_637 : i32
        %ne3A_655 = arith.constant 0 : i32
        %ne3A_656 = arith.cmpi ne, %rem3A_654, %ne3A_655 : i32
        %and3A_657 = arith.andi %ne3A_653, %ne3A_656 : i1
        %sub3A_658 = arith.constant 1 : i32
        %sub3A_659 = arith.subi %div3A_638, %sub3A_658 : i32
        %select_n3A_660 = arith.select %and3A_657, %sub3A_659, %div3A_638 : i32
        %broadcast_in_dim3A_661 = vector.broadcast %select_n3A_660 : i32 to vector<16xi32>
        %jit3A_662 = arith.constant 128 : i32
        %eq3A_663 = arith.constant 0 : i32
        %eq3A_664 = arith.cmpi eq, %jit3A_662, %eq3A_663 : i32
        %jit3A_665 = arith.constant 1 : i32
        %select_n3A_666 = arith.select %eq3A_664, %jit3A_665, %jit3A_662 : i32
        %rem3A_667 = arith.remsi %add3A_636, %select_n3A_666 : i32
        %ne3A_668 = arith.constant 0 : i32
        %ne3A_669 = arith.cmpi ne, %rem3A_667, %ne3A_668 : i32
        %lt3A_670 = arith.constant 0 : i32
        %lt3A_671 = arith.cmpi slt, %rem3A_667, %lt3A_670 : i32
        %lt3A_672 = arith.constant 0 : i32
        %lt3A_673 = arith.cmpi slt, %select_n3A_666, %lt3A_672 : i32
        %ne3A_674 = arith.xori %lt3A_671, %lt3A_673 : i1
        %and3A_675 = arith.andi %ne3A_674, %ne3A_669 : i1
        %add3A_676 = arith.addi %rem3A_667, %select_n3A_666 : i32
        %select_n3A_677 = arith.select %and3A_675, %add3A_676, %rem3A_667 : i32
        %broadcast_in_dim3A_678 = vector.broadcast %select_n3A_677 : i32 to vector<16xi32>
        %get3A_679 = arith.index_cast %add3A_636 : i32 to index
        %get3A_680 = arith.constant 0 : index
        %get3A_681 = tpu.vector_load %arg6[%get3A_679, %get3A_680] {strides = array<i32>} : memref<512x32xf32, #tpu.memory_space<vmem>>, vector<16xf32>,
        tpu.vector_store_idx %arg8[%broadcast_in_dim3A_661, %select_n3A, %select_n3A_77, %broadcast_in_dim3A_678], %get3A_681 : memref<4x4x8x129xf32, #tpu.memory_space<vmem>>[vector<16xi32>, vector<16xi32>, vector<16xi32>, vector<16xi32>], vector<16xf32>,
        %get3A_682 = arith.index_cast %add3A_636 : i32 to index
        %get3A_683 = arith.constant 16 : index
        %get3A_684 = tpu.vector_load %arg6[%get3A_682, %get3A_683] {strides = array<i32>} : memref<512x32xf32, #tpu.memory_space<vmem>>, vector<16xf32>,
        tpu.vector_store_idx %arg8[%broadcast_in_dim3A_661, %add3A_57, %select_n3A_77, %broadcast_in_dim3A_678], %get3A_684 : memref<4x4x8x129xf32, #tpu.memory_space<vmem>>[vector<16xi32>, vector<16xi32>, vector<16xi32>, vector<16xi32>], vector<16xf32>,
        %mul3A_685 = arith.constant 8 : i32
        %mul3A_686 = arith.muli %scan3A_478, %mul3A_685 : i32
        %add3A_687 = arith.constant 4 : i32
        %add3A_688 = arith.addi %mul3A_686, %add3A_687 : i32
        %jit3A_689 = arith.constant 128 : i32
        %div3A_690 = arith.divsi %add3A_688, %jit3A_689 : i32
        %sign3A_691 = arith.constant 0 : i32
        %sign3A_692 = arith.cmpi sgt, %add3A_688, %sign3A_691 : i32
        %sign3A_693 = arith.extui %sign3A_692 : i1 to i32
        %sign3A_694 = arith.constant 0 : i32
        %sign3A_695 = arith.cmpi slt, %add3A_688, %sign3A_694 : i32
        %sign3A_696 = arith.extui %sign3A_695 : i1 to i32
        %sign3A_697 = arith.subi %sign3A_693, %sign3A_696 : i32
        %sign3A_698 = arith.constant 0 : i32
        %sign3A_699 = arith.cmpi sgt, %jit3A_689, %sign3A_698 : i32
        %sign3A_700 = arith.extui %sign3A_699 : i1 to i32
        %sign3A_701 = arith.constant 0 : i32
        %sign3A_702 = arith.cmpi slt, %jit3A_689, %sign3A_701 : i32
        %sign3A_703 = arith.extui %sign3A_702 : i1 to i32
        %sign3A_704 = arith.subi %sign3A_700, %sign3A_703 : i32
        %ne3A_705 = arith.cmpi ne, %sign3A_697, %sign3A_704 : i32
        %rem3A_706 = arith.remsi %add3A_688, %jit3A_689 : i32
        %ne3A_707 = arith.constant 0 : i32
        %ne3A_708 = arith.cmpi ne, %rem3A_706, %ne3A_707 : i32
        %and3A_709 = arith.andi %ne3A_705, %ne3A_708 : i1
        %sub3A_710 = arith.constant 1 : i32
        %sub3A_711 = arith.subi %div3A_690, %sub3A_710 : i32
        %select_n3A_712 = arith.select %and3A_709, %sub3A_711, %div3A_690 : i32
        %broadcast_in_dim3A_713 = vector.broadcast %select_n3A_712 : i32 to vector<16xi32>
        %jit3A_714 = arith.constant 128 : i32
        %eq3A_715 = arith.constant 0 : i32
        %eq3A_716 = arith.cmpi eq, %jit3A_714, %eq3A_715 : i32
        %jit3A_717 = arith.constant 1 : i32
        %select_n3A_718 = arith.select %eq3A_716, %jit3A_717, %jit3A_714 : i32
        %rem3A_719 = arith.remsi %add3A_688, %select_n3A_718 : i32
        %ne3A_720 = arith.constant 0 : i32
        %ne3A_721 = arith.cmpi ne, %rem3A_719, %ne3A_720 : i32
        %lt3A_722 = arith.constant 0 : i32
        %lt3A_723 = arith.cmpi slt, %rem3A_719, %lt3A_722 : i32
        %lt3A_724 = arith.constant 0 : i32
        %lt3A_725 = arith.cmpi slt, %select_n3A_718, %lt3A_724 : i32
        %ne3A_726 = arith.xori %lt3A_723, %lt3A_725 : i1
        %and3A_727 = arith.andi %ne3A_726, %ne3A_721 : i1
        %add3A_728 = arith.addi %rem3A_719, %select_n3A_718 : i32
        %select_n3A_729 = arith.select %and3A_727, %add3A_728, %rem3A_719 : i32
        %broadcast_in_dim3A_730 = vector.broadcast %select_n3A_729 : i32 to vector<16xi32>
        %get3A_731 = arith.index_cast %add3A_688 : i32 to index
        %get3A_732 = arith.constant 0 : index
        %get3A_733 = tpu.vector_load %arg6[%get3A_731, %get3A_732] {strides = array<i32>} : memref<512x32xf32, #tpu.memory_space<vmem>>, vector<16xf32>,
        tpu.vector_store_idx %arg8[%broadcast_in_dim3A_713, %select_n3A, %select_n3A_77, %broadcast_in_dim3A_730], %get3A_733 : memref<4x4x8x129xf32, #tpu.memory_space<vmem>>[vector<16xi32>, vector<16xi32>, vector<16xi32>, vector<16xi32>], vector<16xf32>,
        %get3A_734 = arith.index_cast %add3A_688 : i32 to index
        %get3A_735 = arith.constant 16 : index
        %get3A_736 = tpu.vector_load %arg6[%get3A_734, %get3A_735] {strides = array<i32>} : memref<512x32xf32, #tpu.memory_space<vmem>>, vector<16xf32>,
        tpu.vector_store_idx %arg8[%broadcast_in_dim3A_713, %add3A_57, %select_n3A_77, %broadcast_in_dim3A_730], %get3A_736 : memref<4x4x8x129xf32, #tpu.memory_space<vmem>>[vector<16xi32>, vector<16xi32>, vector<16xi32>, vector<16xi32>], vector<16xf32>,
        %mul3A_737 = arith.constant 8 : i32
        %mul3A_738 = arith.muli %scan3A_478, %mul3A_737 : i32
        %add3A_739 = arith.constant 5 : i32
        %add3A_740 = arith.addi %mul3A_738, %add3A_739 : i32
        %jit3A_741 = arith.constant 128 : i32
        %div3A_742 = arith.divsi %add3A_740, %jit3A_741 : i32
        %sign3A_743 = arith.constant 0 : i32
        %sign3A_744 = arith.cmpi sgt, %add3A_740, %sign3A_743 : i32
        %sign3A_745 = arith.extui %sign3A_744 : i1 to i32
        %sign3A_746 = arith.constant 0 : i32
        %sign3A_747 = arith.cmpi slt, %add3A_740, %sign3A_746 : i32
        %sign3A_748 = arith.extui %sign3A_747 : i1 to i32
        %sign3A_749 = arith.subi %sign3A_745, %sign3A_748 : i32
        %sign3A_750 = arith.constant 0 : i32
        %sign3A_751 = arith.cmpi sgt, %jit3A_741, %sign3A_750 : i32
        %sign3A_752 = arith.extui %sign3A_751 : i1 to i32
        %sign3A_753 = arith.constant 0 : i32
        %sign3A_754 = arith.cmpi slt, %jit3A_741, %sign3A_753 : i32
        %sign3A_755 = arith.extui %sign3A_754 : i1 to i32
        %sign3A_756 = arith.subi %sign3A_752, %sign3A_755 : i32
        %ne3A_757 = arith.cmpi ne, %sign3A_749, %sign3A_756 : i32
        %rem3A_758 = arith.remsi %add3A_740, %jit3A_741 : i32
        %ne3A_759 = arith.constant 0 : i32
        %ne3A_760 = arith.cmpi ne, %rem3A_758, %ne3A_759 : i32
        %and3A_761 = arith.andi %ne3A_757, %ne3A_760 : i1
        %sub3A_762 = arith.constant 1 : i32
        %sub3A_763 = arith.subi %div3A_742, %sub3A_762 : i32
        %select_n3A_764 = arith.select %and3A_761, %sub3A_763, %div3A_742 : i32
        %broadcast_in_dim3A_765 = vector.broadcast %select_n3A_764 : i32 to vector<16xi32>
        %jit3A_766 = arith.constant 128 : i32
        %eq3A_767 = arith.constant 0 : i32
        %eq3A_768 = arith.cmpi eq, %jit3A_766, %eq3A_767 : i32
        %jit3A_769 = arith.constant 1 : i32
        %select_n3A_770 = arith.select %eq3A_768, %jit3A_769, %jit3A_766 : i32
        %rem3A_771 = arith.remsi %add3A_740, %select_n3A_770 : i32
        %ne3A_772 = arith.constant 0 : i32
        %ne3A_773 = arith.cmpi ne, %rem3A_771, %ne3A_772 : i32
        %lt3A_774 = arith.constant 0 : i32
        %lt3A_775 = arith.cmpi slt, %rem3A_771, %lt3A_774 : i32
        %lt3A_776 = arith.constant 0 : i32
        %lt3A_777 = arith.cmpi slt, %select_n3A_770, %lt3A_776 : i32
        %ne3A_778 = arith.xori %lt3A_775, %lt3A_777 : i1
        %and3A_779 = arith.andi %ne3A_778, %ne3A_773 : i1
        %add3A_780 = arith.addi %rem3A_771, %select_n3A_770 : i32
        %select_n3A_781 = arith.select %and3A_779, %add3A_780, %rem3A_771 : i32
        %broadcast_in_dim3A_782 = vector.broadcast %select_n3A_781 : i32 to vector<16xi32>
        %get3A_783 = arith.index_cast %add3A_740 : i32 to index
        %get3A_784 = arith.constant 0 : index
        %get3A_785 = tpu.vector_load %arg6[%get3A_783, %get3A_784] {strides = array<i32>} : memref<512x32xf32, #tpu.memory_space<vmem>>, vector<16xf32>,
        tpu.vector_store_idx %arg8[%broadcast_in_dim3A_765, %select_n3A, %select_n3A_77, %broadcast_in_dim3A_782], %get3A_785 : memref<4x4x8x129xf32, #tpu.memory_space<vmem>>[vector<16xi32>, vector<16xi32>, vector<16xi32>, vector<16xi32>], vector<16xf32>,
        %get3A_786 = arith.index_cast %add3A_740 : i32 to index
        %get3A_787 = arith.constant 16 : index
        %get3A_788 = tpu.vector_load %arg6[%get3A_786, %get3A_787] {strides = array<i32>} : memref<512x32xf32, #tpu.memory_space<vmem>>, vector<16xf32>,
        tpu.vector_store_idx %arg8[%broadcast_in_dim3A_765, %add3A_57, %select_n3A_77, %broadcast_in_dim3A_782], %get3A_788 : memref<4x4x8x129xf32, #tpu.memory_space<vmem>>[vector<16xi32>, vector<16xi32>, vector<16xi32>, vector<16xi32>], vector<16xf32>,
        %mul3A_789 = arith.constant 8 : i32
        %mul3A_790 = arith.muli %scan3A_478, %mul3A_789 : i32
        %add3A_791 = arith.constant 6 : i32
        %add3A_792 = arith.addi %mul3A_790, %add3A_791 : i32
        %jit3A_793 = arith.constant 128 : i32
        %div3A_794 = arith.divsi %add3A_792, %jit3A_793 : i32
        %sign3A_795 = arith.constant 0 : i32
        %sign3A_796 = arith.cmpi sgt, %add3A_792, %sign3A_795 : i32
        %sign3A_797 = arith.extui %sign3A_796 : i1 to i32
        %sign3A_798 = arith.constant 0 : i32
        %sign3A_799 = arith.cmpi slt, %add3A_792, %sign3A_798 : i32
        %sign3A_800 = arith.extui %sign3A_799 : i1 to i32
        %sign3A_801 = arith.subi %sign3A_797, %sign3A_800 : i32
        %sign3A_802 = arith.constant 0 : i32
        %sign3A_803 = arith.cmpi sgt, %jit3A_793, %sign3A_802 : i32
        %sign3A_804 = arith.extui %sign3A_803 : i1 to i32
        %sign3A_805 = arith.constant 0 : i32
        %sign3A_806 = arith.cmpi slt, %jit3A_793, %sign3A_805 : i32
        %sign3A_807 = arith.extui %sign3A_806 : i1 to i32
        %sign3A_808 = arith.subi %sign3A_804, %sign3A_807 : i32
        %ne3A_809 = arith.cmpi ne, %sign3A_801, %sign3A_808 : i32
        %rem3A_810 = arith.remsi %add3A_792, %jit3A_793 : i32
        %ne3A_811 = arith.constant 0 : i32
        %ne3A_812 = arith.cmpi ne, %rem3A_810, %ne3A_811 : i32
        %and3A_813 = arith.andi %ne3A_809, %ne3A_812 : i1
        %sub3A_814 = arith.constant 1 : i32
        %sub3A_815 = arith.subi %div3A_794, %sub3A_814 : i32
        %select_n3A_816 = arith.select %and3A_813, %sub3A_815, %div3A_794 : i32
        %broadcast_in_dim3A_817 = vector.broadcast %select_n3A_816 : i32 to vector<16xi32>
        %jit3A_818 = arith.constant 128 : i32
        %eq3A_819 = arith.constant 0 : i32
        %eq3A_820 = arith.cmpi eq, %jit3A_818, %eq3A_819 : i32
        %jit3A_821 = arith.constant 1 : i32
        %select_n3A_822 = arith.select %eq3A_820, %jit3A_821, %jit3A_818 : i32
        %rem3A_823 = arith.remsi %add3A_792, %select_n3A_822 : i32
        %ne3A_824 = arith.constant 0 : i32
        %ne3A_825 = arith.cmpi ne, %rem3A_823, %ne3A_824 : i32
        %lt3A_826 = arith.constant 0 : i32
        %lt3A_827 = arith.cmpi slt, %rem3A_823, %lt3A_826 : i32
        %lt3A_828 = arith.constant 0 : i32
        %lt3A_829 = arith.cmpi slt, %select_n3A_822, %lt3A_828 : i32
        %ne3A_830 = arith.xori %lt3A_827, %lt3A_829 : i1
        %and3A_831 = arith.andi %ne3A_830, %ne3A_825 : i1
        %add3A_832 = arith.addi %rem3A_823, %select_n3A_822 : i32
        %select_n3A_833 = arith.select %and3A_831, %add3A_832, %rem3A_823 : i32
        %broadcast_in_dim3A_834 = vector.broadcast %select_n3A_833 : i32 to vector<16xi32>
        %get3A_835 = arith.index_cast %add3A_792 : i32 to index
        %get3A_836 = arith.constant 0 : index
        %get3A_837 = tpu.vector_load %arg6[%get3A_835, %get3A_836] {strides = array<i32>} : memref<512x32xf32, #tpu.memory_space<vmem>>, vector<16xf32>,
        tpu.vector_store_idx %arg8[%broadcast_in_dim3A_817, %select_n3A, %select_n3A_77, %broadcast_in_dim3A_834], %get3A_837 : memref<4x4x8x129xf32, #tpu.memory_space<vmem>>[vector<16xi32>, vector<16xi32>, vector<16xi32>, vector<16xi32>], vector<16xf32>,
        %get3A_838 = arith.index_cast %add3A_792 : i32 to index
        %get3A_839 = arith.constant 16 : index
        %get3A_840 = tpu.vector_load %arg6[%get3A_838, %get3A_839] {strides = array<i32>} : memref<512x32xf32, #tpu.memory_space<vmem>>, vector<16xf32>,
        tpu.vector_store_idx %arg8[%broadcast_in_dim3A_817, %add3A_57, %select_n3A_77, %broadcast_in_dim3A_834], %get3A_840 : memref<4x4x8x129xf32, #tpu.memory_space<vmem>>[vector<16xi32>, vector<16xi32>, vector<16xi32>, vector<16xi32>], vector<16xf32>,
        %mul3A_841 = arith.constant 8 : i32
        %mul3A_842 = arith.muli %scan3A_478, %mul3A_841 : i32
        %add3A_843 = arith.constant 7 : i32
        %add3A_844 = arith.addi %mul3A_842, %add3A_843 : i32
        %jit3A_845 = arith.constant 128 : i32
        %div3A_846 = arith.divsi %add3A_844, %jit3A_845 : i32
        %sign3A_847 = arith.constant 0 : i32
        %sign3A_848 = arith.cmpi sgt, %add3A_844, %sign3A_847 : i32
        %sign3A_849 = arith.extui %sign3A_848 : i1 to i32
        %sign3A_850 = arith.constant 0 : i32
        %sign3A_851 = arith.cmpi slt, %add3A_844, %sign3A_850 : i32
        %sign3A_852 = arith.extui %sign3A_851 : i1 to i32
        %sign3A_853 = arith.subi %sign3A_849, %sign3A_852 : i32
        %sign3A_854 = arith.constant 0 : i32
        %sign3A_855 = arith.cmpi sgt, %jit3A_845, %sign3A_854 : i32
        %sign3A_856 = arith.extui %sign3A_855 : i1 to i32
        %sign3A_857 = arith.constant 0 : i32
        %sign3A_858 = arith.cmpi slt, %jit3A_845, %sign3A_857 : i32
        %sign3A_859 = arith.extui %sign3A_858 : i1 to i32
        %sign3A_860 = arith.subi %sign3A_856, %sign3A_859 : i32
        %ne3A_861 = arith.cmpi ne, %sign3A_853, %sign3A_860 : i32
        %rem3A_862 = arith.remsi %add3A_844, %jit3A_845 : i32
        %ne3A_863 = arith.constant 0 : i32
        %ne3A_864 = arith.cmpi ne, %rem3A_862, %ne3A_863 : i32
        %and3A_865 = arith.andi %ne3A_861, %ne3A_864 : i1
        %sub3A_866 = arith.constant 1 : i32
        %sub3A_867 = arith.subi %div3A_846, %sub3A_866 : i32
        %select_n3A_868 = arith.select %and3A_865, %sub3A_867, %div3A_846 : i32
        %broadcast_in_dim3A_869 = vector.broadcast %select_n3A_868 : i32 to vector<16xi32>
        %jit3A_870 = arith.constant 128 : i32
        %eq3A_871 = arith.constant 0 : i32
        %eq3A_872 = arith.cmpi eq, %jit3A_870, %eq3A_871 : i32
        %jit3A_873 = arith.constant 1 : i32
        %select_n3A_874 = arith.select %eq3A_872, %jit3A_873, %jit3A_870 : i32
        %rem3A_875 = arith.remsi %add3A_844, %select_n3A_874 : i32
        %ne3A_876 = arith.constant 0 : i32
        %ne3A_877 = arith.cmpi ne, %rem3A_875, %ne3A_876 : i32
        %lt3A_878 = arith.constant 0 : i32
        %lt3A_879 = arith.cmpi slt, %rem3A_875, %lt3A_878 : i32
        %lt3A_880 = arith.constant 0 : i32
        %lt3A_881 = arith.cmpi slt, %select_n3A_874, %lt3A_880 : i32
        %ne3A_882 = arith.xori %lt3A_879, %lt3A_881 : i1
        %and3A_883 = arith.andi %ne3A_882, %ne3A_877 : i1
        %add3A_884 = arith.addi %rem3A_875, %select_n3A_874 : i32
        %select_n3A_885 = arith.select %and3A_883, %add3A_884, %rem3A_875 : i32
        %broadcast_in_dim3A_886 = vector.broadcast %select_n3A_885 : i32 to vector<16xi32>
        %get3A_887 = arith.index_cast %add3A_844 : i32 to index
        %get3A_888 = arith.constant 0 : index
        %get3A_889 = tpu.vector_load %arg6[%get3A_887, %get3A_888] {strides = array<i32>} : memref<512x32xf32, #tpu.memory_space<vmem>>, vector<16xf32>,
        tpu.vector_store_idx %arg8[%broadcast_in_dim3A_869, %select_n3A, %select_n3A_77, %broadcast_in_dim3A_886], %get3A_889 : memref<4x4x8x129xf32, #tpu.memory_space<vmem>>[vector<16xi32>, vector<16xi32>, vector<16xi32>, vector<16xi32>], vector<16xf32>,
        %get3A_890 = arith.index_cast %add3A_844 : i32 to index
        %get3A_891 = arith.constant 16 : index
        %get3A_892 = tpu.vector_load %arg6[%get3A_890, %get3A_891] {strides = array<i32>} : memref<512x32xf32, #tpu.memory_space<vmem>>, vector<16xf32>,
        tpu.vector_store_idx %arg8[%broadcast_in_dim3A_869, %add3A_57, %select_n3A_77, %broadcast_in_dim3A_886], %get3A_892 : memref<4x4x8x129xf32, #tpu.memory_space<vmem>>[vector<16xi32>, vector<16xi32>, vector<16xi32>, vector<16xi32>], vector<16xf32>,
      }
      %scan3A_377 = arith.constant 64 : i32
      %mul3A_378 = arith.constant 4 : i32
      %mul3A_379 = arith.muli %add3A_341, %mul3A_378 : i32
      %dma_start3A_380 = arith.constant 0 : i32
      %dma_start3A_381 = arith.constant 0 : i32
      %dma_start3A_382 = arith.constant 0 : i32
      %dma_start3A_383 = arith.constant 0 : i32
      %dma_start3A_384 = tpu.memref_slice %arg8[%dma_start3A_380, %dma_start3A_381, %dma_start3A_382, %dma_start3A_383] : memref<4x4x8x129xf32, #tpu.memory_space<vmem>> -> memref<4x4x8x128xf32, #tpu.memory_space<vmem>>
      %dma_start3A_385 = arith.constant 0 : i32
      %dma_start3A_386 = arith.constant 0 : i32
      %dma_start3A_387 = arith.constant 0 : i32
      %dma_start3A_388 = tpu.memref_slice %arg4[%mul3A_379, %dma_start3A_385, %add3A, %dma_start3A_386, %dma_start3A_387] : memref<200x4x32x8x128xf32, #tpu.memory_space<hbm>> -> memref<4x4x1x8x128xf32, #tpu.memory_space<hbm>>
      %dma_start3A_389 = tpu.memref_squeeze %dma_start3A_388 : memref<4x4x1x8x128xf32, #tpu.memory_space<hbm>> -> memref<4x4x8x128xf32, #tpu.memory_space<hbm>>
      %dma_start3A_390 = arith.constant 0 : i32
      %dma_start3A_391 = arith.constant 0 : i32
      %dma_start3A_392 = arith.constant 0 : i32
      %dma_start3A_393 = tpu.memref_slice %arg4[%mul3A_379, %dma_start3A_390, %add3A, %dma_start3A_391, %dma_start3A_392] : memref<200x4x32x8x128xf32, #tpu.memory_space<hbm>> -> memref<4x4x1x8x128xf32, #tpu.memory_space<hbm>>
      %dma_start3A_394 = tpu.memref_squeeze %dma_start3A_393 : memref<4x4x1x8x128xf32, #tpu.memory_space<hbm>> -> memref<4x4x8x128xf32, #tpu.memory_space<hbm>>
      %dma_start3A_395 = arith.constant 0 : i32
      %dma_start3A_396 = arith.constant 0 : i32
      %dma_start3A_397 = arith.constant 0 : i32
      %dma_start3A_398 = arith.constant 0 : i32
      %dma_start3A_399 = tpu.memref_slice %arg8[%dma_start3A_395, %dma_start3A_396, %dma_start3A_397, %dma_start3A_398] : memref<4x4x8x129xf32, #tpu.memory_space<vmem>> -> memref<4x4x8x128xf32, #tpu.memory_space<vmem>>
      tpu.enqueue_dma source(%dma_start3A_399 : memref<4x4x8x128xf32, #tpu.memory_space<vmem>>) target(%dma_start3A_394 : memref<4x4x8x128xf32, #tpu.memory_space<hbm>>) target_semaphore(%arg11 : memref<!tpu.dma_semaphore, #tpu.memory_space<semaphore_mem>>)
      %add3A_400 = arith.constant 2 : i32
      %add3A_401 = arith.addi %add3A_341, %add3A_400 : i32
      %dma_start3A_402 = arith.constant 0 : i32
      %dma_start3A_403 = tpu.memref_slice %arg5[%add3A_401, %dma_start3A_402] : memref<50x512xi32, #tpu.memory_space<vmem>> -> memref<1x512xi32, #tpu.memory_space<vmem>>
      %dma_start3A_404 = tpu.memref_squeeze %dma_start3A_403 : memref<1x512xi32, #tpu.memory_space<vmem>> -> memref<512xi32, #tpu.memory_space<vmem>>
      %dma_start3A_405 = arith.constant 0 : i32
      %dma_start3A_406 = arith.constant 0 : i32
      %dma_start3A_407 = tpu.memref_slice %arg3[%dma_start3A_405, %dma_start3A_406] : memref<1000000x32xf32, #tpu.memory_space<hbm>> -> memref<1000000x32xf32, #tpu.memory_space<hbm>>
      tpu.enqueue_indirect_dma source(%dma_start3A_407 : memref<1000000x32xf32, #tpu.memory_space<hbm>>) target(%arg6 : memref<512x32xf32, #tpu.memory_space<vmem>>) offsets(%dma_start3A_404 : memref<512xi32, #tpu.memory_space<vmem>>) semaphore(%arg10 : memref<!tpu.dma_semaphore, #tpu.memory_space<semaphore_mem>>)
      %mul3A_408 = arith.constant 2 : i32
      %mul3A_409 = arith.muli %scan3A_337, %mul3A_408 : i32
      %add3A_410 = arith.constant 1 : i32
      %add3A_411 = arith.addi %mul3A_409, %add3A_410 : i32
      %dma_wait3A_412 = arith.constant 0 : i32
      %dma_wait3A_413 = tpu.memref_slice %arg5[%add3A_411, %dma_wait3A_412] : memref<50x512xi32, #tpu.memory_space<vmem>> -> memref<1x512xi32, #tpu.memory_space<vmem>>
      %dma_wait3A_414 = tpu.memref_squeeze %dma_wait3A_413 : memref<1x512xi32, #tpu.memory_space<vmem>> -> memref<512xi32, #tpu.memory_space<vmem>>
      %dma_wait3A_415 = arith.constant 0 : i32
      %dma_wait3A_416 = arith.constant 0 : i32
      %dma_wait3A_417 = tpu.memref_slice %arg3[%dma_wait3A_415, %dma_wait3A_416] : memref<1000000x32xf32, #tpu.memory_space<hbm>> -> memref<1000000x32xf32, #tpu.memory_space<hbm>>
      tpu.wait_indirect_dma semaphore(%arg10 : memref<!tpu.dma_semaphore, #tpu.memory_space<semaphore_mem>>) src(%dma_wait3A_417 : memref<1000000x32xf32, #tpu.memory_space<hbm>>) dst(%arg7 : memref<512x32xf32, #tpu.memory_space<vmem>>)
      %sub3A_418 = arith.constant 2 : i32
      %sub3A_419 = arith.subi %add3A_411, %sub3A_418 : i32
      %mul3A_420 = arith.constant 4 : i32
      %mul3A_421 = arith.muli %sub3A_419, %mul3A_420 : i32
      %dma_wait3A_422 = arith.constant 0 : i32
      %dma_wait3A_423 = arith.constant 0 : i32
      %dma_wait3A_424 = arith.constant 0 : i32
      %dma_wait3A_425 = arith.constant 0 : i32
      %dma_wait3A_426 = tpu.memref_slice %arg9[%dma_wait3A_422, %dma_wait3A_423, %dma_wait3A_424, %dma_wait3A_425] : memref<4x4x8x129xf32, #tpu.memory_space<vmem>> -> memref<4x4x8x128xf32, #tpu.memory_space<vmem>>
      %dma_wait3A_427 = arith.constant 0 : i32
      %dma_wait3A_428 = arith.constant 0 : i32
      %dma_wait3A_429 = arith.constant 0 : i32
      %dma_wait3A_430 = tpu.memref_slice %arg4[%mul3A_421, %dma_wait3A_427, %add3A, %dma_wait3A_428, %dma_wait3A_429] : memref<200x4x32x8x128xf32, #tpu.memory_space<hbm>> -> memref<4x4x1x8x128xf32, #tpu.memory_space<hbm>>
      %dma_wait3A_431 = tpu.memref_squeeze %dma_wait3A_430 : memref<4x4x1x8x128xf32, #tpu.memory_space<hbm>> -> memref<4x4x8x128xf32, #tpu.memory_space<hbm>>
      %dma_wait3A_432 = arith.constant 0 : i32
      %dma_wait3A_433 = arith.constant 0 : i32
      %dma_wait3A_434 = arith.constant 0 : i32
      %dma_wait3A_435 = tpu.memref_slice %arg4[%mul3A_421, %dma_wait3A_432, %add3A, %dma_wait3A_433, %dma_wait3A_434] : memref<200x4x32x8x128xf32, #tpu.memory_space<hbm>> -> memref<4x4x1x8x128xf32, #tpu.memory_space<hbm>>
      %dma_wait3A_436 = tpu.memref_squeeze %dma_wait3A_435 : memref<4x4x1x8x128xf32, #tpu.memory_space<hbm>> -> memref<4x4x8x128xf32, #tpu.memory_space<hbm>>
      %dma_wait3A_437 = arith.constant 0 : i32
      %dma_wait3A_438 = arith.constant 0 : i32
      %dma_wait3A_439 = arith.constant 0 : i32
      %dma_wait3A_440 = arith.constant 0 : i32
      %dma_wait3A_441 = tpu.memref_slice %arg9[%dma_wait3A_437, %dma_wait3A_438, %dma_wait3A_439, %dma_wait3A_440] : memref<4x4x8x129xf32, #tpu.memory_space<vmem>> -> memref<4x4x8x128xf32, #tpu.memory_space<vmem>>
      tpu.wait_dma2 semaphore(%arg11 : memref<!tpu.dma_semaphore, #tpu.memory_space<semaphore_mem>>) src(%dma_wait3A_441 : memref<4x4x8x128xf32, #tpu.memory_space<vmem>>) dst(%dma_wait3A_436 : memref<4x4x8x128xf32, #tpu.memory_space<hbm>>)
      %scan3A_442 = arith.constant 0 : i32
      %scan3A_443 = arith.constant 0 : i32
      %scan3A_444 = arith.constant 64 : i32
      %scan3A_445 = arith.addi %scan3A_443, %scan3A_444 : i32
      %scan3A_446 = arith.constant 1 : i32
      scf.for %scan3A_478 = %scan3A_443 to %scan3A_445 step %scan3A_446  : i32 {
        %mul3A_479 = arith.constant 8 : i32
        %mul3A_480 = arith.muli %scan3A_478, %mul3A_479 : i32
        %add3A_481 = arith.constant 0 : i32
        %add3A_482 = arith.addi %mul3A_480, %add3A_481 : i32
        %jit3A_483 = arith.constant 128 : i32
        %div3A_484 = arith.divsi %add3A_482, %jit3A_483 : i32
        %sign3A_485 = arith.constant 0 : i32
        %sign3A_486 = arith.cmpi sgt, %add3A_482, %sign3A_485 : i32
        %sign3A_487 = arith.extui %sign3A_486 : i1 to i32
        %sign3A_488 = arith.constant 0 : i32
        %sign3A_489 = arith.cmpi slt, %add3A_482, %sign3A_488 : i32
        %sign3A_490 = arith.extui %sign3A_489 : i1 to i32
        %sign3A_491 = arith.subi %sign3A_487, %sign3A_490 : i32
        %sign3A_492 = arith.constant 0 : i32
        %sign3A_493 = arith.cmpi sgt, %jit3A_483, %sign3A_492 : i32
        %sign3A_494 = arith.extui %sign3A_493 : i1 to i32
        %sign3A_495 = arith.constant 0 : i32
        %sign3A_496 = arith.cmpi slt, %jit3A_483, %sign3A_495 : i32
        %sign3A_497 = arith.extui %sign3A_496 : i1 to i32
        %sign3A_498 = arith.subi %sign3A_494, %sign3A_497 : i32
        %ne3A_499 = arith.cmpi ne, %sign3A_491, %sign3A_498 : i32
        %rem3A_500 = arith.remsi %add3A_482, %jit3A_483 : i32
        %ne3A_501 = arith.constant 0 : i32
        %ne3A_502 = arith.cmpi ne, %rem3A_500, %ne3A_501 : i32
        %and3A_503 = arith.andi %ne3A_499, %ne3A_502 : i1
        %sub3A_504 = arith.constant 1 : i32
        %sub3A_505 = arith.subi %div3A_484, %sub3A_504 : i32
        %select_n3A_506 = arith.select %and3A_503, %sub3A_505, %div3A_484 : i32
        %broadcast_in_dim3A = vector.broadcast %select_n3A_506 : i32 to vector<16xi32>
        %jit3A_507 = arith.constant 128 : i32
        %eq3A_508 = arith.constant 0 : i32
        %eq3A_509 = arith.cmpi eq, %jit3A_507, %eq3A_508 : i32
        %jit3A_510 = arith.constant 1 : i32
        %select_n3A_511 = arith.select %eq3A_509, %jit3A_510, %jit3A_507 : i32
        %rem3A_512 = arith.remsi %add3A_482, %select_n3A_511 : i32
        %ne3A_513 = arith.constant 0 : i32
        %ne3A_514 = arith.cmpi ne, %rem3A_512, %ne3A_513 : i32
        %lt3A_515 = arith.constant 0 : i32
        %lt3A_516 = arith.cmpi slt, %rem3A_512, %lt3A_515 : i32
        %lt3A_517 = arith.constant 0 : i32
        %lt3A_518 = arith.cmpi slt, %select_n3A_511, %lt3A_517 : i32
        %ne3A_519 = arith.xori %lt3A_516, %lt3A_518 : i1
        %and3A_520 = arith.andi %ne3A_519, %ne3A_514 : i1
        %add3A_521 = arith.addi %rem3A_512, %select_n3A_511 : i32
        %select_n3A_522 = arith.select %and3A_520, %add3A_521, %rem3A_512 : i32
        %broadcast_in_dim3A_523 = vector.broadcast %select_n3A_522 : i32 to vector<16xi32>
        %get3A = arith.index_cast %add3A_482 : i32 to index
        %get3A_524 = arith.constant 0 : index
        %get3A_525 = tpu.vector_load %arg7[%get3A, %get3A_524] {strides = array<i32>} : memref<512x32xf32, #tpu.memory_space<vmem>>, vector<16xf32>,
        tpu.vector_store_idx %arg9[%broadcast_in_dim3A, %select_n3A, %select_n3A_77, %broadcast_in_dim3A_523], %get3A_525 : memref<4x4x8x129xf32, #tpu.memory_space<vmem>>[vector<16xi32>, vector<16xi32>, vector<16xi32>, vector<16xi32>], vector<16xf32>,
        %get3A_526 = arith.index_cast %add3A_482 : i32 to index
        %get3A_527 = arith.constant 16 : index
        %get3A_528 = tpu.vector_load %arg7[%get3A_526, %get3A_527] {strides = array<i32>} : memref<512x32xf32, #tpu.memory_space<vmem>>, vector<16xf32>,
        tpu.vector_store_idx %arg9[%broadcast_in_dim3A, %add3A_57, %select_n3A_77, %broadcast_in_dim3A_523], %get3A_528 : memref<4x4x8x129xf32, #tpu.memory_space<vmem>>[vector<16xi32>, vector<16xi32>, vector<16xi32>, vector<16xi32>], vector<16xf32>,
        %mul3A_529 = arith.constant 8 : i32
        %mul3A_530 = arith.muli %scan3A_478, %mul3A_529 : i32
        %add3A_531 = arith.constant 1 : i32
        %add3A_532 = arith.addi %mul3A_530, %add3A_531 : i32
        %jit3A_533 = arith.constant 128 : i32
        %div3A_534 = arith.divsi %add3A_532, %jit3A_533 : i32
        %sign3A_535 = arith.constant 0 : i32
        %sign3A_536 = arith.cmpi sgt, %add3A_532, %sign3A_535 : i32
        %sign3A_537 = arith.extui %sign3A_536 : i1 to i32
        %sign3A_538 = arith.constant 0 : i32
        %sign3A_539 = arith.cmpi slt, %add3A_532, %sign3A_538 : i32
        %sign3A_540 = arith.extui %sign3A_539 : i1 to i32
        %sign3A_541 = arith.subi %sign3A_537, %sign3A_540 : i32
        %sign3A_542 = arith.constant 0 : i32
        %sign3A_543 = arith.cmpi sgt, %jit3A_533, %sign3A_542 : i32
        %sign3A_544 = arith.extui %sign3A_543 : i1 to i32
        %sign3A_545 = arith.constant 0 : i32
        %sign3A_546 = arith.cmpi slt, %jit3A_533, %sign3A_545 : i32
        %sign3A_547 = arith.extui %sign3A_546 : i1 to i32
        %sign3A_548 = arith.subi %sign3A_544, %sign3A_547 : i32
        %ne3A_549 = arith.cmpi ne, %sign3A_541, %sign3A_548 : i32
        %rem3A_550 = arith.remsi %add3A_532, %jit3A_533 : i32
        %ne3A_551 = arith.constant 0 : i32
        %ne3A_552 = arith.cmpi ne, %rem3A_550, %ne3A_551 : i32
        %and3A_553 = arith.andi %ne3A_549, %ne3A_552 : i1
        %sub3A_554 = arith.constant 1 : i32
        %sub3A_555 = arith.subi %div3A_534, %sub3A_554 : i32
        %select_n3A_556 = arith.select %and3A_553, %sub3A_555, %div3A_534 : i32
        %broadcast_in_dim3A_557 = vector.broadcast %select_n3A_556 : i32 to vector<16xi32>
        %jit3A_558 = arith.constant 128 : i32
        %eq3A_559 = arith.constant 0 : i32
        %eq3A_560 = arith.cmpi eq, %jit3A_558, %eq3A_559 : i32
        %jit3A_561 = arith.constant 1 : i32
        %select_n3A_562 = arith.select %eq3A_560, %jit3A_561, %jit3A_558 : i32
        %rem3A_563 = arith.remsi %add3A_532, %select_n3A_562 : i32
        %ne3A_564 = arith.constant 0 : i32
        %ne3A_565 = arith.cmpi ne, %rem3A_563, %ne3A_564 : i32
        %lt3A_566 = arith.constant 0 : i32
        %lt3A_567 = arith.cmpi slt, %rem3A_563, %lt3A_566 : i32
        %lt3A_568 = arith.constant 0 : i32
        %lt3A_569 = arith.cmpi slt, %select_n3A_562, %lt3A_568 : i32
        %ne3A_570 = arith.xori %lt3A_567, %lt3A_569 : i1
        %and3A_571 = arith.andi %ne3A_570, %ne3A_565 : i1
        %add3A_572 = arith.addi %rem3A_563, %select_n3A_562 : i32
        %select_n3A_573 = arith.select %and3A_571, %add3A_572, %rem3A_563 : i32
        %broadcast_in_dim3A_574 = vector.broadcast %select_n3A_573 : i32 to vector<16xi32>
        %get3A_575 = arith.index_cast %add3A_532 : i32 to index
        %get3A_576 = arith.constant 0 : index
        %get3A_577 = tpu.vector_load %arg7[%get3A_575, %get3A_576] {strides = array<i32>} : memref<512x32xf32, #tpu.memory_space<vmem>>, vector<16xf32>,
        tpu.vector_store_idx %arg9[%broadcast_in_dim3A_557, %select_n3A, %select_n3A_77, %broadcast_in_dim3A_574], %get3A_577 : memref<4x4x8x129xf32, #tpu.memory_space<vmem>>[vector<16xi32>, vector<16xi32>, vector<16xi32>, vector<16xi32>], vector<16xf32>,
        %get3A_578 = arith.index_cast %add3A_532 : i32 to index
        %get3A_579 = arith.constant 16 : index
        %get3A_580 = tpu.vector_load %arg7[%get3A_578, %get3A_579] {strides = array<i32>} : memref<512x32xf32, #tpu.memory_space<vmem>>, vector<16xf32>,
        tpu.vector_store_idx %arg9[%broadcast_in_dim3A_557, %add3A_57, %select_n3A_77, %broadcast_in_dim3A_574], %get3A_580 : memref<4x4x8x129xf32, #tpu.memory_space<vmem>>[vector<16xi32>, vector<16xi32>, vector<16xi32>, vector<16xi32>], vector<16xf32>,
        %mul3A_581 = arith.constant 8 : i32
        %mul3A_582 = arith.muli %scan3A_478, %mul3A_581 : i32
        %add3A_583 = arith.constant 2 : i32
        %add3A_584 = arith.addi %mul3A_582, %add3A_583 : i32
        %jit3A_585 = arith.constant 128 : i32
        %div3A_586 = arith.divsi %add3A_584, %jit3A_585 : i32
        %sign3A_587 = arith.constant 0 : i32
        %sign3A_588 = arith.cmpi sgt, %add3A_584, %sign3A_587 : i32
        %sign3A_589 = arith.extui %sign3A_588 : i1 to i32
        %sign3A_590 = arith.constant 0 : i32
        %sign3A_591 = arith.cmpi slt, %add3A_584, %sign3A_590 : i32
        %sign3A_592 = arith.extui %sign3A_591 : i1 to i32
        %sign3A_593 = arith.subi %sign3A_589, %sign3A_592 : i32
        %sign3A_594 = arith.constant 0 : i32
        %sign3A_595 = arith.cmpi sgt, %jit3A_585, %sign3A_594 : i32
        %sign3A_596 = arith.extui %sign3A_595 : i1 to i32
        %sign3A_597 = arith.constant 0 : i32
        %sign3A_598 = arith.cmpi slt, %jit3A_585, %sign3A_597 : i32
        %sign3A_599 = arith.extui %sign3A_598 : i1 to i32
        %sign3A_600 = arith.subi %sign3A_596, %sign3A_599 : i32
        %ne3A_601 = arith.cmpi ne, %sign3A_593, %sign3A_600 : i32
        %rem3A_602 = arith.remsi %add3A_584, %jit3A_585 : i32
        %ne3A_603 = arith.constant 0 : i32
        %ne3A_604 = arith.cmpi ne, %rem3A_602, %ne3A_603 : i32
        %and3A_605 = arith.andi %ne3A_601, %ne3A_604 : i1
        %sub3A_606 = arith.constant 1 : i32
        %sub3A_607 = arith.subi %div3A_586, %sub3A_606 : i32
        %select_n3A_608 = arith.select %and3A_605, %sub3A_607, %div3A_586 : i32
        %broadcast_in_dim3A_609 = vector.broadcast %select_n3A_608 : i32 to vector<16xi32>
        %jit3A_610 = arith.constant 128 : i32
        %eq3A_611 = arith.constant 0 : i32
        %eq3A_612 = arith.cmpi eq, %jit3A_610, %eq3A_611 : i32
        %jit3A_613 = arith.constant 1 : i32
        %select_n3A_614 = arith.select %eq3A_612, %jit3A_613, %jit3A_610 : i32
        %rem3A_615 = arith.remsi %add3A_584, %select_n3A_614 : i32
        %ne3A_616 = arith.constant 0 : i32
        %ne3A_617 = arith.cmpi ne, %rem3A_615, %ne3A_616 : i32
        %lt3A_618 = arith.constant 0 : i32
        %lt3A_619 = arith.cmpi slt, %rem3A_615, %lt3A_618 : i32
        %lt3A_620 = arith.constant 0 : i32
        %lt3A_621 = arith.cmpi slt, %select_n3A_614, %lt3A_620 : i32
        %ne3A_622 = arith.xori %lt3A_619, %lt3A_621 : i1
        %and3A_623 = arith.andi %ne3A_622, %ne3A_617 : i1
        %add3A_624 = arith.addi %rem3A_615, %select_n3A_614 : i32
        %select_n3A_625 = arith.select %and3A_623, %add3A_624, %rem3A_615 : i32
        %broadcast_in_dim3A_626 = vector.broadcast %select_n3A_625 : i32 to vector<16xi32>
        %get3A_627 = arith.index_cast %add3A_584 : i32 to index
        %get3A_628 = arith.constant 0 : index
        %get3A_629 = tpu.vector_load %arg7[%get3A_627, %get3A_628] {strides = array<i32>} : memref<512x32xf32, #tpu.memory_space<vmem>>, vector<16xf32>,
        tpu.vector_store_idx %arg9[%broadcast_in_dim3A_609, %select_n3A, %select_n3A_77, %broadcast_in_dim3A_626], %get3A_629 : memref<4x4x8x129xf32, #tpu.memory_space<vmem>>[vector<16xi32>, vector<16xi32>, vector<16xi32>, vector<16xi32>], vector<16xf32>,
        %get3A_630 = arith.index_cast %add3A_584 : i32 to index
        %get3A_631 = arith.constant 16 : index
        %get3A_632 = tpu.vector_load %arg7[%get3A_630, %get3A_631] {strides = array<i32>} : memref<512x32xf32, #tpu.memory_space<vmem>>, vector<16xf32>,
        tpu.vector_store_idx %arg9[%broadcast_in_dim3A_609, %add3A_57, %select_n3A_77, %broadcast_in_dim3A_626], %get3A_632 : memref<4x4x8x129xf32, #tpu.memory_space<vmem>>[vector<16xi32>, vector<16xi32>, vector<16xi32>, vector<16xi32>], vector<16xf32>,
        %mul3A_633 = arith.constant 8 : i32
        %mul3A_634 = arith.muli %scan3A_478, %mul3A_633 : i32
        %add3A_635 = arith.constant 3 : i32
        %add3A_636 = arith.addi %mul3A_634, %add3A_635 : i32
        %jit3A_637 = arith.constant 128 : i32
        %div3A_638 = arith.divsi %add3A_636, %jit3A_637 : i32
        %sign3A_639 = arith.constant 0 : i32
        %sign3A_640 = arith.cmpi sgt, %add3A_636, %sign3A_639 : i32
        %sign3A_641 = arith.extui %sign3A_640 : i1 to i32
        %sign3A_642 = arith.constant 0 : i32
        %sign3A_643 = arith.cmpi slt, %add3A_636, %sign3A_642 : i32
        %sign3A_644 = arith.extui %sign3A_643 : i1 to i32
        %sign3A_645 = arith.subi %sign3A_641, %sign3A_644 : i32
        %sign3A_646 = arith.constant 0 : i32
        %sign3A_647 = arith.cmpi sgt, %jit3A_637, %sign3A_646 : i32
        %sign3A_648 = arith.extui %sign3A_647 : i1 to i32
        %sign3A_649 = arith.constant 0 : i32
        %sign3A_650 = arith.cmpi slt, %jit3A_637, %sign3A_649 : i32
        %sign3A_651 = arith.extui %sign3A_650 : i1 to i32
        %sign3A_652 = arith.subi %sign3A_648, %sign3A_651 : i32
        %ne3A_653 = arith.cmpi ne, %sign3A_645, %sign3A_652 : i32
        %rem3A_654 = arith.remsi %add3A_636, %jit3A_637 : i32
        %ne3A_655 = arith.constant 0 : i32
        %ne3A_656 = arith.cmpi ne, %rem3A_654, %ne3A_655 : i32
        %and3A_657 = arith.andi %ne3A_653, %ne3A_656 : i1
        %sub3A_658 = arith.constant 1 : i32
        %sub3A_659 = arith.subi %div3A_638, %sub3A_658 : i32
        %select_n3A_660 = arith.select %and3A_657, %sub3A_659, %div3A_638 : i32
        %broadcast_in_dim3A_661 = vector.broadcast %select_n3A_660 : i32 to vector<16xi32>
        %jit3A_662 = arith.constant 128 : i32
        %eq3A_663 = arith.constant 0 : i32
        %eq3A_664 = arith.cmpi eq, %jit3A_662, %eq3A_663 : i32
        %jit3A_665 = arith.constant 1 : i32
        %select_n3A_666 = arith.select %eq3A_664, %jit3A_665, %jit3A_662 : i32
        %rem3A_667 = arith.remsi %add3A_636, %select_n3A_666 : i32
        %ne3A_668 = arith.constant 0 : i32
        %ne3A_669 = arith.cmpi ne, %rem3A_667, %ne3A_668 : i32
        %lt3A_670 = arith.constant 0 : i32
        %lt3A_671 = arith.cmpi slt, %rem3A_667, %lt3A_670 : i32
        %lt3A_672 = arith.constant 0 : i32
        %lt3A_673 = arith.cmpi slt, %select_n3A_666, %lt3A_672 : i32
        %ne3A_674 = arith.xori %lt3A_671, %lt3A_673 : i1
        %and3A_675 = arith.andi %ne3A_674, %ne3A_669 : i1
        %add3A_676 = arith.addi %rem3A_667, %select_n3A_666 : i32
        %select_n3A_677 = arith.select %and3A_675, %add3A_676, %rem3A_667 : i32
        %broadcast_in_dim3A_678 = vector.broadcast %select_n3A_677 : i32 to vector<16xi32>
        %get3A_679 = arith.index_cast %add3A_636 : i32 to index
        %get3A_680 = arith.constant 0 : index
        %get3A_681 = tpu.vector_load %arg7[%get3A_679, %get3A_680] {strides = array<i32>} : memref<512x32xf32, #tpu.memory_space<vmem>>, vector<16xf32>,
        tpu.vector_store_idx %arg9[%broadcast_in_dim3A_661, %select_n3A, %select_n3A_77, %broadcast_in_dim3A_678], %get3A_681 : memref<4x4x8x129xf32, #tpu.memory_space<vmem>>[vector<16xi32>, vector<16xi32>, vector<16xi32>, vector<16xi32>], vector<16xf32>,
        %get3A_682 = arith.index_cast %add3A_636 : i32 to index
        %get3A_683 = arith.constant 16 : index
        %get3A_684 = tpu.vector_load %arg7[%get3A_682, %get3A_683] {strides = array<i32>} : memref<512x32xf32, #tpu.memory_space<vmem>>, vector<16xf32>,
        tpu.vector_store_idx %arg9[%broadcast_in_dim3A_661, %add3A_57, %select_n3A_77, %broadcast_in_dim3A_678], %get3A_684 : memref<4x4x8x129xf32, #tpu.memory_space<vmem>>[vector<16xi32>, vector<16xi32>, vector<16xi32>, vector<16xi32>], vector<16xf32>,
        %mul3A_685 = arith.constant 8 : i32
        %mul3A_686 = arith.muli %scan3A_478, %mul3A_685 : i32
        %add3A_687 = arith.constant 4 : i32
        %add3A_688 = arith.addi %mul3A_686, %add3A_687 : i32
        %jit3A_689 = arith.constant 128 : i32
        %div3A_690 = arith.divsi %add3A_688, %jit3A_689 : i32
        %sign3A_691 = arith.constant 0 : i32
        %sign3A_692 = arith.cmpi sgt, %add3A_688, %sign3A_691 : i32
        %sign3A_693 = arith.extui %sign3A_692 : i1 to i32
        %sign3A_694 = arith.constant 0 : i32
        %sign3A_695 = arith.cmpi slt, %add3A_688, %sign3A_694 : i32
        %sign3A_696 = arith.extui %sign3A_695 : i1 to i32
        %sign3A_697 = arith.subi %sign3A_693, %sign3A_696 : i32
        %sign3A_698 = arith.constant 0 : i32
        %sign3A_699 = arith.cmpi sgt, %jit3A_689, %sign3A_698 : i32
        %sign3A_700 = arith.extui %sign3A_699 : i1 to i32
        %sign3A_701 = arith.constant 0 : i32
        %sign3A_702 = arith.cmpi slt, %jit3A_689, %sign3A_701 : i32
        %sign3A_703 = arith.extui %sign3A_702 : i1 to i32
        %sign3A_704 = arith.subi %sign3A_700, %sign3A_703 : i32
        %ne3A_705 = arith.cmpi ne, %sign3A_697, %sign3A_704 : i32
        %rem3A_706 = arith.remsi %add3A_688, %jit3A_689 : i32
        %ne3A_707 = arith.constant 0 : i32
        %ne3A_708 = arith.cmpi ne, %rem3A_706, %ne3A_707 : i32
        %and3A_709 = arith.andi %ne3A_705, %ne3A_708 : i1
        %sub3A_710 = arith.constant 1 : i32
        %sub3A_711 = arith.subi %div3A_690, %sub3A_710 : i32
        %select_n3A_712 = arith.select %and3A_709, %sub3A_711, %div3A_690 : i32
        %broadcast_in_dim3A_713 = vector.broadcast %select_n3A_712 : i32 to vector<16xi32>
        %jit3A_714 = arith.constant 128 : i32
        %eq3A_715 = arith.constant 0 : i32
        %eq3A_716 = arith.cmpi eq, %jit3A_714, %eq3A_715 : i32
        %jit3A_717 = arith.constant 1 : i32
        %select_n3A_718 = arith.select %eq3A_716, %jit3A_717, %jit3A_714 : i32
        %rem3A_719 = arith.remsi %add3A_688, %select_n3A_718 : i32
        %ne3A_720 = arith.constant 0 : i32
        %ne3A_721 = arith.cmpi ne, %rem3A_719, %ne3A_720 : i32
        %lt3A_722 = arith.constant 0 : i32
        %lt3A_723 = arith.cmpi slt, %rem3A_719, %lt3A_722 : i32
        %lt3A_724 = arith.constant 0 : i32
        %lt3A_725 = arith.cmpi slt, %select_n3A_718, %lt3A_724 : i32
        %ne3A_726 = arith.xori %lt3A_723, %lt3A_725 : i1
        %and3A_727 = arith.andi %ne3A_726, %ne3A_721 : i1
        %add3A_728 = arith.addi %rem3A_719, %select_n3A_718 : i32
        %select_n3A_729 = arith.select %and3A_727, %add3A_728, %rem3A_719 : i32
        %broadcast_in_dim3A_730 = vector.broadcast %select_n3A_729 : i32 to vector<16xi32>
        %get3A_731 = arith.index_cast %add3A_688 : i32 to index
        %get3A_732 = arith.constant 0 : index
        %get3A_733 = tpu.vector_load %arg7[%get3A_731, %get3A_732] {strides = array<i32>} : memref<512x32xf32, #tpu.memory_space<vmem>>, vector<16xf32>,
        tpu.vector_store_idx %arg9[%broadcast_in_dim3A_713, %select_n3A, %select_n3A_77, %broadcast_in_dim3A_730], %get3A_733 : memref<4x4x8x129xf32, #tpu.memory_space<vmem>>[vector<16xi32>, vector<16xi32>, vector<16xi32>, vector<16xi32>], vector<16xf32>,
        %get3A_734 = arith.index_cast %add3A_688 : i32 to index
        %get3A_735 = arith.constant 16 : index
        %get3A_736 = tpu.vector_load %arg7[%get3A_734, %get3A_735] {strides = array<i32>} : memref<512x32xf32, #tpu.memory_space<vmem>>, vector<16xf32>,
        tpu.vector_store_idx %arg9[%broadcast_in_dim3A_713, %add3A_57, %select_n3A_77, %broadcast_in_dim3A_730], %get3A_736 : memref<4x4x8x129xf32, #tpu.memory_space<vmem>>[vector<16xi32>, vector<16xi32>, vector<16xi32>, vector<16xi32>], vector<16xf32>,
        %mul3A_737 = arith.constant 8 : i32
        %mul3A_738 = arith.muli %scan3A_478, %mul3A_737 : i32
        %add3A_739 = arith.constant 5 : i32
        %add3A_740 = arith.addi %mul3A_738, %add3A_739 : i32
        %jit3A_741 = arith.constant 128 : i32
        %div3A_742 = arith.divsi %add3A_740, %jit3A_741 : i32
        %sign3A_743 = arith.constant 0 : i32
        %sign3A_744 = arith.cmpi sgt, %add3A_740, %sign3A_743 : i32
        %sign3A_745 = arith.extui %sign3A_744 : i1 to i32
        %sign3A_746 = arith.constant 0 : i32
        %sign3A_747 = arith.cmpi slt, %add3A_740, %sign3A_746 : i32
        %sign3A_748 = arith.extui %sign3A_747 : i1 to i32
        %sign3A_749 = arith.subi %sign3A_745, %sign3A_748 : i32
        %sign3A_750 = arith.constant 0 : i32
        %sign3A_751 = arith.cmpi sgt, %jit3A_741, %sign3A_750 : i32
        %sign3A_752 = arith.extui %sign3A_751 : i1 to i32
        %sign3A_753 = arith.constant 0 : i32
        %sign3A_754 = arith.cmpi slt, %jit3A_741, %sign3A_753 : i32
        %sign3A_755 = arith.extui %sign3A_754 : i1 to i32
        %sign3A_756 = arith.subi %sign3A_752, %sign3A_755 : i32
        %ne3A_757 = arith.cmpi ne, %sign3A_749, %sign3A_756 : i32
        %rem3A_758 = arith.remsi %add3A_740, %jit3A_741 : i32
        %ne3A_759 = arith.constant 0 : i32
        %ne3A_760 = arith.cmpi ne, %rem3A_758, %ne3A_759 : i32
        %and3A_761 = arith.andi %ne3A_757, %ne3A_760 : i1
        %sub3A_762 = arith.constant 1 : i32
        %sub3A_763 = arith.subi %div3A_742, %sub3A_762 : i32
        %select_n3A_764 = arith.select %and3A_761, %sub3A_763, %div3A_742 : i32
        %broadcast_in_dim3A_765 = vector.broadcast %select_n3A_764 : i32 to vector<16xi32>
        %jit3A_766 = arith.constant 128 : i32
        %eq3A_767 = arith.constant 0 : i32
        %eq3A_768 = arith.cmpi eq, %jit3A_766, %eq3A_767 : i32
        %jit3A_769 = arith.constant 1 : i32
        %select_n3A_770 = arith.select %eq3A_768, %jit3A_769, %jit3A_766 : i32
        %rem3A_771 = arith.remsi %add3A_740, %select_n3A_770 : i32
        %ne3A_772 = arith.constant 0 : i32
        %ne3A_773 = arith.cmpi ne, %rem3A_771, %ne3A_772 : i32
        %lt3A_774 = arith.constant 0 : i32
        %lt3A_775 = arith.cmpi slt, %rem3A_771, %lt3A_774 : i32
        %lt3A_776 = arith.constant 0 : i32
        %lt3A_777 = arith.cmpi slt, %select_n3A_770, %lt3A_776 : i32
        %ne3A_778 = arith.xori %lt3A_775, %lt3A_777 : i1
        %and3A_779 = arith.andi %ne3A_778, %ne3A_773 : i1
        %add3A_780 = arith.addi %rem3A_771, %select_n3A_770 : i32
        %select_n3A_781 = arith.select %and3A_779, %add3A_780, %rem3A_771 : i32
        %broadcast_in_dim3A_782 = vector.broadcast %select_n3A_781 : i32 to vector<16xi32>
        %get3A_783 = arith.index_cast %add3A_740 : i32 to index
        %get3A_784 = arith.constant 0 : index
        %get3A_785 = tpu.vector_load %arg7[%get3A_783, %get3A_784] {strides = array<i32>} : memref<512x32xf32, #tpu.memory_space<vmem>>, vector<16xf32>,
        tpu.vector_store_idx %arg9[%broadcast_in_dim3A_765, %select_n3A, %select_n3A_77, %broadcast_in_dim3A_782], %get3A_785 : memref<4x4x8x129xf32, #tpu.memory_space<vmem>>[vector<16xi32>, vector<16xi32>, vector<16xi32>, vector<16xi32>], vector<16xf32>,
        %get3A_786 = arith.index_cast %add3A_740 : i32 to index
        %get3A_787 = arith.constant 16 : index
        %get3A_788 = tpu.vector_load %arg7[%get3A_786, %get3A_787] {strides = array<i32>} : memref<512x32xf32, #tpu.memory_space<vmem>>, vector<16xf32>,
        tpu.vector_store_idx %arg9[%broadcast_in_dim3A_765, %add3A_57, %select_n3A_77, %broadcast_in_dim3A_782], %get3A_788 : memref<4x4x8x129xf32, #tpu.memory_space<vmem>>[vector<16xi32>, vector<16xi32>, vector<16xi32>, vector<16xi32>], vector<16xf32>,
        %mul3A_789 = arith.constant 8 : i32
        %mul3A_790 = arith.muli %scan3A_478, %mul3A_789 : i32
        %add3A_791 = arith.constant 6 : i32
        %add3A_792 = arith.addi %mul3A_790, %add3A_791 : i32
        %jit3A_793 = arith.constant 128 : i32
        %div3A_794 = arith.divsi %add3A_792, %jit3A_793 : i32
        %sign3A_795 = arith.constant 0 : i32
        %sign3A_796 = arith.cmpi sgt, %add3A_792, %sign3A_795 : i32
        %sign3A_797 = arith.extui %sign3A_796 : i1 to i32
        %sign3A_798 = arith.constant 0 : i32
        %sign3A_799 = arith.cmpi slt, %add3A_792, %sign3A_798 : i32
        %sign3A_800 = arith.extui %sign3A_799 : i1 to i32
        %sign3A_801 = arith.subi %sign3A_797, %sign3A_800 : i32
        %sign3A_802 = arith.constant 0 : i32
        %sign3A_803 = arith.cmpi sgt, %jit3A_793, %sign3A_802 : i32
        %sign3A_804 = arith.extui %sign3A_803 : i1 to i32
        %sign3A_805 = arith.constant 0 : i32
        %sign3A_806 = arith.cmpi slt, %jit3A_793, %sign3A_805 : i32
        %sign3A_807 = arith.extui %sign3A_806 : i1 to i32
        %sign3A_808 = arith.subi %sign3A_804, %sign3A_807 : i32
        %ne3A_809 = arith.cmpi ne, %sign3A_801, %sign3A_808 : i32
        %rem3A_810 = arith.remsi %add3A_792, %jit3A_793 : i32
        %ne3A_811 = arith.constant 0 : i32
        %ne3A_812 = arith.cmpi ne, %rem3A_810, %ne3A_811 : i32
        %and3A_813 = arith.andi %ne3A_809, %ne3A_812 : i1
        %sub3A_814 = arith.constant 1 : i32
        %sub3A_815 = arith.subi %div3A_794, %sub3A_814 : i32
        %select_n3A_816 = arith.select %and3A_813, %sub3A_815, %div3A_794 : i32
        %broadcast_in_dim3A_817 = vector.broadcast %select_n3A_816 : i32 to vector<16xi32>
        %jit3A_818 = arith.constant 128 : i32
        %eq3A_819 = arith.constant 0 : i32
        %eq3A_820 = arith.cmpi eq, %jit3A_818, %eq3A_819 : i32
        %jit3A_821 = arith.constant 1 : i32
        %select_n3A_822 = arith.select %eq3A_820, %jit3A_821, %jit3A_818 : i32
        %rem3A_823 = arith.remsi %add3A_792, %select_n3A_822 : i32
        %ne3A_824 = arith.constant 0 : i32
        %ne3A_825 = arith.cmpi ne, %rem3A_823, %ne3A_824 : i32
        %lt3A_826 = arith.constant 0 : i32
        %lt3A_827 = arith.cmpi slt, %rem3A_823, %lt3A_826 : i32
        %lt3A_828 = arith.constant 0 : i32
        %lt3A_829 = arith.cmpi slt, %select_n3A_822, %lt3A_828 : i32
        %ne3A_830 = arith.xori %lt3A_827, %lt3A_829 : i1
        %and3A_831 = arith.andi %ne3A_830, %ne3A_825 : i1
        %add3A_832 = arith.addi %rem3A_823, %select_n3A_822 : i32
        %select_n3A_833 = arith.select %and3A_831, %add3A_832, %rem3A_823 : i32
        %broadcast_in_dim3A_834 = vector.broadcast %select_n3A_833 : i32 to vector<16xi32>
        %get3A_835 = arith.index_cast %add3A_792 : i32 to index
        %get3A_836 = arith.constant 0 : index
        %get3A_837 = tpu.vector_load %arg7[%get3A_835, %get3A_836] {strides = array<i32>} : memref<512x32xf32, #tpu.memory_space<vmem>>, vector<16xf32>,
        tpu.vector_store_idx %arg9[%broadcast_in_dim3A_817, %select_n3A, %select_n3A_77, %broadcast_in_dim3A_834], %get3A_837 : memref<4x4x8x129xf32, #tpu.memory_space<vmem>>[vector<16xi32>, vector<16xi32>, vector<16xi32>, vector<16xi32>], vector<16xf32>,
        %get3A_838 = arith.index_cast %add3A_792 : i32 to index
        %get3A_839 = arith.constant 16 : index
        %get3A_840 = tpu.vector_load %arg7[%get3A_838, %get3A_839] {strides = array<i32>} : memref<512x32xf32, #tpu.memory_space<vmem>>, vector<16xf32>,
        tpu.vector_store_idx %arg9[%broadcast_in_dim3A_817, %add3A_57, %select_n3A_77, %broadcast_in_dim3A_834], %get3A_840 : memref<4x4x8x129xf32, #tpu.memory_space<vmem>>[vector<16xi32>, vector<16xi32>, vector<16xi32>, vector<16xi32>], vector<16xf32>,
        %mul3A_841 = arith.constant 8 : i32
        %mul3A_842 = arith.muli %scan3A_478, %mul3A_841 : i32
        %add3A_843 = arith.constant 7 : i32
        %add3A_844 = arith.addi %mul3A_842, %add3A_843 : i32
        %jit3A_845 = arith.constant 128 : i32
        %div3A_846 = arith.divsi %add3A_844, %jit3A_845 : i32
        %sign3A_847 = arith.constant 0 : i32
        %sign3A_848 = arith.cmpi sgt, %add3A_844, %sign3A_847 : i32
        %sign3A_849 = arith.extui %sign3A_848 : i1 to i32
        %sign3A_850 = arith.constant 0 : i32
        %sign3A_851 = arith.cmpi slt, %add3A_844, %sign3A_850 : i32
        %sign3A_852 = arith.extui %sign3A_851 : i1 to i32
        %sign3A_853 = arith.subi %sign3A_849, %sign3A_852 : i32
        %sign3A_854 = arith.constant 0 : i32
        %sign3A_855 = arith.cmpi sgt, %jit3A_845, %sign3A_854 : i32
        %sign3A_856 = arith.extui %sign3A_855 : i1 to i32
        %sign3A_857 = arith.constant 0 : i32
        %sign3A_858 = arith.cmpi slt, %jit3A_845, %sign3A_857 : i32
        %sign3A_859 = arith.extui %sign3A_858 : i1 to i32
        %sign3A_860 = arith.subi %sign3A_856, %sign3A_859 : i32
        %ne3A_861 = arith.cmpi ne, %sign3A_853, %sign3A_860 : i32
        %rem3A_862 = arith.remsi %add3A_844, %jit3A_845 : i32
        %ne3A_863 = arith.constant 0 : i32
        %ne3A_864 = arith.cmpi ne, %rem3A_862, %ne3A_863 : i32
        %and3A_865 = arith.andi %ne3A_861, %ne3A_864 : i1
        %sub3A_866 = arith.constant 1 : i32
        %sub3A_867 = arith.subi %div3A_846, %sub3A_866 : i32
        %select_n3A_868 = arith.select %and3A_865, %sub3A_867, %div3A_846 : i32
        %broadcast_in_dim3A_869 = vector.broadcast %select_n3A_868 : i32 to vector<16xi32>
        %jit3A_870 = arith.constant 128 : i32
        %eq3A_871 = arith.constant 0 : i32
        %eq3A_872 = arith.cmpi eq, %jit3A_870, %eq3A_871 : i32
        %jit3A_873 = arith.constant 1 : i32
        %select_n3A_874 = arith.select %eq3A_872, %jit3A_873, %jit3A_870 : i32
        %rem3A_875 = arith.remsi %add3A_844, %select_n3A_874 : i32
        %ne3A_876 = arith.constant 0 : i32
        %ne3A_877 = arith.cmpi ne, %rem3A_875, %ne3A_876 : i32
        %lt3A_878 = arith.constant 0 : i32
        %lt3A_879 = arith.cmpi slt, %rem3A_875, %lt3A_878 : i32
        %lt3A_880 = arith.constant 0 : i32
        %lt3A_881 = arith.cmpi slt, %select_n3A_874, %lt3A_880 : i32
        %ne3A_882 = arith.xori %lt3A_879, %lt3A_881 : i1
        %and3A_883 = arith.andi %ne3A_882, %ne3A_877 : i1
        %add3A_884 = arith.addi %rem3A_875, %select_n3A_874 : i32
        %select_n3A_885 = arith.select %and3A_883, %add3A_884, %rem3A_875 : i32
        %broadcast_in_dim3A_886 = vector.broadcast %select_n3A_885 : i32 to vector<16xi32>
        %get3A_887 = arith.index_cast %add3A_844 : i32 to index
        %get3A_888 = arith.constant 0 : index
        %get3A_889 = tpu.vector_load %arg7[%get3A_887, %get3A_888] {strides = array<i32>} : memref<512x32xf32, #tpu.memory_space<vmem>>, vector<16xf32>,
        tpu.vector_store_idx %arg9[%broadcast_in_dim3A_869, %select_n3A, %select_n3A_77, %broadcast_in_dim3A_886], %get3A_889 : memref<4x4x8x129xf32, #tpu.memory_space<vmem>>[vector<16xi32>, vector<16xi32>, vector<16xi32>, vector<16xi32>], vector<16xf32>,
        %get3A_890 = arith.index_cast %add3A_844 : i32 to index
        %get3A_891 = arith.constant 16 : index
        %get3A_892 = tpu.vector_load %arg7[%get3A_890, %get3A_891] {strides = array<i32>} : memref<512x32xf32, #tpu.memory_space<vmem>>, vector<16xf32>,
        tpu.vector_store_idx %arg9[%broadcast_in_dim3A_869, %add3A_57, %select_n3A_77, %broadcast_in_dim3A_886], %get3A_892 : memref<4x4x8x129xf32, #tpu.memory_space<vmem>>[vector<16xi32>, vector<16xi32>, vector<16xi32>, vector<16xi32>], vector<16xf32>,
      }
      %scan3A_447 = arith.constant 64 : i32
      %mul3A_448 = arith.constant 4 : i32
      %mul3A_449 = arith.muli %add3A_411, %mul3A_448 : i32
      %dma_start3A_450 = arith.constant 0 : i32
      %dma_start3A_451 = arith.constant 0 : i32
      %dma_start3A_452 = arith.constant 0 : i32
      %dma_start3A_453 = arith.constant 0 : i32
      %dma_start3A_454 = tpu.memref_slice %arg9[%dma_start3A_450, %dma_start3A_451, %dma_start3A_452, %dma_start3A_453] : memref<4x4x8x129xf32, #tpu.memory_space<vmem>> -> memref<4x4x8x128xf32, #tpu.memory_space<vmem>>
      %dma_start3A_455 = arith.constant 0 : i32
      %dma_start3A_456 = arith.constant 0 : i32
      %dma_start3A_457 = arith.constant 0 : i32
      %dma_start3A_458 = tpu.memref_slice %arg4[%mul3A_449, %dma_start3A_455, %add3A, %dma_start3A_456, %dma_start3A_457] : memref<200x4x32x8x128xf32, #tpu.memory_space<hbm>> -> memref<4x4x1x8x128xf32, #tpu.memory_space<hbm>>
      %dma_start3A_459 = tpu.memref_squeeze %dma_start3A_458 : memref<4x4x1x8x128xf32, #tpu.memory_space<hbm>> -> memref<4x4x8x128xf32, #tpu.memory_space<hbm>>
      %dma_start3A_460 = arith.constant 0 : i32
      %dma_start3A_461 = arith.constant 0 : i32
      %dma_start3A_462 = arith.constant 0 : i32
      %dma_start3A_463 = tpu.memref_slice %arg4[%mul3A_449, %dma_start3A_460, %add3A, %dma_start3A_461, %dma_start3A_462] : memref<200x4x32x8x128xf32, #tpu.memory_space<hbm>> -> memref<4x4x1x8x128xf32, #tpu.memory_space<hbm>>
      %dma_start3A_464 = tpu.memref_squeeze %dma_start3A_463 : memref<4x4x1x8x128xf32, #tpu.memory_space<hbm>> -> memref<4x4x8x128xf32, #tpu.memory_space<hbm>>
      %dma_start3A_465 = arith.constant 0 : i32
      %dma_start3A_466 = arith.constant 0 : i32
      %dma_start3A_467 = arith.constant 0 : i32
      %dma_start3A_468 = arith.constant 0 : i32
      %dma_start3A_469 = tpu.memref_slice %arg9[%dma_start3A_465, %dma_start3A_466, %dma_start3A_467, %dma_start3A_468] : memref<4x4x8x129xf32, #tpu.memory_space<vmem>> -> memref<4x4x8x128xf32, #tpu.memory_space<vmem>>
      tpu.enqueue_dma source(%dma_start3A_469 : memref<4x4x8x128xf32, #tpu.memory_space<vmem>>) target(%dma_start3A_464 : memref<4x4x8x128xf32, #tpu.memory_space<hbm>>) target_semaphore(%arg11 : memref<!tpu.dma_semaphore, #tpu.memory_space<semaphore_mem>>)
      %add3A_470 = arith.constant 2 : i32
      %add3A_471 = arith.addi %add3A_411, %add3A_470 : i32
      %dma_start3A_472 = arith.constant 0 : i32
      %dma_start3A_473 = tpu.memref_slice %arg5[%add3A_471, %dma_start3A_472] : memref<50x512xi32, #tpu.memory_space<vmem>> -> memref<1x512xi32, #tpu.memory_space<vmem>>
      %dma_start3A_474 = tpu.memref_squeeze %dma_start3A_473 : memref<1x512xi32, #tpu.memory_space<vmem>> -> memref<512xi32, #tpu.memory_space<vmem>>
      %dma_start3A_475 = arith.constant 0 : i32
      %dma_start3A_476 = arith.constant 0 : i32
      %dma_start3A_477 = tpu.memref_slice %arg3[%dma_start3A_475, %dma_start3A_476] : memref<1000000x32xf32, #tpu.memory_space<hbm>> -> memref<1000000x32xf32, #tpu.memory_space<hbm>>
      tpu.enqueue_indirect_dma source(%dma_start3A_477 : memref<1000000x32xf32, #tpu.memory_space<hbm>>) target(%arg7 : memref<512x32xf32, #tpu.memory_space<vmem>>) offsets(%dma_start3A_474 : memref<512xi32, #tpu.memory_space<vmem>>) semaphore(%arg10 : memref<!tpu.dma_semaphore, #tpu.memory_space<semaphore_mem>>)
    }
    %scan3A_178 = arith.constant 23 : i32
    %dma_wait3A_179 = arith.constant 48 : i32
    %dma_wait3A_180 = arith.constant 0 : i32
    %dma_wait3A_181 = tpu.memref_slice %arg5[%dma_wait3A_179, %dma_wait3A_180] : memref<50x512xi32, #tpu.memory_space<vmem>> -> memref<1x512xi32, #tpu.memory_space<vmem>>
    %dma_wait3A_182 = tpu.memref_squeeze %dma_wait3A_181 : memref<1x512xi32, #tpu.memory_space<vmem>> -> memref<512xi32, #tpu.memory_space<vmem>>
    %dma_wait3A_183 = arith.constant 0 : i32
    %dma_wait3A_184 = arith.constant 0 : i32
    %dma_wait3A_185 = tpu.memref_slice %arg3[%dma_wait3A_183, %dma_wait3A_184] : memref<1000000x32xf32, #tpu.memory_space<hbm>> -> memref<1000000x32xf32, #tpu.memory_space<hbm>>
    tpu.wait_indirect_dma semaphore(%arg10 : memref<!tpu.dma_semaphore, #tpu.memory_space<semaphore_mem>>) src(%dma_wait3A_185 : memref<1000000x32xf32, #tpu.memory_space<hbm>>) dst(%arg6 : memref<512x32xf32, #tpu.memory_space<vmem>>)
    %dma_wait3A_186 = arith.constant 0 : i32
    %dma_wait3A_187 = arith.constant 0 : i32
    %dma_wait3A_188 = arith.constant 0 : i32
    %dma_wait3A_189 = arith.constant 0 : i32
    %dma_wait3A_190 = tpu.memref_slice %arg8[%dma_wait3A_186, %dma_wait3A_187, %dma_wait3A_188, %dma_wait3A_189] : memref<4x4x8x129xf32, #tpu.memory_space<vmem>> -> memref<4x4x8x128xf32, #tpu.memory_space<vmem>>
    %dma_wait3A_191 = arith.constant 184 : i32
    %dma_wait3A_192 = arith.constant 0 : i32
    %dma_wait3A_193 = arith.constant 0 : i32
    %dma_wait3A_194 = arith.constant 0 : i32
    %dma_wait3A_195 = tpu.memref_slice %arg4[%dma_wait3A_191, %dma_wait3A_192, %add3A, %dma_wait3A_193, %dma_wait3A_194] : memref<200x4x32x8x128xf32, #tpu.memory_space<hbm>> -> memref<4x4x1x8x128xf32, #tpu.memory_space<hbm>>
    %dma_wait3A_196 = tpu.memref_squeeze %dma_wait3A_195 : memref<4x4x1x8x128xf32, #tpu.memory_space<hbm>> -> memref<4x4x8x128xf32, #tpu.memory_space<hbm>>
    %dma_wait3A_197 = arith.constant 184 : i32
    %dma_wait3A_198 = arith.constant 0 : i32
    %dma_wait3A_199 = arith.constant 0 : i32
    %dma_wait3A_200 = arith.constant 0 : i32
    %dma_wait3A_201 = tpu.memref_slice %arg4[%dma_wait3A_197, %dma_wait3A_198, %add3A, %dma_wait3A_199, %dma_wait3A_200] : memref<200x4x32x8x128xf32, #tpu.memory_space<hbm>> -> memref<4x4x1x8x128xf32, #tpu.memory_space<hbm>>
    %dma_wait3A_202 = tpu.memref_squeeze %dma_wait3A_201 : memref<4x4x1x8x128xf32, #tpu.memory_space<hbm>> -> memref<4x4x8x128xf32, #tpu.memory_space<hbm>>
    %dma_wait3A_203 = arith.constant 0 : i32
    %dma_wait3A_204 = arith.constant 0 : i32
    %dma_wait3A_205 = arith.constant 0 : i32
    %dma_wait3A_206 = arith.constant 0 : i32
    %dma_wait3A_207 = tpu.memref_slice %arg8[%dma_wait3A_203, %dma_wait3A_204, %dma_wait3A_205, %dma_wait3A_206] : memref<4x4x8x129xf32, #tpu.memory_space<vmem>> -> memref<4x4x8x128xf32, #tpu.memory_space<vmem>>
    tpu.wait_dma2 semaphore(%arg11 : memref<!tpu.dma_semaphore, #tpu.memory_space<semaphore_mem>>) src(%dma_wait3A_207 : memref<4x4x8x128xf32, #tpu.memory_space<vmem>>) dst(%dma_wait3A_202 : memref<4x4x8x128xf32, #tpu.memory_space<hbm>>)
    %scan3A_208 = arith.constant 0 : i32
    %scan3A_209 = arith.constant 0 : i32
    %scan3A_210 = arith.constant 64 : i32
    %scan3A_211 = arith.addi %scan3A_209, %scan3A_210 : i32
    %scan3A_212 = arith.constant 1 : i32
    scf.for %scan3A_337 = %scan3A_209 to %scan3A_211 step %scan3A_212  : i32 {
      %mul3A_338 = arith.constant 8 : i32
      %mul3A_339 = arith.muli %scan3A_337, %mul3A_338 : i32
      %add3A_340 = arith.constant 0 : i32
      %add3A_341 = arith.addi %mul3A_339, %add3A_340 : i32
      %jit3A_342 = arith.constant 128 : i32
      %div3A_343 = arith.divsi %add3A_341, %jit3A_342 : i32
      %sign3A_344 = arith.constant 0 : i32
      %sign3A_345 = arith.cmpi sgt, %add3A_341, %sign3A_344 : i32
      %sign3A_346 = arith.extui %sign3A_345 : i1 to i32
      %sign3A_347 = arith.constant 0 : i32
      %sign3A_348 = arith.cmpi slt, %add3A_341, %sign3A_347 : i32
      %sign3A_349 = arith.extui %sign3A_348 : i1 to i32
      %sign3A_350 = arith.subi %sign3A_346, %sign3A_349 : i32
      %sign3A_351 = arith.constant 0 : i32
      %sign3A_352 = arith.cmpi sgt, %jit3A_342, %sign3A_351 : i32
      %sign3A_353 = arith.extui %sign3A_352 : i1 to i32
      %sign3A_354 = arith.constant 0 : i32
      %sign3A_355 = arith.cmpi slt, %jit3A_342, %sign3A_354 : i32
      %sign3A_356 = arith.extui %sign3A_355 : i1 to i32
      %sign3A_357 = arith.subi %sign3A_353, %sign3A_356 : i32
      %ne3A_358 = arith.cmpi ne, %sign3A_350, %sign3A_357 : i32
      %rem3A_359 = arith.remsi %add3A_341, %jit3A_342 : i32
      %ne3A_360 = arith.constant 0 : i32
      %ne3A_361 = arith.cmpi ne, %rem3A_359, %ne3A_360 : i32
      %and3A_362 = arith.andi %ne3A_358, %ne3A_361 : i1
      %sub3A_363 = arith.constant 1 : i32
      %sub3A_364 = arith.subi %div3A_343, %sub3A_363 : i32
      %select_n3A_365 = arith.select %and3A_362, %sub3A_364, %div3A_343 : i32
      %broadcast_in_dim3A = vector.broadcast %select_n3A_365 : i32 to vector<16xi32>
      %jit3A_366 = arith.constant 128 : i32
      %eq3A_367 = arith.constant 0 : i32
      %eq3A_368 = arith.cmpi eq, %jit3A_366, %eq3A_367 : i32
      %jit3A_369 = arith.constant 1 : i32
      %select_n3A_370 = arith.select %eq3A_368, %jit3A_369, %jit3A_366 : i32
      %rem3A_371 = arith.remsi %add3A_341, %select_n3A_370 : i32
      %ne3A_372 = arith.constant 0 : i32
      %ne3A_373 = arith.cmpi ne, %rem3A_371, %ne3A_372 : i32
      %lt3A_374 = arith.constant 0 : i32
      %lt3A_375 = arith.cmpi slt, %rem3A_371, %lt3A_374 : i32
      %lt3A_376 = arith.constant 0 : i32
      %lt3A_377 = arith.cmpi slt, %select_n3A_370, %lt3A_376 : i32
      %ne3A_378 = arith.xori %lt3A_375, %lt3A_377 : i1
      %and3A_379 = arith.andi %ne3A_378, %ne3A_373 : i1
      %add3A_380 = arith.addi %rem3A_371, %select_n3A_370 : i32
      %select_n3A_381 = arith.select %and3A_379, %add3A_380, %rem3A_371 : i32
      %broadcast_in_dim3A_382 = vector.broadcast %select_n3A_381 : i32 to vector<16xi32>
      %get3A = arith.index_cast %add3A_341 : i32 to index
      %get3A_383 = arith.constant 0 : index
      %get3A_384 = tpu.vector_load %arg6[%get3A, %get3A_383] {strides = array<i32>} : memref<512x32xf32, #tpu.memory_space<vmem>>, vector<16xf32>,
      tpu.vector_store_idx %arg8[%broadcast_in_dim3A, %select_n3A, %select_n3A_77, %broadcast_in_dim3A_382], %get3A_384 : memref<4x4x8x129xf32, #tpu.memory_space<vmem>>[vector<16xi32>, vector<16xi32>, vector<16xi32>, vector<16xi32>], vector<16xf32>,
      %get3A_385 = arith.index_cast %add3A_341 : i32 to index
      %get3A_386 = arith.constant 16 : index
      %get3A_387 = tpu.vector_load %arg6[%get3A_385, %get3A_386] {strides = array<i32>} : memref<512x32xf32, #tpu.memory_space<vmem>>, vector<16xf32>,
      tpu.vector_store_idx %arg8[%broadcast_in_dim3A, %add3A_57, %select_n3A_77, %broadcast_in_dim3A_382], %get3A_387 : memref<4x4x8x129xf32, #tpu.memory_space<vmem>>[vector<16xi32>, vector<16xi32>, vector<16xi32>, vector<16xi32>], vector<16xf32>,
      %mul3A_388 = arith.constant 8 : i32
      %mul3A_389 = arith.muli %scan3A_337, %mul3A_388 : i32
      %add3A_390 = arith.constant 1 : i32
      %add3A_391 = arith.addi %mul3A_389, %add3A_390 : i32
      %jit3A_392 = arith.constant 128 : i32
      %div3A_393 = arith.divsi %add3A_391, %jit3A_392 : i32
      %sign3A_394 = arith.constant 0 : i32
      %sign3A_395 = arith.cmpi sgt, %add3A_391, %sign3A_394 : i32
      %sign3A_396 = arith.extui %sign3A_395 : i1 to i32
      %sign3A_397 = arith.constant 0 : i32
      %sign3A_398 = arith.cmpi slt, %add3A_391, %sign3A_397 : i32
      %sign3A_399 = arith.extui %sign3A_398 : i1 to i32
      %sign3A_400 = arith.subi %sign3A_396, %sign3A_399 : i32
      %sign3A_401 = arith.constant 0 : i32
      %sign3A_402 = arith.cmpi sgt, %jit3A_392, %sign3A_401 : i32
      %sign3A_403 = arith.extui %sign3A_402 : i1 to i32
      %sign3A_404 = arith.constant 0 : i32
      %sign3A_405 = arith.cmpi slt, %jit3A_392, %sign3A_404 : i32
      %sign3A_406 = arith.extui %sign3A_405 : i1 to i32
      %sign3A_407 = arith.subi %sign3A_403, %sign3A_406 : i32
      %ne3A_408 = arith.cmpi ne, %sign3A_400, %sign3A_407 : i32
      %rem3A_409 = arith.remsi %add3A_391, %jit3A_392 : i32
      %ne3A_410 = arith.constant 0 : i32
      %ne3A_411 = arith.cmpi ne, %rem3A_409, %ne3A_410 : i32
      %and3A_412 = arith.andi %ne3A_408, %ne3A_411 : i1
      %sub3A_413 = arith.constant 1 : i32
      %sub3A_414 = arith.subi %div3A_393, %sub3A_413 : i32
      %select_n3A_415 = arith.select %and3A_412, %sub3A_414, %div3A_393 : i32
      %broadcast_in_dim3A_416 = vector.broadcast %select_n3A_415 : i32 to vector<16xi32>
      %jit3A_417 = arith.constant 128 : i32
      %eq3A_418 = arith.constant 0 : i32
      %eq3A_419 = arith.cmpi eq, %jit3A_417, %eq3A_418 : i32
      %jit3A_420 = arith.constant 1 : i32
      %select_n3A_421 = arith.select %eq3A_419, %jit3A_420, %jit3A_417 : i32
      %rem3A_422 = arith.remsi %add3A_391, %select_n3A_421 : i32
      %ne3A_423 = arith.constant 0 : i32
      %ne3A_424 = arith.cmpi ne, %rem3A_422, %ne3A_423 : i32
      %lt3A_425 = arith.constant 0 : i32
      %lt3A_426 = arith.cmpi slt, %rem3A_422, %lt3A_425 : i32
      %lt3A_427 = arith.constant 0 : i32
      %lt3A_428 = arith.cmpi slt, %select_n3A_421, %lt3A_427 : i32
      %ne3A_429 = arith.xori %lt3A_426, %lt3A_428 : i1
      %and3A_430 = arith.andi %ne3A_429, %ne3A_424 : i1
      %add3A_431 = arith.addi %rem3A_422, %select_n3A_421 : i32
      %select_n3A_432 = arith.select %and3A_430, %add3A_431, %rem3A_422 : i32
      %broadcast_in_dim3A_433 = vector.broadcast %select_n3A_432 : i32 to vector<16xi32>
      %get3A_434 = arith.index_cast %add3A_391 : i32 to index
      %get3A_435 = arith.constant 0 : index
      %get3A_436 = tpu.vector_load %arg6[%get3A_434, %get3A_435] {strides = array<i32>} : memref<512x32xf32, #tpu.memory_space<vmem>>, vector<16xf32>,
      tpu.vector_store_idx %arg8[%broadcast_in_dim3A_416, %select_n3A, %select_n3A_77, %broadcast_in_dim3A_433], %get3A_436 : memref<4x4x8x129xf32, #tpu.memory_space<vmem>>[vector<16xi32>, vector<16xi32>, vector<16xi32>, vector<16xi32>], vector<16xf32>,
      %get3A_437 = arith.index_cast %add3A_391 : i32 to index
      %get3A_438 = arith.constant 16 : index
      %get3A_439 = tpu.vector_load %arg6[%get3A_437, %get3A_438] {strides = array<i32>} : memref<512x32xf32, #tpu.memory_space<vmem>>, vector<16xf32>,
      tpu.vector_store_idx %arg8[%broadcast_in_dim3A_416, %add3A_57, %select_n3A_77, %broadcast_in_dim3A_433], %get3A_439 : memref<4x4x8x129xf32, #tpu.memory_space<vmem>>[vector<16xi32>, vector<16xi32>, vector<16xi32>, vector<16xi32>], vector<16xf32>,
      %mul3A_440 = arith.constant 8 : i32
      %mul3A_441 = arith.muli %scan3A_337, %mul3A_440 : i32
      %add3A_442 = arith.constant 2 : i32
      %add3A_443 = arith.addi %mul3A_441, %add3A_442 : i32
      %jit3A_444 = arith.constant 128 : i32
      %div3A_445 = arith.divsi %add3A_443, %jit3A_444 : i32
      %sign3A_446 = arith.constant 0 : i32
      %sign3A_447 = arith.cmpi sgt, %add3A_443, %sign3A_446 : i32
      %sign3A_448 = arith.extui %sign3A_447 : i1 to i32
      %sign3A_449 = arith.constant 0 : i32
      %sign3A_450 = arith.cmpi slt, %add3A_443, %sign3A_449 : i32
      %sign3A_451 = arith.extui %sign3A_450 : i1 to i32
      %sign3A_452 = arith.subi %sign3A_448, %sign3A_451 : i32
      %sign3A_453 = arith.constant 0 : i32
      %sign3A_454 = arith.cmpi sgt, %jit3A_444, %sign3A_453 : i32
      %sign3A_455 = arith.extui %sign3A_454 : i1 to i32
      %sign3A_456 = arith.constant 0 : i32
      %sign3A_457 = arith.cmpi slt, %jit3A_444, %sign3A_456 : i32
      %sign3A_458 = arith.extui %sign3A_457 : i1 to i32
      %sign3A_459 = arith.subi %sign3A_455, %sign3A_458 : i32
      %ne3A_460 = arith.cmpi ne, %sign3A_452, %sign3A_459 : i32
      %rem3A_461 = arith.remsi %add3A_443, %jit3A_444 : i32
      %ne3A_462 = arith.constant 0 : i32
      %ne3A_463 = arith.cmpi ne, %rem3A_461, %ne3A_462 : i32
      %and3A_464 = arith.andi %ne3A_460, %ne3A_463 : i1
      %sub3A_465 = arith.constant 1 : i32
      %sub3A_466 = arith.subi %div3A_445, %sub3A_465 : i32
      %select_n3A_467 = arith.select %and3A_464, %sub3A_466, %div3A_445 : i32
      %broadcast_in_dim3A_468 = vector.broadcast %select_n3A_467 : i32 to vector<16xi32>
      %jit3A_469 = arith.constant 128 : i32
      %eq3A_470 = arith.constant 0 : i32
      %eq3A_471 = arith.cmpi eq, %jit3A_469, %eq3A_470 : i32
      %jit3A_472 = arith.constant 1 : i32
      %select_n3A_473 = arith.select %eq3A_471, %jit3A_472, %jit3A_469 : i32
      %rem3A_474 = arith.remsi %add3A_443, %select_n3A_473 : i32
      %ne3A_475 = arith.constant 0 : i32
      %ne3A_476 = arith.cmpi ne, %rem3A_474, %ne3A_475 : i32
      %lt3A_477 = arith.constant 0 : i32
      %lt3A_478 = arith.cmpi slt, %rem3A_474, %lt3A_477 : i32
      %lt3A_479 = arith.constant 0 : i32
      %lt3A_480 = arith.cmpi slt, %select_n3A_473, %lt3A_479 : i32
      %ne3A_481 = arith.xori %lt3A_478, %lt3A_480 : i1
      %and3A_482 = arith.andi %ne3A_481, %ne3A_476 : i1
      %add3A_483 = arith.addi %rem3A_474, %select_n3A_473 : i32
      %select_n3A_484 = arith.select %and3A_482, %add3A_483, %rem3A_474 : i32
      %broadcast_in_dim3A_485 = vector.broadcast %select_n3A_484 : i32 to vector<16xi32>
      %get3A_486 = arith.index_cast %add3A_443 : i32 to index
      %get3A_487 = arith.constant 0 : index
      %get3A_488 = tpu.vector_load %arg6[%get3A_486, %get3A_487] {strides = array<i32>} : memref<512x32xf32, #tpu.memory_space<vmem>>, vector<16xf32>,
      tpu.vector_store_idx %arg8[%broadcast_in_dim3A_468, %select_n3A, %select_n3A_77, %broadcast_in_dim3A_485], %get3A_488 : memref<4x4x8x129xf32, #tpu.memory_space<vmem>>[vector<16xi32>, vector<16xi32>, vector<16xi32>, vector<16xi32>], vector<16xf32>,
      %get3A_489 = arith.index_cast %add3A_443 : i32 to index
      %get3A_490 = arith.constant 16 : index
      %get3A_491 = tpu.vector_load %arg6[%get3A_489, %get3A_490] {strides = array<i32>} : memref<512x32xf32, #tpu.memory_space<vmem>>, vector<16xf32>,
      tpu.vector_store_idx %arg8[%broadcast_in_dim3A_468, %add3A_57, %select_n3A_77, %broadcast_in_dim3A_485], %get3A_491 : memref<4x4x8x129xf32, #tpu.memory_space<vmem>>[vector<16xi32>, vector<16xi32>, vector<16xi32>, vector<16xi32>], vector<16xf32>,
      %mul3A_492 = arith.constant 8 : i32
      %mul3A_493 = arith.muli %scan3A_337, %mul3A_492 : i32
      %add3A_494 = arith.constant 3 : i32
      %add3A_495 = arith.addi %mul3A_493, %add3A_494 : i32
      %jit3A_496 = arith.constant 128 : i32
      %div3A_497 = arith.divsi %add3A_495, %jit3A_496 : i32
      %sign3A_498 = arith.constant 0 : i32
      %sign3A_499 = arith.cmpi sgt, %add3A_495, %sign3A_498 : i32
      %sign3A_500 = arith.extui %sign3A_499 : i1 to i32
      %sign3A_501 = arith.constant 0 : i32
      %sign3A_502 = arith.cmpi slt, %add3A_495, %sign3A_501 : i32
      %sign3A_503 = arith.extui %sign3A_502 : i1 to i32
      %sign3A_504 = arith.subi %sign3A_500, %sign3A_503 : i32
      %sign3A_505 = arith.constant 0 : i32
      %sign3A_506 = arith.cmpi sgt, %jit3A_496, %sign3A_505 : i32
      %sign3A_507 = arith.extui %sign3A_506 : i1 to i32
      %sign3A_508 = arith.constant 0 : i32
      %sign3A_509 = arith.cmpi slt, %jit3A_496, %sign3A_508 : i32
      %sign3A_510 = arith.extui %sign3A_509 : i1 to i32
      %sign3A_511 = arith.subi %sign3A_507, %sign3A_510 : i32
      %ne3A_512 = arith.cmpi ne, %sign3A_504, %sign3A_511 : i32
      %rem3A_513 = arith.remsi %add3A_495, %jit3A_496 : i32
      %ne3A_514 = arith.constant 0 : i32
      %ne3A_515 = arith.cmpi ne, %rem3A_513, %ne3A_514 : i32
      %and3A_516 = arith.andi %ne3A_512, %ne3A_515 : i1
      %sub3A_517 = arith.constant 1 : i32
      %sub3A_518 = arith.subi %div3A_497, %sub3A_517 : i32
      %select_n3A_519 = arith.select %and3A_516, %sub3A_518, %div3A_497 : i32
      %broadcast_in_dim3A_520 = vector.broadcast %select_n3A_519 : i32 to vector<16xi32>
      %jit3A_521 = arith.constant 128 : i32
      %eq3A_522 = arith.constant 0 : i32
      %eq3A_523 = arith.cmpi eq, %jit3A_521, %eq3A_522 : i32
      %jit3A_524 = arith.constant 1 : i32
      %select_n3A_525 = arith.select %eq3A_523, %jit3A_524, %jit3A_521 : i32
      %rem3A_526 = arith.remsi %add3A_495, %select_n3A_525 : i32
      %ne3A_527 = arith.constant 0 : i32
      %ne3A_528 = arith.cmpi ne, %rem3A_526, %ne3A_527 : i32
      %lt3A_529 = arith.constant 0 : i32
      %lt3A_530 = arith.cmpi slt, %rem3A_526, %lt3A_529 : i32
      %lt3A_531 = arith.constant 0 : i32
      %lt3A_532 = arith.cmpi slt, %select_n3A_525, %lt3A_531 : i32
      %ne3A_533 = arith.xori %lt3A_530, %lt3A_532 : i1
      %and3A_534 = arith.andi %ne3A_533, %ne3A_528 : i1
      %add3A_535 = arith.addi %rem3A_526, %select_n3A_525 : i32
      %select_n3A_536 = arith.select %and3A_534, %add3A_535, %rem3A_526 : i32
      %broadcast_in_dim3A_537 = vector.broadcast %select_n3A_536 : i32 to vector<16xi32>
      %get3A_538 = arith.index_cast %add3A_495 : i32 to index
      %get3A_539 = arith.constant 0 : index
      %get3A_540 = tpu.vector_load %arg6[%get3A_538, %get3A_539] {strides = array<i32>} : memref<512x32xf32, #tpu.memory_space<vmem>>, vector<16xf32>,
      tpu.vector_store_idx %arg8[%broadcast_in_dim3A_520, %select_n3A, %select_n3A_77, %broadcast_in_dim3A_537], %get3A_540 : memref<4x4x8x129xf32, #tpu.memory_space<vmem>>[vector<16xi32>, vector<16xi32>, vector<16xi32>, vector<16xi32>], vector<16xf32>,
      %get3A_541 = arith.index_cast %add3A_495 : i32 to index
      %get3A_542 = arith.constant 16 : index
      %get3A_543 = tpu.vector_load %arg6[%get3A_541, %get3A_542] {strides = array<i32>} : memref<512x32xf32, #tpu.memory_space<vmem>>, vector<16xf32>,
      tpu.vector_store_idx %arg8[%broadcast_in_dim3A_520, %add3A_57, %select_n3A_77, %broadcast_in_dim3A_537], %get3A_543 : memref<4x4x8x129xf32, #tpu.memory_space<vmem>>[vector<16xi32>, vector<16xi32>, vector<16xi32>, vector<16xi32>], vector<16xf32>,
      %mul3A_544 = arith.constant 8 : i32
      %mul3A_545 = arith.muli %scan3A_337, %mul3A_544 : i32
      %add3A_546 = arith.constant 4 : i32
      %add3A_547 = arith.addi %mul3A_545, %add3A_546 : i32
      %jit3A_548 = arith.constant 128 : i32
      %div3A_549 = arith.divsi %add3A_547, %jit3A_548 : i32
      %sign3A_550 = arith.constant 0 : i32
      %sign3A_551 = arith.cmpi sgt, %add3A_547, %sign3A_550 : i32
      %sign3A_552 = arith.extui %sign3A_551 : i1 to i32
      %sign3A_553 = arith.constant 0 : i32
      %sign3A_554 = arith.cmpi slt, %add3A_547, %sign3A_553 : i32
      %sign3A_555 = arith.extui %sign3A_554 : i1 to i32
      %sign3A_556 = arith.subi %sign3A_552, %sign3A_555 : i32
      %sign3A_557 = arith.constant 0 : i32
      %sign3A_558 = arith.cmpi sgt, %jit3A_548, %sign3A_557 : i32
      %sign3A_559 = arith.extui %sign3A_558 : i1 to i32
      %sign3A_560 = arith.constant 0 : i32
      %sign3A_561 = arith.cmpi slt, %jit3A_548, %sign3A_560 : i32
      %sign3A_562 = arith.extui %sign3A_561 : i1 to i32
      %sign3A_563 = arith.subi %sign3A_559, %sign3A_562 : i32
      %ne3A_564 = arith.cmpi ne, %sign3A_556, %sign3A_563 : i32
      %rem3A_565 = arith.remsi %add3A_547, %jit3A_548 : i32
      %ne3A_566 = arith.constant 0 : i32
      %ne3A_567 = arith.cmpi ne, %rem3A_565, %ne3A_566 : i32
      %and3A_568 = arith.andi %ne3A_564, %ne3A_567 : i1
      %sub3A_569 = arith.constant 1 : i32
      %sub3A_570 = arith.subi %div3A_549, %sub3A_569 : i32
      %select_n3A_571 = arith.select %and3A_568, %sub3A_570, %div3A_549 : i32
      %broadcast_in_dim3A_572 = vector.broadcast %select_n3A_571 : i32 to vector<16xi32>
      %jit3A_573 = arith.constant 128 : i32
      %eq3A_574 = arith.constant 0 : i32
      %eq3A_575 = arith.cmpi eq, %jit3A_573, %eq3A_574 : i32
      %jit3A_576 = arith.constant 1 : i32
      %select_n3A_577 = arith.select %eq3A_575, %jit3A_576, %jit3A_573 : i32
      %rem3A_578 = arith.remsi %add3A_547, %select_n3A_577 : i32
      %ne3A_579 = arith.constant 0 : i32
      %ne3A_580 = arith.cmpi ne, %rem3A_578, %ne3A_579 : i32
      %lt3A_581 = arith.constant 0 : i32
      %lt3A_582 = arith.cmpi slt, %rem3A_578, %lt3A_581 : i32
      %lt3A_583 = arith.constant 0 : i32
      %lt3A_584 = arith.cmpi slt, %select_n3A_577, %lt3A_583 : i32
      %ne3A_585 = arith.xori %lt3A_582, %lt3A_584 : i1
      %and3A_586 = arith.andi %ne3A_585, %ne3A_580 : i1
      %add3A_587 = arith.addi %rem3A_578, %select_n3A_577 : i32
      %select_n3A_588 = arith.select %and3A_586, %add3A_587, %rem3A_578 : i32
      %broadcast_in_dim3A_589 = vector.broadcast %select_n3A_588 : i32 to vector<16xi32>
      %get3A_590 = arith.index_cast %add3A_547 : i32 to index
      %get3A_591 = arith.constant 0 : index
      %get3A_592 = tpu.vector_load %arg6[%get3A_590, %get3A_591] {strides = array<i32>} : memref<512x32xf32, #tpu.memory_space<vmem>>, vector<16xf32>,
      tpu.vector_store_idx %arg8[%broadcast_in_dim3A_572, %select_n3A, %select_n3A_77, %broadcast_in_dim3A_589], %get3A_592 : memref<4x4x8x129xf32, #tpu.memory_space<vmem>>[vector<16xi32>, vector<16xi32>, vector<16xi32>, vector<16xi32>], vector<16xf32>,
      %get3A_593 = arith.index_cast %add3A_547 : i32 to index
      %get3A_594 = arith.constant 16 : index
      %get3A_595 = tpu.vector_load %arg6[%get3A_593, %get3A_594] {strides = array<i32>} : memref<512x32xf32, #tpu.memory_space<vmem>>, vector<16xf32>,
      tpu.vector_store_idx %arg8[%broadcast_in_dim3A_572, %add3A_57, %select_n3A_77, %broadcast_in_dim3A_589], %get3A_595 : memref<4x4x8x129xf32, #tpu.memory_space<vmem>>[vector<16xi32>, vector<16xi32>, vector<16xi32>, vector<16xi32>], vector<16xf32>,
      %mul3A_596 = arith.constant 8 : i32
      %mul3A_597 = arith.muli %scan3A_337, %mul3A_596 : i32
      %add3A_598 = arith.constant 5 : i32
      %add3A_599 = arith.addi %mul3A_597, %add3A_598 : i32
      %jit3A_600 = arith.constant 128 : i32
      %div3A_601 = arith.divsi %add3A_599, %jit3A_600 : i32
      %sign3A_602 = arith.constant 0 : i32
      %sign3A_603 = arith.cmpi sgt, %add3A_599, %sign3A_602 : i32
      %sign3A_604 = arith.extui %sign3A_603 : i1 to i32
      %sign3A_605 = arith.constant 0 : i32
      %sign3A_606 = arith.cmpi slt, %add3A_599, %sign3A_605 : i32
      %sign3A_607 = arith.extui %sign3A_606 : i1 to i32
      %sign3A_608 = arith.subi %sign3A_604, %sign3A_607 : i32
      %sign3A_609 = arith.constant 0 : i32
      %sign3A_610 = arith.cmpi sgt, %jit3A_600, %sign3A_609 : i32
      %sign3A_611 = arith.extui %sign3A_610 : i1 to i32
      %sign3A_612 = arith.constant 0 : i32
      %sign3A_613 = arith.cmpi slt, %jit3A_600, %sign3A_612 : i32
      %sign3A_614 = arith.extui %sign3A_613 : i1 to i32
      %sign3A_615 = arith.subi %sign3A_611, %sign3A_614 : i32
      %ne3A_616 = arith.cmpi ne, %sign3A_608, %sign3A_615 : i32
      %rem3A_617 = arith.remsi %add3A_599, %jit3A_600 : i32
      %ne3A_618 = arith.constant 0 : i32
      %ne3A_619 = arith.cmpi ne, %rem3A_617, %ne3A_618 : i32
      %and3A_620 = arith.andi %ne3A_616, %ne3A_619 : i1
      %sub3A_621 = arith.constant 1 : i32
      %sub3A_622 = arith.subi %div3A_601, %sub3A_621 : i32
      %select_n3A_623 = arith.select %and3A_620, %sub3A_622, %div3A_601 : i32
      %broadcast_in_dim3A_624 = vector.broadcast %select_n3A_623 : i32 to vector<16xi32>
      %jit3A_625 = arith.constant 128 : i32
      %eq3A_626 = arith.constant 0 : i32
      %eq3A_627 = arith.cmpi eq, %jit3A_625, %eq3A_626 : i32
      %jit3A_628 = arith.constant 1 : i32
      %select_n3A_629 = arith.select %eq3A_627, %jit3A_628, %jit3A_625 : i32
      %rem3A_630 = arith.remsi %add3A_599, %select_n3A_629 : i32
      %ne3A_631 = arith.constant 0 : i32
      %ne3A_632 = arith.cmpi ne, %rem3A_630, %ne3A_631 : i32
      %lt3A_633 = arith.constant 0 : i32
      %lt3A_634 = arith.cmpi slt, %rem3A_630, %lt3A_633 : i32
      %lt3A_635 = arith.constant 0 : i32
      %lt3A_636 = arith.cmpi slt, %select_n3A_629, %lt3A_635 : i32
      %ne3A_637 = arith.xori %lt3A_634, %lt3A_636 : i1
      %and3A_638 = arith.andi %ne3A_637, %ne3A_632 : i1
      %add3A_639 = arith.addi %rem3A_630, %select_n3A_629 : i32
      %select_n3A_640 = arith.select %and3A_638, %add3A_639, %rem3A_630 : i32
      %broadcast_in_dim3A_641 = vector.broadcast %select_n3A_640 : i32 to vector<16xi32>
      %get3A_642 = arith.index_cast %add3A_599 : i32 to index
      %get3A_643 = arith.constant 0 : index
      %get3A_644 = tpu.vector_load %arg6[%get3A_642, %get3A_643] {strides = array<i32>} : memref<512x32xf32, #tpu.memory_space<vmem>>, vector<16xf32>,
      tpu.vector_store_idx %arg8[%broadcast_in_dim3A_624, %select_n3A, %select_n3A_77, %broadcast_in_dim3A_641], %get3A_644 : memref<4x4x8x129xf32, #tpu.memory_space<vmem>>[vector<16xi32>, vector<16xi32>, vector<16xi32>, vector<16xi32>], vector<16xf32>,
      %get3A_645 = arith.index_cast %add3A_599 : i32 to index
      %get3A_646 = arith.constant 16 : index
      %get3A_647 = tpu.vector_load %arg6[%get3A_645, %get3A_646] {strides = array<i32>} : memref<512x32xf32, #tpu.memory_space<vmem>>, vector<16xf32>,
      tpu.vector_store_idx %arg8[%broadcast_in_dim3A_624, %add3A_57, %select_n3A_77, %broadcast_in_dim3A_641], %get3A_647 : memref<4x4x8x129xf32, #tpu.memory_space<vmem>>[vector<16xi32>, vector<16xi32>, vector<16xi32>, vector<16xi32>], vector<16xf32>,
      %mul3A_648 = arith.constant 8 : i32
      %mul3A_649 = arith.muli %scan3A_337, %mul3A_648 : i32
      %add3A_650 = arith.constant 6 : i32
      %add3A_651 = arith.addi %mul3A_649, %add3A_650 : i32
      %jit3A_652 = arith.constant 128 : i32
      %div3A_653 = arith.divsi %add3A_651, %jit3A_652 : i32
      %sign3A_654 = arith.constant 0 : i32
      %sign3A_655 = arith.cmpi sgt, %add3A_651, %sign3A_654 : i32
      %sign3A_656 = arith.extui %sign3A_655 : i1 to i32
      %sign3A_657 = arith.constant 0 : i32
      %sign3A_658 = arith.cmpi slt, %add3A_651, %sign3A_657 : i32
      %sign3A_659 = arith.extui %sign3A_658 : i1 to i32
      %sign3A_660 = arith.subi %sign3A_656, %sign3A_659 : i32
      %sign3A_661 = arith.constant 0 : i32
      %sign3A_662 = arith.cmpi sgt, %jit3A_652, %sign3A_661 : i32
      %sign3A_663 = arith.extui %sign3A_662 : i1 to i32
      %sign3A_664 = arith.constant 0 : i32
      %sign3A_665 = arith.cmpi slt, %jit3A_652, %sign3A_664 : i32
      %sign3A_666 = arith.extui %sign3A_665 : i1 to i32
      %sign3A_667 = arith.subi %sign3A_663, %sign3A_666 : i32
      %ne3A_668 = arith.cmpi ne, %sign3A_660, %sign3A_667 : i32
      %rem3A_669 = arith.remsi %add3A_651, %jit3A_652 : i32
      %ne3A_670 = arith.constant 0 : i32
      %ne3A_671 = arith.cmpi ne, %rem3A_669, %ne3A_670 : i32
      %and3A_672 = arith.andi %ne3A_668, %ne3A_671 : i1
      %sub3A_673 = arith.constant 1 : i32
      %sub3A_674 = arith.subi %div3A_653, %sub3A_673 : i32
      %select_n3A_675 = arith.select %and3A_672, %sub3A_674, %div3A_653 : i32
      %broadcast_in_dim3A_676 = vector.broadcast %select_n3A_675 : i32 to vector<16xi32>
      %jit3A_677 = arith.constant 128 : i32
      %eq3A_678 = arith.constant 0 : i32
      %eq3A_679 = arith.cmpi eq, %jit3A_677, %eq3A_678 : i32
      %jit3A_680 = arith.constant 1 : i32
      %select_n3A_681 = arith.select %eq3A_679, %jit3A_680, %jit3A_677 : i32
      %rem3A_682 = arith.remsi %add3A_651, %select_n3A_681 : i32
      %ne3A_683 = arith.constant 0 : i32
      %ne3A_684 = arith.cmpi ne, %rem3A_682, %ne3A_683 : i32
      %lt3A_685 = arith.constant 0 : i32
      %lt3A_686 = arith.cmpi slt, %rem3A_682, %lt3A_685 : i32
      %lt3A_687 = arith.constant 0 : i32
      %lt3A_688 = arith.cmpi slt, %select_n3A_681, %lt3A_687 : i32
      %ne3A_689 = arith.xori %lt3A_686, %lt3A_688 : i1
      %and3A_690 = arith.andi %ne3A_689, %ne3A_684 : i1
      %add3A_691 = arith.addi %rem3A_682, %select_n3A_681 : i32
      %select_n3A_692 = arith.select %and3A_690, %add3A_691, %rem3A_682 : i32
      %broadcast_in_dim3A_693 = vector.broadcast %select_n3A_692 : i32 to vector<16xi32>
      %get3A_694 = arith.index_cast %add3A_651 : i32 to index
      %get3A_695 = arith.constant 0 : index
      %get3A_696 = tpu.vector_load %arg6[%get3A_694, %get3A_695] {strides = array<i32>} : memref<512x32xf32, #tpu.memory_space<vmem>>, vector<16xf32>,
      tpu.vector_store_idx %arg8[%broadcast_in_dim3A_676, %select_n3A, %select_n3A_77, %broadcast_in_dim3A_693], %get3A_696 : memref<4x4x8x129xf32, #tpu.memory_space<vmem>>[vector<16xi32>, vector<16xi32>, vector<16xi32>, vector<16xi32>], vector<16xf32>,
      %get3A_697 = arith.index_cast %add3A_651 : i32 to index
      %get3A_698 = arith.constant 16 : index
      %get3A_699 = tpu.vector_load %arg6[%get3A_697, %get3A_698] {strides = array<i32>} : memref<512x32xf32, #tpu.memory_space<vmem>>, vector<16xf32>,
      tpu.vector_store_idx %arg8[%broadcast_in_dim3A_676, %add3A_57, %select_n3A_77, %broadcast_in_dim3A_693], %get3A_699 : memref<4x4x8x129xf32, #tpu.memory_space<vmem>>[vector<16xi32>, vector<16xi32>, vector<16xi32>, vector<16xi32>], vector<16xf32>,
      %mul3A_700 = arith.constant 8 : i32
      %mul3A_701 = arith.muli %scan3A_337, %mul3A_700 : i32
      %add3A_702 = arith.constant 7 : i32
      %add3A_703 = arith.addi %mul3A_701, %add3A_702 : i32
      %jit3A_704 = arith.constant 128 : i32
      %div3A_705 = arith.divsi %add3A_703, %jit3A_704 : i32
      %sign3A_706 = arith.constant 0 : i32
      %sign3A_707 = arith.cmpi sgt, %add3A_703, %sign3A_706 : i32
      %sign3A_708 = arith.extui %sign3A_707 : i1 to i32
      %sign3A_709 = arith.constant 0 : i32
      %sign3A_710 = arith.cmpi slt, %add3A_703, %sign3A_709 : i32
      %sign3A_711 = arith.extui %sign3A_710 : i1 to i32
      %sign3A_712 = arith.subi %sign3A_708, %sign3A_711 : i32
      %sign3A_713 = arith.constant 0 : i32
      %sign3A_714 = arith.cmpi sgt, %jit3A_704, %sign3A_713 : i32
      %sign3A_715 = arith.extui %sign3A_714 : i1 to i32
      %sign3A_716 = arith.constant 0 : i32
      %sign3A_717 = arith.cmpi slt, %jit3A_704, %sign3A_716 : i32
      %sign3A_718 = arith.extui %sign3A_717 : i1 to i32
      %sign3A_719 = arith.subi %sign3A_715, %sign3A_718 : i32
      %ne3A_720 = arith.cmpi ne, %sign3A_712, %sign3A_719 : i32
      %rem3A_721 = arith.remsi %add3A_703, %jit3A_704 : i32
      %ne3A_722 = arith.constant 0 : i32
      %ne3A_723 = arith.cmpi ne, %rem3A_721, %ne3A_722 : i32
      %and3A_724 = arith.andi %ne3A_720, %ne3A_723 : i1
      %sub3A_725 = arith.constant 1 : i32
      %sub3A_726 = arith.subi %div3A_705, %sub3A_725 : i32
      %select_n3A_727 = arith.select %and3A_724, %sub3A_726, %div3A_705 : i32
      %broadcast_in_dim3A_728 = vector.broadcast %select_n3A_727 : i32 to vector<16xi32>
      %jit3A_729 = arith.constant 128 : i32
      %eq3A_730 = arith.constant 0 : i32
      %eq3A_731 = arith.cmpi eq, %jit3A_729, %eq3A_730 : i32
      %jit3A_732 = arith.constant 1 : i32
      %select_n3A_733 = arith.select %eq3A_731, %jit3A_732, %jit3A_729 : i32
      %rem3A_734 = arith.remsi %add3A_703, %select_n3A_733 : i32
      %ne3A_735 = arith.constant 0 : i32
      %ne3A_736 = arith.cmpi ne, %rem3A_734, %ne3A_735 : i32
      %lt3A_737 = arith.constant 0 : i32
      %lt3A_738 = arith.cmpi slt, %rem3A_734, %lt3A_737 : i32
      %lt3A_739 = arith.constant 0 : i32
      %lt3A_740 = arith.cmpi slt, %select_n3A_733, %lt3A_739 : i32
      %ne3A_741 = arith.xori %lt3A_738, %lt3A_740 : i1
      %and3A_742 = arith.andi %ne3A_741, %ne3A_736 : i1
      %add3A_743 = arith.addi %rem3A_734, %select_n3A_733 : i32
      %select_n3A_744 = arith.select %and3A_742, %add3A_743, %rem3A_734 : i32
      %broadcast_in_dim3A_745 = vector.broadcast %select_n3A_744 : i32 to vector<16xi32>
      %get3A_746 = arith.index_cast %add3A_703 : i32 to index
      %get3A_747 = arith.constant 0 : index
      %get3A_748 = tpu.vector_load %arg6[%get3A_746, %get3A_747] {strides = array<i32>} : memref<512x32xf32, #tpu.memory_space<vmem>>, vector<16xf32>,
      tpu.vector_store_idx %arg8[%broadcast_in_dim3A_728, %select_n3A, %select_n3A_77, %broadcast_in_dim3A_745], %get3A_748 : memref<4x4x8x129xf32, #tpu.memory_space<vmem>>[vector<16xi32>, vector<16xi32>, vector<16xi32>, vector<16xi32>], vector<16xf32>,
      %get3A_749 = arith.index_cast %add3A_703 : i32 to index
      %get3A_750 = arith.constant 16 : index
      %get3A_751 = tpu.vector_load %arg6[%get3A_749, %get3A_750] {strides = array<i32>} : memref<512x32xf32, #tpu.memory_space<vmem>>, vector<16xf32>,
      tpu.vector_store_idx %arg8[%broadcast_in_dim3A_728, %add3A_57, %select_n3A_77, %broadcast_in_dim3A_745], %get3A_751 : memref<4x4x8x129xf32, #tpu.memory_space<vmem>>[vector<16xi32>, vector<16xi32>, vector<16xi32>, vector<16xi32>], vector<16xf32>,
    }
    %scan3A_213 = arith.constant 64 : i32
    %dma_start3A_214 = arith.constant 0 : i32
    %dma_start3A_215 = arith.constant 0 : i32
    %dma_start3A_216 = arith.constant 0 : i32
    %dma_start3A_217 = arith.constant 0 : i32
    %dma_start3A_218 = tpu.memref_slice %arg8[%dma_start3A_214, %dma_start3A_215, %dma_start3A_216, %dma_start3A_217] : memref<4x4x8x129xf32, #tpu.memory_space<vmem>> -> memref<4x4x8x128xf32, #tpu.memory_space<vmem>>
    %dma_start3A_219 = arith.constant 192 : i32
    %dma_start3A_220 = arith.constant 0 : i32
    %dma_start3A_221 = arith.constant 0 : i32
    %dma_start3A_222 = arith.constant 0 : i32
    %dma_start3A_223 = tpu.memref_slice %arg4[%dma_start3A_219, %dma_start3A_220, %add3A, %dma_start3A_221, %dma_start3A_222] : memref<200x4x32x8x128xf32, #tpu.memory_space<hbm>> -> memref<4x4x1x8x128xf32, #tpu.memory_space<hbm>>
    %dma_start3A_224 = tpu.memref_squeeze %dma_start3A_223 : memref<4x4x1x8x128xf32, #tpu.memory_space<hbm>> -> memref<4x4x8x128xf32, #tpu.memory_space<hbm>>
    %dma_start3A_225 = arith.constant 192 : i32
    %dma_start3A_226 = arith.constant 0 : i32
    %dma_start3A_227 = arith.constant 0 : i32
    %dma_start3A_228 = arith.constant 0 : i32
    %dma_start3A_229 = tpu.memref_slice %arg4[%dma_start3A_225, %dma_start3A_226, %add3A, %dma_start3A_227, %dma_start3A_228] : memref<200x4x32x8x128xf32, #tpu.memory_space<hbm>> -> memref<4x4x1x8x128xf32, #tpu.memory_space<hbm>>
    %dma_start3A_230 = tpu.memref_squeeze %dma_start3A_229 : memref<4x4x1x8x128xf32, #tpu.memory_space<hbm>> -> memref<4x4x8x128xf32, #tpu.memory_space<hbm>>
    %dma_start3A_231 = arith.constant 0 : i32
    %dma_start3A_232 = arith.constant 0 : i32
    %dma_start3A_233 = arith.constant 0 : i32
    %dma_start3A_234 = arith.constant 0 : i32
    %dma_start3A_235 = tpu.memref_slice %arg8[%dma_start3A_231, %dma_start3A_232, %dma_start3A_233, %dma_start3A_234] : memref<4x4x8x129xf32, #tpu.memory_space<vmem>> -> memref<4x4x8x128xf32, #tpu.memory_space<vmem>>
    tpu.enqueue_dma source(%dma_start3A_235 : memref<4x4x8x128xf32, #tpu.memory_space<vmem>>) target(%dma_start3A_230 : memref<4x4x8x128xf32, #tpu.memory_space<hbm>>) target_semaphore(%arg11 : memref<!tpu.dma_semaphore, #tpu.memory_space<semaphore_mem>>)
    %dma_wait3A_236 = arith.constant 49 : i32
    %dma_wait3A_237 = arith.constant 0 : i32
    %dma_wait3A_238 = tpu.memref_slice %arg5[%dma_wait3A_236, %dma_wait3A_237] : memref<50x512xi32, #tpu.memory_space<vmem>> -> memref<1x512xi32, #tpu.memory_space<vmem>>
    %dma_wait3A_239 = tpu.memref_squeeze %dma_wait3A_238 : memref<1x512xi32, #tpu.memory_space<vmem>> -> memref<512xi32, #tpu.memory_space<vmem>>
    %dma_wait3A_240 = arith.constant 0 : i32
    %dma_wait3A_241 = arith.constant 0 : i32
    %dma_wait3A_242 = tpu.memref_slice %arg3[%dma_wait3A_240, %dma_wait3A_241] : memref<1000000x32xf32, #tpu.memory_space<hbm>> -> memref<1000000x32xf32, #tpu.memory_space<hbm>>
    tpu.wait_indirect_dma semaphore(%arg10 : memref<!tpu.dma_semaphore, #tpu.memory_space<semaphore_mem>>) src(%dma_wait3A_242 : memref<1000000x32xf32, #tpu.memory_space<hbm>>) dst(%arg7 : memref<512x32xf32, #tpu.memory_space<vmem>>)
    %dma_wait3A_243 = arith.constant 0 : i32
    %dma_wait3A_244 = arith.constant 0 : i32
    %dma_wait3A_245 = arith.constant 0 : i32
    %dma_wait3A_246 = arith.constant 0 : i32
    %dma_wait3A_247 = tpu.memref_slice %arg9[%dma_wait3A_243, %dma_wait3A_244, %dma_wait3A_245, %dma_wait3A_246] : memref<4x4x8x129xf32, #tpu.memory_space<vmem>> -> memref<4x4x8x128xf32, #tpu.memory_space<vmem>>
    %dma_wait3A_248 = arith.constant 188 : i32
    %dma_wait3A_249 = arith.constant 0 : i32
    %dma_wait3A_250 = arith.constant 0 : i32
    %dma_wait3A_251 = arith.constant 0 : i32
    %dma_wait3A_252 = tpu.memref_slice %arg4[%dma_wait3A_248, %dma_wait3A_249, %add3A, %dma_wait3A_250, %dma_wait3A_251] : memref<200x4x32x8x128xf32, #tpu.memory_space<hbm>> -> memref<4x4x1x8x128xf32, #tpu.memory_space<hbm>>
    %dma_wait3A_253 = tpu.memref_squeeze %dma_wait3A_252 : memref<4x4x1x8x128xf32, #tpu.memory_space<hbm>> -> memref<4x4x8x128xf32, #tpu.memory_space<hbm>>
    %dma_wait3A_254 = arith.constant 188 : i32
    %dma_wait3A_255 = arith.constant 0 : i32
    %dma_wait3A_256 = arith.constant 0 : i32
    %dma_wait3A_257 = arith.constant 0 : i32
    %dma_wait3A_258 = tpu.memref_slice %arg4[%dma_wait3A_254, %dma_wait3A_255, %add3A, %dma_wait3A_256, %dma_wait3A_257] : memref<200x4x32x8x128xf32, #tpu.memory_space<hbm>> -> memref<4x4x1x8x128xf32, #tpu.memory_space<hbm>>
    %dma_wait3A_259 = tpu.memref_squeeze %dma_wait3A_258 : memref<4x4x1x8x128xf32, #tpu.memory_space<hbm>> -> memref<4x4x8x128xf32, #tpu.memory_space<hbm>>
    %dma_wait3A_260 = arith.constant 0 : i32
    %dma_wait3A_261 = arith.constant 0 : i32
    %dma_wait3A_262 = arith.constant 0 : i32
    %dma_wait3A_263 = arith.constant 0 : i32
    %dma_wait3A_264 = tpu.memref_slice %arg9[%dma_wait3A_260, %dma_wait3A_261, %dma_wait3A_262, %dma_wait3A_263] : memref<4x4x8x129xf32, #tpu.memory_space<vmem>> -> memref<4x4x8x128xf32, #tpu.memory_space<vmem>>
    tpu.wait_dma2 semaphore(%arg11 : memref<!tpu.dma_semaphore, #tpu.memory_space<semaphore_mem>>) src(%dma_wait3A_264 : memref<4x4x8x128xf32, #tpu.memory_space<vmem>>) dst(%dma_wait3A_259 : memref<4x4x8x128xf32, #tpu.memory_space<hbm>>)
    %scan3A_265 = arith.constant 0 : i32
    %scan3A_266 = arith.constant 0 : i32
    %scan3A_267 = arith.constant 64 : i32
    %scan3A_268 = arith.addi %scan3A_266, %scan3A_267 : i32
    %scan3A_269 = arith.constant 1 : i32
    scf.for %scan3A_337 = %scan3A_266 to %scan3A_268 step %scan3A_269  : i32 {
      %mul3A_338 = arith.constant 8 : i32
      %mul3A_339 = arith.muli %scan3A_337, %mul3A_338 : i32
      %add3A_340 = arith.constant 0 : i32
      %add3A_341 = arith.addi %mul3A_339, %add3A_340 : i32
      %jit3A_342 = arith.constant 128 : i32
      %div3A_343 = arith.divsi %add3A_341, %jit3A_342 : i32
      %sign3A_344 = arith.constant 0 : i32
      %sign3A_345 = arith.cmpi sgt, %add3A_341, %sign3A_344 : i32
      %sign3A_346 = arith.extui %sign3A_345 : i1 to i32
      %sign3A_347 = arith.constant 0 : i32
      %sign3A_348 = arith.cmpi slt, %add3A_341, %sign3A_347 : i32
      %sign3A_349 = arith.extui %sign3A_348 : i1 to i32
      %sign3A_350 = arith.subi %sign3A_346, %sign3A_349 : i32
      %sign3A_351 = arith.constant 0 : i32
      %sign3A_352 = arith.cmpi sgt, %jit3A_342, %sign3A_351 : i32
      %sign3A_353 = arith.extui %sign3A_352 : i1 to i32
      %sign3A_354 = arith.constant 0 : i32
      %sign3A_355 = arith.cmpi slt, %jit3A_342, %sign3A_354 : i32
      %sign3A_356 = arith.extui %sign3A_355 : i1 to i32
      %sign3A_357 = arith.subi %sign3A_353, %sign3A_356 : i32
      %ne3A_358 = arith.cmpi ne, %sign3A_350, %sign3A_357 : i32
      %rem3A_359 = arith.remsi %add3A_341, %jit3A_342 : i32
      %ne3A_360 = arith.constant 0 : i32
      %ne3A_361 = arith.cmpi ne, %rem3A_359, %ne3A_360 : i32
      %and3A_362 = arith.andi %ne3A_358, %ne3A_361 : i1
      %sub3A_363 = arith.constant 1 : i32
      %sub3A_364 = arith.subi %div3A_343, %sub3A_363 : i32
      %select_n3A_365 = arith.select %and3A_362, %sub3A_364, %div3A_343 : i32
      %broadcast_in_dim3A = vector.broadcast %select_n3A_365 : i32 to vector<16xi32>
      %jit3A_366 = arith.constant 128 : i32
      %eq3A_367 = arith.constant 0 : i32
      %eq3A_368 = arith.cmpi eq, %jit3A_366, %eq3A_367 : i32
      %jit3A_369 = arith.constant 1 : i32
      %select_n3A_370 = arith.select %eq3A_368, %jit3A_369, %jit3A_366 : i32
      %rem3A_371 = arith.remsi %add3A_341, %select_n3A_370 : i32
      %ne3A_372 = arith.constant 0 : i32
      %ne3A_373 = arith.cmpi ne, %rem3A_371, %ne3A_372 : i32
      %lt3A_374 = arith.constant 0 : i32
      %lt3A_375 = arith.cmpi slt, %rem3A_371, %lt3A_374 : i32
      %lt3A_376 = arith.constant 0 : i32
      %lt3A_377 = arith.cmpi slt, %select_n3A_370, %lt3A_376 : i32
      %ne3A_378 = arith.xori %lt3A_375, %lt3A_377 : i1
      %and3A_379 = arith.andi %ne3A_378, %ne3A_373 : i1
      %add3A_380 = arith.addi %rem3A_371, %select_n3A_370 : i32
      %select_n3A_381 = arith.select %and3A_379, %add3A_380, %rem3A_371 : i32
      %broadcast_in_dim3A_382 = vector.broadcast %select_n3A_381 : i32 to vector<16xi32>
      %get3A = arith.index_cast %add3A_341 : i32 to index
      %get3A_383 = arith.constant 0 : index
      %get3A_384 = tpu.vector_load %arg7[%get3A, %get3A_383] {strides = array<i32>} : memref<512x32xf32, #tpu.memory_space<vmem>>, vector<16xf32>,
      tpu.vector_store_idx %arg9[%broadcast_in_dim3A, %select_n3A, %select_n3A_77, %broadcast_in_dim3A_382], %get3A_384 : memref<4x4x8x129xf32, #tpu.memory_space<vmem>>[vector<16xi32>, vector<16xi32>, vector<16xi32>, vector<16xi32>], vector<16xf32>,
      %get3A_385 = arith.index_cast %add3A_341 : i32 to index
      %get3A_386 = arith.constant 16 : index
      %get3A_387 = tpu.vector_load %arg7[%get3A_385, %get3A_386] {strides = array<i32>} : memref<512x32xf32, #tpu.memory_space<vmem>>, vector<16xf32>,
      tpu.vector_store_idx %arg9[%broadcast_in_dim3A, %add3A_57, %select_n3A_77, %broadcast_in_dim3A_382], %get3A_387 : memref<4x4x8x129xf32, #tpu.memory_space<vmem>>[vector<16xi32>, vector<16xi32>, vector<16xi32>, vector<16xi32>], vector<16xf32>,
      %mul3A_388 = arith.constant 8 : i32
      %mul3A_389 = arith.muli %scan3A_337, %mul3A_388 : i32
      %add3A_390 = arith.constant 1 : i32
      %add3A_391 = arith.addi %mul3A_389, %add3A_390 : i32
      %jit3A_392 = arith.constant 128 : i32
      %div3A_393 = arith.divsi %add3A_391, %jit3A_392 : i32
      %sign3A_394 = arith.constant 0 : i32
      %sign3A_395 = arith.cmpi sgt, %add3A_391, %sign3A_394 : i32
      %sign3A_396 = arith.extui %sign3A_395 : i1 to i32
      %sign3A_397 = arith.constant 0 : i32
      %sign3A_398 = arith.cmpi slt, %add3A_391, %sign3A_397 : i32
      %sign3A_399 = arith.extui %sign3A_398 : i1 to i32
      %sign3A_400 = arith.subi %sign3A_396, %sign3A_399 : i32
      %sign3A_401 = arith.constant 0 : i32
      %sign3A_402 = arith.cmpi sgt, %jit3A_392, %sign3A_401 : i32
      %sign3A_403 = arith.extui %sign3A_402 : i1 to i32
      %sign3A_404 = arith.constant 0 : i32
      %sign3A_405 = arith.cmpi slt, %jit3A_392, %sign3A_404 : i32
      %sign3A_406 = arith.extui %sign3A_405 : i1 to i32
      %sign3A_407 = arith.subi %sign3A_403, %sign3A_406 : i32
      %ne3A_408 = arith.cmpi ne, %sign3A_400, %sign3A_407 : i32
      %rem3A_409 = arith.remsi %add3A_391, %jit3A_392 : i32
      %ne3A_410 = arith.constant 0 : i32
      %ne3A_411 = arith.cmpi ne, %rem3A_409, %ne3A_410 : i32
      %and3A_412 = arith.andi %ne3A_408, %ne3A_411 : i1
      %sub3A_413 = arith.constant 1 : i32
      %sub3A_414 = arith.subi %div3A_393, %sub3A_413 : i32
      %select_n3A_415 = arith.select %and3A_412, %sub3A_414, %div3A_393 : i32
      %broadcast_in_dim3A_416 = vector.broadcast %select_n3A_415 : i32 to vector<16xi32>
      %jit3A_417 = arith.constant 128 : i32
      %eq3A_418 = arith.constant 0 : i32
      %eq3A_419 = arith.cmpi eq, %jit3A_417, %eq3A_418 : i32
      %jit3A_420 = arith.constant 1 : i32
      %select_n3A_421 = arith.select %eq3A_419, %jit3A_420, %jit3A_417 : i32
      %rem3A_422 = arith.remsi %add3A_391, %select_n3A_421 : i32
      %ne3A_423 = arith.constant 0 : i32
      %ne3A_424 = arith.cmpi ne, %rem3A_422, %ne3A_423 : i32
      %lt3A_425 = arith.constant 0 : i32
      %lt3A_426 = arith.cmpi slt, %rem3A_422, %lt3A_425 : i32
      %lt3A_427 = arith.constant 0 : i32
      %lt3A_428 = arith.cmpi slt, %select_n3A_421, %lt3A_427 : i32
      %ne3A_429 = arith.xori %lt3A_426, %lt3A_428 : i1
      %and3A_430 = arith.andi %ne3A_429, %ne3A_424 : i1
      %add3A_431 = arith.addi %rem3A_422, %select_n3A_421 : i32
      %select_n3A_432 = arith.select %and3A_430, %add3A_431, %rem3A_422 : i32
      %broadcast_in_dim3A_433 = vector.broadcast %select_n3A_432 : i32 to vector<16xi32>
      %get3A_434 = arith.index_cast %add3A_391 : i32 to index
      %get3A_435 = arith.constant 0 : index
      %get3A_436 = tpu.vector_load %arg7[%get3A_434, %get3A_435] {strides = array<i32>} : memref<512x32xf32, #tpu.memory_space<vmem>>, vector<16xf32>,
      tpu.vector_store_idx %arg9[%broadcast_in_dim3A_416, %select_n3A, %select_n3A_77, %broadcast_in_dim3A_433], %get3A_436 : memref<4x4x8x129xf32, #tpu.memory_space<vmem>>[vector<16xi32>, vector<16xi32>, vector<16xi32>, vector<16xi32>], vector<16xf32>,
      %get3A_437 = arith.index_cast %add3A_391 : i32 to index
      %get3A_438 = arith.constant 16 : index
      %get3A_439 = tpu.vector_load %arg7[%get3A_437, %get3A_438] {strides = array<i32>} : memref<512x32xf32, #tpu.memory_space<vmem>>, vector<16xf32>,
      tpu.vector_store_idx %arg9[%broadcast_in_dim3A_416, %add3A_57, %select_n3A_77, %broadcast_in_dim3A_433], %get3A_439 : memref<4x4x8x129xf32, #tpu.memory_space<vmem>>[vector<16xi32>, vector<16xi32>, vector<16xi32>, vector<16xi32>], vector<16xf32>,
      %mul3A_440 = arith.constant 8 : i32
      %mul3A_441 = arith.muli %scan3A_337, %mul3A_440 : i32
      %add3A_442 = arith.constant 2 : i32
      %add3A_443 = arith.addi %mul3A_441, %add3A_442 : i32
      %jit3A_444 = arith.constant 128 : i32
      %div3A_445 = arith.divsi %add3A_443, %jit3A_444 : i32
      %sign3A_446 = arith.constant 0 : i32
      %sign3A_447 = arith.cmpi sgt, %add3A_443, %sign3A_446 : i32
      %sign3A_448 = arith.extui %sign3A_447 : i1 to i32
      %sign3A_449 = arith.constant 0 : i32
      %sign3A_450 = arith.cmpi slt, %add3A_443, %sign3A_449 : i32
      %sign3A_451 = arith.extui %sign3A_450 : i1 to i32
      %sign3A_452 = arith.subi %sign3A_448, %sign3A_451 : i32
      %sign3A_453 = arith.constant 0 : i32
      %sign3A_454 = arith.cmpi sgt, %jit3A_444, %sign3A_453 : i32
      %sign3A_455 = arith.extui %sign3A_454 : i1 to i32
      %sign3A_456 = arith.constant 0 : i32
      %sign3A_457 = arith.cmpi slt, %jit3A_444, %sign3A_456 : i32
      %sign3A_458 = arith.extui %sign3A_457 : i1 to i32
      %sign3A_459 = arith.subi %sign3A_455, %sign3A_458 : i32
      %ne3A_460 = arith.cmpi ne, %sign3A_452, %sign3A_459 : i32
      %rem3A_461 = arith.remsi %add3A_443, %jit3A_444 : i32
      %ne3A_462 = arith.constant 0 : i32
      %ne3A_463 = arith.cmpi ne, %rem3A_461, %ne3A_462 : i32
      %and3A_464 = arith.andi %ne3A_460, %ne3A_463 : i1
      %sub3A_465 = arith.constant 1 : i32
      %sub3A_466 = arith.subi %div3A_445, %sub3A_465 : i32
      %select_n3A_467 = arith.select %and3A_464, %sub3A_466, %div3A_445 : i32
      %broadcast_in_dim3A_468 = vector.broadcast %select_n3A_467 : i32 to vector<16xi32>
      %jit3A_469 = arith.constant 128 : i32
      %eq3A_470 = arith.constant 0 : i32
      %eq3A_471 = arith.cmpi eq, %jit3A_469, %eq3A_470 : i32
      %jit3A_472 = arith.constant 1 : i32
      %select_n3A_473 = arith.select %eq3A_471, %jit3A_472, %jit3A_469 : i32
      %rem3A_474 = arith.remsi %add3A_443, %select_n3A_473 : i32
      %ne3A_475 = arith.constant 0 : i32
      %ne3A_476 = arith.cmpi ne, %rem3A_474, %ne3A_475 : i32
      %lt3A_477 = arith.constant 0 : i32
      %lt3A_478 = arith.cmpi slt, %rem3A_474, %lt3A_477 : i32
      %lt3A_479 = arith.constant 0 : i32
      %lt3A_480 = arith.cmpi slt, %select_n3A_473, %lt3A_479 : i32
      %ne3A_481 = arith.xori %lt3A_478, %lt3A_480 : i1
      %and3A_482 = arith.andi %ne3A_481, %ne3A_476 : i1
      %add3A_483 = arith.addi %rem3A_474, %select_n3A_473 : i32
      %select_n3A_484 = arith.select %and3A_482, %add3A_483, %rem3A_474 : i32
      %broadcast_in_dim3A_485 = vector.broadcast %select_n3A_484 : i32 to vector<16xi32>
      %get3A_486 = arith.index_cast %add3A_443 : i32 to index
      %get3A_487 = arith.constant 0 : index
      %get3A_488 = tpu.vector_load %arg7[%get3A_486, %get3A_487] {strides = array<i32>} : memref<512x32xf32, #tpu.memory_space<vmem>>, vector<16xf32>,
      tpu.vector_store_idx %arg9[%broadcast_in_dim3A_468, %select_n3A, %select_n3A_77, %broadcast_in_dim3A_485], %get3A_488 : memref<4x4x8x129xf32, #tpu.memory_space<vmem>>[vector<16xi32>, vector<16xi32>, vector<16xi32>, vector<16xi32>], vector<16xf32>,
      %get3A_489 = arith.index_cast %add3A_443 : i32 to index
      %get3A_490 = arith.constant 16 : index
      %get3A_491 = tpu.vector_load %arg7[%get3A_489, %get3A_490] {strides = array<i32>} : memref<512x32xf32, #tpu.memory_space<vmem>>, vector<16xf32>,
      tpu.vector_store_idx %arg9[%broadcast_in_dim3A_468, %add3A_57, %select_n3A_77, %broadcast_in_dim3A_485], %get3A_491 : memref<4x4x8x129xf32, #tpu.memory_space<vmem>>[vector<16xi32>, vector<16xi32>, vector<16xi32>, vector<16xi32>], vector<16xf32>,
      %mul3A_492 = arith.constant 8 : i32
      %mul3A_493 = arith.muli %scan3A_337, %mul3A_492 : i32
      %add3A_494 = arith.constant 3 : i32
      %add3A_495 = arith.addi %mul3A_493, %add3A_494 : i32
      %jit3A_496 = arith.constant 128 : i32
      %div3A_497 = arith.divsi %add3A_495, %jit3A_496 : i32
      %sign3A_498 = arith.constant 0 : i32
      %sign3A_499 = arith.cmpi sgt, %add3A_495, %sign3A_498 : i32
      %sign3A_500 = arith.extui %sign3A_499 : i1 to i32
      %sign3A_501 = arith.constant 0 : i32
      %sign3A_502 = arith.cmpi slt, %add3A_495, %sign3A_501 : i32
      %sign3A_503 = arith.extui %sign3A_502 : i1 to i32
      %sign3A_504 = arith.subi %sign3A_500, %sign3A_503 : i32
      %sign3A_505 = arith.constant 0 : i32
      %sign3A_506 = arith.cmpi sgt, %jit3A_496, %sign3A_505 : i32
      %sign3A_507 = arith.extui %sign3A_506 : i1 to i32
      %sign3A_508 = arith.constant 0 : i32
      %sign3A_509 = arith.cmpi slt, %jit3A_496, %sign3A_508 : i32
      %sign3A_510 = arith.extui %sign3A_509 : i1 to i32
      %sign3A_511 = arith.subi %sign3A_507, %sign3A_510 : i32
      %ne3A_512 = arith.cmpi ne, %sign3A_504, %sign3A_511 : i32
      %rem3A_513 = arith.remsi %add3A_495, %jit3A_496 : i32
      %ne3A_514 = arith.constant 0 : i32
      %ne3A_515 = arith.cmpi ne, %rem3A_513, %ne3A_514 : i32
      %and3A_516 = arith.andi %ne3A_512, %ne3A_515 : i1
      %sub3A_517 = arith.constant 1 : i32
      %sub3A_518 = arith.subi %div3A_497, %sub3A_517 : i32
      %select_n3A_519 = arith.select %and3A_516, %sub3A_518, %div3A_497 : i32
      %broadcast_in_dim3A_520 = vector.broadcast %select_n3A_519 : i32 to vector<16xi32>
      %jit3A_521 = arith.constant 128 : i32
      %eq3A_522 = arith.constant 0 : i32
      %eq3A_523 = arith.cmpi eq, %jit3A_521, %eq3A_522 : i32
      %jit3A_524 = arith.constant 1 : i32
      %select_n3A_525 = arith.select %eq3A_523, %jit3A_524, %jit3A_521 : i32
      %rem3A_526 = arith.remsi %add3A_495, %select_n3A_525 : i32
      %ne3A_527 = arith.constant 0 : i32
      %ne3A_528 = arith.cmpi ne, %rem3A_526, %ne3A_527 : i32
      %lt3A_529 = arith.constant 0 : i32
      %lt3A_530 = arith.cmpi slt, %rem3A_526, %lt3A_529 : i32
      %lt3A_531 = arith.constant 0 : i32
      %lt3A_532 = arith.cmpi slt, %select_n3A_525, %lt3A_531 : i32
      %ne3A_533 = arith.xori %lt3A_530, %lt3A_532 : i1
      %and3A_534 = arith.andi %ne3A_533, %ne3A_528 : i1
      %add3A_535 = arith.addi %rem3A_526, %select_n3A_525 : i32
      %select_n3A_536 = arith.select %and3A_534, %add3A_535, %rem3A_526 : i32
      %broadcast_in_dim3A_537 = vector.broadcast %select_n3A_536 : i32 to vector<16xi32>
      %get3A_538 = arith.index_cast %add3A_495 : i32 to index
      %get3A_539 = arith.constant 0 : index
      %get3A_540 = tpu.vector_load %arg7[%get3A_538, %get3A_539] {strides = array<i32>} : memref<512x32xf32, #tpu.memory_space<vmem>>, vector<16xf32>,
      tpu.vector_store_idx %arg9[%broadcast_in_dim3A_520, %select_n3A, %select_n3A_77, %broadcast_in_dim3A_537], %get3A_540 : memref<4x4x8x129xf32, #tpu.memory_space<vmem>>[vector<16xi32>, vector<16xi32>, vector<16xi32>, vector<16xi32>], vector<16xf32>,
      %get3A_541 = arith.index_cast %add3A_495 : i32 to index
      %get3A_542 = arith.constant 16 : index
      %get3A_543 = tpu.vector_load %arg7[%get3A_541, %get3A_542] {strides = array<i32>} : memref<512x32xf32, #tpu.memory_space<vmem>>, vector<16xf32>,
      tpu.vector_store_idx %arg9[%broadcast_in_dim3A_520, %add3A_57, %select_n3A_77, %broadcast_in_dim3A_537], %get3A_543 : memref<4x4x8x129xf32, #tpu.memory_space<vmem>>[vector<16xi32>, vector<16xi32>, vector<16xi32>, vector<16xi32>], vector<16xf32>,
      %mul3A_544 = arith.constant 8 : i32
      %mul3A_545 = arith.muli %scan3A_337, %mul3A_544 : i32
      %add3A_546 = arith.constant 4 : i32
      %add3A_547 = arith.addi %mul3A_545, %add3A_546 : i32
      %jit3A_548 = arith.constant 128 : i32
      %div3A_549 = arith.divsi %add3A_547, %jit3A_548 : i32
      %sign3A_550 = arith.constant 0 : i32
      %sign3A_551 = arith.cmpi sgt, %add3A_547, %sign3A_550 : i32
      %sign3A_552 = arith.extui %sign3A_551 : i1 to i32
      %sign3A_553 = arith.constant 0 : i32
      %sign3A_554 = arith.cmpi slt, %add3A_547, %sign3A_553 : i32
      %sign3A_555 = arith.extui %sign3A_554 : i1 to i32
      %sign3A_556 = arith.subi %sign3A_552, %sign3A_555 : i32
      %sign3A_557 = arith.constant 0 : i32
      %sign3A_558 = arith.cmpi sgt, %jit3A_548, %sign3A_557 : i32
      %sign3A_559 = arith.extui %sign3A_558 : i1 to i32
      %sign3A_560 = arith.constant 0 : i32
      %sign3A_561 = arith.cmpi slt, %jit3A_548, %sign3A_560 : i32
      %sign3A_562 = arith.extui %sign3A_561 : i1 to i32
      %sign3A_563 = arith.subi %sign3A_559, %sign3A_562 : i32
      %ne3A_564 = arith.cmpi ne, %sign3A_556, %sign3A_563 : i32
      %rem3A_565 = arith.remsi %add3A_547, %jit3A_548 : i32
      %ne3A_566 = arith.constant 0 : i32
      %ne3A_567 = arith.cmpi ne, %rem3A_565, %ne3A_566 : i32
      %and3A_568 = arith.andi %ne3A_564, %ne3A_567 : i1
      %sub3A_569 = arith.constant 1 : i32
      %sub3A_570 = arith.subi %div3A_549, %sub3A_569 : i32
      %select_n3A_571 = arith.select %and3A_568, %sub3A_570, %div3A_549 : i32
      %broadcast_in_dim3A_572 = vector.broadcast %select_n3A_571 : i32 to vector<16xi32>
      %jit3A_573 = arith.constant 128 : i32
      %eq3A_574 = arith.constant 0 : i32
      %eq3A_575 = arith.cmpi eq, %jit3A_573, %eq3A_574 : i32
      %jit3A_576 = arith.constant 1 : i32
      %select_n3A_577 = arith.select %eq3A_575, %jit3A_576, %jit3A_573 : i32
      %rem3A_578 = arith.remsi %add3A_547, %select_n3A_577 : i32
      %ne3A_579 = arith.constant 0 : i32
      %ne3A_580 = arith.cmpi ne, %rem3A_578, %ne3A_579 : i32
      %lt3A_581 = arith.constant 0 : i32
      %lt3A_582 = arith.cmpi slt, %rem3A_578, %lt3A_581 : i32
      %lt3A_583 = arith.constant 0 : i32
      %lt3A_584 = arith.cmpi slt, %select_n3A_577, %lt3A_583 : i32
      %ne3A_585 = arith.xori %lt3A_582, %lt3A_584 : i1
      %and3A_586 = arith.andi %ne3A_585, %ne3A_580 : i1
      %add3A_587 = arith.addi %rem3A_578, %select_n3A_577 : i32
      %select_n3A_588 = arith.select %and3A_586, %add3A_587, %rem3A_578 : i32
      %broadcast_in_dim3A_589 = vector.broadcast %select_n3A_588 : i32 to vector<16xi32>
      %get3A_590 = arith.index_cast %add3A_547 : i32 to index
      %get3A_591 = arith.constant 0 : index
      %get3A_592 = tpu.vector_load %arg7[%get3A_590, %get3A_591] {strides = array<i32>} : memref<512x32xf32, #tpu.memory_space<vmem>>, vector<16xf32>,
      tpu.vector_store_idx %arg9[%broadcast_in_dim3A_572, %select_n3A, %select_n3A_77, %broadcast_in_dim3A_589], %get3A_592 : memref<4x4x8x129xf32, #tpu.memory_space<vmem>>[vector<16xi32>, vector<16xi32>, vector<16xi32>, vector<16xi32>], vector<16xf32>,
      %get3A_593 = arith.index_cast %add3A_547 : i32 to index
      %get3A_594 = arith.constant 16 : index
      %get3A_595 = tpu.vector_load %arg7[%get3A_593, %get3A_594] {strides = array<i32>} : memref<512x32xf32, #tpu.memory_space<vmem>>, vector<16xf32>,
      tpu.vector_store_idx %arg9[%broadcast_in_dim3A_572, %add3A_57, %select_n3A_77, %broadcast_in_dim3A_589], %get3A_595 : memref<4x4x8x129xf32, #tpu.memory_space<vmem>>[vector<16xi32>, vector<16xi32>, vector<16xi32>, vector<16xi32>], vector<16xf32>,
      %mul3A_596 = arith.constant 8 : i32
      %mul3A_597 = arith.muli %scan3A_337, %mul3A_596 : i32
      %add3A_598 = arith.constant 5 : i32
      %add3A_599 = arith.addi %mul3A_597, %add3A_598 : i32
      %jit3A_600 = arith.constant 128 : i32
      %div3A_601 = arith.divsi %add3A_599, %jit3A_600 : i32
      %sign3A_602 = arith.constant 0 : i32
      %sign3A_603 = arith.cmpi sgt, %add3A_599, %sign3A_602 : i32
      %sign3A_604 = arith.extui %sign3A_603 : i1 to i32
      %sign3A_605 = arith.constant 0 : i32
      %sign3A_606 = arith.cmpi slt, %add3A_599, %sign3A_605 : i32
      %sign3A_607 = arith.extui %sign3A_606 : i1 to i32
      %sign3A_608 = arith.subi %sign3A_604, %sign3A_607 : i32
      %sign3A_609 = arith.constant 0 : i32
      %sign3A_610 = arith.cmpi sgt, %jit3A_600, %sign3A_609 : i32
      %sign3A_611 = arith.extui %sign3A_610 : i1 to i32
      %sign3A_612 = arith.constant 0 : i32
      %sign3A_613 = arith.cmpi slt, %jit3A_600, %sign3A_612 : i32
      %sign3A_614 = arith.extui %sign3A_613 : i1 to i32
      %sign3A_615 = arith.subi %sign3A_611, %sign3A_614 : i32
      %ne3A_616 = arith.cmpi ne, %sign3A_608, %sign3A_615 : i32
      %rem3A_617 = arith.remsi %add3A_599, %jit3A_600 : i32
      %ne3A_618 = arith.constant 0 : i32
      %ne3A_619 = arith.cmpi ne, %rem3A_617, %ne3A_618 : i32
      %and3A_620 = arith.andi %ne3A_616, %ne3A_619 : i1
      %sub3A_621 = arith.constant 1 : i32
      %sub3A_622 = arith.subi %div3A_601, %sub3A_621 : i32
      %select_n3A_623 = arith.select %and3A_620, %sub3A_622, %div3A_601 : i32
      %broadcast_in_dim3A_624 = vector.broadcast %select_n3A_623 : i32 to vector<16xi32>
      %jit3A_625 = arith.constant 128 : i32
      %eq3A_626 = arith.constant 0 : i32
      %eq3A_627 = arith.cmpi eq, %jit3A_625, %eq3A_626 : i32
      %jit3A_628 = arith.constant 1 : i32
      %select_n3A_629 = arith.select %eq3A_627, %jit3A_628, %jit3A_625 : i32
      %rem3A_630 = arith.remsi %add3A_599, %select_n3A_629 : i32
      %ne3A_631 = arith.constant 0 : i32
      %ne3A_632 = arith.cmpi ne, %rem3A_630, %ne3A_631 : i32
      %lt3A_633 = arith.constant 0 : i32
      %lt3A_634 = arith.cmpi slt, %rem3A_630, %lt3A_633 : i32
      %lt3A_635 = arith.constant 0 : i32
      %lt3A_636 = arith.cmpi slt, %select_n3A_629, %lt3A_635 : i32
      %ne3A_637 = arith.xori %lt3A_634, %lt3A_636 : i1
      %and3A_638 = arith.andi %ne3A_637, %ne3A_632 : i1
      %add3A_639 = arith.addi %rem3A_630, %select_n3A_629 : i32
      %select_n3A_640 = arith.select %and3A_638, %add3A_639, %rem3A_630 : i32
      %broadcast_in_dim3A_641 = vector.broadcast %select_n3A_640 : i32 to vector<16xi32>
      %get3A_642 = arith.index_cast %add3A_599 : i32 to index
      %get3A_643 = arith.constant 0 : index
      %get3A_644 = tpu.vector_load %arg7[%get3A_642, %get3A_643] {strides = array<i32>} : memref<512x32xf32, #tpu.memory_space<vmem>>, vector<16xf32>,
      tpu.vector_store_idx %arg9[%broadcast_in_dim3A_624, %select_n3A, %select_n3A_77, %broadcast_in_dim3A_641], %get3A_644 : memref<4x4x8x129xf32, #tpu.memory_space<vmem>>[vector<16xi32>, vector<16xi32>, vector<16xi32>, vector<16xi32>], vector<16xf32>,
      %get3A_645 = arith.index_cast %add3A_599 : i32 to index
      %get3A_646 = arith.constant 16 : index
      %get3A_647 = tpu.vector_load %arg7[%get3A_645, %get3A_646] {strides = array<i32>} : memref<512x32xf32, #tpu.memory_space<vmem>>, vector<16xf32>,
      tpu.vector_store_idx %arg9[%broadcast_in_dim3A_624, %add3A_57, %select_n3A_77, %broadcast_in_dim3A_641], %get3A_647 : memref<4x4x8x129xf32, #tpu.memory_space<vmem>>[vector<16xi32>, vector<16xi32>, vector<16xi32>, vector<16xi32>], vector<16xf32>,
      %mul3A_648 = arith.constant 8 : i32
      %mul3A_649 = arith.muli %scan3A_337, %mul3A_648 : i32
      %add3A_650 = arith.constant 6 : i32
      %add3A_651 = arith.addi %mul3A_649, %add3A_650 : i32
      %jit3A_652 = arith.constant 128 : i32
      %div3A_653 = arith.divsi %add3A_651, %jit3A_652 : i32
      %sign3A_654 = arith.constant 0 : i32
      %sign3A_655 = arith.cmpi sgt, %add3A_651, %sign3A_654 : i32
      %sign3A_656 = arith.extui %sign3A_655 : i1 to i32
      %sign3A_657 = arith.constant 0 : i32
      %sign3A_658 = arith.cmpi slt, %add3A_651, %sign3A_657 : i32
      %sign3A_659 = arith.extui %sign3A_658 : i1 to i32
      %sign3A_660 = arith.subi %sign3A_656, %sign3A_659 : i32
      %sign3A_661 = arith.constant 0 : i32
      %sign3A_662 = arith.cmpi sgt, %jit3A_652, %sign3A_661 : i32
      %sign3A_663 = arith.extui %sign3A_662 : i1 to i32
      %sign3A_664 = arith.constant 0 : i32
      %sign3A_665 = arith.cmpi slt, %jit3A_652, %sign3A_664 : i32
      %sign3A_666 = arith.extui %sign3A_665 : i1 to i32
      %sign3A_667 = arith.subi %sign3A_663, %sign3A_666 : i32
      %ne3A_668 = arith.cmpi ne, %sign3A_660, %sign3A_667 : i32
      %rem3A_669 = arith.remsi %add3A_651, %jit3A_652 : i32
      %ne3A_670 = arith.constant 0 : i32
      %ne3A_671 = arith.cmpi ne, %rem3A_669, %ne3A_670 : i32
      %and3A_672 = arith.andi %ne3A_668, %ne3A_671 : i1
      %sub3A_673 = arith.constant 1 : i32
      %sub3A_674 = arith.subi %div3A_653, %sub3A_673 : i32
      %select_n3A_675 = arith.select %and3A_672, %sub3A_674, %div3A_653 : i32
      %broadcast_in_dim3A_676 = vector.broadcast %select_n3A_675 : i32 to vector<16xi32>
      %jit3A_677 = arith.constant 128 : i32
      %eq3A_678 = arith.constant 0 : i32
      %eq3A_679 = arith.cmpi eq, %jit3A_677, %eq3A_678 : i32
      %jit3A_680 = arith.constant 1 : i32
      %select_n3A_681 = arith.select %eq3A_679, %jit3A_680, %jit3A_677 : i32
      %rem3A_682 = arith.remsi %add3A_651, %select_n3A_681 : i32
      %ne3A_683 = arith.constant 0 : i32
      %ne3A_684 = arith.cmpi ne, %rem3A_682, %ne3A_683 : i32
      %lt3A_685 = arith.constant 0 : i32
      %lt3A_686 = arith.cmpi slt, %rem3A_682, %lt3A_685 : i32
      %lt3A_687 = arith.constant 0 : i32
      %lt3A_688 = arith.cmpi slt, %select_n3A_681, %lt3A_687 : i32
      %ne3A_689 = arith.xori %lt3A_686, %lt3A_688 : i1
      %and3A_690 = arith.andi %ne3A_689, %ne3A_684 : i1
      %add3A_691 = arith.addi %rem3A_682, %select_n3A_681 : i32
      %select_n3A_692 = arith.select %and3A_690, %add3A_691, %rem3A_682 : i32
      %broadcast_in_dim3A_693 = vector.broadcast %select_n3A_692 : i32 to vector<16xi32>
      %get3A_694 = arith.index_cast %add3A_651 : i32 to index
      %get3A_695 = arith.constant 0 : index
      %get3A_696 = tpu.vector_load %arg7[%get3A_694, %get3A_695] {strides = array<i32>} : memref<512x32xf32, #tpu.memory_space<vmem>>, vector<16xf32>,
      tpu.vector_store_idx %arg9[%broadcast_in_dim3A_676, %select_n3A, %select_n3A_77, %broadcast_in_dim3A_693], %get3A_696 : memref<4x4x8x129xf32, #tpu.memory_space<vmem>>[vector<16xi32>, vector<16xi32>, vector<16xi32>, vector<16xi32>], vector<16xf32>,
      %get3A_697 = arith.index_cast %add3A_651 : i32 to index
      %get3A_698 = arith.constant 16 : index
      %get3A_699 = tpu.vector_load %arg7[%get3A_697, %get3A_698] {strides = array<i32>} : memref<512x32xf32, #tpu.memory_space<vmem>>, vector<16xf32>,
      tpu.vector_store_idx %arg9[%broadcast_in_dim3A_676, %add3A_57, %select_n3A_77, %broadcast_in_dim3A_693], %get3A_699 : memref<4x4x8x129xf32, #tpu.memory_space<vmem>>[vector<16xi32>, vector<16xi32>, vector<16xi32>, vector<16xi32>], vector<16xf32>,
      %mul3A_700 = arith.constant 8 : i32
      %mul3A_701 = arith.muli %scan3A_337, %mul3A_700 : i32
      %add3A_702 = arith.constant 7 : i32
      %add3A_703 = arith.addi %mul3A_701, %add3A_702 : i32
      %jit3A_704 = arith.constant 128 : i32
      %div3A_705 = arith.divsi %add3A_703, %jit3A_704 : i32
      %sign3A_706 = arith.constant 0 : i32
      %sign3A_707 = arith.cmpi sgt, %add3A_703, %sign3A_706 : i32
      %sign3A_708 = arith.extui %sign3A_707 : i1 to i32
      %sign3A_709 = arith.constant 0 : i32
      %sign3A_710 = arith.cmpi slt, %add3A_703, %sign3A_709 : i32
      %sign3A_711 = arith.extui %sign3A_710 : i1 to i32
      %sign3A_712 = arith.subi %sign3A_708, %sign3A_711 : i32
      %sign3A_713 = arith.constant 0 : i32
      %sign3A_714 = arith.cmpi sgt, %jit3A_704, %sign3A_713 : i32
      %sign3A_715 = arith.extui %sign3A_714 : i1 to i32
      %sign3A_716 = arith.constant 0 : i32
      %sign3A_717 = arith.cmpi slt, %jit3A_704, %sign3A_716 : i32
      %sign3A_718 = arith.extui %sign3A_717 : i1 to i32
      %sign3A_719 = arith.subi %sign3A_715, %sign3A_718 : i32
      %ne3A_720 = arith.cmpi ne, %sign3A_712, %sign3A_719 : i32
      %rem3A_721 = arith.remsi %add3A_703, %jit3A_704 : i32
      %ne3A_722 = arith.constant 0 : i32
      %ne3A_723 = arith.cmpi ne, %rem3A_721, %ne3A_722 : i32
      %and3A_724 = arith.andi %ne3A_720, %ne3A_723 : i1
      %sub3A_725 = arith.constant 1 : i32
      %sub3A_726 = arith.subi %div3A_705, %sub3A_725 : i32
      %select_n3A_727 = arith.select %and3A_724, %sub3A_726, %div3A_705 : i32
      %broadcast_in_dim3A_728 = vector.broadcast %select_n3A_727 : i32 to vector<16xi32>
      %jit3A_729 = arith.constant 128 : i32
      %eq3A_730 = arith.constant 0 : i32
      %eq3A_731 = arith.cmpi eq, %jit3A_729, %eq3A_730 : i32
      %jit3A_732 = arith.constant 1 : i32
      %select_n3A_733 = arith.select %eq3A_731, %jit3A_732, %jit3A_729 : i32
      %rem3A_734 = arith.remsi %add3A_703, %select_n3A_733 : i32
      %ne3A_735 = arith.constant 0 : i32
      %ne3A_736 = arith.cmpi ne, %rem3A_734, %ne3A_735 : i32
      %lt3A_737 = arith.constant 0 : i32
      %lt3A_738 = arith.cmpi slt, %rem3A_734, %lt3A_737 : i32
      %lt3A_739 = arith.constant 0 : i32
      %lt3A_740 = arith.cmpi slt, %select_n3A_733, %lt3A_739 : i32
      %ne3A_741 = arith.xori %lt3A_738, %lt3A_740 : i1
      %and3A_742 = arith.andi %ne3A_741, %ne3A_736 : i1
      %add3A_743 = arith.addi %rem3A_734, %select_n3A_733 : i32
      %select_n3A_744 = arith.select %and3A_742, %add3A_743, %rem3A_734 : i32
      %broadcast_in_dim3A_745 = vector.broadcast %select_n3A_744 : i32 to vector<16xi32>
      %get3A_746 = arith.index_cast %add3A_703 : i32 to index
      %get3A_747 = arith.constant 0 : index
      %get3A_748 = tpu.vector_load %arg7[%get3A_746, %get3A_747] {strides = array<i32>} : memref<512x32xf32, #tpu.memory_space<vmem>>, vector<16xf32>,
      tpu.vector_store_idx %arg9[%broadcast_in_dim3A_728, %select_n3A, %select_n3A_77, %broadcast_in_dim3A_745], %get3A_748 : memref<4x4x8x129xf32, #tpu.memory_space<vmem>>[vector<16xi32>, vector<16xi32>, vector<16xi32>, vector<16xi32>], vector<16xf32>,
      %get3A_749 = arith.index_cast %add3A_703 : i32 to index
      %get3A_750 = arith.constant 16 : index
      %get3A_751 = tpu.vector_load %arg7[%get3A_749, %get3A_750] {strides = array<i32>} : memref<512x32xf32, #tpu.memory_space<vmem>>, vector<16xf32>,
      tpu.vector_store_idx %arg9[%broadcast_in_dim3A_728, %add3A_57, %select_n3A_77, %broadcast_in_dim3A_745], %get3A_751 : memref<4x4x8x129xf32, #tpu.memory_space<vmem>>[vector<16xi32>, vector<16xi32>, vector<16xi32>, vector<16xi32>], vector<16xf32>,
    }
    %scan3A_270 = arith.constant 64 : i32
    %dma_start3A_271 = arith.constant 0 : i32
    %dma_start3A_272 = arith.constant 0 : i32
    %dma_start3A_273 = arith.constant 0 : i32
    %dma_start3A_274 = arith.constant 0 : i32
    %dma_start3A_275 = tpu.memref_slice %arg9[%dma_start3A_271, %dma_start3A_272, %dma_start3A_273, %dma_start3A_274] : memref<4x4x8x129xf32, #tpu.memory_space<vmem>> -> memref<4x4x8x128xf32, #tpu.memory_space<vmem>>
    %dma_start3A_276 = arith.constant 196 : i32
    %dma_start3A_277 = arith.constant 0 : i32
    %dma_start3A_278 = arith.constant 0 : i32
    %dma_start3A_279 = arith.constant 0 : i32
    %dma_start3A_280 = tpu.memref_slice %arg4[%dma_start3A_276, %dma_start3A_277, %add3A, %dma_start3A_278, %dma_start3A_279] : memref<200x4x32x8x128xf32, #tpu.memory_space<hbm>> -> memref<4x4x1x8x128xf32, #tpu.memory_space<hbm>>
    %dma_start3A_281 = tpu.memref_squeeze %dma_start3A_280 : memref<4x4x1x8x128xf32, #tpu.memory_space<hbm>> -> memref<4x4x8x128xf32, #tpu.memory_space<hbm>>
    %dma_start3A_282 = arith.constant 196 : i32
    %dma_start3A_283 = arith.constant 0 : i32
    %dma_start3A_284 = arith.constant 0 : i32
    %dma_start3A_285 = arith.constant 0 : i32
    %dma_start3A_286 = tpu.memref_slice %arg4[%dma_start3A_282, %dma_start3A_283, %add3A, %dma_start3A_284, %dma_start3A_285] : memref<200x4x32x8x128xf32, #tpu.memory_space<hbm>> -> memref<4x4x1x8x128xf32, #tpu.memory_space<hbm>>
    %dma_start3A_287 = tpu.memref_squeeze %dma_start3A_286 : memref<4x4x1x8x128xf32, #tpu.memory_space<hbm>> -> memref<4x4x8x128xf32, #tpu.memory_space<hbm>>
    %dma_start3A_288 = arith.constant 0 : i32
    %dma_start3A_289 = arith.constant 0 : i32
    %dma_start3A_290 = arith.constant 0 : i32
    %dma_start3A_291 = arith.constant 0 : i32
    %dma_start3A_292 = tpu.memref_slice %arg9[%dma_start3A_288, %dma_start3A_289, %dma_start3A_290, %dma_start3A_291] : memref<4x4x8x129xf32, #tpu.memory_space<vmem>> -> memref<4x4x8x128xf32, #tpu.memory_space<vmem>>
    tpu.enqueue_dma source(%dma_start3A_292 : memref<4x4x8x128xf32, #tpu.memory_space<vmem>>) target(%dma_start3A_287 : memref<4x4x8x128xf32, #tpu.memory_space<hbm>>) target_semaphore(%arg11 : memref<!tpu.dma_semaphore, #tpu.memory_space<semaphore_mem>>)
    %dma_wait3A_293 = arith.constant 0 : i32
    %dma_wait3A_294 = arith.constant 0 : i32
    %dma_wait3A_295 = arith.constant 0 : i32
    %dma_wait3A_296 = arith.constant 0 : i32
    %dma_wait3A_297 = tpu.memref_slice %arg8[%dma_wait3A_293, %dma_wait3A_294, %dma_wait3A_295, %dma_wait3A_296] : memref<4x4x8x129xf32, #tpu.memory_space<vmem>> -> memref<4x4x8x128xf32, #tpu.memory_space<vmem>>
    %dma_wait3A_298 = arith.constant 192 : i32
    %dma_wait3A_299 = arith.constant 0 : i32
    %dma_wait3A_300 = arith.constant 0 : i32
    %dma_wait3A_301 = arith.constant 0 : i32
    %dma_wait3A_302 = tpu.memref_slice %arg4[%dma_wait3A_298, %dma_wait3A_299, %add3A, %dma_wait3A_300, %dma_wait3A_301] : memref<200x4x32x8x128xf32, #tpu.memory_space<hbm>> -> memref<4x4x1x8x128xf32, #tpu.memory_space<hbm>>
    %dma_wait3A_303 = tpu.memref_squeeze %dma_wait3A_302 : memref<4x4x1x8x128xf32, #tpu.memory_space<hbm>> -> memref<4x4x8x128xf32, #tpu.memory_space<hbm>>
    %dma_wait3A_304 = arith.constant 192 : i32
    %dma_wait3A_305 = arith.constant 0 : i32
    %dma_wait3A_306 = arith.constant 0 : i32
    %dma_wait3A_307 = arith.constant 0 : i32
    %dma_wait3A_308 = tpu.memref_slice %arg4[%dma_wait3A_304, %dma_wait3A_305, %add3A, %dma_wait3A_306, %dma_wait3A_307] : memref<200x4x32x8x128xf32, #tpu.memory_space<hbm>> -> memref<4x4x1x8x128xf32, #tpu.memory_space<hbm>>
    %dma_wait3A_309 = tpu.memref_squeeze %dma_wait3A_308 : memref<4x4x1x8x128xf32, #tpu.memory_space<hbm>> -> memref<4x4x8x128xf32, #tpu.memory_space<hbm>>
    %dma_wait3A_310 = arith.constant 0 : i32
    %dma_wait3A_311 = arith.constant 0 : i32
    %dma_wait3A_312 = arith.constant 0 : i32
    %dma_wait3A_313 = arith.constant 0 : i32
    %dma_wait3A_314 = tpu.memref_slice %arg8[%dma_wait3A_310, %dma_wait3A_311, %dma_wait3A_312, %dma_wait3A_313] : memref<4x4x8x129xf32, #tpu.memory_space<vmem>> -> memref<4x4x8x128xf32, #tpu.memory_space<vmem>>
    tpu.wait_dma2 semaphore(%arg11 : memref<!tpu.dma_semaphore, #tpu.memory_space<semaphore_mem>>) src(%dma_wait3A_314 : memref<4x4x8x128xf32, #tpu.memory_space<vmem>>) dst(%dma_wait3A_309 : memref<4x4x8x128xf32, #tpu.memory_space<hbm>>)
    %dma_wait3A_315 = arith.constant 0 : i32
    %dma_wait3A_316 = arith.constant 0 : i32
    %dma_wait3A_317 = arith.constant 0 : i32
    %dma_wait3A_318 = arith.constant 0 : i32
    %dma_wait3A_319 = tpu.memref_slice %arg9[%dma_wait3A_315, %dma_wait3A_316, %dma_wait3A_317, %dma_wait3A_318] : memref<4x4x8x129xf32, #tpu.memory_space<vmem>> -> memref<4x4x8x128xf32, #tpu.memory_space<vmem>>
    %dma_wait3A_320 = arith.constant 196 : i32
    %dma_wait3A_321 = arith.constant 0 : i32
    %dma_wait3A_322 = arith.constant 0 : i32
    %dma_wait3A_323 = arith.constant 0 : i32
    %dma_wait3A_324 = tpu.memref_slice %arg4[%dma_wait3A_320, %dma_wait3A_321, %add3A, %dma_wait3A_322, %dma_wait3A_323] : memref<200x4x32x8x128xf32, #tpu.memory_space<hbm>> -> memref<4x4x1x8x128xf32, #tpu.memory_space<hbm>>
    %dma_wait3A_325 = tpu.memref_squeeze %dma_wait3A_324 : memref<4x4x1x8x128xf32, #tpu.memory_space<hbm>> -> memref<4x4x8x128xf32, #tpu.memory_space<hbm>>
    %dma_wait3A_326 = arith.constant 196 : i32
    %dma_wait3A_327 = arith.constant 0 : i32
    %dma_wait3A_328 = arith.constant 0 : i32
    %dma_wait3A_329 = arith.constant 0 : i32
    %dma_wait3A_330 = tpu.memref_slice %arg4[%dma_wait3A_326, %dma_wait3A_327, %add3A, %dma_wait3A_328, %dma_wait3A_329] : memref<200x4x32x8x128xf32, #tpu.memory_space<hbm>> -> memref<4x4x1x8x128xf32, #tpu.memory_space<hbm>>
    %dma_wait3A_331 = tpu.memref_squeeze %dma_wait3A_330 : memref<4x4x1x8x128xf32, #tpu.memory_space<hbm>> -> memref<4x4x8x128xf32, #tpu.memory_space<hbm>>
    %dma_wait3A_332 = arith.constant 0 : i32
    %dma_wait3A_333 = arith.constant 0 : i32
    %dma_wait3A_334 = arith.constant 0 : i32
    %dma_wait3A_335 = arith.constant 0 : i32
    %dma_wait3A_336 = tpu.memref_slice %arg9[%dma_wait3A_332, %dma_wait3A_333, %dma_wait3A_334, %dma_wait3A_335] : memref<4x4x8x129xf32, #tpu.memory_space<vmem>> -> memref<4x4x8x128xf32, #tpu.memory_space<vmem>>
    tpu.wait_dma2 semaphore(%arg11 : memref<!tpu.dma_semaphore, #tpu.memory_space<semaphore_mem>>) src(%dma_wait3A_336 : memref<4x4x8x128xf32, #tpu.memory_space<vmem>>) dst(%dma_wait3A_331 : memref<4x4x8x128xf32, #tpu.memory_space<hbm>>)
    return
  }
}

module attributes {stable_mosaic.version = 14 : i64} {
  func.func @body(%arg0: i32, %arg1: memref<32x8192xf32, #tpu.memory_space<vmem>>, %arg2: memref<2048x128xf32, #tpu.memory_space<vmem>>) attributes {dimension_semantics = [#tpu.dimension_semantics<arbitrary>], iteration_bounds = array<i64: 123>, scalar_prefetch = 0 : i64, scratch_operands = 0 : i64, tpu.core_type = #tpu.core_type<tc>, window_params = [{transform_indices = @transform_0, window_bounds = array<i64: 32, 8192>}, {transform_indices = @transform_1, window_bounds = array<i64: 2048, 128>}]} {
    %get3A = arith.constant 0 : index
    %get3A_0 = arith.constant 0 : index
    %get3A_1 = vector.load %arg1[%get3A, %get3A_0] : memref<32x8192xf32, #tpu.memory_space<vmem>>, vector<32x8192xf32>
    %transpose3A = tpu.transpose %get3A_1, [1, 0] : vector<32x8192xf32> -> vector<8192x32xf32>
    %reshape3A = vector.shape_cast %transpose3A : vector<8192x32xf32> to vector<2048x4x32xf32>
    %slice3A = vector.extract_strided_slice %reshape3A {offsets = [0, 0, 0], sizes = [2048, 1, 32], strides = [1, 1, 1]} : vector<2048x4x32xf32> to vector<2048x1x32xf32>
    %squeeze3A = vector.shape_cast %slice3A : vector<2048x1x32xf32> to vector<2048x32xf32>
    %swap3A = arith.constant 0 : index
    %swap3A_2 = arith.constant 0 : index
    %swap3A_3 = vector.load %arg2[%swap3A, %swap3A_2] : memref<2048x128xf32, #tpu.memory_space<vmem>>, vector<2048x32xf32>
    tpu.vector_store %arg2[%swap3A, %swap3A_2], %squeeze3A {strides = array<i32>} : memref<2048x128xf32, #tpu.memory_space<vmem>>, vector<2048x32xf32>,
    %slice3A_4 = vector.extract_strided_slice %reshape3A {offsets = [0, 1, 0], sizes = [2048, 1, 32], strides = [1, 1, 1]} : vector<2048x4x32xf32> to vector<2048x1x32xf32>
    %squeeze3A_5 = vector.shape_cast %slice3A_4 : vector<2048x1x32xf32> to vector<2048x32xf32>
    %swap3A_6 = arith.constant 0 : index
    %swap3A_7 = arith.constant 32 : index
    %swap3A_8 = vector.load %arg2[%swap3A_6, %swap3A_7] : memref<2048x128xf32, #tpu.memory_space<vmem>>, vector<2048x32xf32>
    tpu.vector_store %arg2[%swap3A_6, %swap3A_7], %squeeze3A_5 {strides = array<i32>} : memref<2048x128xf32, #tpu.memory_space<vmem>>, vector<2048x32xf32>,
    %slice3A_9 = vector.extract_strided_slice %reshape3A {offsets = [0, 2, 0], sizes = [2048, 1, 32], strides = [1, 1, 1]} : vector<2048x4x32xf32> to vector<2048x1x32xf32>
    %squeeze3A_10 = vector.shape_cast %slice3A_9 : vector<2048x1x32xf32> to vector<2048x32xf32>
    %swap3A_11 = arith.constant 0 : index
    %swap3A_12 = arith.constant 64 : index
    %swap3A_13 = vector.load %arg2[%swap3A_11, %swap3A_12] : memref<2048x128xf32, #tpu.memory_space<vmem>>, vector<2048x32xf32>
    tpu.vector_store %arg2[%swap3A_11, %swap3A_12], %squeeze3A_10 {strides = array<i32>} : memref<2048x128xf32, #tpu.memory_space<vmem>>, vector<2048x32xf32>,
    %slice3A_14 = vector.extract_strided_slice %reshape3A {offsets = [0, 3, 0], sizes = [2048, 1, 32], strides = [1, 1, 1]} : vector<2048x4x32xf32> to vector<2048x1x32xf32>
    %squeeze3A_15 = vector.shape_cast %slice3A_14 : vector<2048x1x32xf32> to vector<2048x32xf32>
    %swap3A_16 = arith.constant 0 : index
    %swap3A_17 = arith.constant 96 : index
    %swap3A_18 = vector.load %arg2[%swap3A_16, %swap3A_17] : memref<2048x128xf32, #tpu.memory_space<vmem>>, vector<2048x32xf32>
    tpu.vector_store %arg2[%swap3A_16, %swap3A_17], %squeeze3A_15 {strides = array<i32>} : memref<2048x128xf32, #tpu.memory_space<vmem>>, vector<2048x32xf32>,
    return
  }
  func.func @transform_0(%arg0: i32) -> (i32, i32) {
    %c0_i32 = arith.constant 0 : i32
    %c0_i32_0 = arith.constant 0 : i32
    return %c0_i32, %arg0 : i32, i32
  }
  func.func @transform_1(%arg0: i32) -> (i32, i32) {
    %c0_i32 = arith.constant 0 : i32
    %c0_i32_0 = arith.constant 0 : i32
    return %arg0, %c0_i32 : i32, i32
  }
}

</mosaic_0001>

<sc_bundles>
// kernel: kernel.4.cloned.1.call-start
scs
__scs_entry_jumppad:
0x0: {  	(pc) =	sbr.rel $0x88, $3  }
0x1: {  	(tag) =	ssettag $0x0;
	lr =	simm.s32 $0x1  }
0x2: {  	[smem:$0x3F9F] =	sst lr;
	_ =	strace $0xD0000000  }
0x3: {  	_ = 	snop  }
0x4: {  	_ = 	snop  }
0x5: {  	_ = 	snop  }
0x6: {  	_ = 	snop  }
0x7: {  	_ = 	snop  }
__scs_overlays_trampoline_lowered:
0x8: {  	[smem:$0x3FAE] =	sst s0  }
0x9: {  	[smem:$0x3FAF] =	sst s1  }
0xa: {  	[smem:$0x3FB0] =	sst s2  }
0xb: {  	[smem:$0x3FB1] =	sst s3  }
0xc: {  	[smem:$0x3FB2] =	sst s4  }
0xd: {  	[smem:$0x3FB3] =	sst s5  }
0xe: {  	[smem:$0x3FB4] =	sst s6  }
0xf: {  	[smem:$0x3FB5] =	sst s7  }
0x10: {  	[smem:$0x3FB6] =	sst s8  }
0x11: {  	[smem:$0x3FB7] =	sst s9;
	s0 =	simm.s32 @!p0 $0x0  }
0x12: {  	s1 =	sld [smem:$0x3F9D];
	s0 =	simm.s32 @p0 $0x1  }
0x13: {  	[smem:$0x3FB8] =	sst s0;
	s0 =	simm.s32 @!p1 $0x0  }
0x14: {  	s2 =	sld [smem:$0x3F9C];
	s0 =	simm.s32 @p1 $0x1  }
0x15: {  	[smem:$0x3FB9] =	sst s0;
	s0 =	simm.s32 @!p2 $0x0  }
0x16: {  	s3 =	sld [smem:$0x3FDB];
	s0 =	simm.s32 @p2 $0x1  }
0x17: {  	s4 =	simm.s32 $0x1BF5;
	[smem:$0x3FBB] =	sst s0  }
0x18: {  	s0 =	sld [smem:$0x3F9E];
	_ =	swait.ge [sflag:s4], $0x0  }
0x19: {  	s7 =	sld [smem:$0x3F9F]  }
0x1a: {  	s8 =	sadd.s32 $0xFFFFE003, lr  }
0x1b: {  	s9 =	sadd.s32 $0xFFFFFEF7, lr;
	s5 =	simm.s32 $0xFFFFFFFF;
	p2 =	slt.u32 s8, $0xFFFFF086  }
0x1c: {  	p1 =	slt.u32 s9, $0xF7A;
	s5 =	simm.s32 @!p2 $0x0  }
0x1d: {  	s5 =	simm.s32 @p1 $0x1;
	p0 =	seq.s32 s7, s2  }
0x1e: {  	s7 =	smul.u32 @!p0 $0xF7A, s2;
	p2 =	seq.s32 @!p0 s5, $0x0  }
0x1f: {  	s9 =	smul.u32 $0xF7A, s1;
	s8 =	simm.s32 @!p0 $0x1BF5;
	p2 =	por !p2, p0  }
0x20: {  	[sflag:s8] =	ssyncset.s32 @!p0 $0xFFFFF086;
	s6 =	sadd.s32 @!p0 s3, s7;
	s7 =	simm.s32 @!p0 $0x108  }
0x21: {  	s3 =	sadd.s32 s3, s9;
	s6 =	sadd.s32 @!p0 $0x88, s6;
	s7 =	simm.s32 @p2 $0x1082  }
0x22: {  	[simem:s7], [sflag:s8] =	dma.local @!p0 [hbm:s6], $0xF7A  }
0x23: {  	s9 =	sor.u32 $0xD0000000, s2;
	s6 =	simm.s32 $0x108;
	_ =	swait.ge @!p0 [sflag:s8], $0x0  }
0x24: {  	s3 =	sadd.s32 $0x88, s3;
	s6 =	simm.s32 @!p1 $0x1082;
	[sflag:s4] =	ssyncset.s32 $0xFFFFF086  }
0x25: {  	[simem:s6], [sflag:s4] =	dma.local [hbm:s3], $0xF7A  }
0x26: {  	[smem:$0x3F9F] =	sst s1;
	(tag) =	ssettag s2;
	_ =	strace s9  }
0x27: {  	s1 =	sld [smem:$0x3FAF]  }
0x28: {  	s2 =	sld [smem:$0x3FB0]  }
0x29: {  	s4 =	sld [smem:$0x3FB2]  }
0x2a: {  	p0 =	seq.s32 s5, $0x0;
	s5 =	sld [smem:$0x3FB3]  }
0x2b: {  	s6 =	sld [smem:$0x3FB4]  }
0x2c: {  	s7 =	sld [smem:$0x3FB5]  }
0x2d: {  	s3 =	simm.s32 $0x108;
	s8 =	sld [smem:$0x3FB6]  }
0x2e: {  	s3 =	simm.s32 @!p0 $0x1082;
	s9 =	sld [smem:$0x3FB7]  }
0x2f: {  	lr =	sadd.s32 s0, s3;
	s0 =	sld [smem:$0x3FAE]  }
0x30: {  	s3 =	sld [smem:$0x3FB1]  }
0x31: {  	[smem:$0x3FBA] =	sst s10  }
0x32: {  	s10 =	sld [smem:$0x3FB8];
	_ =	sdelay $0x3  }
0x33: {  	p0 =	seq.s32 s10, $0x1;
	s10 =	sld [smem:$0x3FBA];
	_ =	sdelay $0x3  }
0x34: {  	[smem:$0x3FBA] =	sst s10  }
0x35: {  	s10 =	sld [smem:$0x3FB9];
	_ =	sdelay $0x3  }
0x36: {  	p1 =	seq.s32 s10, $0x1;
	s10 =	sld [smem:$0x3FBA];
	_ =	sdelay $0x3  }
0x37: {  	[smem:$0x3FBA] =	sst s10  }
0x38: {  	s10 =	sld [smem:$0x3FBB]  }
0x39: {  	_ = 	snop;
	(pc) =	sbr.ind lr, $3  }
0x3a: {  	_ = 	snop  }
0x3b: {  	_ = 	snop  }
0x3c: {  	p2 =	seq.s32 s10, $0x1;
	s10 =	sld [smem:$0x3FBA]  }
0x3d: {  	_ =	shalt  }
0x3e: {  	_ =	shalt  }
0x3f: {  	_ =	shalt  }
0x40: {  	_ =	shalt  }
0x41: {  	_ =	shalt  }
0x42: {  	_ =	shalt  }
0x43: {  	_ =	shalt  }
0x44: {  	_ =	shalt  }
0x45: {  	_ =	shalt  }
0x46: {  	_ =	shalt  }
0x47: {  	_ =	shalt  }
0x48: {  	_ =	shalt  }
0x49: {  	_ =	shalt  }
0x4a: {  	_ =	shalt  }
0x4b: {  	_ =	shalt  }
0x4c: {  	_ =	shalt  }
0x4d: {  	_ =	shalt  }
0x4e: {  	_ =	shalt  }
0x4f: {  	_ =	shalt  }
0x50: {  	_ =	shalt  }
0x51: {  	_ =	shalt  }
0x52: {  	_ =	shalt  }
0x53: {  	_ =	shalt  }
0x54: {  	_ =	shalt  }
0x55: {  	_ =	shalt  }
0x56: {  	_ =	shalt  }
0x57: {  	_ =	shalt  }
0x58: {  	_ =	shalt  }
0x59: {  	_ =	shalt  }
0x5a: {  	_ =	shalt  }
0x5b: {  	_ =	shalt  }
0x5c: {  	_ =	shalt  }
0x5d: {  	_ =	shalt  }
0x5e: {  	_ =	shalt  }
0x5f: {  	_ =	shalt  }
0x60: {  	_ =	shalt  }
0x61: {  	_ =	shalt  }
0x62: {  	_ =	shalt  }
0x63: {  	_ =	shalt  }
0x64: {  	_ =	shalt  }
0x65: {  	_ =	shalt  }
0x66: {  	_ =	shalt  }
0x67: {  	_ =	shalt  }
0x68: {  	_ =	shalt  }
0x69: {  	_ =	shalt  }
0x6a: {  	_ =	shalt  }
0x6b: {  	_ =	shalt  }
0x6c: {  	_ =	shalt  }
0x6d: {  	_ =	shalt  }
0x6e: {  	_ =	shalt  }
0x6f: {  	_ =	shalt  }
0x70: {  	_ =	shalt  }
0x71: {  	_ =	shalt  }
0x72: {  	_ =	shalt  }
0x73: {  	_ =	shalt  }
0x74: {  	_ =	shalt  }
0x75: {  	_ =	shalt  }
0x76: {  	_ =	shalt  }
0x77: {  	_ =	shalt  }
0x78: {  	_ =	shalt  }
0x79: {  	_ =	shalt  }
0x7a: {  	_ =	shalt  }
0x7b: {  	_ =	shalt  }
0x7c: {  	_ =	shalt  }
0x7d: {  	_ =	shalt  }
0x7e: {  	_ =	shalt  }
0x7f: {  	_ =	shalt  }
0x80: {  	_ =	shalt  }
0x81: {  	_ =	shalt  }
0x82: {  	_ =	shalt  }
0x83: {  	_ =	shalt  }
0x84: {  	_ =	shalt  }
0x85: {  	_ =	shalt  }
0x86: {  	_ =	shalt  }
0x87: {  	_ =	shalt  }
.Lfunc_end0:
.L_simem_size_0:
called_computation_lowered:
.L_overlay_start_0:
0x88: {  	s2 =	sld [smem:$0x3FD9]  }
0x89: {  	s3 =	sld [smem:$0x3FFE];
	_ =	sdelay $0x1  }
0x8a: {  	s1 =	srdreg.scid  }
0x8b: {  	s0 =	sand.u32 $0x1, s1  }
0x8c: {  	s17 =	sshll.u32 s0, $0xA;
	s2 =	sadd.s32 s3, s2  }
0x8d: {  	s2 =	sadd.s32 s2, s17  }
0x8e: {  	[smem:$0x3FC6] =	sst s2  }
0x8f: {  	_ = 	snop  }
0x90: {  	s2 =	sld [smem:$0x3FD0];
	(tm) =	ssettm $0x1  }
0x91: {  	s18 =	sld [smem:$0x3FFB];
	_ =	sdelay $0x3  }
0x92: {  	_ =	strace s18  }
0x93: {  	s3 =	sld [smem:$0x3FFC];
	_ =	sdelay $0x3  }
0x94: {  	_ =	strace s3  }
0x95: {  	s3 =	sld [smem:$0x3FFD];
	_ =	sdelay $0x3  }
0x96: {  	_ =	strace s3  }
0x97: {  	_ =	strace $0x8FFFFFFF  }
0x98: {  	s19 =	sld [smem:$0x3FDB];
	_ =	sdelay $0x1  }
0x99: {  	s4 =	simm.s32 $_scs_section_size  }
0x9a: {  	s5 =	simm.s32 $_size__tile_overlayer_lowered;
	s6 =	simm.s32 $_tile_overlayer_lowered  }
0x9b: {  	s22 =	simm.s32 $0x1BFF;
	s21 =	sshll.u32 s6, $0x1;
	s3 =	sadd.s32 s4, s19  }
0x9c: {  	s7 =	simm.s32 $0x0;
	s20 =	sshll.u32 s5, $0x1;
	s5 =	sadd.s32 s21, s3  }
0x9d: {  	[timem:s7], [sflag:s22] =	dma.local [hbm:s5], s20  }
0x9e: {  	_ =	swait.ge [sflag:s22], s20  }
0x9f: {  	s4 =	ssub.s32 $0x0, s20;
	[sflag:s22] =	ssyncset.done $0x0  }
0xa0: {  	[sflag:s22] =	ssyncadd.s32 s4;
	_ =	sdelay $0x1  }
0xa1: {  	s23 =	simm.s32 $0x1B8B  }
0xa2: {  	_ =	swait.ge [sflag:s23], $0x1  }
0xa3: {  	[sflag:s23] =	ssyncset.done $0x0  }
0xa4: {  	s25 =	simm.s32 $0x1B8E;
	s24 =	sld [smem:$0x3FFE];
	[sflag:s23] =	ssyncadd.s32 $0xFFFFFFFF  }
0xa5: {  	s26 =	simm.s32 $execute0_lowered;
	[smem:$0x3FD2] =	sst s25  }
0xa6: {  	s5 =	sshll.u32 s26, $0x1;
	_ =	strace $0x80000046;
	[dreg:$0x1] =	wrdreg $0xFFFFFFFF  }
0xa7: {  	s28 =	simm.s32 $_size_execute0_lowered;
	s3 =	sadd.s32 s3, s5;
	[dreg:$0x0] =	wrdreg $0x0  }
0xa8: {  	s5 =	sshll.u32 s28, $0x1;
	[dreg:$0x2] =	wrdreg s3  }
0xa9: {  	[dreg:$0x3] =	wrdreg s5  }
0xaa: {  	[dreg:$0x4] =	wrdreg $0xC0  }
0xab: {  	_ =	task [dreg:s7], $0x5FFFF  }
0xac: {  	[dreg:$0x1] =	wrdreg $0xFFFFFFFF  }
0xad: {  	[dreg:$0x0] =	wrdreg $0x60  }
0xae: {  	[dreg:$0x2] =	wrdreg s24  }
0xaf: {  	[dreg:$0x3] =	wrdreg s2  }
0xb0: {  	[dreg:$0x4] =	wrdreg $0x9  }
0xb1: {  	_ =	task.clear_ibuf [dreg:s7], $0x5FFFF;
	_ =	strace $0x90000046  }
0xb2: {  	s29 =	simm.s32 $0x9;
	_ =	strace $0x80000048  }
0xb3: {  	_ =	swait.ge [sflag:s29], $0x1  }
0xb4: {  	[sflag:s29] =	ssyncadd.s32 $0xFFFFFFFF  }
0xb5: {  	_ =	strace $0x90000048  }
0xb6: {  	_ =	sfence  }
0xb7: {  	s30 =	sld [smem:$0x0];
	_ =	sdelay $0x2  }
0xb8: {  	s31 =	sshll.u32 s1, $0xD;
	s1 =	sshrl.u32 s1, $0x2  }
0xb9: {  	s3 =	sand.u32 $0x4000, s31;
	s1 =	sadd.s32 s1, s30  }
0xba: {  	s0 =	sor.u32 s3, s0;
	s1 =	sshll.u32 s1, $0x11  }
0xbb: {  	s0 =	sor.u32 s1, s0  }
0xbc: {  	s0 =	sadd.s32 $0x8F2B, s0  }
0xbd: {  	[sflag:s0] =	ssyncadd.remote.s32 $0x1  }
0xbe: {  	_ =	sfence.sel $0xFFFF  }
0xbf: {  	[dreg:$0x0] =	wrdreg $0xFFFFFFFF;
	(pc) =	sbr.abs _section_cstart, $3  }
0xc0: {  	[dreg:$0x1] =	wrdreg $0xFFFFFFFF  }
0xc1: {  	_ =	task.clear_ibuf [dreg:s7], $0x2FFFF;
	_ =	strace $0x9FFFFFFF  }
0xc2: {  	(tm) =	ssettm $0x7FFFFFFF  }
0xc3: {  	_ =	shalt  }
tec
execute0_lowered:
.L_overlay_start_1:
0x0: {  	(tag) =	ssettag $0x1  }
0x1: {  	s1 =	srdreg.scid;
	s4 =	rddreg [dreg:$0x0]  }
0x2: {  	s0 =	stileid.u32;
	s2 =	rddreg [dreg:$0x1];
	s13 =	simm.s32 $0x3  }
0x3: {  	s14 =	simm.s32 $0x200;
	s15 =	simm.s32 $0x6400;
	s16 =	simm.s32 $0xA400  }
0x4: {  	s17 =	simm.s32 $0x1;
	s18 =	simm.s32 $0xE400;
	s19 =	simm.s32 $0x400  }
0x5: {  	s20 =	simm.s32 $0x12800;
	s21 =	simm.s32 $0x600;
	s22 =	simm.s32 $0x2  }
0x6: {  	s23 =	simm.s32 $0x0;
	s1 =	sand.u32 $0x1, s1;
	s3 =	sshll.u32 s0, $0x1  }
0x7: {  	s8 =	sadd.s32 $0x10000, s2;
	s5 =	sor.u32 s1, s3;
	s3 =	simm.s32 $0x0  }
0x8: {  	s1 =	ssub.s32 $0x2, s1;
	s6 =	smul.u32 $0xC80, s5;
	[smem:$0x7FF] =	sst s3  }
0x9: {  	v0 =	vlaneseq.u32;
	s7 =	sshrl.u32 s1, $0x1;
	s5 =	sshll.u32 s5, $0x7;
	_ =	strace $0x80000047  }
0xa: {  	v0 =	vmul.u32 $0x88, v0;
	s1 =	ssub.s32 s1, s7;
	s7 =	sadd.s32 s2, s5;
	s9 =	sadd.s32 s5, s8  }
0xb: {  	v1 =	vimm.s32 $0x0;
	vm0 =	vcmask $0x300;
	s6 =	sadd.s32 s6, s4;
	s4 =	sadd.s32 $0x19600, s4;
	s10 =	sadd.s32 $0x300000, s7  }
0xc: {  	v1 =	vsel vm0, $0x3, v1;
	v2 =	vadd.s32 $0x880, v0;
	s11 =	sadd.s32 $0x310000, s7;
	s12 =	smax.u32 s1, $0x1;
	s6 =	sadd.s32 $0x600, s6  }
.LBB2_1:
0xd: {  	[tilespmem:s3], [sflag:$0x3] =	stream.linear.gather [hbm4b:s6+s3], $0x6400, $0x38;
	[tilespmem:$0x16C00] =	vst v63  }
0xe: {  	_ =	swait.ge [sflag:s13], $0x6400  }
0xf: {  	[sflag:s13] =	ssyncset.done $0x0  }
0x10: {  	s1 =	simm.s32 $0x0;
	s24 =	sand.u32 $0x78, s3;
	[sflag:s13] =	ssyncadd.s32 $0xFFFF9C00  }
0x11: {  	v3 =	vmov s1;
	[tilespmem:s15], [sflag:$0x1] =	stream.indirect.gather [hbm4b:s4+s14], $0x20, s3, s14, $0xb8;
	[tilespmem:$0x16C00] =	vst v63  }
0x12: {  	v4 =	vmov s24;
	v3 =	vmul.u32 $0x1100, v3  }
0x13: {  	v4 =	vshrl.u32 v4, $0x3;
	[tilespmem:s16], [sflag:$0x1] =	stream.indirect.gather [hbm4b:s4+s14], $0x20, s14, s14, $0xb8;
	[tilespmem:$0x16C00] =	vst v63  }
0x14: {  	v4 =	vshll.u32 v4, v1;
	v3 =	vbroadcast v3, $0x0;
	_ =	swait.ge [sflag:s17], $0x4000  }
0x15: {  	v4 =	vbroadcast v4, $0x0;
	[sflag:s17] =	ssyncset.done $0x0  }
0x16: {  	s24 =	simm.s32 $0x6480;
	v5 =	vadd.s32 v0, v3;
	[sflag:s17] =	ssyncadd.s32 $0xFFFFC000  }
0x17: {  	v7 =	vadd.s32 v5, v4;
	v6 =	vld [tilespmem:s24+$0xFFFFFF80];
	_ =	sdelay $0x3  }
0x18: {  	s30 =	simm.s32 $0x1  }
0x19: {  	s1 =	sand.u32 $0x78, s30;
	v3 =	vadd.s32 v2, v3;
	[tilespmem:v7+s18+$0x0] =	vst.idx.msk $0xffff, v6  }
0x1a: {  	v57 =	vmov s1;
	v4 =	vadd.s32 v3, v4;
	v6 =	vld [tilespmem:s24+$0xFFFFFF90]  }
0x1b: {  	v7 =	vshrl.u32 v57, $0x3  }
0x1c: {  	v7 =	vshll.u32 v7, v1  }
0x1d: {  	v7 =	vbroadcast v7, $0x0;
	_ =	sdelay $0x1  }
0x1e: {  	[tilespmem:v4+s18+$0x0] =	vst.idx.msk $0xffff, v6;
	v4 =	vadd.s32 v5, v7  }
0x1f: {  	v6 =	vld [tilespmem:s24+$0xFFFFFFA0];
	v4 =	vor.u32 $0x1, v4;
	_ =	sdelay $0x3  }
0x20: {  	s31 =	simm.s32 $0x2  }
0x21: {  	s1 =	sand.u32 $0x78, s31;
	[tilespmem:v4+s18+$0x0] =	vst.idx.msk $0xffff, v6;
	v4 =	vadd.s32 v3, v7  }
0x22: {  	v58 =	vmov s1;
	v6 =	vld [tilespmem:s24+$0xFFFFFFB0];
	v4 =	vor.u32 $0x1, v4  }
0x23: {  	v7 =	vshrl.u32 v58, $0x3  }
0x24: {  	v7 =	vshll.u32 v7, v1  }
0x25: {  	v7 =	vbroadcast v7, $0x0;
	_ =	sdelay $0x1  }
0x26: {  	[tilespmem:v4+s18+$0x0] =	vst.idx.msk $0xffff, v6;
	v4 =	vadd.s32 v5, v7  }
0x27: {  	v6 =	vld [tilespmem:s24+$0xFFFFFFC0];
	v4 =	vor.u32 $0x2, v4;
	_ =	sdelay $0x3  }
0x28: {  	s0 =	simm.s32 $0x3  }
0x29: {  	s1 =	sand.u32 $0x78, s0;
	[tilespmem:v4+s18+$0x0] =	vst.idx.msk $0xffff, v6;
	v4 =	vadd.s32 v3, v7  }
0x2a: {  	v59 =	vmov s1;
	v6 =	vld [tilespmem:s24+$0xFFFFFFD0];
	v4 =	vor.u32 $0x2, v4  }
0x2b: {  	v7 =	vshrl.u32 v59, $0x3  }
0x2c: {  	v7 =	vshll.u32 v7, v1  }
0x2d: {  	v7 =	vbroadcast v7, $0x0;
	_ =	sdelay $0x1  }
0x2e: {  	[tilespmem:v4+s18+$0x0] =	vst.idx.msk $0xffff, v6;
	v4 =	vadd.s32 v5, v7  }
0x2f: {  	v6 =	vld [tilespmem:s24+$0xFFFFFFE0];
	v4 =	vor.u32 $0x3, v4;
	_ =	sdelay $0x3  }
0x30: {  	s25 =	simm.s32 $0x4  }
0x31: {  	s1 =	sand.u32 $0x78, s25;
	[tilespmem:v4+s18+$0x0] =	vst.idx.msk $0xffff, v6;
	v4 =	vadd.s32 v3, v7  }
0x32: {  	v60 =	vmov s1;
	v6 =	vld [tilespmem:s24+$0xFFFFFFF0];
	v4 =	vor.u32 $0x3, v4  }
0x33: {  	v7 =	vshrl.u32 v60, $0x3  }
0x34: {  	v7 =	vshll.u32 v7, v1  }
0x35: {  	v7 =	vbroadcast v7, $0x0;
	_ =	sdelay $0x1  }
0x36: {  	[tilespmem:v4+s18+$0x0] =	vst.idx.msk $0xffff, v6;
	v4 =	vadd.s32 v5, v7  }
0x37: {  	v6 =	vld [tilespmem:s24+$0x0];
	v4 =	vor.u32 $0x4, v4;
	_ =	sdelay $0x3  }
0x38: {  	s26 =	simm.s32 $0x5  }
0x39: {  	s1 =	sand.u32 $0x78, s26;
	[tilespmem:v4+s18+$0x0] =	vst.idx.msk $0xffff, v6;
	v4 =	vadd.s32 v3, v7  }
0x3a: {  	v61 =	vmov s1;
	v6 =	vld [tilespmem:s24+$0x10];
	v4 =	vor.u32 $0x4, v4  }
0x3b: {  	v7 =	vshrl.u32 v61, $0x3  }
0x3c: {  	v7 =	vshll.u32 v7, v1  }
0x3d: {  	v7 =	vbroadcast v7, $0x0;
	_ =	sdelay $0x1  }
0x3e: {  	[tilespmem:v4+s18+$0x0] =	vst.idx.msk $0xffff, v6;
	v4 =	vadd.s32 v5, v7  }
0x3f: {  	v6 =	vld [tilespmem:s24+$0x20];
	v4 =	vor.u32 $0x5, v4;
	_ =	sdelay $0x3  }
0x40: {  	s30 =	simm.s32 $0x6  }
0x41: {  	s1 =	sand.u32 $0x78, s30;
	[tilespmem:v4+s18+$0x0] =	vst.idx.msk $0xffff, v6;
	v4 =	vadd.s32 v3, v7  }
0x42: {  	v62 =	vmov s1;
	v6 =	vld [tilespmem:s24+$0x30];
	v4 =	vor.u32 $0x5, v4  }
0x43: {  	v7 =	vshrl.u32 v62, $0x3  }
0x44: {  	v7 =	vshll.u32 v7, v1  }
0x45: {  	v7 =	vbroadcast v7, $0x0;
	_ =	sdelay $0x1  }
0x46: {  	[tilespmem:v4+s18+$0x0] =	vst.idx.msk $0xffff, v6;
	v4 =	vadd.s32 v5, v7  }
0x47: {  	v6 =	vld [tilespmem:s24+$0x40];
	v4 =	vor.u32 $0x6, v4;
	_ =	sdelay $0x3  }
0x48: {  	s31 =	simm.s32 $0x7  }
0x49: {  	s1 =	sand.u32 $0x78, s31;
	[tilespmem:v4+s18+$0x0] =	vst.idx.msk $0xffff, v6;
	v4 =	vadd.s32 v3, v7  }
0x4a: {  	v63 =	vmov s1;
	v6 =	vld [tilespmem:s24+$0x50];
	v4 =	vor.u32 $0x6, v4  }
0x4b: {  	v7 =	vshrl.u32 v63, $0x3  }
0x4c: {  	v7 =	vshll.u32 v7, v1  }
0x4d: {  	v7 =	vbroadcast v7, $0x0;
	_ =	sdelay $0x1  }
0x4e: {  	[tilespmem:v4+s18+$0x0] =	vst.idx.msk $0xffff, v6;
	v4 =	vadd.s32 v5, v7  }
0x4f: {  	v5 =	vld [tilespmem:s24+$0x60];
	v4 =	vor.u32 $0x7, v4;
	_ =	sdelay $0x3  }
0x50: {  	s29 =	simm.s32 $0x0  }
0x51: {  	s28 =	simm.s32 $0x10;
	s25 =	simm.s32 $0x8;
	s26 =	simm.s32 $0x1;
	v3 =	vadd.s32 v3, v7;
	[tilespmem:v4+s18+$0x0] =	vst.idx.msk $0xffff, v5  }
.LBB2_2:
0x52: {  	p0 =	sne.s32 s28, $0x1F8;
	s1 =	sand.u32 $0x78, s25;
	v4 =	vmov s29;
	v5 =	vld [tilespmem:s24+$0x70];
	v6 =	vor.u32 $0x7, v3  }
0x53: {  	v3 =	vmov s1;
	v4 =	vmul.u32 $0x1100, v4  }
0x54: {  	v3 =	vshrl.u32 v3, $0x3  }
0x55: {  	v4 =	vbroadcast v4, $0x0;
	v3 =	vshll.u32 v3, v1  }
0x56: {  	v7 =	vbroadcast v3, $0x0  }
0x57: {  	s24 =	sadd.s32 $0x100, s24;
	v3 =	vadd.s32 v0, v4;
	[tilespmem:v6+s18+$0x0] =	vst.idx.msk $0xffff, v5  }
0x58: {  	v5 =	vld [tilespmem:s24+$0xFFFFFF80];
	v6 =	vadd.s32 v3, v7;
	_ =	sdelay $0x3  }
0x59: {  	s1 =	sadd.s32 $0x1, s25  }
0x5a: {  	s1 =	sand.u32 $0x78, s1;
	v4 =	vadd.s32 v2, v4;
	[tilespmem:v6+s18+$0x0] =	vst.idx.msk $0xffff, v5  }
0x5b: {  	v6 =	vadd.s32 v4, v7;
	v7 =	vmov s1;
	v5 =	vld [tilespmem:s24+$0xFFFFFF90]  }
0x5c: {  	v7 =	vshrl.u32 v7, $0x3  }
0x5d: {  	v7 =	vshll.u32 v7, v1  }
0x5e: {  	v7 =	vbroadcast v7, $0x0;
	_ =	sdelay $0x1  }
0x5f: {  	[tilespmem:v6+s18+$0x0] =	vst.idx.msk $0xffff, v5;
	v5 =	vadd.s32 v3, v7  }
0x60: {  	v6 =	vld [tilespmem:s24+$0xFFFFFFA0];
	v5 =	vor.u32 $0x1, v5;
	_ =	sdelay $0x3  }
0x61: {  	s1 =	sadd.s32 $0x2, s25  }
0x62: {  	s1 =	sand.u32 $0x78, s1;
	[tilespmem:v5+s18+$0x0] =	vst.idx.msk $0xffff, v6;
	v5 =	vadd.s32 v4, v7  }
0x63: {  	v7 =	vmov s1;
	v6 =	vld [tilespmem:s24+$0xFFFFFFB0];
	v5 =	vor.u32 $0x1, v5  }
0x64: {  	v7 =	vshrl.u32 v7, $0x3  }
0x65: {  	v7 =	vshll.u32 v7, v1  }
0x66: {  	v7 =	vbroadcast v7, $0x0;
	_ =	sdelay $0x1  }
0x67: {  	[tilespmem:v5+s18+$0x0] =	vst.idx.msk $0xffff, v6;
	v5 =	vadd.s32 v3, v7  }
0x68: {  	v6 =	vld [tilespmem:s24+$0xFFFFFFC0];
	v5 =	vor.u32 $0x2, v5;
	_ =	sdelay $0x3  }
0x69: {  	s1 =	sadd.s32 $0x3, s25  }
0x6a: {  	s1 =	sand.u32 $0x78, s1;
	[tilespmem:v5+s18+$0x0] =	vst.idx.msk $0xffff, v6;
	v5 =	vadd.s32 v4, v7  }
0x6b: {  	v7 =	vmov s1;
	v6 =	vld [tilespmem:s24+$0xFFFFFFD0];
	v5 =	vor.u32 $0x2, v5  }
0x6c: {  	v7 =	vshrl.u32 v7, $0x3  }
0x6d: {  	v7 =	vshll.u32 v7, v1  }
0x6e: {  	v7 =	vbroadcast v7, $0x0;
	_ =	sdelay $0x1  }
0x6f: {  	[tilespmem:v5+s18+$0x0] =	vst.idx.msk $0xffff, v6;
	v5 =	vadd.s32 v3, v7  }
0x70: {  	v6 =	vld [tilespmem:s24+$0xFFFFFFE0];
	v5 =	vor.u32 $0x3, v5;
	_ =	sdelay $0x3  }
0x71: {  	s1 =	sadd.s32 $0x4, s25  }
0x72: {  	s1 =	sand.u32 $0x78, s1;
	[tilespmem:v5+s18+$0x0] =	vst.idx.msk $0xffff, v6;
	v5 =	vadd.s32 v4, v7  }
0x73: {  	v7 =	vmov s1;
	v6 =	vld [tilespmem:s24+$0xFFFFFFF0];
	v5 =	vor.u32 $0x3, v5  }
0x74: {  	v7 =	vshrl.u32 v7, $0x3  }
0x75: {  	v7 =	vshll.u32 v7, v1  }
0x76: {  	v7 =	vbroadcast v7, $0x0;
	_ =	sdelay $0x1  }
0x77: {  	[tilespmem:v5+s18+$0x0] =	vst.idx.msk $0xffff, v6;
	v5 =	vadd.s32 v3, v7  }
0x78: {  	v6 =	vld [tilespmem:s24+$0x0];
	v5 =	vor.u32 $0x4, v5;
	_ =	sdelay $0x3  }
0x79: {  	s1 =	sadd.s32 $0x5, s25  }
0x7a: {  	s1 =	sand.u32 $0x78, s1;
	[tilespmem:v5+s18+$0x0] =	vst.idx.msk $0xffff, v6;
	v5 =	vadd.s32 v4, v7  }
0x7b: {  	v7 =	vmov s1;
	v6 =	vld [tilespmem:s24+$0x10];
	v5 =	vor.u32 $0x4, v5  }
0x7c: {  	v7 =	vshrl.u32 v7, $0x3  }
0x7d: {  	v7 =	vshll.u32 v7, v1  }
0x7e: {  	v7 =	vbroadcast v7, $0x0;
	_ =	sdelay $0x1  }
0x7f: {  	[tilespmem:v5+s18+$0x0] =	vst.idx.msk $0xffff, v6;
	v5 =	vadd.s32 v3, v7  }
0x80: {  	v6 =	vld [tilespmem:s24+$0x20];
	v5 =	vor.u32 $0x5, v5;
	_ =	sdelay $0x3  }
0x81: {  	s1 =	sadd.s32 $0x6, s25  }
0x82: {  	s1 =	sand.u32 $0x78, s1;
	[tilespmem:v5+s18+$0x0] =	vst.idx.msk $0xffff, v6;
	v5 =	vadd.s32 v4, v7  }
0x83: {  	v7 =	vmov s1;
	v6 =	vld [tilespmem:s24+$0x30];
	v5 =	vor.u32 $0x5, v5  }
0x84: {  	v7 =	vshrl.u32 v7, $0x3  }
0x85: {  	v7 =	vshll.u32 v7, v1  }
0x86: {  	v7 =	vbroadcast v7, $0x0;
	_ =	sdelay $0x1  }
0x87: {  	[tilespmem:v5+s18+$0x0] =	vst.idx.msk $0xffff, v6;
	v5 =	vadd.s32 v3, v7  }
0x88: {  	v6 =	vld [tilespmem:s24+$0x40];
	v5 =	vor.u32 $0x6, v5;
	_ =	sdelay $0x3  }
0x89: {  	s1 =	sadd.s32 $0x7, s25;
	s25 =	smov.u32 s28  }
0x8a: {  	s1 =	sand.u32 $0x78, s1;
	[tilespmem:v5+s18+$0x0] =	vst.idx.msk $0xffff, v6;
	v5 =	vadd.s32 v4, v7  }
0x8b: {  	v7 =	vmov s1;
	v6 =	vld [tilespmem:s24+$0x50];
	v5 =	vor.u32 $0x6, v5  }
0x8c: {  	v7 =	vshrl.u32 v7, $0x3  }
0x8d: {  	v7 =	vshll.u32 v7, v1  }
0x8e: {  	v7 =	vbroadcast v7, $0x0;
	_ =	sdelay $0x1  }
0x8f: {  	v3 =	vadd.s32 v3, v7;
	[tilespmem:v5+s18+$0x0] =	vst.idx.msk $0xffff, v6  }
0x90: {  	v3 =	vor.u32 $0x7, v3;
	v5 =	vld [tilespmem:s24+$0x60]  }
.Ltmp0:
0x91: {  	(pc) =	sbr.rel @p0 .LBB2_2-.Ltmp0, $3  }
0x92: {  	_ =	sdelay $0x1  }
0x93: {  	s26 =	sadd.s32 $0x1, s26  }
0x94: {  	s29 =	sshrl.u32 s26, $0x4;
	s28 =	sadd.s32 $0x8, s28;
	[tilespmem:v3+s18+$0x0] =	vst.idx.msk $0xffff, v5;
	v3 =	vadd.s32 v4, v7  }
0x95: {  	s1 =	sand.u32 $0x78, s25;
	v4 =	vmov s29;
	v5 =	vld [tilespmem:s24+$0x70];
	v3 =	vor.u32 $0x7, v3  }
0x96: {  	v6 =	vmov s1;
	v4 =	vmul.u32 $0x1100, v4  }
0x97: {  	v6 =	vshrl.u32 v6, $0x3  }
0x98: {  	v4 =	vbroadcast v4, $0x0;
	v6 =	vshll.u32 v6, v1  }
0x99: {  	v6 =	vbroadcast v6, $0x0  }
0x9a: {  	s24 =	sadd.s32 $0x100, s24;
	v7 =	vadd.s32 v0, v4;
	[tilespmem:v3+s18+$0x0] =	vst.idx.msk $0xffff, v5  }
0x9b: {  	v3 =	vld [tilespmem:s24+$0xFFFFFF80];
	v41 =	vadd.s32 v7, v6;
	_ =	sdelay $0x3  }
0x9c: {  	s31 =	sadd.s32 $0x1, s25  }
0x9d: {  	s1 =	sand.u32 $0x78, s31;
	[tilespmem:v41+s18+$0x0] =	vst.idx.msk $0xffff, v3;
	v3 =	vadd.s32 v2, v4  }
0x9e: {  	v44 =	vmov s1;
	v42 =	vld [tilespmem:s24+$0xFFFFFF90];
	v43 =	vadd.s32 v3, v6  }
0x9f: {  	v6 =	vshrl.u32 v44, $0x3  }
0xa0: {  	v6 =	vshll.u32 v6, v1  }
0xa1: {  	v6 =	vbroadcast v6, $0x0;
	_ =	sdelay $0x1  }
0xa2: {  	v45 =	vadd.s32 v7, v6;
	[tilespmem:v43+s18+$0x0] =	vst.idx.msk $0xffff, v42  }
0xa3: {  	v4 =	vor.u32 $0x1, v45;
	v5 =	vld [tilespmem:s24+$0xFFFFFFA0];
	_ =	sdelay $0x3  }
0xa4: {  	s0 =	sadd.s32 $0x2, s25  }
0xa5: {  	s1 =	sand.u32 $0x78, s0;
	v46 =	vadd.s32 v3, v6;
	[tilespmem:v4+s18+$0x0] =	vst.idx.msk $0xffff, v5  }
0xa6: {  	v47 =	vmov s1;
	v4 =	vor.u32 $0x1, v46;
	v5 =	vld [tilespmem:s24+$0xFFFFFFB0]  }
0xa7: {  	v6 =	vshrl.u32 v47, $0x3  }
0xa8: {  	v6 =	vshll.u32 v6, v1  }
0xa9: {  	v6 =	vbroadcast v6, $0x0;
	_ =	sdelay $0x1  }
0xaa: {  	v48 =	vadd.s32 v7, v6;
	[tilespmem:v4+s18+$0x0] =	vst.idx.msk $0xffff, v5  }
0xab: {  	v4 =	vor.u32 $0x2, v48;
	v5 =	vld [tilespmem:s24+$0xFFFFFFC0];
	_ =	sdelay $0x3  }
0xac: {  	s26 =	sadd.s32 $0x3, s25  }
0xad: {  	s1 =	sand.u32 $0x78, s26;
	v49 =	vadd.s32 v3, v6;
	[tilespmem:v4+s18+$0x0] =	vst.idx.msk $0xffff, v5  }
0xae: {  	v50 =	vmov s1;
	v4 =	vor.u32 $0x2, v49;
	v5 =	vld [tilespmem:s24+$0xFFFFFFD0]  }
0xaf: {  	v6 =	vshrl.u32 v50, $0x3  }
0xb0: {  	v6 =	vshll.u32 v6, v1  }
0xb1: {  	v6 =	vbroadcast v6, $0x0;
	_ =	sdelay $0x1  }
0xb2: {  	v51 =	vadd.s32 v7, v6;
	[tilespmem:v4+s18+$0x0] =	vst.idx.msk $0xffff, v5  }
0xb3: {  	v4 =	vor.u32 $0x3, v51;
	v5 =	vld [tilespmem:s24+$0xFFFFFFE0];
	_ =	sdelay $0x3  }
0xb4: {  	s29 =	sadd.s32 $0x4, s25  }
0xb5: {  	s1 =	sand.u32 $0x78, s29;
	v52 =	vadd.s32 v3, v6;
	[tilespmem:v4+s18+$0x0] =	vst.idx.msk $0xffff, v5  }
0xb6: {  	v53 =	vmov s1;
	v4 =	vor.u32 $0x3, v52;
	v5 =	vld [tilespmem:s24+$0xFFFFFFF0]  }
0xb7: {  	v6 =	vshrl.u32 v53, $0x3  }
0xb8: {  	v6 =	vshll.u32 v6, v1  }
0xb9: {  	v6 =	vbroadcast v6, $0x0;
	_ =	sdelay $0x1  }
0xba: {  	v54 =	vadd.s32 v7, v6;
	[tilespmem:v4+s18+$0x0] =	vst.idx.msk $0xffff, v5  }
0xbb: {  	v4 =	vor.u32 $0x4, v54;
	v5 =	vld [tilespmem:s24+$0x0];
	_ =	sdelay $0x3  }
0xbc: {  	s30 =	sadd.s32 $0x5, s25  }
0xbd: {  	s1 =	sand.u32 $0x78, s30;
	v55 =	vadd.s32 v3, v6;
	[tilespmem:v4+s18+$0x0] =	vst.idx.msk $0xffff, v5  }
0xbe: {  	v56 =	vmov s1;
	v4 =	vor.u32 $0x4, v55;
	v5 =	vld [tilespmem:s24+$0x10]  }
0xbf: {  	v6 =	vshrl.u32 v56, $0x3  }
0xc0: {  	v6 =	vshll.u32 v6, v1  }
0xc1: {  	v6 =	vbroadcast v6, $0x0;
	_ =	sdelay $0x1  }
0xc2: {  	v57 =	vadd.s32 v7, v6;
	[tilespmem:v4+s18+$0x0] =	vst.idx.msk $0xffff, v5  }
0xc3: {  	v4 =	vor.u32 $0x5, v57;
	v5 =	vld [tilespmem:s24+$0x20];
	_ =	sdelay $0x3  }
0xc4: {  	s31 =	sadd.s32 $0x6, s25  }
0xc5: {  	s1 =	sand.u32 $0x78, s31;
	v58 =	vadd.s32 v3, v6;
	[tilespmem:v4+s18+$0x0] =	vst.idx.msk $0xffff, v5  }
0xc6: {  	v59 =	vmov s1;
	v4 =	vor.u32 $0x5, v58;
	v5 =	vld [tilespmem:s24+$0x30]  }
0xc7: {  	v6 =	vshrl.u32 v59, $0x3  }
0xc8: {  	v6 =	vshll.u32 v6, v1  }
0xc9: {  	v6 =	vbroadcast v6, $0x0;
	_ =	sdelay $0x1  }
0xca: {  	v60 =	vadd.s32 v7, v6;
	[tilespmem:v4+s18+$0x0] =	vst.idx.msk $0xffff, v5  }
0xcb: {  	v4 =	vor.u32 $0x6, v60;
	v5 =	vld [tilespmem:s24+$0x40];
	_ =	sdelay $0x3  }
0xcc: {  	s0 =	sadd.s32 $0x7, s25  }
0xcd: {  	s1 =	sand.u32 $0x78, s0;
	v61 =	vadd.s32 v3, v6;
	[tilespmem:v4+s18+$0x0] =	vst.idx.msk $0xffff, v5  }
0xce: {  	v62 =	vmov s1;
	v4 =	vor.u32 $0x6, v61;
	v5 =	vld [tilespmem:s24+$0x50]  }
0xcf: {  	v6 =	vshrl.u32 v62, $0x3  }
0xd0: {  	v6 =	vshll.u32 v6, v1  }
0xd1: {  	v6 =	vbroadcast v6, $0x0;
	_ =	sdelay $0x1  }
0xd2: {  	v63 =	vadd.s32 v7, v6;
	[tilespmem:v4+s18+$0x0] =	vst.idx.msk $0xffff, v5  }
0xd3: {  	v4 =	vor.u32 $0x7, v63;
	v5 =	vld [tilespmem:s24+$0x60];
	_ =	sdelay $0x4  }
0xd4: {  	v3 =	vadd.s32 v3, v6;
	[tilespmem:v4+s18+$0x0] =	vst.idx.msk $0xffff, v5  }
0xd5: {  	v3 =	vor.u32 $0x7, v3;
	v4 =	vld [tilespmem:s24+$0x70];
	_ =	sdelay $0x4  }
0xd6: {  	s24 =	simm.s32 $0xE400;
	[tilespmem:v3+s18+$0x0] =	vst.idx.msk $0xffff, v4  }
0xd7: {  	[hbm4b:s7+s3] =	stream.linear.scatter [tilespmem:s24], [sflag:$0x2], $0x80, $0x38;
	[tilespmem:$0x16C00] =	vst v63  }
0xd8: {  	s25 =	simm.s32 $0xE488;
	s26 =	sadd.s32 $0x10, s7  }
0xd9: {  	[hbm4b:s26+s3] =	stream.linear.scatter [tilespmem:s25], [sflag:$0x2], $0x80, $0x38;
	[tilespmem:$0x16C00] =	vst v63  }
0xda: {  	s28 =	sadd.s32 $0x70, s7;
	s29 =	simm.s32 $0xE510;
	s30 =	sadd.s32 $0x20, s7  }
0xdb: {  	[hbm4b:s30+s3] =	stream.linear.scatter [tilespmem:s29], [sflag:$0x2], $0x80, $0x38;
	[tilespmem:$0x16C00] =	vst v63  }
0xdc: {  	s31 =	simm.s32 $0xE598;
	s0 =	sadd.s32 $0x30, s7;
	s1 =	simm.s32 $0xE7B8  }
0xdd: {  	[hbm4b:s0+s3] =	stream.linear.scatter [tilespmem:s31], [sflag:$0x2], $0x80, $0x38;
	[tilespmem:$0x16C00] =	vst v63  }
0xde: {  	s24 =	simm.s32 $0xE620;
	s25 =	sadd.s32 $0x40, s7;
	s26 =	simm.s32 $0xE6A8  }
0xdf: {  	[hbm4b:s25+s3] =	stream.linear.scatter [tilespmem:s24], [sflag:$0x2], $0x80, $0x38;
	[tilespmem:$0x16C00] =	vst v63  }
0xe0: {  	s29 =	sadd.s32 $0x50, s7;
	s30 =	simm.s32 $0xE730;
	s31 =	sadd.s32 $0x60, s7  }
0xe1: {  	[hbm4b:s29+s3] =	stream.linear.scatter [tilespmem:s26], [sflag:$0x2], $0x80, $0x38;
	[tilespmem:$0x16C00] =	vst v63  }
0xe2: {  	s24 =	simm.s32 $0x440;
	s25 =	sadd.s32 $0x1000, s7;
	s26 =	simm.s32 $0x2200  }
0xe3: {  	[hbm4b:s31+s3] =	stream.linear.scatter [tilespmem:s30], [sflag:$0x2], $0x80, $0x38;
	[tilespmem:$0x16C00] =	vst v63  }
.LBB2_4:
0xe4: {  	[hbm4b:s28+s3] =	stream.linear.scatter [tilespmem:s1], [sflag:$0x2], $0x80, $0x38;
	[tilespmem:$0x16C00] =	vst v63  }
0xe5: {  	s1 =	smov.u32 s24;
	s24 =	smov.u32 s26  }
0xe6: {  	s29 =	sadd.s32 $0x1100, s26;
	s24 =	sshra.s32 s24, $0x2;
	s28 =	sadd.s32 $0xE400, s1  }
0xe7: {  	[hbm4b:s25+s3] =	stream.linear.scatter [tilespmem:s28], [sflag:$0x2], $0x80, $0x38;
	[tilespmem:$0x16C00] =	vst v63  }
0xe8: {  	p0 =	sne.s32 s26, $0xFF00;
	s26 =	sadd.s32 $0xE488, s1;
	s28 =	sadd.s32 $0x10, s25  }
0xe9: {  	[hbm4b:s28+s3] =	stream.linear.scatter [tilespmem:s26], [sflag:$0x2], $0x80, $0x38;
	[tilespmem:$0x16C00] =	vst v63  }
0xea: {  	s26 =	sadd.s32 $0xE510, s1;
	s28 =	sadd.s32 $0x20, s25  }
0xeb: {  	[hbm4b:s28+s3] =	stream.linear.scatter [tilespmem:s26], [sflag:$0x2], $0x80, $0x38;
	[tilespmem:$0x16C00] =	vst v63  }
0xec: {  	s26 =	sadd.s32 $0xE598, s1;
	s28 =	sadd.s32 $0x30, s25  }
0xed: {  	[hbm4b:s28+s3] =	stream.linear.scatter [tilespmem:s26], [sflag:$0x2], $0x80, $0x38;
	[tilespmem:$0x16C00] =	vst v63  }
0xee: {  	s26 =	sadd.s32 $0xE620, s1;
	s28 =	sadd.s32 $0x40, s25  }
0xef: {  	[hbm4b:s28+s3] =	stream.linear.scatter [tilespmem:s26], [sflag:$0x2], $0x80, $0x38;
	[tilespmem:$0x16C00] =	vst v63  }
.Ltmp1:
0xf0: {  	s26 =	sadd.s32 $0xE6A8, s1;
	s28 =	sadd.s32 $0x50, s25;
	(pc) =	sbr.rel @p0 .LBB2_4-.Ltmp1, $4  }
0xf1: {  	[hbm4b:s28+s3] =	stream.linear.scatter [tilespmem:s26], [sflag:$0x2], $0x80, $0x38;
	[tilespmem:$0x16C00] =	vst v63  }
0xf2: {  	s26 =	sadd.s32 $0xE730, s1;
	s28 =	sadd.s32 $0x60, s25;
	s1 =	sadd.s32 $0xE7B8, s1  }
0xf3: {  	[hbm4b:s28+s3] =	stream.linear.scatter [tilespmem:s26], [sflag:$0x2], $0x80, $0x38;
	[tilespmem:$0x16C00] =	vst v63  }
0xf4: {  	s28 =	sadd.s32 $0x70, s25;
	s25 =	sadd.s32 $0x1000, s25;
	s26 =	smov.u32 s29  }
0xf5: {  	[hbm4b:s28+s3] =	stream.linear.scatter [tilespmem:s1], [sflag:$0x2], $0x80, $0x38;
	[tilespmem:$0x16C00] =	vst v63  }
0xf6: {  	s31 =	sadd.s32 $0xE400, s24  }
0xf7: {  	[hbm4b:s25+s3] =	stream.linear.scatter [tilespmem:s31], [sflag:$0x2], $0x80, $0x38;
	[tilespmem:$0x16C00] =	vst v63  }
0xf8: {  	s0 =	sadd.s32 $0xE488, s24;
	s26 =	sadd.s32 $0x10, s25  }
0xf9: {  	[hbm4b:s26+s3] =	stream.linear.scatter [tilespmem:s0], [sflag:$0x2], $0x80, $0x38;
	[tilespmem:$0x16C00] =	vst v63  }
0xfa: {  	s30 =	sadd.s32 $0x20, s25;
	s26 =	sadd.s32 $0xE510, s24  }
0xfb: {  	[hbm4b:s30+s3] =	stream.linear.scatter [tilespmem:s26], [sflag:$0x2], $0x80, $0x38;
	[tilespmem:$0x16C00] =	vst v63  }
0xfc: {  	s31 =	sadd.s32 $0xE598, s24;
	s0 =	sadd.s32 $0x30, s25  }
0xfd: {  	[hbm4b:s0+s3] =	stream.linear.scatter [tilespmem:s31], [sflag:$0x2], $0x80, $0x38;
	[tilespmem:$0x16C00] =	vst v63  }
0xfe: {  	s26 =	sadd.s32 $0xE620, s24;
	s30 =	sadd.s32 $0x40, s25  }
0xff: {  	[hbm4b:s30+s3] =	stream.linear.scatter [tilespmem:s26], [sflag:$0x2], $0x80, $0x38;
	[tilespmem:$0x16C00] =	vst v63  }
0x100: {  	s31 =	sadd.s32 $0xE6A8, s24;
	s0 =	sadd.s32 $0x50, s25;
	s26 =	sadd.s32 $0xE730, s24  }
0x101: {  	[hbm4b:s0+s3] =	stream.linear.scatter [tilespmem:s31], [sflag:$0x2], $0x80, $0x38;
	[tilespmem:$0x16C00] =	vst v63  }
0x102: {  	s30 =	sadd.s32 $0x60, s25;
	s0 =	sadd.s32 $0x70, s25;
	s25 =	simm.s32 $0x0  }
0x103: {  	[hbm4b:s30+s3] =	stream.linear.scatter [tilespmem:s26], [sflag:$0x2], $0x80, $0x38;
	[tilespmem:$0x16C00] =	vst v63  }
0x104: {  	s31 =	sadd.s32 $0xE7B8, s24;
	s1 =	sand.u32 $0x78, s25;
	s26 =	simm.s32 $0x0  }
0x105: {  	v3 =	vmov s26;
	[hbm4b:s0+s3] =	stream.linear.scatter [tilespmem:s31], [sflag:$0x2], $0x80, $0x38;
	[tilespmem:$0x16C00] =	vst v63  }
0x106: {  	v4 =	vmov s1;
	v3 =	vmul.u32 $0x1100, v3  }
0x107: {  	v4 =	vshrl.u32 v4, $0x3;
	[tilespmem:s15], [sflag:$0x1] =	stream.indirect.gather [hbm4b:s4+s14], $0x20, s19, s14, $0xb8;
	[tilespmem:$0x16C00] =	vst v63  }
0x108: {  	v4 =	vshll.u32 v4, v1;
	v3 =	vbroadcast v3, $0x0;
	_ =	swait.ge [sflag:s17], $0x4000  }
0x109: {  	v4 =	vbroadcast v4, $0x0;
	[sflag:s17] =	ssyncset.done $0x0  }
0x10a: {  	s24 =	simm.s32 $0xA480;
	v5 =	vadd.s32 v0, v3;
	[sflag:s17] =	ssyncadd.s32 $0xFFFFC000  }
0x10b: {  	v7 =	vadd.s32 v5, v4;
	v6 =	vld [tilespmem:s24+$0xFFFFFF80];
	_ =	sdelay $0x3  }
0x10c: {  	s30 =	simm.s32 $0x1  }
0x10d: {  	s1 =	sand.u32 $0x78, s30;
	v3 =	vadd.s32 v2, v3;
	[tilespmem:v7+s20+$0x0] =	vst.idx.msk $0xffff, v6  }
0x10e: {  	v57 =	vmov s1;
	v4 =	vadd.s32 v3, v4;
	v6 =	vld [tilespmem:s24+$0xFFFFFF90]  }
0x10f: {  	v7 =	vshrl.u32 v57, $0x3  }
0x110: {  	v7 =	vshll.u32 v7, v1  }
0x111: {  	v7 =	vbroadcast v7, $0x0;
	_ =	sdelay $0x1  }
0x112: {  	[tilespmem:v4+s20+$0x0] =	vst.idx.msk $0xffff, v6;
	v4 =	vadd.s32 v5, v7  }
0x113: {  	v6 =	vld [tilespmem:s24+$0xFFFFFFA0];
	v4 =	vor.u32 $0x1, v4;
	_ =	sdelay $0x3  }
0x114: {  	s31 =	simm.s32 $0x2  }
0x115: {  	s1 =	sand.u32 $0x78, s31;
	[tilespmem:v4+s20+$0x0] =	vst.idx.msk $0xffff, v6;
	v4 =	vadd.s32 v3, v7  }
0x116: {  	v58 =	vmov s1;
	v6 =	vld [tilespmem:s24+$0xFFFFFFB0];
	v4 =	vor.u32 $0x1, v4  }
0x117: {  	v7 =	vshrl.u32 v58, $0x3  }
0x118: {  	v7 =	vshll.u32 v7, v1  }
0x119: {  	v7 =	vbroadcast v7, $0x0;
	_ =	sdelay $0x1  }
0x11a: {  	[tilespmem:v4+s20+$0x0] =	vst.idx.msk $0xffff, v6;
	v4 =	vadd.s32 v5, v7  }
0x11b: {  	v6 =	vld [tilespmem:s24+$0xFFFFFFC0];
	v4 =	vor.u32 $0x2, v4;
	_ =	sdelay $0x3  }
0x11c: {  	s0 =	simm.s32 $0x3  }
0x11d: {  	s1 =	sand.u32 $0x78, s0;
	[tilespmem:v4+s20+$0x0] =	vst.idx.msk $0xffff, v6;
	v4 =	vadd.s32 v3, v7  }
0x11e: {  	v59 =	vmov s1;
	v6 =	vld [tilespmem:s24+$0xFFFFFFD0];
	v4 =	vor.u32 $0x2, v4  }
0x11f: {  	v7 =	vshrl.u32 v59, $0x3  }
0x120: {  	v7 =	vshll.u32 v7, v1  }
0x121: {  	v7 =	vbroadcast v7, $0x0;
	_ =	sdelay $0x1  }
0x122: {  	[tilespmem:v4+s20+$0x0] =	vst.idx.msk $0xffff, v6;
	v4 =	vadd.s32 v5, v7  }
0x123: {  	v6 =	vld [tilespmem:s24+$0xFFFFFFE0];
	v4 =	vor.u32 $0x3, v4;
	_ =	sdelay $0x3  }
0x124: {  	s25 =	simm.s32 $0x4  }
0x125: {  	s1 =	sand.u32 $0x78, s25;
	[tilespmem:v4+s20+$0x0] =	vst.idx.msk $0xffff, v6;
	v4 =	vadd.s32 v3, v7  }
0x126: {  	v60 =	vmov s1;
	v6 =	vld [tilespmem:s24+$0xFFFFFFF0];
	v4 =	vor.u32 $0x3, v4  }
0x127: {  	v7 =	vshrl.u32 v60, $0x3  }
0x128: {  	v7 =	vshll.u32 v7, v1  }
0x129: {  	v7 =	vbroadcast v7, $0x0;
	_ =	sdelay $0x1  }
0x12a: {  	[tilespmem:v4+s20+$0x0] =	vst.idx.msk $0xffff, v6;
	v4 =	vadd.s32 v5, v7  }
0x12b: {  	v6 =	vld [tilespmem:s24+$0x0];
	v4 =	vor.u32 $0x4, v4;
	_ =	sdelay $0x3  }
0x12c: {  	s26 =	simm.s32 $0x5  }
0x12d: {  	s1 =	sand.u32 $0x78, s26;
	[tilespmem:v4+s20+$0x0] =	vst.idx.msk $0xffff, v6;
	v4 =	vadd.s32 v3, v7  }
0x12e: {  	v61 =	vmov s1;
	v6 =	vld [tilespmem:s24+$0x10];
	v4 =	vor.u32 $0x4, v4  }
0x12f: {  	v7 =	vshrl.u32 v61, $0x3  }
0x130: {  	v7 =	vshll.u32 v7, v1  }
0x131: {  	v7 =	vbroadcast v7, $0x0;
	_ =	sdelay $0x1  }
0x132: {  	[tilespmem:v4+s20+$0x0] =	vst.idx.msk $0xffff, v6;
	v4 =	vadd.s32 v5, v7  }
0x133: {  	v6 =	vld [tilespmem:s24+$0x20];
	v4 =	vor.u32 $0x5, v4;
	_ =	sdelay $0x3  }
0x134: {  	s30 =	simm.s32 $0x6  }
0x135: {  	s1 =	sand.u32 $0x78, s30;
	[tilespmem:v4+s20+$0x0] =	vst.idx.msk $0xffff, v6;
	v4 =	vadd.s32 v3, v7  }
0x136: {  	v62 =	vmov s1;
	v6 =	vld [tilespmem:s24+$0x30];
	v4 =	vor.u32 $0x5, v4  }
0x137: {  	v7 =	vshrl.u32 v62, $0x3  }
0x138: {  	v7 =	vshll.u32 v7, v1  }
0x139: {  	v7 =	vbroadcast v7, $0x0;
	_ =	sdelay $0x1  }
0x13a: {  	[tilespmem:v4+s20+$0x0] =	vst.idx.msk $0xffff, v6;
	v4 =	vadd.s32 v5, v7  }
0x13b: {  	v6 =	vld [tilespmem:s24+$0x40];
	v4 =	vor.u32 $0x6, v4;
	_ =	sdelay $0x3  }
0x13c: {  	s31 =	simm.s32 $0x7  }
0x13d: {  	s1 =	sand.u32 $0x78, s31;
	[tilespmem:v4+s20+$0x0] =	vst.idx.msk $0xffff, v6;
	v4 =	vadd.s32 v3, v7  }
0x13e: {  	v63 =	vmov s1;
	v6 =	vld [tilespmem:s24+$0x50];
	v4 =	vor.u32 $0x6, v4  }
0x13f: {  	v7 =	vshrl.u32 v63, $0x3  }
0x140: {  	v7 =	vshll.u32 v7, v1  }
0x141: {  	v7 =	vbroadcast v7, $0x0;
	_ =	sdelay $0x1  }
0x142: {  	[tilespmem:v4+s20+$0x0] =	vst.idx.msk $0xffff, v6;
	v4 =	vadd.s32 v5, v7  }
0x143: {  	v5 =	vld [tilespmem:s24+$0x60];
	v4 =	vor.u32 $0x7, v4;
	_ =	sdelay $0x3  }
0x144: {  	s29 =	simm.s32 $0x0  }
0x145: {  	s28 =	simm.s32 $0x10;
	s25 =	simm.s32 $0x8;
	s26 =	simm.s32 $0x1;
	v3 =	vadd.s32 v3, v7;
	[tilespmem:v4+s20+$0x0] =	vst.idx.msk $0xffff, v5  }
.LBB2_6:
0x146: {  	p0 =	sne.s32 s28, $0x1F8;
	s1 =	sand.u32 $0x78, s25;
	v4 =	vmov s29;
	v5 =	vld [tilespmem:s24+$0x70];
	v6 =	vor.u32 $0x7, v3  }
0x147: {  	v3 =	vmov s1;
	v4 =	vmul.u32 $0x1100, v4  }
0x148: {  	v3 =	vshrl.u32 v3, $0x3  }
0x149: {  	v4 =	vbroadcast v4, $0x0;
	v3 =	vshll.u32 v3, v1  }
0x14a: {  	v7 =	vbroadcast v3, $0x0  }
0x14b: {  	s24 =	sadd.s32 $0x100, s24;
	v3 =	vadd.s32 v0, v4;
	[tilespmem:v6+s20+$0x0] =	vst.idx.msk $0xffff, v5  }
0x14c: {  	v5 =	vld [tilespmem:s24+$0xFFFFFF80];
	v6 =	vadd.s32 v3, v7;
	_ =	sdelay $0x3  }
0x14d: {  	s1 =	sadd.s32 $0x1, s25  }
0x14e: {  	s1 =	sand.u32 $0x78, s1;
	v4 =	vadd.s32 v2, v4;
	[tilespmem:v6+s20+$0x0] =	vst.idx.msk $0xffff, v5  }
0x14f: {  	v6 =	vadd.s32 v4, v7;
	v7 =	vmov s1;
	v5 =	vld [tilespmem:s24+$0xFFFFFF90]  }
0x150: {  	v7 =	vshrl.u32 v7, $0x3  }
0x151: {  	v7 =	vshll.u32 v7, v1  }
0x152: {  	v7 =	vbroadcast v7, $0x0;
	_ =	sdelay $0x1  }
0x153: {  	[tilespmem:v6+s20+$0x0] =	vst.idx.msk $0xffff, v5;
	v5 =	vadd.s32 v3, v7  }
0x154: {  	v6 =	vld [tilespmem:s24+$0xFFFFFFA0];
	v5 =	vor.u32 $0x1, v5;
	_ =	sdelay $0x3  }
0x155: {  	s1 =	sadd.s32 $0x2, s25  }
0x156: {  	s1 =	sand.u32 $0x78, s1;
	[tilespmem:v5+s20+$0x0] =	vst.idx.msk $0xffff, v6;
	v5 =	vadd.s32 v4, v7  }
0x157: {  	v7 =	vmov s1;
	v6 =	vld [tilespmem:s24+$0xFFFFFFB0];
	v5 =	vor.u32 $0x1, v5  }
0x158: {  	v7 =	vshrl.u32 v7, $0x3  }
0x159: {  	v7 =	vshll.u32 v7, v1  }
0x15a: {  	v7 =	vbroadcast v7, $0x0;
	_ =	sdelay $0x1  }
0x15b: {  	[tilespmem:v5+s20+$0x0] =	vst.idx.msk $0xffff, v6;
	v5 =	vadd.s32 v3, v7  }
0x15c: {  	v6 =	vld [tilespmem:s24+$0xFFFFFFC0];
	v5 =	vor.u32 $0x2, v5;
	_ =	sdelay $0x3  }
0x15d: {  	s1 =	sadd.s32 $0x3, s25  }
0x15e: {  	s1 =	sand.u32 $0x78, s1;
	[tilespmem:v5+s20+$0x0] =	vst.idx.msk $0xffff, v6;
	v5 =	vadd.s32 v4, v7  }
0x15f: {  	v7 =	vmov s1;
	v6 =	vld [tilespmem:s24+$0xFFFFFFD0];
	v5 =	vor.u32 $0x2, v5  }
0x160: {  	v7 =	vshrl.u32 v7, $0x3  }
0x161: {  	v7 =	vshll.u32 v7, v1  }
0x162: {  	v7 =	vbroadcast v7, $0x0;
	_ =	sdelay $0x1  }
0x163: {  	[tilespmem:v5+s20+$0x0] =	vst.idx.msk $0xffff, v6;
	v5 =	vadd.s32 v3, v7  }
0x164: {  	v6 =	vld [tilespmem:s24+$0xFFFFFFE0];
	v5 =	vor.u32 $0x3, v5;
	_ =	sdelay $0x3  }
0x165: {  	s1 =	sadd.s32 $0x4, s25  }
0x166: {  	s1 =	sand.u32 $0x78, s1;
	[tilespmem:v5+s20+$0x0] =	vst.idx.msk $0xffff, v6;
	v5 =	vadd.s32 v4, v7  }
0x167: {  	v7 =	vmov s1;
	v6 =	vld [tilespmem:s24+$0xFFFFFFF0];
	v5 =	vor.u32 $0x3, v5  }
0x168: {  	v7 =	vshrl.u32 v7, $0x3  }
0x169: {  	v7 =	vshll.u32 v7, v1  }
0x16a: {  	v7 =	vbroadcast v7, $0x0;
	_ =	sdelay $0x1  }
0x16b: {  	[tilespmem:v5+s20+$0x0] =	vst.idx.msk $0xffff, v6;
	v5 =	vadd.s32 v3, v7  }
0x16c: {  	v6 =	vld [tilespmem:s24+$0x0];
	v5 =	vor.u32 $0x4, v5;
	_ =	sdelay $0x3  }
0x16d: {  	s1 =	sadd.s32 $0x5, s25  }
0x16e: {  	s1 =	sand.u32 $0x78, s1;
	[tilespmem:v5+s20+$0x0] =	vst.idx.msk $0xffff, v6;
	v5 =	vadd.s32 v4, v7  }
0x16f: {  	v7 =	vmov s1;
	v6 =	vld [tilespmem:s24+$0x10];
	v5 =	vor.u32 $0x4, v5  }
0x170: {  	v7 =	vshrl.u32 v7, $0x3  }
0x171: {  	v7 =	vshll.u32 v7, v1  }
0x172: {  	v7 =	vbroadcast v7, $0x0;
	_ =	sdelay $0x1  }
0x173: {  	[tilespmem:v5+s20+$0x0] =	vst.idx.msk $0xffff, v6;
	v5 =	vadd.s32 v3, v7  }
0x174: {  	v6 =	vld [tilespmem:s24+$0x20];
	v5 =	vor.u32 $0x5, v5;
	_ =	sdelay $0x3  }
0x175: {  	s1 =	sadd.s32 $0x6, s25  }
0x176: {  	s1 =	sand.u32 $0x78, s1;
	[tilespmem:v5+s20+$0x0] =	vst.idx.msk $0xffff, v6;
	v5 =	vadd.s32 v4, v7  }
0x177: {  	v7 =	vmov s1;
	v6 =	vld [tilespmem:s24+$0x30];
	v5 =	vor.u32 $0x5, v5  }
0x178: {  	v7 =	vshrl.u32 v7, $0x3  }
0x179: {  	v7 =	vshll.u32 v7, v1  }
0x17a: {  	v7 =	vbroadcast v7, $0x0;
	_ =	sdelay $0x1  }
0x17b: {  	[tilespmem:v5+s20+$0x0] =	vst.idx.msk $0xffff, v6;
	v5 =	vadd.s32 v3, v7  }
0x17c: {  	v6 =	vld [tilespmem:s24+$0x40];
	v5 =	vor.u32 $0x6, v5;
	_ =	sdelay $0x3  }
0x17d: {  	s1 =	sadd.s32 $0x7, s25;
	s25 =	smov.u32 s28  }
0x17e: {  	s1 =	sand.u32 $0x78, s1;
	[tilespmem:v5+s20+$0x0] =	vst.idx.msk $0xffff, v6;
	v5 =	vadd.s32 v4, v7  }
0x17f: {  	v7 =	vmov s1;
	v6 =	vld [tilespmem:s24+$0x50];
	v5 =	vor.u32 $0x6, v5  }
0x180: {  	v7 =	vshrl.u32 v7, $0x3  }
0x181: {  	v7 =	vshll.u32 v7, v1  }
0x182: {  	v7 =	vbroadcast v7, $0x0;
	_ =	sdelay $0x1  }
0x183: {  	v3 =	vadd.s32 v3, v7;
	[tilespmem:v5+s20+$0x0] =	vst.idx.msk $0xffff, v6  }
0x184: {  	v3 =	vor.u32 $0x7, v3;
	v5 =	vld [tilespmem:s24+$0x60]  }
.Ltmp2:
0x185: {  	(pc) =	sbr.rel @p0 .LBB2_6-.Ltmp2, $3  }
0x186: {  	_ =	sdelay $0x1  }
0x187: {  	s26 =	sadd.s32 $0x1, s26  }
0x188: {  	s29 =	sshrl.u32 s26, $0x4;
	s28 =	sadd.s32 $0x8, s28;
	[tilespmem:v3+s20+$0x0] =	vst.idx.msk $0xffff, v5;
	v3 =	vadd.s32 v4, v7  }
0x189: {  	s1 =	sand.u32 $0x78, s25;
	v4 =	vmov s29;
	v5 =	vld [tilespmem:s24+$0x70];
	v3 =	vor.u32 $0x7, v3  }
0x18a: {  	v6 =	vmov s1;
	v4 =	vmul.u32 $0x1100, v4  }
0x18b: {  	v6 =	vshrl.u32 v6, $0x3  }
0x18c: {  	v4 =	vbroadcast v4, $0x0;
	v6 =	vshll.u32 v6, v1  }
0x18d: {  	v6 =	vbroadcast v6, $0x0  }
0x18e: {  	s24 =	sadd.s32 $0x100, s24;
	v7 =	vadd.s32 v0, v4;
	[tilespmem:v3+s20+$0x0] =	vst.idx.msk $0xffff, v5  }
0x18f: {  	v3 =	vld [tilespmem:s24+$0xFFFFFF80];
	v41 =	vadd.s32 v7, v6;
	_ =	sdelay $0x3  }
0x190: {  	s31 =	sadd.s32 $0x1, s25  }
0x191: {  	s1 =	sand.u32 $0x78, s31;
	[tilespmem:v41+s20+$0x0] =	vst.idx.msk $0xffff, v3;
	v3 =	vadd.s32 v2, v4  }
0x192: {  	v44 =	vmov s1;
	v42 =	vld [tilespmem:s24+$0xFFFFFF90];
	v43 =	vadd.s32 v3, v6  }
0x193: {  	v6 =	vshrl.u32 v44, $0x3  }
0x194: {  	v6 =	vshll.u32 v6, v1  }
0x195: {  	v6 =	vbroadcast v6, $0x0;
	_ =	sdelay $0x1  }
0x196: {  	v45 =	vadd.s32 v7, v6;
	[tilespmem:v43+s20+$0x0] =	vst.idx.msk $0xffff, v42  }
0x197: {  	v4 =	vor.u32 $0x1, v45;
	v5 =	vld [tilespmem:s24+$0xFFFFFFA0];
	_ =	sdelay $0x3  }
0x198: {  	s0 =	sadd.s32 $0x2, s25  }
0x199: {  	s1 =	sand.u32 $0x78, s0;
	v46 =	vadd.s32 v3, v6;
	[tilespmem:v4+s20+$0x0] =	vst.idx.msk $0xffff, v5  }
0x19a: {  	v47 =	vmov s1;
	v4 =	vor.u32 $0x1, v46;
	v5 =	vld [tilespmem:s24+$0xFFFFFFB0]  }
0x19b: {  	v6 =	vshrl.u32 v47, $0x3  }
0x19c: {  	v6 =	vshll.u32 v6, v1  }
0x19d: {  	v6 =	vbroadcast v6, $0x0;
	_ =	sdelay $0x1  }
0x19e: {  	v48 =	vadd.s32 v7, v6;
	[tilespmem:v4+s20+$0x0] =	vst.idx.msk $0xffff, v5  }
0x19f: {  	v4 =	vor.u32 $0x2, v48;
	v5 =	vld [tilespmem:s24+$0xFFFFFFC0];
	_ =	sdelay $0x3  }
0x1a0: {  	s26 =	sadd.s32 $0x3, s25  }
0x1a1: {  	s1 =	sand.u32 $0x78, s26;
	v49 =	vadd.s32 v3, v6;
	[tilespmem:v4+s20+$0x0] =	vst.idx.msk $0xffff, v5  }
0x1a2: {  	v50 =	vmov s1;
	v4 =	vor.u32 $0x2, v49;
	v5 =	vld [tilespmem:s24+$0xFFFFFFD0]  }
0x1a3: {  	v6 =	vshrl.u32 v50, $0x3  }
0x1a4: {  	v6 =	vshll.u32 v6, v1  }
0x1a5: {  	v6 =	vbroadcast v6, $0x0;
	_ =	sdelay $0x1  }
0x1a6: {  	v51 =	vadd.s32 v7, v6;
	[tilespmem:v4+s20+$0x0] =	vst.idx.msk $0xffff, v5  }
0x1a7: {  	v4 =	vor.u32 $0x3, v51;
	v5 =	vld [tilespmem:s24+$0xFFFFFFE0];
	_ =	sdelay $0x3  }
0x1a8: {  	s29 =	sadd.s32 $0x4, s25  }
0x1a9: {  	s1 =	sand.u32 $0x78, s29;
	v52 =	vadd.s32 v3, v6;
	[tilespmem:v4+s20+$0x0] =	vst.idx.msk $0xffff, v5  }
0x1aa: {  	v53 =	vmov s1;
	v4 =	vor.u32 $0x3, v52;
	v5 =	vld [tilespmem:s24+$0xFFFFFFF0]  }
0x1ab: {  	v6 =	vshrl.u32 v53, $0x3  }
0x1ac: {  	v6 =	vshll.u32 v6, v1  }
0x1ad: {  	v6 =	vbroadcast v6, $0x0;
	_ =	sdelay $0x1  }
0x1ae: {  	v54 =	vadd.s32 v7, v6;
	[tilespmem:v4+s20+$0x0] =	vst.idx.msk $0xffff, v5  }
0x1af: {  	v4 =	vor.u32 $0x4, v54;
	v5 =	vld [tilespmem:s24+$0x0];
	_ =	sdelay $0x3  }
0x1b0: {  	s30 =	sadd.s32 $0x5, s25  }
0x1b1: {  	s1 =	sand.u32 $0x78, s30;
	v55 =	vadd.s32 v3, v6;
	[tilespmem:v4+s20+$0x0] =	vst.idx.msk $0xffff, v5  }
0x1b2: {  	v56 =	vmov s1;
	v4 =	vor.u32 $0x4, v55;
	v5 =	vld [tilespmem:s24+$0x10]  }
0x1b3: {  	v6 =	vshrl.u32 v56, $0x3  }
0x1b4: {  	v6 =	vshll.u32 v6, v1  }
0x1b5: {  	v6 =	vbroadcast v6, $0x0;
	_ =	sdelay $0x1  }
0x1b6: {  	v57 =	vadd.s32 v7, v6;
	[tilespmem:v4+s20+$0x0] =	vst.idx.msk $0xffff, v5  }
0x1b7: {  	v4 =	vor.u32 $0x5, v57;
	v5 =	vld [tilespmem:s24+$0x20];
	_ =	sdelay $0x3  }
0x1b8: {  	s31 =	sadd.s32 $0x6, s25  }
0x1b9: {  	s1 =	sand.u32 $0x78, s31;
	v58 =	vadd.s32 v3, v6;
	[tilespmem:v4+s20+$0x0] =	vst.idx.msk $0xffff, v5  }
0x1ba: {  	v59 =	vmov s1;
	v4 =	vor.u32 $0x5, v58;
	v5 =	vld [tilespmem:s24+$0x30]  }
0x1bb: {  	v6 =	vshrl.u32 v59, $0x3  }
0x1bc: {  	v6 =	vshll.u32 v6, v1  }
0x1bd: {  	v6 =	vbroadcast v6, $0x0;
	_ =	sdelay $0x1  }
0x1be: {  	v60 =	vadd.s32 v7, v6;
	[tilespmem:v4+s20+$0x0] =	vst.idx.msk $0xffff, v5  }
0x1bf: {  	v4 =	vor.u32 $0x6, v60;
	v5 =	vld [tilespmem:s24+$0x40];
	_ =	sdelay $0x3  }
0x1c0: {  	s0 =	sadd.s32 $0x7, s25  }
0x1c1: {  	s1 =	sand.u32 $0x78, s0;
	v61 =	vadd.s32 v3, v6;
	[tilespmem:v4+s20+$0x0] =	vst.idx.msk $0xffff, v5  }
0x1c2: {  	v62 =	vmov s1;
	v4 =	vor.u32 $0x6, v61;
	v5 =	vld [tilespmem:s24+$0x50]  }
0x1c3: {  	v6 =	vshrl.u32 v62, $0x3  }
0x1c4: {  	v6 =	vshll.u32 v6, v1  }
0x1c5: {  	v6 =	vbroadcast v6, $0x0;
	_ =	sdelay $0x1  }
0x1c6: {  	v63 =	vadd.s32 v7, v6;
	[tilespmem:v4+s20+$0x0] =	vst.idx.msk $0xffff, v5  }
0x1c7: {  	v4 =	vor.u32 $0x7, v63;
	v5 =	vld [tilespmem:s24+$0x60];
	_ =	sdelay $0x4  }
0x1c8: {  	v3 =	vadd.s32 v3, v6;
	[tilespmem:v4+s20+$0x0] =	vst.idx.msk $0xffff, v5  }
0x1c9: {  	v3 =	vor.u32 $0x7, v3;
	v4 =	vld [tilespmem:s24+$0x70];
	_ =	sdelay $0x4  }
0x1ca: {  	s24 =	simm.s32 $0x12800;
	[tilespmem:v3+s20+$0x0] =	vst.idx.msk $0xffff, v4  }
0x1cb: {  	[hbm4b:s9+s3] =	stream.linear.scatter [tilespmem:s24], [sflag:$0x2], $0x80, $0x38;
	[tilespmem:$0x16C00] =	vst v63  }
0x1cc: {  	s25 =	simm.s32 $0x12888;
	s26 =	sadd.s32 $0x10, s9  }
0x1cd: {  	[hbm4b:s26+s3] =	stream.linear.scatter [tilespmem:s25], [sflag:$0x2], $0x80, $0x38;
	[tilespmem:$0x16C00] =	vst v63  }
0x1ce: {  	s28 =	sadd.s32 $0x70, s9;
	s29 =	simm.s32 $0x12910;
	s30 =	sadd.s32 $0x20, s9  }
0x1cf: {  	[hbm4b:s30+s3] =	stream.linear.scatter [tilespmem:s29], [sflag:$0x2], $0x80, $0x38;
	[tilespmem:$0x16C00] =	vst v63  }
0x1d0: {  	s31 =	simm.s32 $0x12998;
	s0 =	sadd.s32 $0x30, s9;
	s1 =	simm.s32 $0x12BB8  }
0x1d1: {  	[hbm4b:s0+s3] =	stream.linear.scatter [tilespmem:s31], [sflag:$0x2], $0x80, $0x38;
	[tilespmem:$0x16C00] =	vst v63  }
0x1d2: {  	s24 =	simm.s32 $0x12A20;
	s25 =	sadd.s32 $0x40, s9;
	s26 =	simm.s32 $0x12AA8  }
0x1d3: {  	[hbm4b:s25+s3] =	stream.linear.scatter [tilespmem:s24], [sflag:$0x2], $0x80, $0x38;
	[tilespmem:$0x16C00] =	vst v63  }
0x1d4: {  	s29 =	sadd.s32 $0x50, s9;
	s30 =	simm.s32 $0x12B30;
	s31 =	sadd.s32 $0x60, s9  }
0x1d5: {  	[hbm4b:s29+s3] =	stream.linear.scatter [tilespmem:s26], [sflag:$0x2], $0x80, $0x38;
	[tilespmem:$0x16C00] =	vst v63  }
0x1d6: {  	s24 =	simm.s32 $0x440;
	s25 =	sadd.s32 $0x1000, s9;
	s26 =	simm.s32 $0x2200  }
0x1d7: {  	[hbm4b:s31+s3] =	stream.linear.scatter [tilespmem:s30], [sflag:$0x2], $0x80, $0x38;
	[tilespmem:$0x16C00] =	vst v63  }
.LBB2_8:
0x1d8: {  	[hbm4b:s28+s3] =	stream.linear.scatter [tilespmem:s1], [sflag:$0x2], $0x80, $0x38;
	[tilespmem:$0x16C00] =	vst v63  }
0x1d9: {  	s1 =	smov.u32 s24;
	s24 =	smov.u32 s26  }
0x1da: {  	s29 =	sadd.s32 $0x1100, s26;
	s24 =	sshra.s32 s24, $0x2;
	s28 =	sadd.s32 $0x12800, s1  }
0x1db: {  	[hbm4b:s25+s3] =	stream.linear.scatter [tilespmem:s28], [sflag:$0x2], $0x80, $0x38;
	[tilespmem:$0x16C00] =	vst v63  }
0x1dc: {  	p0 =	sne.s32 s26, $0xFF00;
	s26 =	sadd.s32 $0x12888, s1;
	s28 =	sadd.s32 $0x10, s25  }
0x1dd: {  	[hbm4b:s28+s3] =	stream.linear.scatter [tilespmem:s26], [sflag:$0x2], $0x80, $0x38;
	[tilespmem:$0x16C00] =	vst v63  }
0x1de: {  	s26 =	sadd.s32 $0x12910, s1;
	s28 =	sadd.s32 $0x20, s25  }
0x1df: {  	[hbm4b:s28+s3] =	stream.linear.scatter [tilespmem:s26], [sflag:$0x2], $0x80, $0x38;
	[tilespmem:$0x16C00] =	vst v63  }
0x1e0: {  	s26 =	sadd.s32 $0x12998, s1;
	s28 =	sadd.s32 $0x30, s25  }
0x1e1: {  	[hbm4b:s28+s3] =	stream.linear.scatter [tilespmem:s26], [sflag:$0x2], $0x80, $0x38;
	[tilespmem:$0x16C00] =	vst v63  }
0x1e2: {  	s26 =	sadd.s32 $0x12A20, s1;
	s28 =	sadd.s32 $0x40, s25  }
0x1e3: {  	[hbm4b:s28+s3] =	stream.linear.scatter [tilespmem:s26], [sflag:$0x2], $0x80, $0x38;
	[tilespmem:$0x16C00] =	vst v63  }
.Ltmp3:
0x1e4: {  	s26 =	sadd.s32 $0x12AA8, s1;
	s28 =	sadd.s32 $0x50, s25;
	(pc) =	sbr.rel @p0 .LBB2_8-.Ltmp3, $4  }
0x1e5: {  	[hbm4b:s28+s3] =	stream.linear.scatter [tilespmem:s26], [sflag:$0x2], $0x80, $0x38;
	[tilespmem:$0x16C00] =	vst v63  }
0x1e6: {  	s26 =	sadd.s32 $0x12B30, s1;
	s28 =	sadd.s32 $0x60, s25;
	s1 =	sadd.s32 $0x12BB8, s1  }
0x1e7: {  	[hbm4b:s28+s3] =	stream.linear.scatter [tilespmem:s26], [sflag:$0x2], $0x80, $0x38;
	[tilespmem:$0x16C00] =	vst v63  }
0x1e8: {  	s28 =	sadd.s32 $0x70, s25;
	s25 =	sadd.s32 $0x1000, s25;
	s26 =	smov.u32 s29  }
0x1e9: {  	[hbm4b:s28+s3] =	stream.linear.scatter [tilespmem:s1], [sflag:$0x2], $0x80, $0x38;
	[tilespmem:$0x16C00] =	vst v63  }
0x1ea: {  	s29 =	sadd.s32 $0x12800, s24  }
0x1eb: {  	[hbm4b:s25+s3] =	stream.linear.scatter [tilespmem:s29], [sflag:$0x2], $0x80, $0x38;
	[tilespmem:$0x16C00] =	vst v63  }
0x1ec: {  	s30 =	sadd.s32 $0x12888, s24;
	s26 =	sadd.s32 $0x10, s25  }
0x1ed: {  	[hbm4b:s26+s3] =	stream.linear.scatter [tilespmem:s30], [sflag:$0x2], $0x80, $0x38;
	[tilespmem:$0x16C00] =	vst v63  }
0x1ee: {  	s31 =	sadd.s32 $0x12910, s24;
	s0 =	sadd.s32 $0x20, s25  }
0x1ef: {  	[hbm4b:s0+s3] =	stream.linear.scatter [tilespmem:s31], [sflag:$0x2], $0x80, $0x38;
	[tilespmem:$0x16C00] =	vst v63  }
0x1f0: {  	s28 =	sadd.s32 $0x30, s25;
	s26 =	sadd.s32 $0x12998, s24  }
0x1f1: {  	[hbm4b:s28+s3] =	stream.linear.scatter [tilespmem:s26], [sflag:$0x2], $0x80, $0x38;
	[tilespmem:$0x16C00] =	vst v63  }
0x1f2: {  	s29 =	sadd.s32 $0x12A20, s24;
	s30 =	sadd.s32 $0x40, s25  }
0x1f3: {  	[hbm4b:s30+s3] =	stream.linear.scatter [tilespmem:s29], [sflag:$0x2], $0x80, $0x38;
	[tilespmem:$0x16C00] =	vst v63  }
0x1f4: {  	s31 =	sadd.s32 $0x12AA8, s24;
	s0 =	sadd.s32 $0x50, s25  }
0x1f5: {  	[hbm4b:s0+s3] =	stream.linear.scatter [tilespmem:s31], [sflag:$0x2], $0x80, $0x38;
	[tilespmem:$0x16C00] =	vst v63  }
0x1f6: {  	s28 =	sadd.s32 $0x12B30, s24;
	s29 =	sadd.s32 $0x60, s25  }
0x1f7: {  	[hbm4b:s29+s3] =	stream.linear.scatter [tilespmem:s28], [sflag:$0x2], $0x80, $0x38;
	[tilespmem:$0x16C00] =	vst v63  }
0x1f8: {  	s30 =	sadd.s32 $0x12BB8, s24;
	s31 =	sadd.s32 $0x70, s25  }
0x1f9: {  	[hbm4b:s31+s3] =	stream.linear.scatter [tilespmem:s30], [sflag:$0x2], $0x80, $0x38;
	[tilespmem:$0x16C00] =	vst v63  }
0x1fa: {  	s24 =	simm.s32 $0x1  }
0x1fb: {  	[tilespmem:s16], [sflag:$0x1] =	stream.indirect.gather [hbm4b:s4+s14], $0x20, s21, s14, $0xb8;
	[tilespmem:$0x16C00] =	vst v63  }
.LBB2_10:
0x1fc: {  	s1 =	simm.s32 $0x0;
	s25 =	simm.s32 $0x0  }
0x1fd: {  	_ =	swait.ge [sflag:s17], $0x4000;
	s1 =	sand.u32 $0x78, s1;
	v3 =	vmov s25  }
0x1fe: {  	[sflag:s17] =	ssyncset.done $0x0;
	v4 =	vmov s1;
	v3 =	vmul.u32 $0x1100, v3  }
0x1ff: {  	[sflag:s17] =	ssyncadd.s32 $0xFFFFC000;
	v4 =	vshrl.u32 v4, $0x3  }
0x200: {  	_ =	swait.ge [sflag:s22], $0x4000;
	v3 =	vbroadcast v3, $0x0;
	v4 =	vshll.u32 v4, v1  }
0x201: {  	[sflag:s22] =	ssyncset.done $0x0;
	v4 =	vbroadcast v4, $0x0  }
0x202: {  	s25 =	simm.s32 $0x6480;
	[sflag:s22] =	ssyncadd.s32 $0xFFFFC000;
	v5 =	vadd.s32 v0, v3  }
0x203: {  	v6 =	vld [tilespmem:s25+$0xFFFFFF80];
	v7 =	vadd.s32 v5, v4;
	_ =	sdelay $0x3  }
0x204: {  	s31 =	simm.s32 $0x1  }
0x205: {  	s1 =	sand.u32 $0x78, s31;
	v3 =	vadd.s32 v2, v3;
	[tilespmem:v7+s18+$0x0] =	vst.idx.msk $0xffff, v6  }
0x206: {  	v57 =	vmov s1;
	v4 =	vadd.s32 v3, v4;
	v6 =	vld [tilespmem:s25+$0xFFFFFF90]  }
0x207: {  	v7 =	vshrl.u32 v57, $0x3  }
0x208: {  	v7 =	vshll.u32 v7, v1  }
0x209: {  	v7 =	vbroadcast v7, $0x0;
	_ =	sdelay $0x1  }
0x20a: {  	[tilespmem:v4+s18+$0x0] =	vst.idx.msk $0xffff, v6;
	v4 =	vadd.s32 v5, v7  }
0x20b: {  	v6 =	vld [tilespmem:s25+$0xFFFFFFA0];
	v4 =	vor.u32 $0x1, v4;
	_ =	sdelay $0x3  }
0x20c: {  	s0 =	simm.s32 $0x2  }
0x20d: {  	s1 =	sand.u32 $0x78, s0;
	[tilespmem:v4+s18+$0x0] =	vst.idx.msk $0xffff, v6;
	v4 =	vadd.s32 v3, v7  }
0x20e: {  	v58 =	vmov s1;
	v6 =	vld [tilespmem:s25+$0xFFFFFFB0];
	v4 =	vor.u32 $0x1, v4  }
0x20f: {  	v7 =	vshrl.u32 v58, $0x3  }
0x210: {  	v7 =	vshll.u32 v7, v1  }
0x211: {  	v7 =	vbroadcast v7, $0x0;
	_ =	sdelay $0x1  }
0x212: {  	[tilespmem:v4+s18+$0x0] =	vst.idx.msk $0xffff, v6;
	v4 =	vadd.s32 v5, v7  }
0x213: {  	v6 =	vld [tilespmem:s25+$0xFFFFFFC0];
	v4 =	vor.u32 $0x2, v4;
	_ =	sdelay $0x3  }
0x214: {  	s26 =	simm.s32 $0x3  }
0x215: {  	s1 =	sand.u32 $0x78, s26;
	[tilespmem:v4+s18+$0x0] =	vst.idx.msk $0xffff, v6;
	v4 =	vadd.s32 v3, v7  }
0x216: {  	v59 =	vmov s1;
	v6 =	vld [tilespmem:s25+$0xFFFFFFD0];
	v4 =	vor.u32 $0x2, v4  }
0x217: {  	v7 =	vshrl.u32 v59, $0x3  }
0x218: {  	v7 =	vshll.u32 v7, v1  }
0x219: {  	v7 =	vbroadcast v7, $0x0;
	_ =	sdelay $0x1  }
0x21a: {  	[tilespmem:v4+s18+$0x0] =	vst.idx.msk $0xffff, v6;
	v4 =	vadd.s32 v5, v7  }
0x21b: {  	v6 =	vld [tilespmem:s25+$0xFFFFFFE0];
	v4 =	vor.u32 $0x3, v4;
	_ =	sdelay $0x3  }
0x21c: {  	s31 =	simm.s32 $0x4  }
0x21d: {  	s1 =	sand.u32 $0x78, s31;
	[tilespmem:v4+s18+$0x0] =	vst.idx.msk $0xffff, v6;
	v4 =	vadd.s32 v3, v7  }
0x21e: {  	v60 =	vmov s1;
	v6 =	vld [tilespmem:s25+$0xFFFFFFF0];
	v4 =	vor.u32 $0x3, v4  }
0x21f: {  	v7 =	vshrl.u32 v60, $0x3  }
0x220: {  	v7 =	vshll.u32 v7, v1  }
0x221: {  	v7 =	vbroadcast v7, $0x0;
	_ =	sdelay $0x1  }
0x222: {  	[tilespmem:v4+s18+$0x0] =	vst.idx.msk $0xffff, v6;
	v4 =	vadd.s32 v5, v7  }
0x223: {  	v6 =	vld [tilespmem:s25+$0x0];
	v4 =	vor.u32 $0x4, v4;
	_ =	sdelay $0x3  }
0x224: {  	s0 =	simm.s32 $0x5  }
0x225: {  	s1 =	sand.u32 $0x78, s0;
	[tilespmem:v4+s18+$0x0] =	vst.idx.msk $0xffff, v6;
	v4 =	vadd.s32 v3, v7  }
0x226: {  	v61 =	vmov s1;
	v6 =	vld [tilespmem:s25+$0x10];
	v4 =	vor.u32 $0x4, v4  }
0x227: {  	v7 =	vshrl.u32 v61, $0x3  }
0x228: {  	v7 =	vshll.u32 v7, v1  }
0x229: {  	v7 =	vbroadcast v7, $0x0;
	_ =	sdelay $0x1  }
0x22a: {  	[tilespmem:v4+s18+$0x0] =	vst.idx.msk $0xffff, v6;
	v4 =	vadd.s32 v5, v7  }
0x22b: {  	v6 =	vld [tilespmem:s25+$0x20];
	v4 =	vor.u32 $0x5, v4;
	_ =	sdelay $0x3  }
0x22c: {  	s26 =	simm.s32 $0x6  }
0x22d: {  	s1 =	sand.u32 $0x78, s26;
	[tilespmem:v4+s18+$0x0] =	vst.idx.msk $0xffff, v6;
	v4 =	vadd.s32 v3, v7  }
0x22e: {  	v62 =	vmov s1;
	v6 =	vld [tilespmem:s25+$0x30];
	v4 =	vor.u32 $0x5, v4  }
0x22f: {  	v7 =	vshrl.u32 v62, $0x3  }
0x230: {  	v7 =	vshll.u32 v7, v1  }
0x231: {  	v7 =	vbroadcast v7, $0x0;
	_ =	sdelay $0x1  }
0x232: {  	[tilespmem:v4+s18+$0x0] =	vst.idx.msk $0xffff, v6;
	v4 =	vadd.s32 v5, v7  }
0x233: {  	v6 =	vld [tilespmem:s25+$0x40];
	v4 =	vor.u32 $0x6, v4;
	_ =	sdelay $0x3  }
0x234: {  	s31 =	simm.s32 $0x7  }
0x235: {  	s1 =	sand.u32 $0x78, s31;
	[tilespmem:v4+s18+$0x0] =	vst.idx.msk $0xffff, v6;
	v4 =	vadd.s32 v3, v7  }
0x236: {  	v63 =	vmov s1;
	v6 =	vld [tilespmem:s25+$0x50];
	v4 =	vor.u32 $0x6, v4  }
0x237: {  	v7 =	vshrl.u32 v63, $0x3  }
0x238: {  	v7 =	vshll.u32 v7, v1  }
0x239: {  	v7 =	vbroadcast v7, $0x0;
	_ =	sdelay $0x1  }
0x23a: {  	[tilespmem:v4+s18+$0x0] =	vst.idx.msk $0xffff, v6;
	v4 =	vadd.s32 v5, v7  }
0x23b: {  	v5 =	vld [tilespmem:s25+$0x60];
	v4 =	vor.u32 $0x7, v4;
	_ =	sdelay $0x3  }
0x23c: {  	s28 =	simm.s32 $0x1  }
0x23d: {  	s30 =	simm.s32 $0x0;
	s29 =	simm.s32 $0x10;
	s26 =	simm.s32 $0x8;
	v3 =	vadd.s32 v3, v7;
	[tilespmem:v4+s18+$0x0] =	vst.idx.msk $0xffff, v5  }
.LBB2_11:
0x23e: {  	p0 =	sne.s32 s29, $0x1F8;
	s1 =	sand.u32 $0x78, s26;
	v4 =	vmov s30;
	v5 =	vld [tilespmem:s25+$0x70];
	v6 =	vor.u32 $0x7, v3  }
0x23f: {  	v3 =	vmov s1;
	v4 =	vmul.u32 $0x1100, v4  }
0x240: {  	v3 =	vshrl.u32 v3, $0x3  }
0x241: {  	v4 =	vbroadcast v4, $0x0;
	v3 =	vshll.u32 v3, v1  }
0x242: {  	v7 =	vbroadcast v3, $0x0  }
0x243: {  	s25 =	sadd.s32 $0x100, s25;
	v3 =	vadd.s32 v0, v4;
	[tilespmem:v6+s18+$0x0] =	vst.idx.msk $0xffff, v5  }
0x244: {  	v5 =	vld [tilespmem:s25+$0xFFFFFF80];
	v6 =	vadd.s32 v3, v7;
	_ =	sdelay $0x3  }
0x245: {  	s1 =	sadd.s32 $0x1, s26  }
0x246: {  	s1 =	sand.u32 $0x78, s1;
	v4 =	vadd.s32 v2, v4;
	[tilespmem:v6+s18+$0x0] =	vst.idx.msk $0xffff, v5  }
0x247: {  	v6 =	vadd.s32 v4, v7;
	v7 =	vmov s1;
	v5 =	vld [tilespmem:s25+$0xFFFFFF90]  }
0x248: {  	v7 =	vshrl.u32 v7, $0x3  }
0x249: {  	v7 =	vshll.u32 v7, v1  }
0x24a: {  	v7 =	vbroadcast v7, $0x0;
	_ =	sdelay $0x1  }
0x24b: {  	[tilespmem:v6+s18+$0x0] =	vst.idx.msk $0xffff, v5;
	v5 =	vadd.s32 v3, v7  }
0x24c: {  	v6 =	vld [tilespmem:s25+$0xFFFFFFA0];
	v5 =	vor.u32 $0x1, v5;
	_ =	sdelay $0x3  }
0x24d: {  	s1 =	sadd.s32 $0x2, s26  }
0x24e: {  	s1 =	sand.u32 $0x78, s1;
	[tilespmem:v5+s18+$0x0] =	vst.idx.msk $0xffff, v6;
	v5 =	vadd.s32 v4, v7  }
0x24f: {  	v7 =	vmov s1;
	v6 =	vld [tilespmem:s25+$0xFFFFFFB0];
	v5 =	vor.u32 $0x1, v5  }
0x250: {  	v7 =	vshrl.u32 v7, $0x3  }
0x251: {  	v7 =	vshll.u32 v7, v1  }
0x252: {  	v7 =	vbroadcast v7, $0x0;
	_ =	sdelay $0x1  }
0x253: {  	[tilespmem:v5+s18+$0x0] =	vst.idx.msk $0xffff, v6;
	v5 =	vadd.s32 v3, v7  }
0x254: {  	v6 =	vld [tilespmem:s25+$0xFFFFFFC0];
	v5 =	vor.u32 $0x2, v5;
	_ =	sdelay $0x3  }
0x255: {  	s1 =	sadd.s32 $0x3, s26  }
0x256: {  	s1 =	sand.u32 $0x78, s1;
	[tilespmem:v5+s18+$0x0] =	vst.idx.msk $0xffff, v6;
	v5 =	vadd.s32 v4, v7  }
0x257: {  	v7 =	vmov s1;
	v6 =	vld [tilespmem:s25+$0xFFFFFFD0];
	v5 =	vor.u32 $0x2, v5  }
0x258: {  	v7 =	vshrl.u32 v7, $0x3  }
0x259: {  	v7 =	vshll.u32 v7, v1  }
0x25a: {  	v7 =	vbroadcast v7, $0x0;
	_ =	sdelay $0x1  }
0x25b: {  	[tilespmem:v5+s18+$0x0] =	vst.idx.msk $0xffff, v6;
	v5 =	vadd.s32 v3, v7  }
0x25c: {  	v6 =	vld [tilespmem:s25+$0xFFFFFFE0];
	v5 =	vor.u32 $0x3, v5;
	_ =	sdelay $0x3  }
0x25d: {  	s1 =	sadd.s32 $0x4, s26  }
0x25e: {  	s1 =	sand.u32 $0x78, s1;
	[tilespmem:v5+s18+$0x0] =	vst.idx.msk $0xffff, v6;
	v5 =	vadd.s32 v4, v7  }
0x25f: {  	v7 =	vmov s1;
	v6 =	vld [tilespmem:s25+$0xFFFFFFF0];
	v5 =	vor.u32 $0x3, v5  }
0x260: {  	v7 =	vshrl.u32 v7, $0x3  }
0x261: {  	v7 =	vshll.u32 v7, v1  }
0x262: {  	v7 =	vbroadcast v7, $0x0;
	_ =	sdelay $0x1  }
0x263: {  	[tilespmem:v5+s18+$0x0] =	vst.idx.msk $0xffff, v6;
	v5 =	vadd.s32 v3, v7  }
0x264: {  	v6 =	vld [tilespmem:s25+$0x0];
	v5 =	vor.u32 $0x4, v5;
	_ =	sdelay $0x3  }
0x265: {  	s1 =	sadd.s32 $0x5, s26  }
0x266: {  	s1 =	sand.u32 $0x78, s1;
	[tilespmem:v5+s18+$0x0] =	vst.idx.msk $0xffff, v6;
	v5 =	vadd.s32 v4, v7  }
0x267: {  	v7 =	vmov s1;
	v6 =	vld [tilespmem:s25+$0x10];
	v5 =	vor.u32 $0x4, v5  }
0x268: {  	v7 =	vshrl.u32 v7, $0x3  }
0x269: {  	v7 =	vshll.u32 v7, v1  }
0x26a: {  	v7 =	vbroadcast v7, $0x0;
	_ =	sdelay $0x1  }
0x26b: {  	[tilespmem:v5+s18+$0x0] =	vst.idx.msk $0xffff, v6;
	v5 =	vadd.s32 v3, v7  }
0x26c: {  	v6 =	vld [tilespmem:s25+$0x20];
	v5 =	vor.u32 $0x5, v5;
	_ =	sdelay $0x3  }
0x26d: {  	s1 =	sadd.s32 $0x6, s26  }
0x26e: {  	s1 =	sand.u32 $0x78, s1;
	[tilespmem:v5+s18+$0x0] =	vst.idx.msk $0xffff, v6;
	v5 =	vadd.s32 v4, v7  }
0x26f: {  	v7 =	vmov s1;
	v6 =	vld [tilespmem:s25+$0x30];
	v5 =	vor.u32 $0x5, v5  }
0x270: {  	v7 =	vshrl.u32 v7, $0x3  }
0x271: {  	v7 =	vshll.u32 v7, v1  }
0x272: {  	v7 =	vbroadcast v7, $0x0;
	_ =	sdelay $0x1  }
0x273: {  	[tilespmem:v5+s18+$0x0] =	vst.idx.msk $0xffff, v6;
	v5 =	vadd.s32 v3, v7  }
0x274: {  	v6 =	vld [tilespmem:s25+$0x40];
	v5 =	vor.u32 $0x6, v5;
	_ =	sdelay $0x3  }
0x275: {  	s1 =	sadd.s32 $0x7, s26;
	s26 =	smov.u32 s29  }
0x276: {  	s1 =	sand.u32 $0x78, s1;
	[tilespmem:v5+s18+$0x0] =	vst.idx.msk $0xffff, v6;
	v5 =	vadd.s32 v4, v7  }
0x277: {  	v7 =	vmov s1;
	v6 =	vld [tilespmem:s25+$0x50];
	v5 =	vor.u32 $0x6, v5  }
0x278: {  	v7 =	vshrl.u32 v7, $0x3  }
0x279: {  	v7 =	vshll.u32 v7, v1  }
0x27a: {  	v7 =	vbroadcast v7, $0x0;
	_ =	sdelay $0x1  }
0x27b: {  	v3 =	vadd.s32 v3, v7;
	[tilespmem:v5+s18+$0x0] =	vst.idx.msk $0xffff, v6  }
0x27c: {  	v3 =	vor.u32 $0x7, v3;
	v5 =	vld [tilespmem:s25+$0x60]  }
.Ltmp4:
0x27d: {  	(pc) =	sbr.rel @p0 .LBB2_11-.Ltmp4, $3  }
0x27e: {  	_ =	sdelay $0x1  }
0x27f: {  	s28 =	sadd.s32 $0x1, s28  }
0x280: {  	s30 =	sshrl.u32 s28, $0x4;
	s29 =	sadd.s32 $0x8, s29;
	[tilespmem:v3+s18+$0x0] =	vst.idx.msk $0xffff, v5;
	v3 =	vadd.s32 v4, v7  }
0x281: {  	s1 =	sand.u32 $0x78, s26;
	v4 =	vmov s30;
	v5 =	vld [tilespmem:s25+$0x70];
	v3 =	vor.u32 $0x7, v3  }
0x282: {  	v6 =	vmov s1;
	v4 =	vmul.u32 $0x1100, v4  }
0x283: {  	v6 =	vshrl.u32 v6, $0x3  }
0x284: {  	v4 =	vbroadcast v4, $0x0;
	v6 =	vshll.u32 v6, v1  }
0x285: {  	v6 =	vbroadcast v6, $0x0  }
0x286: {  	s25 =	sadd.s32 $0x100, s25;
	v7 =	vadd.s32 v0, v4;
	[tilespmem:v3+s18+$0x0] =	vst.idx.msk $0xffff, v5  }
0x287: {  	v3 =	vld [tilespmem:s25+$0xFFFFFF80];
	v41 =	vadd.s32 v7, v6;
	_ =	sdelay $0x3  }
0x288: {  	s0 =	sadd.s32 $0x1, s26  }
0x289: {  	s1 =	sand.u32 $0x78, s0;
	[tilespmem:v41+s18+$0x0] =	vst.idx.msk $0xffff, v3;
	v3 =	vadd.s32 v2, v4  }
0x28a: {  	v44 =	vmov s1;
	v42 =	vld [tilespmem:s25+$0xFFFFFF90];
	v43 =	vadd.s32 v3, v6  }
0x28b: {  	v6 =	vshrl.u32 v44, $0x3  }
0x28c: {  	v6 =	vshll.u32 v6, v1  }
0x28d: {  	v6 =	vbroadcast v6, $0x0;
	_ =	sdelay $0x1  }
0x28e: {  	v45 =	vadd.s32 v7, v6;
	[tilespmem:v43+s18+$0x0] =	vst.idx.msk $0xffff, v42  }
0x28f: {  	v4 =	vor.u32 $0x1, v45;
	v5 =	vld [tilespmem:s25+$0xFFFFFFA0];
	_ =	sdelay $0x3  }
0x290: {  	s31 =	sadd.s32 $0x2, s26  }
0x291: {  	s1 =	sand.u32 $0x78, s31;
	v46 =	vadd.s32 v3, v6;
	[tilespmem:v4+s18+$0x0] =	vst.idx.msk $0xffff, v5  }
0x292: {  	v47 =	vmov s1;
	v4 =	vor.u32 $0x1, v46;
	v5 =	vld [tilespmem:s25+$0xFFFFFFB0]  }
0x293: {  	v6 =	vshrl.u32 v47, $0x3  }
0x294: {  	v6 =	vshll.u32 v6, v1  }
0x295: {  	v6 =	vbroadcast v6, $0x0;
	_ =	sdelay $0x1  }
0x296: {  	v48 =	vadd.s32 v7, v6;
	[tilespmem:v4+s18+$0x0] =	vst.idx.msk $0xffff, v5  }
0x297: {  	v4 =	vor.u32 $0x2, v48;
	v5 =	vld [tilespmem:s25+$0xFFFFFFC0];
	_ =	sdelay $0x3  }
0x298: {  	s0 =	sadd.s32 $0x3, s26  }
0x299: {  	s1 =	sand.u32 $0x78, s0;
	v49 =	vadd.s32 v3, v6;
	[tilespmem:v4+s18+$0x0] =	vst.idx.msk $0xffff, v5  }
0x29a: {  	v50 =	vmov s1;
	v4 =	vor.u32 $0x2, v49;
	v5 =	vld [tilespmem:s25+$0xFFFFFFD0]  }
0x29b: {  	v6 =	vshrl.u32 v50, $0x3  }
0x29c: {  	v6 =	vshll.u32 v6, v1  }
0x29d: {  	v6 =	vbroadcast v6, $0x0;
	_ =	sdelay $0x1  }
0x29e: {  	v51 =	vadd.s32 v7, v6;
	[tilespmem:v4+s18+$0x0] =	vst.idx.msk $0xffff, v5  }
0x29f: {  	v4 =	vor.u32 $0x3, v51;
	v5 =	vld [tilespmem:s25+$0xFFFFFFE0];
	_ =	sdelay $0x3  }
0x2a0: {  	s31 =	sadd.s32 $0x4, s26  }
0x2a1: {  	s1 =	sand.u32 $0x78, s31;
	v52 =	vadd.s32 v3, v6;
	[tilespmem:v4+s18+$0x0] =	vst.idx.msk $0xffff, v5  }
0x2a2: {  	v53 =	vmov s1;
	v4 =	vor.u32 $0x3, v52;
	v5 =	vld [tilespmem:s25+$0xFFFFFFF0]  }
0x2a3: {  	v6 =	vshrl.u32 v53, $0x3  }
0x2a4: {  	v6 =	vshll.u32 v6, v1  }
0x2a5: {  	v6 =	vbroadcast v6, $0x0;
	_ =	sdelay $0x1  }
0x2a6: {  	v54 =	vadd.s32 v7, v6;
	[tilespmem:v4+s18+$0x0] =	vst.idx.msk $0xffff, v5  }
0x2a7: {  	v4 =	vor.u32 $0x4, v54;
	v5 =	vld [tilespmem:s25+$0x0];
	_ =	sdelay $0x3  }
0x2a8: {  	s0 =	sadd.s32 $0x5, s26  }
0x2a9: {  	s1 =	sand.u32 $0x78, s0;
	v55 =	vadd.s32 v3, v6;
	[tilespmem:v4+s18+$0x0] =	vst.idx.msk $0xffff, v5  }
0x2aa: {  	v56 =	vmov s1;
	v4 =	vor.u32 $0x4, v55;
	v5 =	vld [tilespmem:s25+$0x10]  }
0x2ab: {  	v6 =	vshrl.u32 v56, $0x3  }
0x2ac: {  	v6 =	vshll.u32 v6, v1  }
0x2ad: {  	v6 =	vbroadcast v6, $0x0;
	_ =	sdelay $0x1  }
0x2ae: {  	v57 =	vadd.s32 v7, v6;
	[tilespmem:v4+s18+$0x0] =	vst.idx.msk $0xffff, v5  }
0x2af: {  	v4 =	vor.u32 $0x5, v57;
	v5 =	vld [tilespmem:s25+$0x20];
	_ =	sdelay $0x3  }
0x2b0: {  	s31 =	sadd.s32 $0x6, s26  }
0x2b1: {  	s1 =	sand.u32 $0x78, s31;
	v58 =	vadd.s32 v3, v6;
	[tilespmem:v4+s18+$0x0] =	vst.idx.msk $0xffff, v5  }
0x2b2: {  	v59 =	vmov s1;
	v4 =	vor.u32 $0x5, v58;
	v5 =	vld [tilespmem:s25+$0x30]  }
0x2b3: {  	v6 =	vshrl.u32 v59, $0x3  }
0x2b4: {  	v6 =	vshll.u32 v6, v1  }
0x2b5: {  	v6 =	vbroadcast v6, $0x0;
	_ =	sdelay $0x1  }
0x2b6: {  	v60 =	vadd.s32 v7, v6;
	[tilespmem:v4+s18+$0x0] =	vst.idx.msk $0xffff, v5  }
0x2b7: {  	v4 =	vor.u32 $0x6, v60;
	v5 =	vld [tilespmem:s25+$0x40];
	_ =	sdelay $0x3  }
0x2b8: {  	s0 =	sadd.s32 $0x7, s26  }
0x2b9: {  	s1 =	sand.u32 $0x78, s0;
	v61 =	vadd.s32 v3, v6;
	[tilespmem:v4+s18+$0x0] =	vst.idx.msk $0xffff, v5  }
0x2ba: {  	v62 =	vmov s1;
	v4 =	vor.u32 $0x6, v61;
	v5 =	vld [tilespmem:s25+$0x50]  }
0x2bb: {  	v6 =	vshrl.u32 v62, $0x3  }
0x2bc: {  	v6 =	vshll.u32 v6, v1  }
0x2bd: {  	v6 =	vbroadcast v6, $0x0;
	_ =	sdelay $0x1  }
0x2be: {  	v63 =	vadd.s32 v7, v6;
	[tilespmem:v4+s18+$0x0] =	vst.idx.msk $0xffff, v5  }
0x2bf: {  	v4 =	vor.u32 $0x7, v63;
	v5 =	vld [tilespmem:s25+$0x60];
	_ =	sdelay $0x4  }
0x2c0: {  	v3 =	vadd.s32 v3, v6;
	[tilespmem:v4+s18+$0x0] =	vst.idx.msk $0xffff, v5  }
0x2c1: {  	v3 =	vor.u32 $0x7, v3;
	v4 =	vld [tilespmem:s25+$0x70];
	_ =	sdelay $0x2  }
0x2c2: {  	s25 =	sshll.u32 s24, $0x11  }
0x2c3: {  	s25 =	sor.u32 s5, s25  }
0x2c4: {  	s26 =	simm.s32 $0xE400;
	s28 =	sadd.s32 s2, s25;
	[tilespmem:v3+s18+$0x0] =	vst.idx.msk $0xffff, v4  }
0x2c5: {  	[hbm4b:s28+s3] =	stream.linear.scatter [tilespmem:s26], [sflag:$0x2], $0x80, $0x38;
	[tilespmem:$0x16C00] =	vst v63  }
0x2c6: {  	s31 =	simm.s32 $0xE488;
	s0 =	sadd.s32 $0x10, s28  }
0x2c7: {  	[hbm4b:s0+s3] =	stream.linear.scatter [tilespmem:s31], [sflag:$0x2], $0x80, $0x38;
	[tilespmem:$0x16C00] =	vst v63  }
0x2c8: {  	s31 =	simm.s32 $0xE510;
	s0 =	sadd.s32 $0x20, s28  }
0x2c9: {  	[hbm4b:s0+s3] =	stream.linear.scatter [tilespmem:s31], [sflag:$0x2], $0x80, $0x38;
	[tilespmem:$0x16C00] =	vst v63  }
0x2ca: {  	s31 =	simm.s32 $0xE598;
	s0 =	sadd.s32 $0x30, s28  }
0x2cb: {  	[hbm4b:s0+s3] =	stream.linear.scatter [tilespmem:s31], [sflag:$0x2], $0x80, $0x38;
	[tilespmem:$0x16C00] =	vst v63  }
0x2cc: {  	s31 =	simm.s32 $0xE620;
	s0 =	sadd.s32 $0x40, s28  }
0x2cd: {  	[hbm4b:s0+s3] =	stream.linear.scatter [tilespmem:s31], [sflag:$0x2], $0x80, $0x38;
	[tilespmem:$0x16C00] =	vst v63  }
0x2ce: {  	s29 =	simm.s32 $0x2200;
	s31 =	simm.s32 $0xE6A8;
	s0 =	sadd.s32 $0x50, s28  }
0x2cf: {  	[hbm4b:s0+s3] =	stream.linear.scatter [tilespmem:s31], [sflag:$0x2], $0x80, $0x38;
	[tilespmem:$0x16C00] =	vst v63  }
0x2d0: {  	s1 =	simm.s32 $0xE7B8;
	s26 =	simm.s32 $0xE730;
	s31 =	sadd.s32 $0x60, s28  }
0x2d1: {  	[hbm4b:s31+s3] =	stream.linear.scatter [tilespmem:s26], [sflag:$0x2], $0x80, $0x38;
	[tilespmem:$0x16C00] =	vst v63  }
0x2d2: {  	s30 =	sadd.s32 $0x70, s28;
	s28 =	sadd.s32 $0x1000, s28;
	s26 =	simm.s32 $0x440  }
.LBB2_13:
0x2d3: {  	[hbm4b:s30+s3] =	stream.linear.scatter [tilespmem:s1], [sflag:$0x2], $0x80, $0x38;
	[tilespmem:$0x16C00] =	vst v63  }
0x2d4: {  	s1 =	smov.u32 s26;
	s26 =	smov.u32 s29  }
0x2d5: {  	s31 =	sadd.s32 $0x1100, s29;
	s26 =	sshra.s32 s26, $0x2;
	s30 =	sadd.s32 $0xE400, s1  }
0x2d6: {  	[hbm4b:s28+s3] =	stream.linear.scatter [tilespmem:s30], [sflag:$0x2], $0x80, $0x38;
	[tilespmem:$0x16C00] =	vst v63  }
0x2d7: {  	p0 =	sne.s32 s29, $0xFF00;
	s29 =	sadd.s32 $0xE488, s1;
	s30 =	sadd.s32 $0x10, s28  }
0x2d8: {  	[hbm4b:s30+s3] =	stream.linear.scatter [tilespmem:s29], [sflag:$0x2], $0x80, $0x38;
	[tilespmem:$0x16C00] =	vst v63  }
0x2d9: {  	s29 =	sadd.s32 $0xE510, s1;
	s30 =	sadd.s32 $0x20, s28  }
0x2da: {  	[hbm4b:s30+s3] =	stream.linear.scatter [tilespmem:s29], [sflag:$0x2], $0x80, $0x38;
	[tilespmem:$0x16C00] =	vst v63  }
0x2db: {  	s29 =	sadd.s32 $0xE598, s1;
	s30 =	sadd.s32 $0x30, s28  }
0x2dc: {  	[hbm4b:s30+s3] =	stream.linear.scatter [tilespmem:s29], [sflag:$0x2], $0x80, $0x38;
	[tilespmem:$0x16C00] =	vst v63  }
0x2dd: {  	s29 =	sadd.s32 $0xE620, s1;
	s30 =	sadd.s32 $0x40, s28  }
0x2de: {  	[hbm4b:s30+s3] =	stream.linear.scatter [tilespmem:s29], [sflag:$0x2], $0x80, $0x38;
	[tilespmem:$0x16C00] =	vst v63  }
.Ltmp5:
0x2df: {  	s29 =	sadd.s32 $0xE6A8, s1;
	s30 =	sadd.s32 $0x50, s28;
	(pc) =	sbr.rel @p0 .LBB2_13-.Ltmp5, $4  }
0x2e0: {  	[hbm4b:s30+s3] =	stream.linear.scatter [tilespmem:s29], [sflag:$0x2], $0x80, $0x38;
	[tilespmem:$0x16C00] =	vst v63  }
0x2e1: {  	s29 =	sadd.s32 $0xE730, s1;
	s30 =	sadd.s32 $0x60, s28;
	s1 =	sadd.s32 $0xE7B8, s1  }
0x2e2: {  	[hbm4b:s30+s3] =	stream.linear.scatter [tilespmem:s29], [sflag:$0x2], $0x80, $0x38;
	[tilespmem:$0x16C00] =	vst v63  }
0x2e3: {  	s30 =	sadd.s32 $0x70, s28;
	s28 =	sadd.s32 $0x1000, s28;
	s29 =	smov.u32 s31  }
0x2e4: {  	[hbm4b:s30+s3] =	stream.linear.scatter [tilespmem:s1], [sflag:$0x2], $0x80, $0x38;
	[tilespmem:$0x16C00] =	vst v63  }
0x2e5: {  	s0 =	sadd.s32 $0xE400, s26  }
0x2e6: {  	[hbm4b:s28+s3] =	stream.linear.scatter [tilespmem:s0], [sflag:$0x2], $0x80, $0x38;
	[tilespmem:$0x16C00] =	vst v63  }
0x2e7: {  	s29 =	sadd.s32 $0x10, s28;
	s0 =	sadd.s32 $0xE488, s26  }
0x2e8: {  	[hbm4b:s29+s3] =	stream.linear.scatter [tilespmem:s0], [sflag:$0x2], $0x80, $0x38;
	[tilespmem:$0x16C00] =	vst v63  }
0x2e9: {  	s0 =	sadd.s32 $0xE510, s26;
	s29 =	sadd.s32 $0x20, s28  }
0x2ea: {  	[hbm4b:s29+s3] =	stream.linear.scatter [tilespmem:s0], [sflag:$0x2], $0x80, $0x38;
	[tilespmem:$0x16C00] =	vst v63  }
0x2eb: {  	s0 =	sadd.s32 $0xE598, s26;
	s29 =	sadd.s32 $0x30, s28  }
0x2ec: {  	[hbm4b:s29+s3] =	stream.linear.scatter [tilespmem:s0], [sflag:$0x2], $0x80, $0x38;
	[tilespmem:$0x16C00] =	vst v63  }
0x2ed: {  	s0 =	sadd.s32 $0xE620, s26;
	s29 =	sadd.s32 $0x40, s28  }
0x2ee: {  	[hbm4b:s29+s3] =	stream.linear.scatter [tilespmem:s0], [sflag:$0x2], $0x80, $0x38;
	[tilespmem:$0x16C00] =	vst v63  }
0x2ef: {  	s0 =	sadd.s32 $0xE6A8, s26;
	s29 =	sadd.s32 $0x50, s28  }
0x2f0: {  	[hbm4b:s29+s3] =	stream.linear.scatter [tilespmem:s0], [sflag:$0x2], $0x80, $0x38;
	[tilespmem:$0x16C00] =	vst v63  }
0x2f1: {  	s0 =	sadd.s32 $0xE730, s26;
	s29 =	sadd.s32 $0x60, s28  }
0x2f2: {  	[hbm4b:s29+s3] =	stream.linear.scatter [tilespmem:s0], [sflag:$0x2], $0x80, $0x38;
	[tilespmem:$0x16C00] =	vst v63  }
0x2f3: {  	s26 =	sadd.s32 $0xE7B8, s26;
	s0 =	sadd.s32 $0x70, s28  }
0x2f4: {  	[hbm4b:s0+s3] =	stream.linear.scatter [tilespmem:s26], [sflag:$0x2], $0x80, $0x38;
	[tilespmem:$0x16C00] =	vst v63  }
0x2f5: {  	s26 =	sshll.u32 s24, $0xA  }
0x2f6: {  	s26 =	sand.u32 $0x3FFFFC00, s26  }
0x2f7: {  	s28 =	simm.s32 $0x0;
	s0 =	simm.s32 $0x0;
	s1 =	sadd.s32 $0x400, s26  }
0x2f8: {  	[tilespmem:s15], [sflag:$0x1] =	stream.indirect.gather [hbm4b:s4+s14], $0x20, s1, s14, $0xb8;
	[tilespmem:$0x16C00] =	vst v63  }
0x2f9: {  	v3 =	vmov s28;
	s1 =	sand.u32 $0x78, s0;
	_ =	swait.ge [sflag:s17], $0x4000  }
0x2fa: {  	v3 =	vmul.u32 $0x1100, v3;
	v4 =	vmov s1;
	[sflag:s17] =	ssyncset.done $0x0  }
0x2fb: {  	v4 =	vshrl.u32 v4, $0x3;
	[sflag:s17] =	ssyncadd.s32 $0xFFFFC000  }
0x2fc: {  	v3 =	vbroadcast v3, $0x0;
	v4 =	vshll.u32 v4, v1;
	_ =	swait.ge [sflag:s22], $0x4000  }
0x2fd: {  	v4 =	vbroadcast v4, $0x0;
	[sflag:s22] =	ssyncset.done $0x0  }
0x2fe: {  	s28 =	simm.s32 $0xA480;
	v5 =	vadd.s32 v0, v3;
	[sflag:s22] =	ssyncadd.s32 $0xFFFFC000  }
0x2ff: {  	v7 =	vadd.s32 v5, v4;
	v6 =	vld [tilespmem:s28+$0xFFFFFF80];
	_ =	sdelay $0x3  }
0x300: {  	s0 =	simm.s32 $0x1  }
0x301: {  	v3 =	vadd.s32 v2, v3;
	s1 =	sand.u32 $0x78, s0;
	[tilespmem:v7+s20+$0x0] =	vst.idx.msk $0xffff, v6  }
0x302: {  	v57 =	vmov s1;
	v4 =	vadd.s32 v3, v4;
	v6 =	vld [tilespmem:s28+$0xFFFFFF90]  }
0x303: {  	v7 =	vshrl.u32 v57, $0x3  }
0x304: {  	v7 =	vshll.u32 v7, v1  }
0x305: {  	v7 =	vbroadcast v7, $0x0;
	_ =	sdelay $0x1  }
0x306: {  	[tilespmem:v4+s20+$0x0] =	vst.idx.msk $0xffff, v6;
	v4 =	vadd.s32 v5, v7  }
0x307: {  	v6 =	vld [tilespmem:s28+$0xFFFFFFA0];
	v4 =	vor.u32 $0x1, v4;
	_ =	sdelay $0x3  }
0x308: {  	s0 =	simm.s32 $0x2  }
0x309: {  	s1 =	sand.u32 $0x78, s0;
	[tilespmem:v4+s20+$0x0] =	vst.idx.msk $0xffff, v6;
	v4 =	vadd.s32 v3, v7  }
0x30a: {  	v58 =	vmov s1;
	v6 =	vld [tilespmem:s28+$0xFFFFFFB0];
	v4 =	vor.u32 $0x1, v4  }
0x30b: {  	v7 =	vshrl.u32 v58, $0x3  }
0x30c: {  	v7 =	vshll.u32 v7, v1  }
0x30d: {  	v7 =	vbroadcast v7, $0x0;
	_ =	sdelay $0x1  }
0x30e: {  	[tilespmem:v4+s20+$0x0] =	vst.idx.msk $0xffff, v6;
	v4 =	vadd.s32 v5, v7  }
0x30f: {  	v6 =	vld [tilespmem:s28+$0xFFFFFFC0];
	v4 =	vor.u32 $0x2, v4;
	_ =	sdelay $0x3  }
0x310: {  	s0 =	simm.s32 $0x3  }
0x311: {  	s1 =	sand.u32 $0x78, s0;
	[tilespmem:v4+s20+$0x0] =	vst.idx.msk $0xffff, v6;
	v4 =	vadd.s32 v3, v7  }
0x312: {  	v59 =	vmov s1;
	v6 =	vld [tilespmem:s28+$0xFFFFFFD0];
	v4 =	vor.u32 $0x2, v4  }
0x313: {  	v7 =	vshrl.u32 v59, $0x3  }
0x314: {  	v7 =	vshll.u32 v7, v1  }
0x315: {  	v7 =	vbroadcast v7, $0x0;
	_ =	sdelay $0x1  }
0x316: {  	[tilespmem:v4+s20+$0x0] =	vst.idx.msk $0xffff, v6;
	v4 =	vadd.s32 v5, v7  }
0x317: {  	v6 =	vld [tilespmem:s28+$0xFFFFFFE0];
	v4 =	vor.u32 $0x3, v4;
	_ =	sdelay $0x3  }
0x318: {  	s0 =	simm.s32 $0x4  }
0x319: {  	s1 =	sand.u32 $0x78, s0;
	[tilespmem:v4+s20+$0x0] =	vst.idx.msk $0xffff, v6;
	v4 =	vadd.s32 v3, v7  }
0x31a: {  	v60 =	vmov s1;
	v6 =	vld [tilespmem:s28+$0xFFFFFFF0];
	v4 =	vor.u32 $0x3, v4  }
0x31b: {  	v7 =	vshrl.u32 v60, $0x3  }
0x31c: {  	v7 =	vshll.u32 v7, v1  }
0x31d: {  	v7 =	vbroadcast v7, $0x0;
	_ =	sdelay $0x1  }
0x31e: {  	[tilespmem:v4+s20+$0x0] =	vst.idx.msk $0xffff, v6;
	v4 =	vadd.s32 v5, v7  }
0x31f: {  	v6 =	vld [tilespmem:s28+$0x0];
	v4 =	vor.u32 $0x4, v4;
	_ =	sdelay $0x3  }
0x320: {  	s0 =	simm.s32 $0x5  }
0x321: {  	s1 =	sand.u32 $0x78, s0;
	[tilespmem:v4+s20+$0x0] =	vst.idx.msk $0xffff, v6;
	v4 =	vadd.s32 v3, v7  }
0x322: {  	v61 =	vmov s1;
	v6 =	vld [tilespmem:s28+$0x10];
	v4 =	vor.u32 $0x4, v4  }
0x323: {  	v7 =	vshrl.u32 v61, $0x3  }
0x324: {  	v7 =	vshll.u32 v7, v1  }
0x325: {  	v7 =	vbroadcast v7, $0x0;
	_ =	sdelay $0x1  }
0x326: {  	[tilespmem:v4+s20+$0x0] =	vst.idx.msk $0xffff, v6;
	v4 =	vadd.s32 v5, v7  }
0x327: {  	v6 =	vld [tilespmem:s28+$0x20];
	v4 =	vor.u32 $0x5, v4;
	_ =	sdelay $0x3  }
0x328: {  	s0 =	simm.s32 $0x6  }
0x329: {  	s1 =	sand.u32 $0x78, s0;
	[tilespmem:v4+s20+$0x0] =	vst.idx.msk $0xffff, v6;
	v4 =	vadd.s32 v3, v7  }
0x32a: {  	v62 =	vmov s1;
	v6 =	vld [tilespmem:s28+$0x30];
	v4 =	vor.u32 $0x5, v4  }
0x32b: {  	v7 =	vshrl.u32 v62, $0x3  }
0x32c: {  	v7 =	vshll.u32 v7, v1  }
0x32d: {  	v7 =	vbroadcast v7, $0x0;
	_ =	sdelay $0x1  }
0x32e: {  	[tilespmem:v4+s20+$0x0] =	vst.idx.msk $0xffff, v6;
	v4 =	vadd.s32 v5, v7  }
0x32f: {  	v6 =	vld [tilespmem:s28+$0x40];
	v4 =	vor.u32 $0x6, v4;
	_ =	sdelay $0x3  }
0x330: {  	s0 =	simm.s32 $0x7  }
0x331: {  	s1 =	sand.u32 $0x78, s0;
	[tilespmem:v4+s20+$0x0] =	vst.idx.msk $0xffff, v6;
	v4 =	vadd.s32 v3, v7  }
0x332: {  	v63 =	vmov s1;
	v6 =	vld [tilespmem:s28+$0x50];
	v4 =	vor.u32 $0x6, v4  }
0x333: {  	v7 =	vshrl.u32 v63, $0x3  }
0x334: {  	v7 =	vshll.u32 v7, v1  }
0x335: {  	v7 =	vbroadcast v7, $0x0;
	_ =	sdelay $0x1  }
0x336: {  	[tilespmem:v4+s20+$0x0] =	vst.idx.msk $0xffff, v6;
	v4 =	vadd.s32 v5, v7  }
0x337: {  	v5 =	vld [tilespmem:s28+$0x60];
	v4 =	vor.u32 $0x7, v4;
	_ =	sdelay $0x3  }
0x338: {  	s30 =	simm.s32 $0x1  }
0x339: {  	s31 =	simm.s32 $0x10;
	s29 =	simm.s32 $0x8;
	s1 =	simm.s32 $0x0;
	v3 =	vadd.s32 v3, v7;
	[tilespmem:v4+s20+$0x0] =	vst.idx.msk $0xffff, v5  }
.LBB2_15:
0x33a: {  	p0 =	sne.s32 s31, $0x1F8;
	s0 =	sand.u32 $0x78, s29;
	v4 =	vmov s1;
	v5 =	vld [tilespmem:s28+$0x70];
	v6 =	vor.u32 $0x7, v3  }
0x33b: {  	v3 =	vmov s0;
	v4 =	vmul.u32 $0x1100, v4  }
0x33c: {  	v3 =	vshrl.u32 v3, $0x3  }
0x33d: {  	v4 =	vbroadcast v4, $0x0;
	v3 =	vshll.u32 v3, v1  }
0x33e: {  	v7 =	vbroadcast v3, $0x0  }
0x33f: {  	s28 =	sadd.s32 $0x100, s28;
	v3 =	vadd.s32 v0, v4;
	[tilespmem:v6+s20+$0x0] =	vst.idx.msk $0xffff, v5  }
0x340: {  	v5 =	vld [tilespmem:s28+$0xFFFFFF80];
	v6 =	vadd.s32 v3, v7;
	_ =	sdelay $0x3  }
0x341: {  	s0 =	sadd.s32 $0x1, s29  }
0x342: {  	s0 =	sand.u32 $0x78, s0;
	v4 =	vadd.s32 v2, v4;
	[tilespmem:v6+s20+$0x0] =	vst.idx.msk $0xffff, v5  }
0x343: {  	v6 =	vadd.s32 v4, v7;
	v7 =	vmov s0;
	v5 =	vld [tilespmem:s28+$0xFFFFFF90]  }
0x344: {  	v7 =	vshrl.u32 v7, $0x3  }
0x345: {  	v7 =	vshll.u32 v7, v1  }
0x346: {  	v7 =	vbroadcast v7, $0x0;
	_ =	sdelay $0x1  }
0x347: {  	[tilespmem:v6+s20+$0x0] =	vst.idx.msk $0xffff, v5;
	v5 =	vadd.s32 v3, v7  }
0x348: {  	v6 =	vld [tilespmem:s28+$0xFFFFFFA0];
	v5 =	vor.u32 $0x1, v5;
	_ =	sdelay $0x3  }
0x349: {  	s0 =	sadd.s32 $0x2, s29  }
0x34a: {  	s0 =	sand.u32 $0x78, s0;
	[tilespmem:v5+s20+$0x0] =	vst.idx.msk $0xffff, v6;
	v5 =	vadd.s32 v4, v7  }
0x34b: {  	v7 =	vmov s0;
	v6 =	vld [tilespmem:s28+$0xFFFFFFB0];
	v5 =	vor.u32 $0x1, v5  }
0x34c: {  	v7 =	vshrl.u32 v7, $0x3  }
0x34d: {  	v7 =	vshll.u32 v7, v1  }
0x34e: {  	v7 =	vbroadcast v7, $0x0;
	_ =	sdelay $0x1  }
0x34f: {  	[tilespmem:v5+s20+$0x0] =	vst.idx.msk $0xffff, v6;
	v5 =	vadd.s32 v3, v7  }
0x350: {  	v6 =	vld [tilespmem:s28+$0xFFFFFFC0];
	v5 =	vor.u32 $0x2, v5;
	_ =	sdelay $0x3  }
0x351: {  	s0 =	sadd.s32 $0x3, s29  }
0x352: {  	s0 =	sand.u32 $0x78, s0;
	[tilespmem:v5+s20+$0x0] =	vst.idx.msk $0xffff, v6;
	v5 =	vadd.s32 v4, v7  }
0x353: {  	v7 =	vmov s0;
	v6 =	vld [tilespmem:s28+$0xFFFFFFD0];
	v5 =	vor.u32 $0x2, v5  }
0x354: {  	v7 =	vshrl.u32 v7, $0x3  }
0x355: {  	v7 =	vshll.u32 v7, v1  }
0x356: {  	v7 =	vbroadcast v7, $0x0;
	_ =	sdelay $0x1  }
0x357: {  	[tilespmem:v5+s20+$0x0] =	vst.idx.msk $0xffff, v6;
	v5 =	vadd.s32 v3, v7  }
0x358: {  	v6 =	vld [tilespmem:s28+$0xFFFFFFE0];
	v5 =	vor.u32 $0x3, v5;
	_ =	sdelay $0x3  }
0x359: {  	s0 =	sadd.s32 $0x4, s29  }
0x35a: {  	s0 =	sand.u32 $0x78, s0;
	[tilespmem:v5+s20+$0x0] =	vst.idx.msk $0xffff, v6;
	v5 =	vadd.s32 v4, v7  }
0x35b: {  	v7 =	vmov s0;
	v6 =	vld [tilespmem:s28+$0xFFFFFFF0];
	v5 =	vor.u32 $0x3, v5  }
0x35c: {  	v7 =	vshrl.u32 v7, $0x3  }
0x35d: {  	v7 =	vshll.u32 v7, v1  }
0x35e: {  	v7 =	vbroadcast v7, $0x0;
	_ =	sdelay $0x1  }
0x35f: {  	[tilespmem:v5+s20+$0x0] =	vst.idx.msk $0xffff, v6;
	v5 =	vadd.s32 v3, v7  }
0x360: {  	v6 =	vld [tilespmem:s28+$0x0];
	v5 =	vor.u32 $0x4, v5;
	_ =	sdelay $0x3  }
0x361: {  	s0 =	sadd.s32 $0x5, s29  }
0x362: {  	s0 =	sand.u32 $0x78, s0;
	[tilespmem:v5+s20+$0x0] =	vst.idx.msk $0xffff, v6;
	v5 =	vadd.s32 v4, v7  }
0x363: {  	v7 =	vmov s0;
	v6 =	vld [tilespmem:s28+$0x10];
	v5 =	vor.u32 $0x4, v5  }
0x364: {  	v7 =	vshrl.u32 v7, $0x3  }
0x365: {  	v7 =	vshll.u32 v7, v1  }
0x366: {  	v7 =	vbroadcast v7, $0x0;
	_ =	sdelay $0x1  }
0x367: {  	[tilespmem:v5+s20+$0x0] =	vst.idx.msk $0xffff, v6;
	v5 =	vadd.s32 v3, v7  }
0x368: {  	v6 =	vld [tilespmem:s28+$0x20];
	v5 =	vor.u32 $0x5, v5;
	_ =	sdelay $0x3  }
0x369: {  	s0 =	sadd.s32 $0x6, s29  }
0x36a: {  	s0 =	sand.u32 $0x78, s0;
	[tilespmem:v5+s20+$0x0] =	vst.idx.msk $0xffff, v6;
	v5 =	vadd.s32 v4, v7  }
0x36b: {  	v7 =	vmov s0;
	v6 =	vld [tilespmem:s28+$0x30];
	v5 =	vor.u32 $0x5, v5  }
0x36c: {  	v7 =	vshrl.u32 v7, $0x3  }
0x36d: {  	v7 =	vshll.u32 v7, v1  }
0x36e: {  	v7 =	vbroadcast v7, $0x0;
	_ =	sdelay $0x1  }
0x36f: {  	[tilespmem:v5+s20+$0x0] =	vst.idx.msk $0xffff, v6;
	v5 =	vadd.s32 v3, v7  }
0x370: {  	v6 =	vld [tilespmem:s28+$0x40];
	v5 =	vor.u32 $0x6, v5;
	_ =	sdelay $0x3  }
0x371: {  	s0 =	sadd.s32 $0x7, s29;
	s29 =	smov.u32 s31  }
0x372: {  	s0 =	sand.u32 $0x78, s0;
	[tilespmem:v5+s20+$0x0] =	vst.idx.msk $0xffff, v6;
	v5 =	vadd.s32 v4, v7  }
0x373: {  	v7 =	vmov s0;
	v6 =	vld [tilespmem:s28+$0x50];
	v5 =	vor.u32 $0x6, v5  }
0x374: {  	v7 =	vshrl.u32 v7, $0x3  }
0x375: {  	v7 =	vshll.u32 v7, v1  }
0x376: {  	v7 =	vbroadcast v7, $0x0;
	_ =	sdelay $0x1  }
0x377: {  	v3 =	vadd.s32 v3, v7;
	[tilespmem:v5+s20+$0x0] =	vst.idx.msk $0xffff, v6  }
0x378: {  	v3 =	vor.u32 $0x7, v3;
	v5 =	vld [tilespmem:s28+$0x60]  }
.Ltmp6:
0x379: {  	(pc) =	sbr.rel @p0 .LBB2_15-.Ltmp6, $3  }
0x37a: {  	_ =	sdelay $0x1  }
0x37b: {  	s30 =	sadd.s32 $0x1, s30  }
0x37c: {  	s1 =	sshrl.u32 s30, $0x4;
	s31 =	sadd.s32 $0x8, s31;
	[tilespmem:v3+s20+$0x0] =	vst.idx.msk $0xffff, v5;
	v3 =	vadd.s32 v4, v7  }
0x37d: {  	s0 =	sand.u32 $0x78, s29;
	v4 =	vmov s1;
	v5 =	vld [tilespmem:s28+$0x70];
	v3 =	vor.u32 $0x7, v3  }
0x37e: {  	v6 =	vmov s0;
	v4 =	vmul.u32 $0x1100, v4  }
0x37f: {  	v6 =	vshrl.u32 v6, $0x3  }
0x380: {  	v4 =	vbroadcast v4, $0x0;
	v6 =	vshll.u32 v6, v1  }
0x381: {  	v6 =	vbroadcast v6, $0x0  }
0x382: {  	s28 =	sadd.s32 $0x100, s28;
	v7 =	vadd.s32 v0, v4;
	[tilespmem:v3+s20+$0x0] =	vst.idx.msk $0xffff, v5  }
0x383: {  	v3 =	vld [tilespmem:s28+$0xFFFFFF80];
	v41 =	vadd.s32 v7, v6;
	_ =	sdelay $0x3  }
0x384: {  	s1 =	sadd.s32 $0x1, s29  }
0x385: {  	s0 =	sand.u32 $0x78, s1;
	[tilespmem:v41+s20+$0x0] =	vst.idx.msk $0xffff, v3;
	v3 =	vadd.s32 v2, v4  }
0x386: {  	v44 =	vmov s0;
	v42 =	vld [tilespmem:s28+$0xFFFFFF90];
	v43 =	vadd.s32 v3, v6  }
0x387: {  	v6 =	vshrl.u32 v44, $0x3  }
0x388: {  	v6 =	vshll.u32 v6, v1  }
0x389: {  	v6 =	vbroadcast v6, $0x0;
	_ =	sdelay $0x1  }
0x38a: {  	v45 =	vadd.s32 v7, v6;
	[tilespmem:v43+s20+$0x0] =	vst.idx.msk $0xffff, v42  }
0x38b: {  	v4 =	vor.u32 $0x1, v45;
	v5 =	vld [tilespmem:s28+$0xFFFFFFA0];
	_ =	sdelay $0x3  }
0x38c: {  	s31 =	sadd.s32 $0x2, s29  }
0x38d: {  	s0 =	sand.u32 $0x78, s31;
	v46 =	vadd.s32 v3, v6;
	[tilespmem:v4+s20+$0x0] =	vst.idx.msk $0xffff, v5  }
0x38e: {  	v47 =	vmov s0;
	v4 =	vor.u32 $0x1, v46;
	v5 =	vld [tilespmem:s28+$0xFFFFFFB0]  }
0x38f: {  	v6 =	vshrl.u32 v47, $0x3  }
0x390: {  	v6 =	vshll.u32 v6, v1  }
0x391: {  	v6 =	vbroadcast v6, $0x0;
	_ =	sdelay $0x1  }
0x392: {  	v48 =	vadd.s32 v7, v6;
	[tilespmem:v4+s20+$0x0] =	vst.idx.msk $0xffff, v5  }
0x393: {  	v4 =	vor.u32 $0x2, v48;
	v5 =	vld [tilespmem:s28+$0xFFFFFFC0];
	_ =	sdelay $0x3  }
0x394: {  	s1 =	sadd.s32 $0x3, s29  }
0x395: {  	s0 =	sand.u32 $0x78, s1;
	v49 =	vadd.s32 v3, v6;
	[tilespmem:v4+s20+$0x0] =	vst.idx.msk $0xffff, v5  }
0x396: {  	v50 =	vmov s0;
	v4 =	vor.u32 $0x2, v49;
	v5 =	vld [tilespmem:s28+$0xFFFFFFD0]  }
0x397: {  	v6 =	vshrl.u32 v50, $0x3  }
0x398: {  	v6 =	vshll.u32 v6, v1  }
0x399: {  	v6 =	vbroadcast v6, $0x0;
	_ =	sdelay $0x1  }
0x39a: {  	v51 =	vadd.s32 v7, v6;
	[tilespmem:v4+s20+$0x0] =	vst.idx.msk $0xffff, v5  }
0x39b: {  	v4 =	vor.u32 $0x3, v51;
	v5 =	vld [tilespmem:s28+$0xFFFFFFE0];
	_ =	sdelay $0x3  }
0x39c: {  	s31 =	sadd.s32 $0x4, s29  }
0x39d: {  	s0 =	sand.u32 $0x78, s31;
	v52 =	vadd.s32 v3, v6;
	[tilespmem:v4+s20+$0x0] =	vst.idx.msk $0xffff, v5  }
0x39e: {  	v53 =	vmov s0;
	v4 =	vor.u32 $0x3, v52;
	v5 =	vld [tilespmem:s28+$0xFFFFFFF0]  }
0x39f: {  	v6 =	vshrl.u32 v53, $0x3  }
0x3a0: {  	v6 =	vshll.u32 v6, v1  }
0x3a1: {  	v6 =	vbroadcast v6, $0x0;
	_ =	sdelay $0x1  }
0x3a2: {  	v54 =	vadd.s32 v7, v6;
	[tilespmem:v4+s20+$0x0] =	vst.idx.msk $0xffff, v5  }
0x3a3: {  	v4 =	vor.u32 $0x4, v54;
	v5 =	vld [tilespmem:s28+$0x0];
	_ =	sdelay $0x3  }
0x3a4: {  	s1 =	sadd.s32 $0x5, s29  }
0x3a5: {  	s0 =	sand.u32 $0x78, s1;
	v55 =	vadd.s32 v3, v6;
	[tilespmem:v4+s20+$0x0] =	vst.idx.msk $0xffff, v5  }
0x3a6: {  	v56 =	vmov s0;
	v4 =	vor.u32 $0x4, v55;
	v5 =	vld [tilespmem:s28+$0x10]  }
0x3a7: {  	v6 =	vshrl.u32 v56, $0x3  }
0x3a8: {  	v6 =	vshll.u32 v6, v1  }
0x3a9: {  	v6 =	vbroadcast v6, $0x0;
	_ =	sdelay $0x1  }
0x3aa: {  	v57 =	vadd.s32 v7, v6;
	[tilespmem:v4+s20+$0x0] =	vst.idx.msk $0xffff, v5  }
0x3ab: {  	v4 =	vor.u32 $0x5, v57;
	v5 =	vld [tilespmem:s28+$0x20];
	_ =	sdelay $0x3  }
0x3ac: {  	s31 =	sadd.s32 $0x6, s29  }
0x3ad: {  	s0 =	sand.u32 $0x78, s31;
	v58 =	vadd.s32 v3, v6;
	[tilespmem:v4+s20+$0x0] =	vst.idx.msk $0xffff, v5  }
0x3ae: {  	v59 =	vmov s0;
	v4 =	vor.u32 $0x5, v58;
	v5 =	vld [tilespmem:s28+$0x30]  }
0x3af: {  	v6 =	vshrl.u32 v59, $0x3  }
0x3b0: {  	v6 =	vshll.u32 v6, v1  }
0x3b1: {  	v6 =	vbroadcast v6, $0x0;
	_ =	sdelay $0x1  }
0x3b2: {  	v60 =	vadd.s32 v7, v6;
	[tilespmem:v4+s20+$0x0] =	vst.idx.msk $0xffff, v5  }
0x3b3: {  	v4 =	vor.u32 $0x6, v60;
	v5 =	vld [tilespmem:s28+$0x40];
	_ =	sdelay $0x3  }
0x3b4: {  	s1 =	sadd.s32 $0x7, s29  }
0x3b5: {  	s0 =	sand.u32 $0x78, s1;
	v61 =	vadd.s32 v3, v6;
	[tilespmem:v4+s20+$0x0] =	vst.idx.msk $0xffff, v5  }
0x3b6: {  	v62 =	vmov s0;
	v4 =	vor.u32 $0x6, v61;
	v5 =	vld [tilespmem:s28+$0x50]  }
0x3b7: {  	v6 =	vshrl.u32 v62, $0x3  }
0x3b8: {  	v6 =	vshll.u32 v6, v1  }
0x3b9: {  	v6 =	vbroadcast v6, $0x0;
	_ =	sdelay $0x1  }
0x3ba: {  	v63 =	vadd.s32 v7, v6;
	[tilespmem:v4+s20+$0x0] =	vst.idx.msk $0xffff, v5  }
0x3bb: {  	v4 =	vor.u32 $0x7, v63;
	v5 =	vld [tilespmem:s28+$0x60];
	_ =	sdelay $0x4  }
0x3bc: {  	v3 =	vadd.s32 v3, v6;
	[tilespmem:v4+s20+$0x0] =	vst.idx.msk $0xffff, v5  }
0x3bd: {  	v3 =	vor.u32 $0x7, v3;
	v4 =	vld [tilespmem:s28+$0x70];
	_ =	sdelay $0x4  }
0x3be: {  	s0 =	sadd.s32 s25, s8;
	s25 =	simm.s32 $0x12800;
	[tilespmem:v3+s20+$0x0] =	vst.idx.msk $0xffff, v4  }
0x3bf: {  	[hbm4b:s0+s3] =	stream.linear.scatter [tilespmem:s25], [sflag:$0x2], $0x80, $0x38;
	[tilespmem:$0x16C00] =	vst v63  }
0x3c0: {  	s31 =	simm.s32 $0x12888;
	s25 =	sadd.s32 $0x10, s0  }
0x3c1: {  	[hbm4b:s25+s3] =	stream.linear.scatter [tilespmem:s31], [sflag:$0x2], $0x80, $0x38;
	[tilespmem:$0x16C00] =	vst v63  }
0x3c2: {  	s25 =	simm.s32 $0x12910;
	s31 =	sadd.s32 $0x20, s0  }
0x3c3: {  	[hbm4b:s31+s3] =	stream.linear.scatter [tilespmem:s25], [sflag:$0x2], $0x80, $0x38;
	[tilespmem:$0x16C00] =	vst v63  }
0x3c4: {  	s25 =	simm.s32 $0x12998;
	s31 =	sadd.s32 $0x30, s0  }
0x3c5: {  	[hbm4b:s31+s3] =	stream.linear.scatter [tilespmem:s25], [sflag:$0x2], $0x80, $0x38;
	[tilespmem:$0x16C00] =	vst v63  }
0x3c6: {  	s25 =	simm.s32 $0x12A20;
	s31 =	sadd.s32 $0x40, s0  }
0x3c7: {  	[hbm4b:s31+s3] =	stream.linear.scatter [tilespmem:s25], [sflag:$0x2], $0x80, $0x38;
	[tilespmem:$0x16C00] =	vst v63  }
0x3c8: {  	s29 =	simm.s32 $0x2200;
	s25 =	simm.s32 $0x12AA8;
	s31 =	sadd.s32 $0x50, s0  }
0x3c9: {  	[hbm4b:s31+s3] =	stream.linear.scatter [tilespmem:s25], [sflag:$0x2], $0x80, $0x38;
	[tilespmem:$0x16C00] =	vst v63  }
0x3ca: {  	s1 =	simm.s32 $0x12BB8;
	s25 =	simm.s32 $0x12B30;
	s31 =	sadd.s32 $0x60, s0  }
0x3cb: {  	[hbm4b:s31+s3] =	stream.linear.scatter [tilespmem:s25], [sflag:$0x2], $0x80, $0x38;
	[tilespmem:$0x16C00] =	vst v63  }
0x3cc: {  	s30 =	sadd.s32 $0x70, s0;
	s28 =	sadd.s32 $0x1000, s0;
	s25 =	simm.s32 $0x440  }
.LBB2_17:
0x3cd: {  	[hbm4b:s30+s3] =	stream.linear.scatter [tilespmem:s1], [sflag:$0x2], $0x80, $0x38;
	[tilespmem:$0x16C00] =	vst v63  }
0x3ce: {  	s0 =	smov.u32 s25;
	s1 =	smov.u32 s29  }
0x3cf: {  	s31 =	sadd.s32 $0x1100, s29;
	s25 =	sshra.s32 s1, $0x2;
	s1 =	sadd.s32 $0x12800, s0  }
0x3d0: {  	[hbm4b:s28+s3] =	stream.linear.scatter [tilespmem:s1], [sflag:$0x2], $0x80, $0x38;
	[tilespmem:$0x16C00] =	vst v63  }
0x3d1: {  	p0 =	sne.s32 s29, $0xFF00;
	s29 =	sadd.s32 $0x10, s28;
	s1 =	sadd.s32 $0x12888, s0  }
0x3d2: {  	[hbm4b:s29+s3] =	stream.linear.scatter [tilespmem:s1], [sflag:$0x2], $0x80, $0x38;
	[tilespmem:$0x16C00] =	vst v63  }
0x3d3: {  	s1 =	sadd.s32 $0x12910, s0;
	s29 =	sadd.s32 $0x20, s28  }
0x3d4: {  	[hbm4b:s29+s3] =	stream.linear.scatter [tilespmem:s1], [sflag:$0x2], $0x80, $0x38;
	[tilespmem:$0x16C00] =	vst v63  }
0x3d5: {  	s1 =	sadd.s32 $0x12998, s0;
	s29 =	sadd.s32 $0x30, s28  }
0x3d6: {  	[hbm4b:s29+s3] =	stream.linear.scatter [tilespmem:s1], [sflag:$0x2], $0x80, $0x38;
	[tilespmem:$0x16C00] =	vst v63  }
0x3d7: {  	s1 =	sadd.s32 $0x12A20, s0;
	s29 =	sadd.s32 $0x40, s28  }
0x3d8: {  	[hbm4b:s29+s3] =	stream.linear.scatter [tilespmem:s1], [sflag:$0x2], $0x80, $0x38;
	[tilespmem:$0x16C00] =	vst v63  }
.Ltmp7:
0x3d9: {  	s1 =	sadd.s32 $0x12AA8, s0;
	s29 =	sadd.s32 $0x50, s28;
	(pc) =	sbr.rel @p0 .LBB2_17-.Ltmp7, $4  }
0x3da: {  	[hbm4b:s29+s3] =	stream.linear.scatter [tilespmem:s1], [sflag:$0x2], $0x80, $0x38;
	[tilespmem:$0x16C00] =	vst v63  }
0x3db: {  	s30 =	sadd.s32 $0x70, s28;
	s1 =	sadd.s32 $0x12B30, s0;
	s29 =	sadd.s32 $0x60, s28  }
0x3dc: {  	[hbm4b:s29+s3] =	stream.linear.scatter [tilespmem:s1], [sflag:$0x2], $0x80, $0x38;
	[tilespmem:$0x16C00] =	vst v63  }
0x3dd: {  	s28 =	sadd.s32 $0x1000, s28;
	s1 =	sadd.s32 $0x12BB8, s0;
	s29 =	smov.u32 s31  }
0x3de: {  	[hbm4b:s30+s3] =	stream.linear.scatter [tilespmem:s1], [sflag:$0x2], $0x80, $0x38;
	[tilespmem:$0x16C00] =	vst v63  }
0x3df: {  	s0 =	sadd.s32 $0x12800, s25  }
0x3e0: {  	[hbm4b:s28+s3] =	stream.linear.scatter [tilespmem:s0], [sflag:$0x2], $0x80, $0x38;
	[tilespmem:$0x16C00] =	vst v63  }
0x3e1: {  	s1 =	sadd.s32 $0x12888, s25;
	s29 =	sadd.s32 $0x10, s28  }
0x3e2: {  	[hbm4b:s29+s3] =	stream.linear.scatter [tilespmem:s1], [sflag:$0x2], $0x80, $0x38;
	[tilespmem:$0x16C00] =	vst v63  }
0x3e3: {  	s30 =	sadd.s32 $0x12910, s25;
	s31 =	sadd.s32 $0x20, s28  }
0x3e4: {  	[hbm4b:s31+s3] =	stream.linear.scatter [tilespmem:s30], [sflag:$0x2], $0x80, $0x38;
	[tilespmem:$0x16C00] =	vst v63  }
0x3e5: {  	s1 =	sadd.s32 $0x12998, s25;
	s29 =	sadd.s32 $0x30, s28  }
0x3e6: {  	[hbm4b:s29+s3] =	stream.linear.scatter [tilespmem:s1], [sflag:$0x2], $0x80, $0x38;
	[tilespmem:$0x16C00] =	vst v63  }
0x3e7: {  	s30 =	sadd.s32 $0x12A20, s25;
	s31 =	sadd.s32 $0x40, s28  }
0x3e8: {  	[hbm4b:s31+s3] =	stream.linear.scatter [tilespmem:s30], [sflag:$0x2], $0x80, $0x38;
	[tilespmem:$0x16C00] =	vst v63  }
0x3e9: {  	s24 =	sadd.s32 $0x1, s24;
	s1 =	sadd.s32 $0x12AA8, s25;
	s29 =	sadd.s32 $0x50, s28  }
0x3ea: {  	[hbm4b:s29+s3] =	stream.linear.scatter [tilespmem:s1], [sflag:$0x2], $0x80, $0x38;
	[tilespmem:$0x16C00] =	vst v63  }
0x3eb: {  	p0 =	sne.s32 s24, $0x18;
	s30 =	sadd.s32 $0x12B30, s25;
	s31 =	sadd.s32 $0x60, s28  }
0x3ec: {  	[hbm4b:s31+s3] =	stream.linear.scatter [tilespmem:s30], [sflag:$0x2], $0x80, $0x38;
	[tilespmem:$0x16C00] =	vst v63  }
.Ltmp8:
0x3ed: {  	_ = 	snop;
	(pc) =	sbr.rel @p0 .LBB2_10-.Ltmp8, $4  }
0x3ee: {  	s29 =	sadd.s32 $0x12BB8, s25;
	s30 =	sadd.s32 $0x70, s28  }
0x3ef: {  	[hbm4b:s30+s3] =	stream.linear.scatter [tilespmem:s29], [sflag:$0x2], $0x80, $0x38;
	[tilespmem:$0x16C00] =	vst v63  }
0x3f0: {  	s31 =	sadd.s32 $0x600, s26  }
0x3f1: {  	[tilespmem:s16], [sflag:$0x1] =	stream.indirect.gather [hbm4b:s4+s14], $0x20, s31, s14, $0xb8;
	[tilespmem:$0x16C00] =	vst v63  }
0x3f2: {  	s0 =	simm.s32 $0x0;
	s1 =	simm.s32 $0x0  }
0x3f3: {  	_ =	swait.ge [sflag:s17], $0x4000;
	s0 =	sand.u32 $0x78, s0;
	v3 =	vmov s1  }
0x3f4: {  	[sflag:s17] =	ssyncset.done $0x0;
	v4 =	vmov s0;
	v3 =	vmul.u32 $0x1100, v3  }
0x3f5: {  	[sflag:s17] =	ssyncadd.s32 $0xFFFFC000;
	v4 =	vshrl.u32 v4, $0x3  }
0x3f6: {  	_ =	swait.ge [sflag:s22], $0x4000;
	v3 =	vbroadcast v3, $0x0;
	v4 =	vshll.u32 v4, v1  }
0x3f7: {  	[sflag:s22] =	ssyncset.done $0x0;
	v4 =	vbroadcast v4, $0x0  }
0x3f8: {  	s24 =	simm.s32 $0x6480;
	[sflag:s22] =	ssyncadd.s32 $0xFFFFC000;
	v5 =	vadd.s32 v0, v3  }
0x3f9: {  	v6 =	vld [tilespmem:s24+$0xFFFFFF80];
	v7 =	vadd.s32 v5, v4;
	_ =	sdelay $0x3  }
0x3fa: {  	s31 =	simm.s32 $0x1  }
0x3fb: {  	s0 =	sand.u32 $0x78, s31;
	v3 =	vadd.s32 v2, v3;
	[tilespmem:v7+s18+$0x0] =	vst.idx.msk $0xffff, v6  }
0x3fc: {  	v57 =	vmov s0;
	v4 =	vadd.s32 v3, v4;
	v6 =	vld [tilespmem:s24+$0xFFFFFF90]  }
0x3fd: {  	v7 =	vshrl.u32 v57, $0x3  }
0x3fe: {  	v7 =	vshll.u32 v7, v1  }
0x3ff: {  	v7 =	vbroadcast v7, $0x0;
	_ =	sdelay $0x1  }
0x400: {  	[tilespmem:v4+s18+$0x0] =	vst.idx.msk $0xffff, v6;
	v4 =	vadd.s32 v5, v7  }
0x401: {  	v6 =	vld [tilespmem:s24+$0xFFFFFFA0];
	v4 =	vor.u32 $0x1, v4;
	_ =	sdelay $0x3  }
0x402: {  	s1 =	simm.s32 $0x2  }
0x403: {  	s0 =	sand.u32 $0x78, s1;
	[tilespmem:v4+s18+$0x0] =	vst.idx.msk $0xffff, v6;
	v4 =	vadd.s32 v3, v7  }
0x404: {  	v58 =	vmov s0;
	v6 =	vld [tilespmem:s24+$0xFFFFFFB0];
	v4 =	vor.u32 $0x1, v4  }
0x405: {  	v7 =	vshrl.u32 v58, $0x3  }
0x406: {  	v7 =	vshll.u32 v7, v1  }
0x407: {  	v7 =	vbroadcast v7, $0x0;
	_ =	sdelay $0x1  }
0x408: {  	[tilespmem:v4+s18+$0x0] =	vst.idx.msk $0xffff, v6;
	v4 =	vadd.s32 v5, v7  }
0x409: {  	v6 =	vld [tilespmem:s24+$0xFFFFFFC0];
	v4 =	vor.u32 $0x2, v4;
	_ =	sdelay $0x3  }
0x40a: {  	s25 =	simm.s32 $0x3  }
0x40b: {  	s0 =	sand.u32 $0x78, s25;
	[tilespmem:v4+s18+$0x0] =	vst.idx.msk $0xffff, v6;
	v4 =	vadd.s32 v3, v7  }
0x40c: {  	v59 =	vmov s0;
	v6 =	vld [tilespmem:s24+$0xFFFFFFD0];
	v4 =	vor.u32 $0x2, v4  }
0x40d: {  	v7 =	vshrl.u32 v59, $0x3  }
0x40e: {  	v7 =	vshll.u32 v7, v1  }
0x40f: {  	v7 =	vbroadcast v7, $0x0;
	_ =	sdelay $0x1  }
0x410: {  	[tilespmem:v4+s18+$0x0] =	vst.idx.msk $0xffff, v6;
	v4 =	vadd.s32 v5, v7  }
0x411: {  	v6 =	vld [tilespmem:s24+$0xFFFFFFE0];
	v4 =	vor.u32 $0x3, v4;
	_ =	sdelay $0x3  }
0x412: {  	s26 =	simm.s32 $0x4  }
0x413: {  	s0 =	sand.u32 $0x78, s26;
	[tilespmem:v4+s18+$0x0] =	vst.idx.msk $0xffff, v6;
	v4 =	vadd.s32 v3, v7  }
0x414: {  	v60 =	vmov s0;
	v6 =	vld [tilespmem:s24+$0xFFFFFFF0];
	v4 =	vor.u32 $0x3, v4  }
0x415: {  	v7 =	vshrl.u32 v60, $0x3  }
0x416: {  	v7 =	vshll.u32 v7, v1  }
0x417: {  	v7 =	vbroadcast v7, $0x0;
	_ =	sdelay $0x1  }
0x418: {  	[tilespmem:v4+s18+$0x0] =	vst.idx.msk $0xffff, v6;
	v4 =	vadd.s32 v5, v7  }
0x419: {  	v6 =	vld [tilespmem:s24+$0x0];
	v4 =	vor.u32 $0x4, v4;
	_ =	sdelay $0x3  }
0x41a: {  	s29 =	simm.s32 $0x5  }
0x41b: {  	s0 =	sand.u32 $0x78, s29;
	[tilespmem:v4+s18+$0x0] =	vst.idx.msk $0xffff, v6;
	v4 =	vadd.s32 v3, v7  }
0x41c: {  	v61 =	vmov s0;
	v6 =	vld [tilespmem:s24+$0x10];
	v4 =	vor.u32 $0x4, v4  }
0x41d: {  	v7 =	vshrl.u32 v61, $0x3  }
0x41e: {  	v7 =	vshll.u32 v7, v1  }
0x41f: {  	v7 =	vbroadcast v7, $0x0;
	_ =	sdelay $0x1  }
0x420: {  	[tilespmem:v4+s18+$0x0] =	vst.idx.msk $0xffff, v6;
	v4 =	vadd.s32 v5, v7  }
0x421: {  	v6 =	vld [tilespmem:s24+$0x20];
	v4 =	vor.u32 $0x5, v4;
	_ =	sdelay $0x3  }
0x422: {  	s30 =	simm.s32 $0x6  }
0x423: {  	s0 =	sand.u32 $0x78, s30;
	[tilespmem:v4+s18+$0x0] =	vst.idx.msk $0xffff, v6;
	v4 =	vadd.s32 v3, v7  }
0x424: {  	v62 =	vmov s0;
	v6 =	vld [tilespmem:s24+$0x30];
	v4 =	vor.u32 $0x5, v4  }
0x425: {  	v7 =	vshrl.u32 v62, $0x3  }
0x426: {  	v7 =	vshll.u32 v7, v1  }
0x427: {  	v7 =	vbroadcast v7, $0x0;
	_ =	sdelay $0x1  }
0x428: {  	[tilespmem:v4+s18+$0x0] =	vst.idx.msk $0xffff, v6;
	v4 =	vadd.s32 v5, v7  }
0x429: {  	v6 =	vld [tilespmem:s24+$0x40];
	v4 =	vor.u32 $0x6, v4;
	_ =	sdelay $0x3  }
0x42a: {  	s31 =	simm.s32 $0x7  }
0x42b: {  	s0 =	sand.u32 $0x78, s31;
	[tilespmem:v4+s18+$0x0] =	vst.idx.msk $0xffff, v6;
	v4 =	vadd.s32 v3, v7  }
0x42c: {  	v63 =	vmov s0;
	v6 =	vld [tilespmem:s24+$0x50];
	v4 =	vor.u32 $0x6, v4  }
0x42d: {  	v7 =	vshrl.u32 v63, $0x3  }
0x42e: {  	v7 =	vshll.u32 v7, v1  }
0x42f: {  	v7 =	vbroadcast v7, $0x0;
	_ =	sdelay $0x1  }
0x430: {  	[tilespmem:v4+s18+$0x0] =	vst.idx.msk $0xffff, v6;
	v4 =	vadd.s32 v5, v7  }
0x431: {  	v5 =	vld [tilespmem:s24+$0x60];
	v4 =	vor.u32 $0x7, v4;
	_ =	sdelay $0x3  }
0x432: {  	s28 =	simm.s32 $0x10  }
0x433: {  	s1 =	simm.s32 $0x0;
	s25 =	simm.s32 $0x8;
	s26 =	simm.s32 $0x1;
	v3 =	vadd.s32 v3, v7;
	[tilespmem:v4+s18+$0x0] =	vst.idx.msk $0xffff, v5  }
.LBB2_20:
0x434: {  	p0 =	sne.s32 s28, $0x1F8;
	s0 =	sand.u32 $0x78, s25;
	v4 =	vmov s1;
	v5 =	vld [tilespmem:s24+$0x70];
	v6 =	vor.u32 $0x7, v3  }
0x435: {  	v3 =	vmov s0;
	v4 =	vmul.u32 $0x1100, v4  }
0x436: {  	v3 =	vshrl.u32 v3, $0x3  }
0x437: {  	v4 =	vbroadcast v4, $0x0;
	v3 =	vshll.u32 v3, v1  }
0x438: {  	v7 =	vbroadcast v3, $0x0  }
0x439: {  	s24 =	sadd.s32 $0x100, s24;
	v3 =	vadd.s32 v0, v4;
	[tilespmem:v6+s18+$0x0] =	vst.idx.msk $0xffff, v5  }
0x43a: {  	v5 =	vld [tilespmem:s24+$0xFFFFFF80];
	v6 =	vadd.s32 v3, v7;
	_ =	sdelay $0x3  }
0x43b: {  	s0 =	sadd.s32 $0x1, s25  }
0x43c: {  	s0 =	sand.u32 $0x78, s0;
	v4 =	vadd.s32 v2, v4;
	[tilespmem:v6+s18+$0x0] =	vst.idx.msk $0xffff, v5  }
0x43d: {  	v6 =	vadd.s32 v4, v7;
	v7 =	vmov s0;
	v5 =	vld [tilespmem:s24+$0xFFFFFF90]  }
0x43e: {  	v7 =	vshrl.u32 v7, $0x3  }
0x43f: {  	v7 =	vshll.u32 v7, v1  }
0x440: {  	v7 =	vbroadcast v7, $0x0;
	_ =	sdelay $0x1  }
0x441: {  	[tilespmem:v6+s18+$0x0] =	vst.idx.msk $0xffff, v5;
	v5 =	vadd.s32 v3, v7  }
0x442: {  	v6 =	vld [tilespmem:s24+$0xFFFFFFA0];
	v5 =	vor.u32 $0x1, v5;
	_ =	sdelay $0x3  }
0x443: {  	s0 =	sadd.s32 $0x2, s25  }
0x444: {  	s0 =	sand.u32 $0x78, s0;
	[tilespmem:v5+s18+$0x0] =	vst.idx.msk $0xffff, v6;
	v5 =	vadd.s32 v4, v7  }
0x445: {  	v7 =	vmov s0;
	v6 =	vld [tilespmem:s24+$0xFFFFFFB0];
	v5 =	vor.u32 $0x1, v5  }
0x446: {  	v7 =	vshrl.u32 v7, $0x3  }
0x447: {  	v7 =	vshll.u32 v7, v1  }
0x448: {  	v7 =	vbroadcast v7, $0x0;
	_ =	sdelay $0x1  }
0x449: {  	[tilespmem:v5+s18+$0x0] =	vst.idx.msk $0xffff, v6;
	v5 =	vadd.s32 v3, v7  }
0x44a: {  	v6 =	vld [tilespmem:s24+$0xFFFFFFC0];
	v5 =	vor.u32 $0x2, v5;
	_ =	sdelay $0x3  }
0x44b: {  	s0 =	sadd.s32 $0x3, s25  }
0x44c: {  	s0 =	sand.u32 $0x78, s0;
	[tilespmem:v5+s18+$0x0] =	vst.idx.msk $0xffff, v6;
	v5 =	vadd.s32 v4, v7  }
0x44d: {  	v7 =	vmov s0;
	v6 =	vld [tilespmem:s24+$0xFFFFFFD0];
	v5 =	vor.u32 $0x2, v5  }
0x44e: {  	v7 =	vshrl.u32 v7, $0x3  }
0x44f: {  	v7 =	vshll.u32 v7, v1  }
0x450: {  	v7 =	vbroadcast v7, $0x0;
	_ =	sdelay $0x1  }
0x451: {  	[tilespmem:v5+s18+$0x0] =	vst.idx.msk $0xffff, v6;
	v5 =	vadd.s32 v3, v7  }
0x452: {  	v6 =	vld [tilespmem:s24+$0xFFFFFFE0];
	v5 =	vor.u32 $0x3, v5;
	_ =	sdelay $0x3  }
0x453: {  	s0 =	sadd.s32 $0x4, s25  }
0x454: {  	s0 =	sand.u32 $0x78, s0;
	[tilespmem:v5+s18+$0x0] =	vst.idx.msk $0xffff, v6;
	v5 =	vadd.s32 v4, v7  }
0x455: {  	v7 =	vmov s0;
	v6 =	vld [tilespmem:s24+$0xFFFFFFF0];
	v5 =	vor.u32 $0x3, v5  }
0x456: {  	v7 =	vshrl.u32 v7, $0x3  }
0x457: {  	v7 =	vshll.u32 v7, v1  }
0x458: {  	v7 =	vbroadcast v7, $0x0;
	_ =	sdelay $0x1  }
0x459: {  	[tilespmem:v5+s18+$0x0] =	vst.idx.msk $0xffff, v6;
	v5 =	vadd.s32 v3, v7  }
0x45a: {  	v6 =	vld [tilespmem:s24+$0x0];
	v5 =	vor.u32 $0x4, v5;
	_ =	sdelay $0x3  }
0x45b: {  	s0 =	sadd.s32 $0x5, s25  }
0x45c: {  	s0 =	sand.u32 $0x78, s0;
	[tilespmem:v5+s18+$0x0] =	vst.idx.msk $0xffff, v6;
	v5 =	vadd.s32 v4, v7  }
0x45d: {  	v7 =	vmov s0;
	v6 =	vld [tilespmem:s24+$0x10];
	v5 =	vor.u32 $0x4, v5  }
0x45e: {  	v7 =	vshrl.u32 v7, $0x3  }
0x45f: {  	v7 =	vshll.u32 v7, v1  }
0x460: {  	v7 =	vbroadcast v7, $0x0;
	_ =	sdelay $0x1  }
0x461: {  	[tilespmem:v5+s18+$0x0] =	vst.idx.msk $0xffff, v6;
	v5 =	vadd.s32 v3, v7  }
0x462: {  	v6 =	vld [tilespmem:s24+$0x20];
	v5 =	vor.u32 $0x5, v5;
	_ =	sdelay $0x3  }
0x463: {  	s0 =	sadd.s32 $0x6, s25  }
0x464: {  	s0 =	sand.u32 $0x78, s0;
	[tilespmem:v5+s18+$0x0] =	vst.idx.msk $0xffff, v6;
	v5 =	vadd.s32 v4, v7  }
0x465: {  	v7 =	vmov s0;
	v6 =	vld [tilespmem:s24+$0x30];
	v5 =	vor.u32 $0x5, v5  }
0x466: {  	v7 =	vshrl.u32 v7, $0x3  }
0x467: {  	v7 =	vshll.u32 v7, v1  }
0x468: {  	v7 =	vbroadcast v7, $0x0;
	_ =	sdelay $0x1  }
0x469: {  	[tilespmem:v5+s18+$0x0] =	vst.idx.msk $0xffff, v6;
	v5 =	vadd.s32 v3, v7  }
0x46a: {  	v6 =	vld [tilespmem:s24+$0x40];
	v5 =	vor.u32 $0x6, v5;
	_ =	sdelay $0x3  }
0x46b: {  	s0 =	sadd.s32 $0x7, s25;
	s25 =	smov.u32 s28  }
0x46c: {  	s0 =	sand.u32 $0x78, s0;
	[tilespmem:v5+s18+$0x0] =	vst.idx.msk $0xffff, v6;
	v5 =	vadd.s32 v4, v7  }
0x46d: {  	v7 =	vmov s0;
	v6 =	vld [tilespmem:s24+$0x50];
	v5 =	vor.u32 $0x6, v5  }
0x46e: {  	v7 =	vshrl.u32 v7, $0x3  }
0x46f: {  	v7 =	vshll.u32 v7, v1  }
0x470: {  	v7 =	vbroadcast v7, $0x0;
	_ =	sdelay $0x1  }
0x471: {  	v3 =	vadd.s32 v3, v7;
	[tilespmem:v5+s18+$0x0] =	vst.idx.msk $0xffff, v6  }
0x472: {  	v3 =	vor.u32 $0x7, v3;
	v5 =	vld [tilespmem:s24+$0x60]  }
.Ltmp9:
0x473: {  	(pc) =	sbr.rel @p0 .LBB2_20-.Ltmp9, $3  }
0x474: {  	_ =	sdelay $0x1  }
0x475: {  	s26 =	sadd.s32 $0x1, s26  }
0x476: {  	s1 =	sshrl.u32 s26, $0x4;
	s28 =	sadd.s32 $0x8, s28;
	[tilespmem:v3+s18+$0x0] =	vst.idx.msk $0xffff, v5;
	v3 =	vadd.s32 v4, v7  }
0x477: {  	s0 =	sand.u32 $0x78, s25;
	v4 =	vmov s1;
	v5 =	vld [tilespmem:s24+$0x70];
	v3 =	vor.u32 $0x7, v3  }
0x478: {  	v6 =	vmov s0;
	v4 =	vmul.u32 $0x1100, v4  }
0x479: {  	v6 =	vshrl.u32 v6, $0x3  }
0x47a: {  	v4 =	vbroadcast v4, $0x0;
	v6 =	vshll.u32 v6, v1  }
0x47b: {  	v6 =	vbroadcast v6, $0x0  }
0x47c: {  	s24 =	sadd.s32 $0x100, s24;
	v7 =	vadd.s32 v0, v4;
	[tilespmem:v3+s18+$0x0] =	vst.idx.msk $0xffff, v5  }
0x47d: {  	v3 =	vld [tilespmem:s24+$0xFFFFFF80];
	v41 =	vadd.s32 v7, v6;
	_ =	sdelay $0x3  }
0x47e: {  	s30 =	sadd.s32 $0x1, s25  }
0x47f: {  	s0 =	sand.u32 $0x78, s30;
	[tilespmem:v41+s18+$0x0] =	vst.idx.msk $0xffff, v3;
	v3 =	vadd.s32 v2, v4  }
0x480: {  	v44 =	vmov s0;
	v42 =	vld [tilespmem:s24+$0xFFFFFF90];
	v43 =	vadd.s32 v3, v6  }
0x481: {  	v6 =	vshrl.u32 v44, $0x3  }
0x482: {  	v6 =	vshll.u32 v6, v1  }
0x483: {  	v6 =	vbroadcast v6, $0x0;
	_ =	sdelay $0x1  }
0x484: {  	v45 =	vadd.s32 v7, v6;
	[tilespmem:v43+s18+$0x0] =	vst.idx.msk $0xffff, v42  }
0x485: {  	v4 =	vor.u32 $0x1, v45;
	v5 =	vld [tilespmem:s24+$0xFFFFFFA0];
	_ =	sdelay $0x3  }
0x486: {  	s31 =	sadd.s32 $0x2, s25  }
0x487: {  	s0 =	sand.u32 $0x78, s31;
	v46 =	vadd.s32 v3, v6;
	[tilespmem:v4+s18+$0x0] =	vst.idx.msk $0xffff, v5  }
0x488: {  	v47 =	vmov s0;
	v4 =	vor.u32 $0x1, v46;
	v5 =	vld [tilespmem:s24+$0xFFFFFFB0]  }
0x489: {  	v6 =	vshrl.u32 v47, $0x3  }
0x48a: {  	v6 =	vshll.u32 v6, v1  }
0x48b: {  	v6 =	vbroadcast v6, $0x0;
	_ =	sdelay $0x1  }
0x48c: {  	v48 =	vadd.s32 v7, v6;
	[tilespmem:v4+s18+$0x0] =	vst.idx.msk $0xffff, v5  }
0x48d: {  	v4 =	vor.u32 $0x2, v48;
	v5 =	vld [tilespmem:s24+$0xFFFFFFC0];
	_ =	sdelay $0x3  }
0x48e: {  	s1 =	sadd.s32 $0x3, s25  }
0x48f: {  	s0 =	sand.u32 $0x78, s1;
	v49 =	vadd.s32 v3, v6;
	[tilespmem:v4+s18+$0x0] =	vst.idx.msk $0xffff, v5  }
0x490: {  	v50 =	vmov s0;
	v4 =	vor.u32 $0x2, v49;
	v5 =	vld [tilespmem:s24+$0xFFFFFFD0]  }
0x491: {  	v6 =	vshrl.u32 v50, $0x3  }
0x492: {  	v6 =	vshll.u32 v6, v1  }
0x493: {  	v6 =	vbroadcast v6, $0x0;
	_ =	sdelay $0x1  }
0x494: {  	v51 =	vadd.s32 v7, v6;
	[tilespmem:v4+s18+$0x0] =	vst.idx.msk $0xffff, v5  }
0x495: {  	v4 =	vor.u32 $0x3, v51;
	v5 =	vld [tilespmem:s24+$0xFFFFFFE0];
	_ =	sdelay $0x3  }
0x496: {  	s26 =	sadd.s32 $0x4, s25  }
0x497: {  	s0 =	sand.u32 $0x78, s26;
	v52 =	vadd.s32 v3, v6;
	[tilespmem:v4+s18+$0x0] =	vst.idx.msk $0xffff, v5  }
0x498: {  	v53 =	vmov s0;
	v4 =	vor.u32 $0x3, v52;
	v5 =	vld [tilespmem:s24+$0xFFFFFFF0]  }
0x499: {  	v6 =	vshrl.u32 v53, $0x3  }
0x49a: {  	v6 =	vshll.u32 v6, v1  }
0x49b: {  	v6 =	vbroadcast v6, $0x0;
	_ =	sdelay $0x1  }
0x49c: {  	v54 =	vadd.s32 v7, v6;
	[tilespmem:v4+s18+$0x0] =	vst.idx.msk $0xffff, v5  }
0x49d: {  	v4 =	vor.u32 $0x4, v54;
	v5 =	vld [tilespmem:s24+$0x0];
	_ =	sdelay $0x3  }
0x49e: {  	s29 =	sadd.s32 $0x5, s25  }
0x49f: {  	s0 =	sand.u32 $0x78, s29;
	v55 =	vadd.s32 v3, v6;
	[tilespmem:v4+s18+$0x0] =	vst.idx.msk $0xffff, v5  }
0x4a0: {  	v56 =	vmov s0;
	v4 =	vor.u32 $0x4, v55;
	v5 =	vld [tilespmem:s24+$0x10]  }
0x4a1: {  	v6 =	vshrl.u32 v56, $0x3  }
0x4a2: {  	v6 =	vshll.u32 v6, v1  }
0x4a3: {  	v6 =	vbroadcast v6, $0x0;
	_ =	sdelay $0x1  }
0x4a4: {  	v57 =	vadd.s32 v7, v6;
	[tilespmem:v4+s18+$0x0] =	vst.idx.msk $0xffff, v5  }
0x4a5: {  	v4 =	vor.u32 $0x5, v57;
	v5 =	vld [tilespmem:s24+$0x20];
	_ =	sdelay $0x3  }
0x4a6: {  	s30 =	sadd.s32 $0x6, s25  }
0x4a7: {  	s0 =	sand.u32 $0x78, s30;
	v58 =	vadd.s32 v3, v6;
	[tilespmem:v4+s18+$0x0] =	vst.idx.msk $0xffff, v5  }
0x4a8: {  	v59 =	vmov s0;
	v4 =	vor.u32 $0x5, v58;
	v5 =	vld [tilespmem:s24+$0x30]  }
0x4a9: {  	v6 =	vshrl.u32 v59, $0x3  }
0x4aa: {  	v6 =	vshll.u32 v6, v1  }
0x4ab: {  	v6 =	vbroadcast v6, $0x0;
	_ =	sdelay $0x1  }
0x4ac: {  	v60 =	vadd.s32 v7, v6;
	[tilespmem:v4+s18+$0x0] =	vst.idx.msk $0xffff, v5  }
0x4ad: {  	v4 =	vor.u32 $0x6, v60;
	v5 =	vld [tilespmem:s24+$0x40];
	_ =	sdelay $0x3  }
0x4ae: {  	s31 =	sadd.s32 $0x7, s25  }
0x4af: {  	s0 =	sand.u32 $0x78, s31;
	v61 =	vadd.s32 v3, v6;
	[tilespmem:v4+s18+$0x0] =	vst.idx.msk $0xffff, v5  }
0x4b0: {  	v62 =	vmov s0;
	v4 =	vor.u32 $0x6, v61;
	v5 =	vld [tilespmem:s24+$0x50]  }
0x4b1: {  	v6 =	vshrl.u32 v62, $0x3  }
0x4b2: {  	v6 =	vshll.u32 v6, v1  }
0x4b3: {  	v6 =	vbroadcast v6, $0x0;
	_ =	sdelay $0x1  }
0x4b4: {  	v63 =	vadd.s32 v7, v6;
	[tilespmem:v4+s18+$0x0] =	vst.idx.msk $0xffff, v5  }
0x4b5: {  	v4 =	vor.u32 $0x7, v63;
	v5 =	vld [tilespmem:s24+$0x60];
	_ =	sdelay $0x4  }
0x4b6: {  	v3 =	vadd.s32 v3, v6;
	[tilespmem:v4+s18+$0x0] =	vst.idx.msk $0xffff, v5  }
0x4b7: {  	v3 =	vor.u32 $0x7, v3;
	v4 =	vld [tilespmem:s24+$0x70];
	_ =	sdelay $0x4  }
0x4b8: {  	s1 =	simm.s32 $0xE400;
	[tilespmem:v3+s18+$0x0] =	vst.idx.msk $0xffff, v4  }
0x4b9: {  	[hbm4b:s10+s3] =	stream.linear.scatter [tilespmem:s1], [sflag:$0x2], $0x80, $0x38;
	[tilespmem:$0x16C00] =	vst v63  }
0x4ba: {  	s25 =	sadd.s32 $0x10, s10;
	s24 =	simm.s32 $0xE488  }
0x4bb: {  	[hbm4b:s25+s3] =	stream.linear.scatter [tilespmem:s24], [sflag:$0x2], $0x80, $0x38;
	[tilespmem:$0x16C00] =	vst v63  }
0x4bc: {  	s28 =	sadd.s32 $0x70, s10;
	s26 =	simm.s32 $0xE510;
	s29 =	sadd.s32 $0x20, s10  }
0x4bd: {  	[hbm4b:s29+s3] =	stream.linear.scatter [tilespmem:s26], [sflag:$0x2], $0x80, $0x38;
	[tilespmem:$0x16C00] =	vst v63  }
0x4be: {  	s30 =	simm.s32 $0xE598;
	s31 =	sadd.s32 $0x30, s10;
	s1 =	simm.s32 $0xE7B8  }
0x4bf: {  	[hbm4b:s31+s3] =	stream.linear.scatter [tilespmem:s30], [sflag:$0x2], $0x80, $0x38;
	[tilespmem:$0x16C00] =	vst v63  }
0x4c0: {  	s24 =	simm.s32 $0xE620;
	s25 =	sadd.s32 $0x40, s10;
	s26 =	simm.s32 $0xE6A8  }
0x4c1: {  	[hbm4b:s25+s3] =	stream.linear.scatter [tilespmem:s24], [sflag:$0x2], $0x80, $0x38;
	[tilespmem:$0x16C00] =	vst v63  }
0x4c2: {  	s29 =	sadd.s32 $0x50, s10;
	s30 =	simm.s32 $0xE730;
	s31 =	sadd.s32 $0x60, s10  }
0x4c3: {  	[hbm4b:s29+s3] =	stream.linear.scatter [tilespmem:s26], [sflag:$0x2], $0x80, $0x38;
	[tilespmem:$0x16C00] =	vst v63  }
0x4c4: {  	s24 =	simm.s32 $0x440;
	s25 =	sadd.s32 $0x1000, s10;
	s26 =	simm.s32 $0x2200  }
0x4c5: {  	[hbm4b:s31+s3] =	stream.linear.scatter [tilespmem:s30], [sflag:$0x2], $0x80, $0x38;
	[tilespmem:$0x16C00] =	vst v63  }
.LBB2_22:
0x4c6: {  	[hbm4b:s28+s3] =	stream.linear.scatter [tilespmem:s1], [sflag:$0x2], $0x80, $0x38;
	[tilespmem:$0x16C00] =	vst v63  }
0x4c7: {  	s0 =	smov.u32 s24;
	s1 =	smov.u32 s26  }
0x4c8: {  	s29 =	sadd.s32 $0x1100, s26;
	s24 =	sshra.s32 s1, $0x2;
	s1 =	sadd.s32 $0xE400, s0  }
0x4c9: {  	[hbm4b:s25+s3] =	stream.linear.scatter [tilespmem:s1], [sflag:$0x2], $0x80, $0x38;
	[tilespmem:$0x16C00] =	vst v63  }
0x4ca: {  	p0 =	sne.s32 s26, $0xFF00;
	s26 =	sadd.s32 $0x10, s25;
	s1 =	sadd.s32 $0xE488, s0  }
0x4cb: {  	[hbm4b:s26+s3] =	stream.linear.scatter [tilespmem:s1], [sflag:$0x2], $0x80, $0x38;
	[tilespmem:$0x16C00] =	vst v63  }
0x4cc: {  	s1 =	sadd.s32 $0xE510, s0;
	s26 =	sadd.s32 $0x20, s25  }
0x4cd: {  	[hbm4b:s26+s3] =	stream.linear.scatter [tilespmem:s1], [sflag:$0x2], $0x80, $0x38;
	[tilespmem:$0x16C00] =	vst v63  }
0x4ce: {  	s1 =	sadd.s32 $0xE598, s0;
	s26 =	sadd.s32 $0x30, s25  }
0x4cf: {  	[hbm4b:s26+s3] =	stream.linear.scatter [tilespmem:s1], [sflag:$0x2], $0x80, $0x38;
	[tilespmem:$0x16C00] =	vst v63  }
0x4d0: {  	s1 =	sadd.s32 $0xE620, s0;
	s26 =	sadd.s32 $0x40, s25  }
0x4d1: {  	[hbm4b:s26+s3] =	stream.linear.scatter [tilespmem:s1], [sflag:$0x2], $0x80, $0x38;
	[tilespmem:$0x16C00] =	vst v63  }
.Ltmp10:
0x4d2: {  	s1 =	sadd.s32 $0xE6A8, s0;
	s26 =	sadd.s32 $0x50, s25;
	(pc) =	sbr.rel @p0 .LBB2_22-.Ltmp10, $4  }
0x4d3: {  	[hbm4b:s26+s3] =	stream.linear.scatter [tilespmem:s1], [sflag:$0x2], $0x80, $0x38;
	[tilespmem:$0x16C00] =	vst v63  }
0x4d4: {  	s28 =	sadd.s32 $0x70, s25;
	s1 =	sadd.s32 $0xE730, s0;
	s26 =	sadd.s32 $0x60, s25  }
0x4d5: {  	[hbm4b:s26+s3] =	stream.linear.scatter [tilespmem:s1], [sflag:$0x2], $0x80, $0x38;
	[tilespmem:$0x16C00] =	vst v63  }
0x4d6: {  	s25 =	sadd.s32 $0x1000, s25;
	s1 =	sadd.s32 $0xE7B8, s0;
	s26 =	smov.u32 s29  }
0x4d7: {  	[hbm4b:s28+s3] =	stream.linear.scatter [tilespmem:s1], [sflag:$0x2], $0x80, $0x38;
	[tilespmem:$0x16C00] =	vst v63  }
0x4d8: {  	s0 =	sadd.s32 $0xE400, s24  }
0x4d9: {  	[hbm4b:s25+s3] =	stream.linear.scatter [tilespmem:s0], [sflag:$0x2], $0x80, $0x38;
	[tilespmem:$0x16C00] =	vst v63  }
0x4da: {  	s26 =	sadd.s32 $0xE488, s24;
	s29 =	sadd.s32 $0x10, s25  }
0x4db: {  	[hbm4b:s29+s3] =	stream.linear.scatter [tilespmem:s26], [sflag:$0x2], $0x80, $0x38;
	[tilespmem:$0x16C00] =	vst v63  }
0x4dc: {  	s30 =	sadd.s32 $0xE510, s24;
	s31 =	sadd.s32 $0x20, s25  }
0x4dd: {  	[hbm4b:s31+s3] =	stream.linear.scatter [tilespmem:s30], [sflag:$0x2], $0x80, $0x38;
	[tilespmem:$0x16C00] =	vst v63  }
0x4de: {  	s26 =	sadd.s32 $0xE598, s24;
	s29 =	sadd.s32 $0x30, s25  }
0x4df: {  	[hbm4b:s29+s3] =	stream.linear.scatter [tilespmem:s26], [sflag:$0x2], $0x80, $0x38;
	[tilespmem:$0x16C00] =	vst v63  }
0x4e0: {  	s30 =	sadd.s32 $0xE620, s24;
	s31 =	sadd.s32 $0x40, s25  }
0x4e1: {  	[hbm4b:s31+s3] =	stream.linear.scatter [tilespmem:s30], [sflag:$0x2], $0x80, $0x38;
	[tilespmem:$0x16C00] =	vst v63  }
0x4e2: {  	s26 =	sadd.s32 $0xE6A8, s24;
	s29 =	sadd.s32 $0x50, s25  }
0x4e3: {  	[hbm4b:s29+s3] =	stream.linear.scatter [tilespmem:s26], [sflag:$0x2], $0x80, $0x38;
	[tilespmem:$0x16C00] =	vst v63  }
0x4e4: {  	s30 =	sadd.s32 $0xE730, s24;
	s31 =	sadd.s32 $0x60, s25;
	s24 =	sadd.s32 $0xE7B8, s24  }
0x4e5: {  	[hbm4b:s31+s3] =	stream.linear.scatter [tilespmem:s30], [sflag:$0x2], $0x80, $0x38;
	[tilespmem:$0x16C00] =	vst v63  }
0x4e6: {  	s26 =	sadd.s32 $0x70, s25;
	s29 =	simm.s32 $0x0;
	s30 =	simm.s32 $0x0  }
0x4e7: {  	[hbm4b:s26+s3] =	stream.linear.scatter [tilespmem:s24], [sflag:$0x2], $0x80, $0x38;
	[tilespmem:$0x16C00] =	vst v63  }
0x4e8: {  	s0 =	sand.u32 $0x78, s29;
	v3 =	vmov s30;
	_ =	swait.ge [sflag:s17], $0x4000  }
0x4e9: {  	v4 =	vmov s0;
	v3 =	vmul.u32 $0x1100, v3;
	[sflag:s17] =	ssyncset.done $0x0  }
0x4ea: {  	v4 =	vshrl.u32 v4, $0x3;
	[sflag:s17] =	ssyncadd.s32 $0xFFFFC000  }
0x4eb: {  	v4 =	vshll.u32 v4, v1;
	v3 =	vbroadcast v3, $0x0;
	_ =	swait.ge [sflag:s22], $0x4000  }
0x4ec: {  	v4 =	vbroadcast v4, $0x0;
	[sflag:s22] =	ssyncset.done $0x0  }
0x4ed: {  	s24 =	simm.s32 $0xA480;
	v5 =	vadd.s32 v0, v3;
	[sflag:s22] =	ssyncadd.s32 $0xFFFFC000  }
0x4ee: {  	v7 =	vadd.s32 v5, v4;
	v6 =	vld [tilespmem:s24+$0xFFFFFF80];
	_ =	sdelay $0x3  }
0x4ef: {  	s31 =	simm.s32 $0x1  }
0x4f0: {  	s0 =	sand.u32 $0x78, s31;
	v3 =	vadd.s32 v2, v3;
	[tilespmem:v7+s20+$0x0] =	vst.idx.msk $0xffff, v6  }
0x4f1: {  	v57 =	vmov s0;
	v4 =	vadd.s32 v3, v4;
	v6 =	vld [tilespmem:s24+$0xFFFFFF90]  }
0x4f2: {  	v7 =	vshrl.u32 v57, $0x3  }
0x4f3: {  	v7 =	vshll.u32 v7, v1  }
0x4f4: {  	v7 =	vbroadcast v7, $0x0;
	_ =	sdelay $0x1  }
0x4f5: {  	[tilespmem:v4+s20+$0x0] =	vst.idx.msk $0xffff, v6;
	v4 =	vadd.s32 v5, v7  }
0x4f6: {  	v6 =	vld [tilespmem:s24+$0xFFFFFFA0];
	v4 =	vor.u32 $0x1, v4;
	_ =	sdelay $0x3  }
0x4f7: {  	s1 =	simm.s32 $0x2  }
0x4f8: {  	s0 =	sand.u32 $0x78, s1;
	[tilespmem:v4+s20+$0x0] =	vst.idx.msk $0xffff, v6;
	v4 =	vadd.s32 v3, v7  }
0x4f9: {  	v58 =	vmov s0;
	v6 =	vld [tilespmem:s24+$0xFFFFFFB0];
	v4 =	vor.u32 $0x1, v4  }
0x4fa: {  	v7 =	vshrl.u32 v58, $0x3  }
0x4fb: {  	v7 =	vshll.u32 v7, v1  }
0x4fc: {  	v7 =	vbroadcast v7, $0x0;
	_ =	sdelay $0x1  }
0x4fd: {  	[tilespmem:v4+s20+$0x0] =	vst.idx.msk $0xffff, v6;
	v4 =	vadd.s32 v5, v7  }
0x4fe: {  	v6 =	vld [tilespmem:s24+$0xFFFFFFC0];
	v4 =	vor.u32 $0x2, v4;
	_ =	sdelay $0x3  }
0x4ff: {  	s25 =	simm.s32 $0x3  }
0x500: {  	s0 =	sand.u32 $0x78, s25;
	[tilespmem:v4+s20+$0x0] =	vst.idx.msk $0xffff, v6;
	v4 =	vadd.s32 v3, v7  }
0x501: {  	v59 =	vmov s0;
	v6 =	vld [tilespmem:s24+$0xFFFFFFD0];
	v4 =	vor.u32 $0x2, v4  }
0x502: {  	v7 =	vshrl.u32 v59, $0x3  }
0x503: {  	v7 =	vshll.u32 v7, v1  }
0x504: {  	v7 =	vbroadcast v7, $0x0;
	_ =	sdelay $0x1  }
0x505: {  	[tilespmem:v4+s20+$0x0] =	vst.idx.msk $0xffff, v6;
	v4 =	vadd.s32 v5, v7  }
0x506: {  	v6 =	vld [tilespmem:s24+$0xFFFFFFE0];
	v4 =	vor.u32 $0x3, v4;
	_ =	sdelay $0x3  }
0x507: {  	s26 =	simm.s32 $0x4  }
0x508: {  	s0 =	sand.u32 $0x78, s26;
	[tilespmem:v4+s20+$0x0] =	vst.idx.msk $0xffff, v6;
	v4 =	vadd.s32 v3, v7  }
0x509: {  	v60 =	vmov s0;
	v6 =	vld [tilespmem:s24+$0xFFFFFFF0];
	v4 =	vor.u32 $0x3, v4  }
0x50a: {  	v7 =	vshrl.u32 v60, $0x3  }
0x50b: {  	v7 =	vshll.u32 v7, v1  }
0x50c: {  	v7 =	vbroadcast v7, $0x0;
	_ =	sdelay $0x1  }
0x50d: {  	[tilespmem:v4+s20+$0x0] =	vst.idx.msk $0xffff, v6;
	v4 =	vadd.s32 v5, v7  }
0x50e: {  	v6 =	vld [tilespmem:s24+$0x0];
	v4 =	vor.u32 $0x4, v4;
	_ =	sdelay $0x3  }
0x50f: {  	s29 =	simm.s32 $0x5  }
0x510: {  	s0 =	sand.u32 $0x78, s29;
	[tilespmem:v4+s20+$0x0] =	vst.idx.msk $0xffff, v6;
	v4 =	vadd.s32 v3, v7  }
0x511: {  	v61 =	vmov s0;
	v6 =	vld [tilespmem:s24+$0x10];
	v4 =	vor.u32 $0x4, v4  }
0x512: {  	v7 =	vshrl.u32 v61, $0x3  }
0x513: {  	v7 =	vshll.u32 v7, v1  }
0x514: {  	v7 =	vbroadcast v7, $0x0;
	_ =	sdelay $0x1  }
0x515: {  	[tilespmem:v4+s20+$0x0] =	vst.idx.msk $0xffff, v6;
	v4 =	vadd.s32 v5, v7  }
0x516: {  	v6 =	vld [tilespmem:s24+$0x20];
	v4 =	vor.u32 $0x5, v4;
	_ =	sdelay $0x3  }
0x517: {  	s30 =	simm.s32 $0x6  }
0x518: {  	s0 =	sand.u32 $0x78, s30;
	[tilespmem:v4+s20+$0x0] =	vst.idx.msk $0xffff, v6;
	v4 =	vadd.s32 v3, v7  }
0x519: {  	v62 =	vmov s0;
	v6 =	vld [tilespmem:s24+$0x30];
	v4 =	vor.u32 $0x5, v4  }
0x51a: {  	v7 =	vshrl.u32 v62, $0x3  }
0x51b: {  	v7 =	vshll.u32 v7, v1  }
0x51c: {  	v7 =	vbroadcast v7, $0x0;
	_ =	sdelay $0x1  }
0x51d: {  	[tilespmem:v4+s20+$0x0] =	vst.idx.msk $0xffff, v6;
	v4 =	vadd.s32 v5, v7  }
0x51e: {  	v6 =	vld [tilespmem:s24+$0x40];
	v4 =	vor.u32 $0x6, v4;
	_ =	sdelay $0x3  }
0x51f: {  	s31 =	simm.s32 $0x7  }
0x520: {  	s0 =	sand.u32 $0x78, s31;
	[tilespmem:v4+s20+$0x0] =	vst.idx.msk $0xffff, v6;
	v4 =	vadd.s32 v3, v7  }
0x521: {  	v63 =	vmov s0;
	v6 =	vld [tilespmem:s24+$0x50];
	v4 =	vor.u32 $0x6, v4  }
0x522: {  	v7 =	vshrl.u32 v63, $0x3  }
0x523: {  	v7 =	vshll.u32 v7, v1  }
0x524: {  	v7 =	vbroadcast v7, $0x0;
	_ =	sdelay $0x1  }
0x525: {  	[tilespmem:v4+s20+$0x0] =	vst.idx.msk $0xffff, v6;
	v4 =	vadd.s32 v5, v7  }
0x526: {  	v5 =	vld [tilespmem:s24+$0x60];
	v4 =	vor.u32 $0x7, v4;
	_ =	sdelay $0x3  }
0x527: {  	s28 =	simm.s32 $0x10  }
0x528: {  	s1 =	simm.s32 $0x0;
	s25 =	simm.s32 $0x8;
	s26 =	simm.s32 $0x1;
	v3 =	vadd.s32 v3, v7;
	[tilespmem:v4+s20+$0x0] =	vst.idx.msk $0xffff, v5  }
.LBB2_24:
0x529: {  	p0 =	sne.s32 s28, $0x1F8;
	s0 =	sand.u32 $0x78, s25;
	v4 =	vmov s1;
	v5 =	vld [tilespmem:s24+$0x70];
	v6 =	vor.u32 $0x7, v3  }
0x52a: {  	v3 =	vmov s0;
	v4 =	vmul.u32 $0x1100, v4  }
0x52b: {  	v3 =	vshrl.u32 v3, $0x3  }
0x52c: {  	v4 =	vbroadcast v4, $0x0;
	v3 =	vshll.u32 v3, v1  }
0x52d: {  	v7 =	vbroadcast v3, $0x0  }
0x52e: {  	s24 =	sadd.s32 $0x100, s24;
	v3 =	vadd.s32 v0, v4;
	[tilespmem:v6+s20+$0x0] =	vst.idx.msk $0xffff, v5  }
0x52f: {  	v5 =	vld [tilespmem:s24+$0xFFFFFF80];
	v6 =	vadd.s32 v3, v7;
	_ =	sdelay $0x3  }
0x530: {  	s0 =	sadd.s32 $0x1, s25  }
0x531: {  	s0 =	sand.u32 $0x78, s0;
	v4 =	vadd.s32 v2, v4;
	[tilespmem:v6+s20+$0x0] =	vst.idx.msk $0xffff, v5  }
0x532: {  	v6 =	vadd.s32 v4, v7;
	v7 =	vmov s0;
	v5 =	vld [tilespmem:s24+$0xFFFFFF90]  }
0x533: {  	v7 =	vshrl.u32 v7, $0x3  }
0x534: {  	v7 =	vshll.u32 v7, v1  }
0x535: {  	v7 =	vbroadcast v7, $0x0;
	_ =	sdelay $0x1  }
0x536: {  	[tilespmem:v6+s20+$0x0] =	vst.idx.msk $0xffff, v5;
	v5 =	vadd.s32 v3, v7  }
0x537: {  	v6 =	vld [tilespmem:s24+$0xFFFFFFA0];
	v5 =	vor.u32 $0x1, v5;
	_ =	sdelay $0x3  }
0x538: {  	s0 =	sadd.s32 $0x2, s25  }
0x539: {  	s0 =	sand.u32 $0x78, s0;
	[tilespmem:v5+s20+$0x0] =	vst.idx.msk $0xffff, v6;
	v5 =	vadd.s32 v4, v7  }
0x53a: {  	v7 =	vmov s0;
	v6 =	vld [tilespmem:s24+$0xFFFFFFB0];
	v5 =	vor.u32 $0x1, v5  }
0x53b: {  	v7 =	vshrl.u32 v7, $0x3  }
0x53c: {  	v7 =	vshll.u32 v7, v1  }
0x53d: {  	v7 =	vbroadcast v7, $0x0;
	_ =	sdelay $0x1  }
0x53e: {  	[tilespmem:v5+s20+$0x0] =	vst.idx.msk $0xffff, v6;
	v5 =	vadd.s32 v3, v7  }
0x53f: {  	v6 =	vld [tilespmem:s24+$0xFFFFFFC0];
	v5 =	vor.u32 $0x2, v5;
	_ =	sdelay $0x3  }
0x540: {  	s0 =	sadd.s32 $0x3, s25  }
0x541: {  	s0 =	sand.u32 $0x78, s0;
	[tilespmem:v5+s20+$0x0] =	vst.idx.msk $0xffff, v6;
	v5 =	vadd.s32 v4, v7  }
0x542: {  	v7 =	vmov s0;
	v6 =	vld [tilespmem:s24+$0xFFFFFFD0];
	v5 =	vor.u32 $0x2, v5  }
0x543: {  	v7 =	vshrl.u32 v7, $0x3  }
0x544: {  	v7 =	vshll.u32 v7, v1  }
0x545: {  	v7 =	vbroadcast v7, $0x0;
	_ =	sdelay $0x1  }
0x546: {  	[tilespmem:v5+s20+$0x0] =	vst.idx.msk $0xffff, v6;
	v5 =	vadd.s32 v3, v7  }
0x547: {  	v6 =	vld [tilespmem:s24+$0xFFFFFFE0];
	v5 =	vor.u32 $0x3, v5;
	_ =	sdelay $0x3  }
0x548: {  	s0 =	sadd.s32 $0x4, s25  }
0x549: {  	s0 =	sand.u32 $0x78, s0;
	[tilespmem:v5+s20+$0x0] =	vst.idx.msk $0xffff, v6;
	v5 =	vadd.s32 v4, v7  }
0x54a: {  	v7 =	vmov s0;
	v6 =	vld [tilespmem:s24+$0xFFFFFFF0];
	v5 =	vor.u32 $0x3, v5  }
0x54b: {  	v7 =	vshrl.u32 v7, $0x3  }
0x54c: {  	v7 =	vshll.u32 v7, v1  }
0x54d: {  	v7 =	vbroadcast v7, $0x0;
	_ =	sdelay $0x1  }
0x54e: {  	[tilespmem:v5+s20+$0x0] =	vst.idx.msk $0xffff, v6;
	v5 =	vadd.s32 v3, v7  }
0x54f: {  	v6 =	vld [tilespmem:s24+$0x0];
	v5 =	vor.u32 $0x4, v5;
	_ =	sdelay $0x3  }
0x550: {  	s0 =	sadd.s32 $0x5, s25  }
0x551: {  	s0 =	sand.u32 $0x78, s0;
	[tilespmem:v5+s20+$0x0] =	vst.idx.msk $0xffff, v6;
	v5 =	vadd.s32 v4, v7  }
0x552: {  	v7 =	vmov s0;
	v6 =	vld [tilespmem:s24+$0x10];
	v5 =	vor.u32 $0x4, v5  }
0x553: {  	v7 =	vshrl.u32 v7, $0x3  }
0x554: {  	v7 =	vshll.u32 v7, v1  }
0x555: {  	v7 =	vbroadcast v7, $0x0;
	_ =	sdelay $0x1  }
0x556: {  	[tilespmem:v5+s20+$0x0] =	vst.idx.msk $0xffff, v6;
	v5 =	vadd.s32 v3, v7  }
0x557: {  	v6 =	vld [tilespmem:s24+$0x20];
	v5 =	vor.u32 $0x5, v5;
	_ =	sdelay $0x3  }
0x558: {  	s0 =	sadd.s32 $0x6, s25  }
0x559: {  	s0 =	sand.u32 $0x78, s0;
	[tilespmem:v5+s20+$0x0] =	vst.idx.msk $0xffff, v6;
	v5 =	vadd.s32 v4, v7  }
0x55a: {  	v7 =	vmov s0;
	v6 =	vld [tilespmem:s24+$0x30];
	v5 =	vor.u32 $0x5, v5  }
0x55b: {  	v7 =	vshrl.u32 v7, $0x3  }
0x55c: {  	v7 =	vshll.u32 v7, v1  }
0x55d: {  	v7 =	vbroadcast v7, $0x0;
	_ =	sdelay $0x1  }
0x55e: {  	[tilespmem:v5+s20+$0x0] =	vst.idx.msk $0xffff, v6;
	v5 =	vadd.s32 v3, v7  }
0x55f: {  	v6 =	vld [tilespmem:s24+$0x40];
	v5 =	vor.u32 $0x6, v5;
	_ =	sdelay $0x3  }
0x560: {  	s0 =	sadd.s32 $0x7, s25;
	s25 =	smov.u32 s28  }
0x561: {  	s0 =	sand.u32 $0x78, s0;
	[tilespmem:v5+s20+$0x0] =	vst.idx.msk $0xffff, v6;
	v5 =	vadd.s32 v4, v7  }
0x562: {  	v7 =	vmov s0;
	v6 =	vld [tilespmem:s24+$0x50];
	v5 =	vor.u32 $0x6, v5  }
0x563: {  	v7 =	vshrl.u32 v7, $0x3  }
0x564: {  	v7 =	vshll.u32 v7, v1  }
0x565: {  	v7 =	vbroadcast v7, $0x0;
	_ =	sdelay $0x1  }
0x566: {  	v3 =	vadd.s32 v3, v7;
	[tilespmem:v5+s20+$0x0] =	vst.idx.msk $0xffff, v6  }
0x567: {  	v3 =	vor.u32 $0x7, v3;
	v5 =	vld [tilespmem:s24+$0x60]  }
.Ltmp11:
0x568: {  	(pc) =	sbr.rel @p0 .LBB2_24-.Ltmp11, $3  }
0x569: {  	_ =	sdelay $0x1  }
0x56a: {  	s26 =	sadd.s32 $0x1, s26  }
0x56b: {  	s1 =	sshrl.u32 s26, $0x4;
	s28 =	sadd.s32 $0x8, s28;
	[tilespmem:v3+s20+$0x0] =	vst.idx.msk $0xffff, v5;
	v3 =	vadd.s32 v4, v7  }
0x56c: {  	s0 =	sand.u32 $0x78, s25;
	v4 =	vmov s1;
	v5 =	vld [tilespmem:s24+$0x70];
	v3 =	vor.u32 $0x7, v3  }
0x56d: {  	v6 =	vmov s0;
	v4 =	vmul.u32 $0x1100, v4  }
0x56e: {  	v6 =	vshrl.u32 v6, $0x3  }
0x56f: {  	v4 =	vbroadcast v4, $0x0;
	v6 =	vshll.u32 v6, v1  }
0x570: {  	v6 =	vbroadcast v6, $0x0  }
0x571: {  	s24 =	sadd.s32 $0x100, s24;
	v7 =	vadd.s32 v0, v4;
	[tilespmem:v3+s20+$0x0] =	vst.idx.msk $0xffff, v5  }
0x572: {  	v3 =	vld [tilespmem:s24+$0xFFFFFF80];
	v41 =	vadd.s32 v7, v6;
	_ =	sdelay $0x3  }
0x573: {  	s30 =	sadd.s32 $0x1, s25  }
0x574: {  	s0 =	sand.u32 $0x78, s30;
	[tilespmem:v41+s20+$0x0] =	vst.idx.msk $0xffff, v3;
	v3 =	vadd.s32 v2, v4  }
0x575: {  	v44 =	vmov s0;
	v42 =	vld [tilespmem:s24+$0xFFFFFF90];
	v43 =	vadd.s32 v3, v6  }
0x576: {  	v6 =	vshrl.u32 v44, $0x3  }
0x577: {  	v6 =	vshll.u32 v6, v1  }
0x578: {  	v6 =	vbroadcast v6, $0x0;
	_ =	sdelay $0x1  }
0x579: {  	v45 =	vadd.s32 v7, v6;
	[tilespmem:v43+s20+$0x0] =	vst.idx.msk $0xffff, v42  }
0x57a: {  	v4 =	vor.u32 $0x1, v45;
	v5 =	vld [tilespmem:s24+$0xFFFFFFA0];
	_ =	sdelay $0x3  }
0x57b: {  	s31 =	sadd.s32 $0x2, s25  }
0x57c: {  	s0 =	sand.u32 $0x78, s31;
	v46 =	vadd.s32 v3, v6;
	[tilespmem:v4+s20+$0x0] =	vst.idx.msk $0xffff, v5  }
0x57d: {  	v47 =	vmov s0;
	v4 =	vor.u32 $0x1, v46;
	v5 =	vld [tilespmem:s24+$0xFFFFFFB0]  }
0x57e: {  	v6 =	vshrl.u32 v47, $0x3  }
0x57f: {  	v6 =	vshll.u32 v6, v1  }
0x580: {  	v6 =	vbroadcast v6, $0x0;
	_ =	sdelay $0x1  }
0x581: {  	v48 =	vadd.s32 v7, v6;
	[tilespmem:v4+s20+$0x0] =	vst.idx.msk $0xffff, v5  }
0x582: {  	v4 =	vor.u32 $0x2, v48;
	v5 =	vld [tilespmem:s24+$0xFFFFFFC0];
	_ =	sdelay $0x3  }
0x583: {  	s1 =	sadd.s32 $0x3, s25  }
0x584: {  	s0 =	sand.u32 $0x78, s1;
	v49 =	vadd.s32 v3, v6;
	[tilespmem:v4+s20+$0x0] =	vst.idx.msk $0xffff, v5  }
0x585: {  	v50 =	vmov s0;
	v4 =	vor.u32 $0x2, v49;
	v5 =	vld [tilespmem:s24+$0xFFFFFFD0]  }
0x586: {  	v6 =	vshrl.u32 v50, $0x3  }
0x587: {  	v6 =	vshll.u32 v6, v1  }
0x588: {  	v6 =	vbroadcast v6, $0x0;
	_ =	sdelay $0x1  }
0x589: {  	v51 =	vadd.s32 v7, v6;
	[tilespmem:v4+s20+$0x0] =	vst.idx.msk $0xffff, v5  }
0x58a: {  	v4 =	vor.u32 $0x3, v51;
	v5 =	vld [tilespmem:s24+$0xFFFFFFE0];
	_ =	sdelay $0x3  }
0x58b: {  	s26 =	sadd.s32 $0x4, s25  }
0x58c: {  	s0 =	sand.u32 $0x78, s26;
	v52 =	vadd.s32 v3, v6;
	[tilespmem:v4+s20+$0x0] =	vst.idx.msk $0xffff, v5  }
0x58d: {  	v53 =	vmov s0;
	v4 =	vor.u32 $0x3, v52;
	v5 =	vld [tilespmem:s24+$0xFFFFFFF0]  }
0x58e: {  	v6 =	vshrl.u32 v53, $0x3  }
0x58f: {  	v6 =	vshll.u32 v6, v1  }
0x590: {  	v6 =	vbroadcast v6, $0x0;
	_ =	sdelay $0x1  }
0x591: {  	v54 =	vadd.s32 v7, v6;
	[tilespmem:v4+s20+$0x0] =	vst.idx.msk $0xffff, v5  }
0x592: {  	v4 =	vor.u32 $0x4, v54;
	v5 =	vld [tilespmem:s24+$0x0];
	_ =	sdelay $0x3  }
0x593: {  	s29 =	sadd.s32 $0x5, s25  }
0x594: {  	s0 =	sand.u32 $0x78, s29;
	v55 =	vadd.s32 v3, v6;
	[tilespmem:v4+s20+$0x0] =	vst.idx.msk $0xffff, v5  }
0x595: {  	v56 =	vmov s0;
	v4 =	vor.u32 $0x4, v55;
	v5 =	vld [tilespmem:s24+$0x10]  }
0x596: {  	v6 =	vshrl.u32 v56, $0x3  }
0x597: {  	v6 =	vshll.u32 v6, v1  }
0x598: {  	v6 =	vbroadcast v6, $0x0;
	_ =	sdelay $0x1  }
0x599: {  	v57 =	vadd.s32 v7, v6;
	[tilespmem:v4+s20+$0x0] =	vst.idx.msk $0xffff, v5  }
0x59a: {  	v4 =	vor.u32 $0x5, v57;
	v5 =	vld [tilespmem:s24+$0x20];
	_ =	sdelay $0x3  }
0x59b: {  	s30 =	sadd.s32 $0x6, s25  }
0x59c: {  	s0 =	sand.u32 $0x78, s30;
	v58 =	vadd.s32 v3, v6;
	[tilespmem:v4+s20+$0x0] =	vst.idx.msk $0xffff, v5  }
0x59d: {  	v59 =	vmov s0;
	v4 =	vor.u32 $0x5, v58;
	v5 =	vld [tilespmem:s24+$0x30]  }
0x59e: {  	v6 =	vshrl.u32 v59, $0x3  }
0x59f: {  	v6 =	vshll.u32 v6, v1  }
0x5a0: {  	v6 =	vbroadcast v6, $0x0;
	_ =	sdelay $0x1  }
0x5a1: {  	v60 =	vadd.s32 v7, v6;
	[tilespmem:v4+s20+$0x0] =	vst.idx.msk $0xffff, v5  }
0x5a2: {  	v4 =	vor.u32 $0x6, v60;
	v5 =	vld [tilespmem:s24+$0x40];
	_ =	sdelay $0x3  }
0x5a3: {  	s31 =	sadd.s32 $0x7, s25  }
0x5a4: {  	s0 =	sand.u32 $0x78, s31;
	v61 =	vadd.s32 v3, v6;
	[tilespmem:v4+s20+$0x0] =	vst.idx.msk $0xffff, v5  }
0x5a5: {  	v62 =	vmov s0;
	v4 =	vor.u32 $0x6, v61;
	v5 =	vld [tilespmem:s24+$0x50]  }
0x5a6: {  	v6 =	vshrl.u32 v62, $0x3  }
0x5a7: {  	v6 =	vshll.u32 v6, v1  }
0x5a8: {  	v6 =	vbroadcast v6, $0x0;
	_ =	sdelay $0x1  }
0x5a9: {  	v63 =	vadd.s32 v7, v6;
	[tilespmem:v4+s20+$0x0] =	vst.idx.msk $0xffff, v5  }
0x5aa: {  	v4 =	vor.u32 $0x7, v63;
	v5 =	vld [tilespmem:s24+$0x60];
	_ =	sdelay $0x4  }
0x5ab: {  	v3 =	vadd.s32 v3, v6;
	[tilespmem:v4+s20+$0x0] =	vst.idx.msk $0xffff, v5  }
0x5ac: {  	v3 =	vor.u32 $0x7, v3;
	v4 =	vld [tilespmem:s24+$0x70];
	_ =	sdelay $0x4  }
0x5ad: {  	s1 =	simm.s32 $0x12800;
	[tilespmem:v3+s20+$0x0] =	vst.idx.msk $0xffff, v4  }
0x5ae: {  	[hbm4b:s11+s3] =	stream.linear.scatter [tilespmem:s1], [sflag:$0x2], $0x80, $0x38;
	[tilespmem:$0x16C00] =	vst v63  }
0x5af: {  	s25 =	sadd.s32 $0x10, s11;
	s24 =	simm.s32 $0x12888  }
0x5b0: {  	[hbm4b:s25+s3] =	stream.linear.scatter [tilespmem:s24], [sflag:$0x2], $0x80, $0x38;
	[tilespmem:$0x16C00] =	vst v63  }
0x5b1: {  	s28 =	sadd.s32 $0x70, s11;
	s26 =	simm.s32 $0x12910;
	s29 =	sadd.s32 $0x20, s11  }
0x5b2: {  	[hbm4b:s29+s3] =	stream.linear.scatter [tilespmem:s26], [sflag:$0x2], $0x80, $0x38;
	[tilespmem:$0x16C00] =	vst v63  }
0x5b3: {  	s30 =	simm.s32 $0x12998;
	s31 =	sadd.s32 $0x30, s11;
	s1 =	simm.s32 $0x12BB8  }
0x5b4: {  	[hbm4b:s31+s3] =	stream.linear.scatter [tilespmem:s30], [sflag:$0x2], $0x80, $0x38;
	[tilespmem:$0x16C00] =	vst v63  }
0x5b5: {  	s24 =	simm.s32 $0x12A20;
	s25 =	sadd.s32 $0x40, s11;
	s26 =	simm.s32 $0x12AA8  }
0x5b6: {  	[hbm4b:s25+s3] =	stream.linear.scatter [tilespmem:s24], [sflag:$0x2], $0x80, $0x38;
	[tilespmem:$0x16C00] =	vst v63  }
0x5b7: {  	s29 =	sadd.s32 $0x50, s11;
	s30 =	simm.s32 $0x12B30;
	s31 =	sadd.s32 $0x60, s11  }
0x5b8: {  	[hbm4b:s29+s3] =	stream.linear.scatter [tilespmem:s26], [sflag:$0x2], $0x80, $0x38;
	[tilespmem:$0x16C00] =	vst v63  }
0x5b9: {  	s24 =	simm.s32 $0x440;
	s25 =	sadd.s32 $0x1000, s11;
	s26 =	simm.s32 $0x2200  }
0x5ba: {  	[hbm4b:s31+s3] =	stream.linear.scatter [tilespmem:s30], [sflag:$0x2], $0x80, $0x38;
	[tilespmem:$0x16C00] =	vst v63  }
.LBB2_26:
0x5bb: {  	[hbm4b:s28+s3] =	stream.linear.scatter [tilespmem:s1], [sflag:$0x2], $0x80, $0x38;
	[tilespmem:$0x16C00] =	vst v63  }
0x5bc: {  	s0 =	smov.u32 s24;
	s1 =	smov.u32 s26  }
0x5bd: {  	s29 =	sadd.s32 $0x1100, s26;
	s24 =	sshra.s32 s1, $0x2;
	s1 =	sadd.s32 $0x12800, s0  }
0x5be: {  	[hbm4b:s25+s3] =	stream.linear.scatter [tilespmem:s1], [sflag:$0x2], $0x80, $0x38;
	[tilespmem:$0x16C00] =	vst v63  }
0x5bf: {  	p0 =	sne.s32 s26, $0xFF00;
	s26 =	sadd.s32 $0x10, s25;
	s1 =	sadd.s32 $0x12888, s0  }
0x5c0: {  	[hbm4b:s26+s3] =	stream.linear.scatter [tilespmem:s1], [sflag:$0x2], $0x80, $0x38;
	[tilespmem:$0x16C00] =	vst v63  }
0x5c1: {  	s1 =	sadd.s32 $0x12910, s0;
	s26 =	sadd.s32 $0x20, s25  }
0x5c2: {  	[hbm4b:s26+s3] =	stream.linear.scatter [tilespmem:s1], [sflag:$0x2], $0x80, $0x38;
	[tilespmem:$0x16C00] =	vst v63  }
0x5c3: {  	s1 =	sadd.s32 $0x12998, s0;
	s26 =	sadd.s32 $0x30, s25  }
0x5c4: {  	[hbm4b:s26+s3] =	stream.linear.scatter [tilespmem:s1], [sflag:$0x2], $0x80, $0x38;
	[tilespmem:$0x16C00] =	vst v63  }
0x5c5: {  	s1 =	sadd.s32 $0x12A20, s0;
	s26 =	sadd.s32 $0x40, s25  }
0x5c6: {  	[hbm4b:s26+s3] =	stream.linear.scatter [tilespmem:s1], [sflag:$0x2], $0x80, $0x38;
	[tilespmem:$0x16C00] =	vst v63  }
.Ltmp12:
0x5c7: {  	s1 =	sadd.s32 $0x12AA8, s0;
	s26 =	sadd.s32 $0x50, s25;
	(pc) =	sbr.rel @p0 .LBB2_26-.Ltmp12, $4  }
0x5c8: {  	[hbm4b:s26+s3] =	stream.linear.scatter [tilespmem:s1], [sflag:$0x2], $0x80, $0x38;
	[tilespmem:$0x16C00] =	vst v63  }
0x5c9: {  	s28 =	sadd.s32 $0x70, s25;
	s1 =	sadd.s32 $0x12B30, s0;
	s26 =	sadd.s32 $0x60, s25  }
0x5ca: {  	[hbm4b:s26+s3] =	stream.linear.scatter [tilespmem:s1], [sflag:$0x2], $0x80, $0x38;
	[tilespmem:$0x16C00] =	vst v63  }
0x5cb: {  	s25 =	sadd.s32 $0x1000, s25;
	s1 =	sadd.s32 $0x12BB8, s0;
	s26 =	smov.u32 s29  }
0x5cc: {  	[hbm4b:s28+s3] =	stream.linear.scatter [tilespmem:s1], [sflag:$0x2], $0x80, $0x38;
	[tilespmem:$0x16C00] =	vst v63  }
0x5cd: {  	s0 =	sadd.s32 $0x12800, s24  }
0x5ce: {  	[hbm4b:s25+s3] =	stream.linear.scatter [tilespmem:s0], [sflag:$0x2], $0x80, $0x38;
	[tilespmem:$0x16C00] =	vst v63  }
0x5cf: {  	s30 =	sadd.s32 $0x12888, s24;
	s31 =	sadd.s32 $0x10, s25  }
0x5d0: {  	[hbm4b:s31+s3] =	stream.linear.scatter [tilespmem:s30], [sflag:$0x2], $0x80, $0x38;
	[tilespmem:$0x16C00] =	vst v63  }
0x5d1: {  	s1 =	sadd.s32 $0x12910, s24;
	s26 =	sadd.s32 $0x20, s25  }
0x5d2: {  	[hbm4b:s26+s3] =	stream.linear.scatter [tilespmem:s1], [sflag:$0x2], $0x80, $0x38;
	[tilespmem:$0x16C00] =	vst v63  }
0x5d3: {  	s28 =	sadd.s32 $0x12998, s24;
	s29 =	sadd.s32 $0x30, s25  }
0x5d4: {  	[hbm4b:s29+s3] =	stream.linear.scatter [tilespmem:s28], [sflag:$0x2], $0x80, $0x38;
	[tilespmem:$0x16C00] =	vst v63  }
0x5d5: {  	s30 =	sadd.s32 $0x12A20, s24;
	s31 =	sadd.s32 $0x40, s25  }
0x5d6: {  	[hbm4b:s31+s3] =	stream.linear.scatter [tilespmem:s30], [sflag:$0x2], $0x80, $0x38;
	[tilespmem:$0x16C00] =	vst v63  }
0x5d7: {  	s1 =	sadd.s32 $0x12AA8, s24;
	s26 =	sadd.s32 $0x50, s25  }
0x5d8: {  	[hbm4b:s26+s3] =	stream.linear.scatter [tilespmem:s1], [sflag:$0x2], $0x80, $0x38;
	[tilespmem:$0x16C00] =	vst v63  }
0x5d9: {  	s28 =	sadd.s32 $0x12B30, s24;
	s29 =	sadd.s32 $0x60, s25  }
0x5da: {  	[hbm4b:s29+s3] =	stream.linear.scatter [tilespmem:s28], [sflag:$0x2], $0x80, $0x38;
	[tilespmem:$0x16C00] =	vst v63  }
0x5db: {  	s23 =	sadd.s32 $0x1, s23;
	s30 =	sadd.s32 $0x12BB8, s24;
	s31 =	sadd.s32 $0x70, s25  }
0x5dc: {  	[hbm4b:s31+s3] =	stream.linear.scatter [tilespmem:s30], [sflag:$0x2], $0x80, $0x38;
	[tilespmem:$0x16C00] =	vst v63  }
0x5dd: {  	p0 =	sne.s32 s23, s12;
	_ =	swait.ge [sflag:s22], $0x4000  }
.Ltmp13:
0x5de: {  	[sflag:s22] =	ssyncset.done $0x0;
	(pc) =	sbr.rel @p0 .LBB2_1-.Ltmp13, $4  }
0x5df: {  	[sflag:s22] =	ssyncadd.s32 $0xFFFFC000  }
0x5e0: {  	_ =	swait.ge [sflag:s22], $0x4000  }
0x5e1: {  	[sflag:s22] =	ssyncset.done $0x0  }
0x5e2: {  	[sflag:s22] =	ssyncadd.s32 $0xFFFFC000  }
0x5e3: {  	_ =	sfence.sel $0x180000  }
0x5e4: {  	[bflag:$0x0] =	sbarrier.arrive $0xFFFF  }
0x5e5: {  	_ =	strace $0x90000047  }
0x5e6: {  	s0 =	stileid.u32;
	[bflag:$0x2] =	sbarrier.arrive $0xFFFF  }
0x5e7: {  	p0 =	sne.s32 s0, $0x0;
	s0 =	rddreg [dreg:$0x2]  }
0x5e8: {  	s0 =	sadd.s32 @!p0 $0x100000, s0  }
0x5e9: {  	[sflag:s0] =	ssyncadd.tile.s32 @!p0 $0x1;
	_ =	shalt  }
.Lfunc_end2:
_tile_overlayer_lowered:
.L_overlay_start_2:
0x5ea: {  	(tag) =	ssettag $0x2  }
0x5eb: {  	s0 =	rddreg [dreg:$0x0];
	s2 =	stileid.u32  }
0x5ec: {  	s1 =	rddreg [dreg:$0x1];
	p0 =	sne.s32 s2, $0x0  }
0x5ed: {  	s3 =	rddreg [dreg:$0x2];
	[bflag:$0x3] =	sbarrier.arrive $0xFFFF;
	s2 =	simm.s32 @!p0 $0x1C03  }
0x5ee: {  	[timem:s3], [sflag:s2] =	dma.local @!p0 [hbm:s0], s1  }
0x5ef: {  	s0 =	simm.s32 @!p0 $0x3  }
0x5f0: {  	_ =	swait.ge @!p0 [sflag:s0], s1  }
0x5f1: {  	s1 =	ssub.s32 @!p0 $0x0, s1;
	[sflag:s0] =	ssyncset.done @!p0 $0x0  }
0x5f2: {  	[sflag:s0] =	ssyncadd.s32 @!p0 s1  }
0x5f3: {  	[bflag:$0x3] =	sbarrier.arrive $0xFFFF  }
0x5f4: {  	_ =	shalt  }

</sc_bundles>
